<compile_context>
chip_gen: v7x
topology: tpu7x:2x2x1
jax: 0.10.2.dev20260603
libtpu: 0.0.44.dev20260713+nightly
codegen_flags: <defaults>
</compile_context>

<pallas_src>
import functools

import jax
import jax.numpy as jnp
from jax import lax
from jax.experimental import pallas as pl
from jax.experimental.pallas import tpu as pltpu
from jax.experimental.pallas import tpu_sc as plsc

K = 16
EPS = 1e-5


def _norms_body(x_ref, out_ref):
    x0 = x_ref[0, 0:1, :]
    x1 = x_ref[0, 1:2, :]
    x2 = x_ref[0, 2:3, :]
    out_ref[0] = (x0 * x0 + x1 * x1) + x2 * x2


def _f1_body(fT_ref, w_ref, b_ref, wl1T_ref, out_ref, tab_ref):
    f1 = (
        jnp.dot(fT_ref[0], w_ref[...], preferred_element_type=jnp.float32)
        + b_ref[...]
    )
    out_ref[0] = f1
    tab_ref[0] = jnp.dot(
        f1, wl1T_ref[:64, :], preferred_element_type=jnp.float32
    )


def _topk_body(rows_ref, full_ref, fn_ref, out_ref, *, n_total, rows):
    b = pl.program_id(0)
    xr = rows_ref[0]
    xf = full_ref[0]
    ab = lax.dot_general(
        xr, xf, (((1,), (1,)), ((), ())), preferred_element_type=jnp.float32
    )
    c0 = xr[:, 0:1]
    c1 = xr[:, 1:2]
    c2 = xr[:, 2:3]
    rn = (c0 * c0 + c1 * c1) + c2 * c2
    fn = fn_ref[0]
    d = -2.0 * ab + rn + fn

    iota = lax.broadcasted_iota(jnp.int32, (rows, n_total), 1)
    picks = []
    big = jnp.float32(jnp.inf)
    m = jnp.min(d, axis=1, keepdims=True)
    for j in range(K):
        am = jnp.min(
            jnp.where(d == m, iota, n_total), axis=1, keepdims=True
        )
        picks.append(am)
        if j < K - 1:
            d = jnp.where(iota == am, big, d)
            m = jnp.min(d, axis=1, keepdims=True)
    idx = jnp.concatenate(picks, axis=1)
    out_ref[0] = idx + b * n_total


def _make_sc_gather(n_rows, d_model):
    NC, NS = 2, 16
    NW = NC * NS
    per_w = n_rows // NW
    CH = 128
    iters = per_w // CH
    mesh = plsc.VectorSubcoreMesh(core_axis_name="c", subcore_axis_name="s")

    @functools.partial(
        pl.kernel,
        out_type=jax.ShapeDtypeStruct((n_rows, d_model), jnp.float32),
        mesh=mesh,
        scratch_types=[
            pltpu.VMEM((CH,), jnp.int32),
            pltpu.VMEM((CH,), jnp.int32),
            pltpu.VMEM((CH, d_model), jnp.float32),
            pltpu.VMEM((CH, d_model), jnp.float32),
            pltpu.SemaphoreType.DMA,
            pltpu.SemaphoreType.DMA,
            pltpu.SemaphoreType.DMA,
            pltpu.SemaphoreType.DMA,
        ],
    )
    def gather(table_hbm, idx_hbm, out_hbm, i0, i1, r0, r1, g0, g1, s0, s1):
        wid = lax.axis_index("s") * NC + lax.axis_index("c")
        base = wid * per_w
        idx_v = (i0, i1)
        rows_v = (r0, r1)
        gsem = (g0, g1)
        ssem = (s0, s1)

        def off(i):
            return pl.multiple_of(base + i * CH, CH)

        gcp = [None] * iters
        scp = [None] * iters
        pltpu.sync_copy(idx_hbm.at[pl.ds(off(0), CH)], idx_v[0])
        gcp[0] = pltpu.async_copy(table_hbm.at[idx_v[0]], rows_v[0], gsem[0])
        for i in range(iters):
            b = i % 2
            nb = (i + 1) % 2
            if i + 1 < iters:
                if i >= 1:
                    scp[i - 1].wait()
                pltpu.sync_copy(idx_hbm.at[pl.ds(off(i + 1), CH)], idx_v[nb])
                gcp[i + 1] = pltpu.async_copy(
                    table_hbm.at[idx_v[nb]], rows_v[nb], gsem[nb]
                )
            gcp[i].wait()
            scp[i] = pltpu.async_copy(
                rows_v[b], out_hbm.at[pl.ds(off(i), CH)], ssem[b]
            )
        scp[iters - 2].wait()
        scp[iters - 1].wait()

    return gather


def _conv_l1(u, f1, wl1T):
    bmT = wl1T[64:, :] - wl1T[:64, :]
    v = jnp.dot(f1, bmT, preferred_element_type=jnp.float32)
    r = f1.shape[0]
    return u.reshape(r, K, 128) + v[:, None, :]


def _stats_body(nbr_ref, f1_ref, wl1T_ref, out_ref):
    i = pl.program_id(1)
    y = _conv_l1(nbr_ref[0], f1_ref[0], wl1T_ref[...])
    r = f1_ref.shape[1]
    y2 = y.reshape(r * K, 128)
    s = jnp.sum(y2, axis=0, keepdims=True)
    ss = jnp.sum(y2 * y2, axis=0, keepdims=True)
    upd = jnp.concatenate([s, ss, jnp.zeros((6, 128), jnp.float32)], axis=0)

    @pl.when(i == 0)
    def _():
        out_ref[0] = jnp.zeros_like(out_ref[0])

    out_ref[0] = out_ref[0] + upd


def _mlp1_body(
    nbr_ref,
    f1_ref,
    wl1T_ref,
    stats_ref,
    g_ref,
    bgn_ref,
    w1aT_ref,
    b1a_ref,
    w1bT_ref,
    b1b_ref,
    lb_ref,
    gmax_ref,
    *,
    n_total,
):
    i = pl.program_id(1)
    y = _conv_l1(nbr_ref[0], f1_ref[0], wl1T_ref[...])
    r = f1_ref.shape[1]

    cnt = jnp.float32(32 * n_total * K)
    ri = lax.broadcasted_iota(jnp.int32, (128, 128), 0) // 32
    ci = lax.broadcasted_iota(jnp.int32, (128, 128), 1) // 32
    p = (ri == ci).astype(jnp.float32)
    s = stats_ref[0, 0:1, :]
    ss = stats_ref[0, 1:2, :]
    mean = jnp.dot(s, p, preferred_element_type=jnp.float32) / cnt
    msq = jnp.dot(ss, p, preferred_element_type=jnp.float32) / cnt
    var = msq - mean * mean
    rstd = lax.rsqrt(var + EPS)
    scale = rstd * g_ref[...]
    shift = bgn_ref[...] - mean * scale

    feat = y * scale[None, :, :] + shift[None, :, :]
    feat = jnp.where(feat > 0, feat, 0.2 * feat)

    lb_ref[0] = jnp.max(feat, axis=1)

    f2 = feat.reshape(r * K, 128)
    g1 = jnp.dot(f2, w1aT_ref[...], preferred_element_type=jnp.float32)
    g1 = jnp.maximum(g1 + b1a_ref[...], 0.0)
    g2 = jnp.dot(g1, w1bT_ref[...], preferred_element_type=jnp.float32)
    g2 = jnp.maximum(g2 + b1b_ref[...], 0.0)
    gm = jnp.max(g2.reshape(r, K, 512), axis=1)
    bm = jnp.max(gm, axis=0, keepdims=True)
    bm8 = jnp.broadcast_to(bm, (8, 512))

    @pl.when(i == 0)
    def _():
        gmax_ref[0] = jnp.full_like(gmax_ref[0], -jnp.inf)

    gmax_ref[0] = jnp.maximum(gmax_ref[0], bm8)


def _mlp2_body(
    lb_ref,
    gmax_ref,
    w2alT_ref,
    w2agT_ref,
    b2a_ref,
    w2bT_ref,
    b2b_ref,
    w3aT_ref,
    b3a_ref,
    w3bT_ref,
    b3b_ref,
    lfT_ref,
    gf_ref,
):
    j = pl.program_id(1)
    lb = lb_ref[0]
    gvec = jnp.max(gmax_ref[0], axis=0, keepdims=True)
    gterm = jnp.dot(gvec, w2agT_ref[...], preferred_element_type=jnp.float32)
    h = jnp.dot(lb, w2alT_ref[...], preferred_element_type=jnp.float32)
    h = jnp.maximum(h + gterm + b2a_ref[...], 0.0)
    lf = jnp.dot(h, w2bT_ref[...], preferred_element_type=jnp.float32)
    lf = jnp.maximum(lf + b2b_ref[...], 0.0)
    lfT_ref[0] = lf.T

    g3 = jnp.dot(lf, w3aT_ref[...], preferred_element_type=jnp.float32)
    g3 = jnp.maximum(g3 + b3a_ref[...], 0.0)
    g4 = jnp.dot(g3, w3bT_ref[...], preferred_element_type=jnp.float32)
    g4 = jnp.maximum(g4 + b3b_ref[...], 0.0)
    bm = jnp.max(g4, axis=0, keepdims=True)
    bm8 = jnp.broadcast_to(bm, (8, 512))

    @pl.when(j == 0)
    def _():
        gf_ref[0] = jnp.full_like(gf_ref[0], -jnp.inf)

    gf_ref[0] = jnp.maximum(gf_ref[0], bm8)


def kernel(
    x,
    f,
    W_it,
    b_it,
    W_l1,
    gn_g,
    gn_b,
    W_m1a,
    b_m1a,
    W_m1b,
    b_m1b,
    W_m2a,
    b_m2a,
    W_m2b,
    b_m2b,
    W_m3a,
    b_m3a,
    W_m3b,
    b_m3b,
):
    B, _, N = x.shape
    R = 256
    R2 = 128
    RN = 512

    pad5 = jnp.zeros((B, N, 5), jnp.float32)
    xT = jnp.concatenate([jnp.transpose(x, (0, 2, 1)), pad5], axis=2)
    fT = jnp.concatenate([jnp.transpose(f, (0, 2, 1)), pad5], axis=2)
    witT = jnp.concatenate([W_it.T, jnp.zeros((5, 64), jnp.float32)], axis=0)

    f1T, tab = pl.pallas_call(
        _f1_body,
        grid=(B,),
        in_specs=[
            pl.BlockSpec((1, N, 8), lambda b: (b, 0, 0)),
            pl.BlockSpec((8, 64), lambda b: (0, 0)),
            pl.BlockSpec((1, 64), lambda b: (0, 0)),
            pl.BlockSpec((128, 128), lambda b: (0, 0)),
        ],
        out_specs=[
            pl.BlockSpec((1, N, 64), lambda b: (b, 0, 0)),
            pl.BlockSpec((1, N, 128), lambda b: (b, 0, 0)),
        ],
        out_shape=[
            jax.ShapeDtypeStruct((B, N, 64), jnp.float32),
            jax.ShapeDtypeStruct((B, N, 128), jnp.float32),
        ],
    )(fT, witT, b_it.reshape(1, 64), W_l1.T)

    fnorm = pl.pallas_call(
        _norms_body,
        grid=(B,),
        in_specs=[pl.BlockSpec((1, 3, N), lambda b: (b, 0, 0))],
        out_specs=pl.BlockSpec((1, 1, N), lambda b: (b, 0, 0)),
        out_shape=jax.ShapeDtypeStruct((B, 1, N), jnp.float32),
    )(x)

    gather = _make_sc_gather(B * N * K, 128)

    idx = pl.pallas_call(
        functools.partial(_topk_body, n_total=N, rows=R),
        grid=(B, N // R),
        in_specs=[
            pl.BlockSpec((1, R, 8), lambda b, i: (b, i, 0)),
            pl.BlockSpec((1, N, 8), lambda b, i: (b, 0, 0)),
            pl.BlockSpec((1, 1, N), lambda b, i: (b, 0, 0)),
        ],
        out_specs=pl.BlockSpec((1, R, K), lambda b, i: (b, i, 0)),
        out_shape=jax.ShapeDtypeStruct((B, N, K), jnp.int32),
    )(xT, xT, fnorm)

    u = gather(tab.reshape(B * N, 128), idx.reshape(B * N * K)).reshape(
        B, N * K, 128
    )

    stats = pl.pallas_call(
        _stats_body,
        grid=(B, N // R2),
        in_specs=[
            pl.BlockSpec((1, R2 * K, 128), lambda b, i: (b, i, 0)),
            pl.BlockSpec((1, R2, 64), lambda b, i: (b, i, 0)),
            pl.BlockSpec((128, 128), lambda b, i: (0, 0)),
        ],
        out_specs=pl.BlockSpec((1, 8, 128), lambda b, i: (b, 0, 0)),
        out_shape=jax.ShapeDtypeStruct((B, 8, 128), jnp.float32),
    )(u, f1T, W_l1.T)

    local_base, gmax = pl.pallas_call(
        functools.partial(_mlp1_body, n_total=N),
        grid=(B, N // R2),
        in_specs=[
            pl.BlockSpec((1, R2 * K, 128), lambda b, i: (b, i, 0)),
            pl.BlockSpec((1, R2, 64), lambda b, i: (b, i, 0)),
            pl.BlockSpec((128, 128), lambda b, i: (0, 0)),
            pl.BlockSpec((1, 8, 128), lambda b, i: (b, 0, 0)),
            pl.BlockSpec((1, 128), lambda b, i: (0, 0)),
            pl.BlockSpec((1, 128), lambda b, i: (0, 0)),
            pl.BlockSpec((128, 256), lambda b, i: (0, 0)),
            pl.BlockSpec((1, 256), lambda b, i: (0, 0)),
            pl.BlockSpec((256, 512), lambda b, i: (0, 0)),
            pl.BlockSpec((1, 512), lambda b, i: (0, 0)),
        ],
        out_specs=[
            pl.BlockSpec((1, R2, 128), lambda b, i: (b, i, 0)),
            pl.BlockSpec((1, 8, 512), lambda b, i: (b, 0, 0)),
        ],
        out_shape=[
            jax.ShapeDtypeStruct((B, N, 128), jnp.float32),
            jax.ShapeDtypeStruct((B, 8, 512), jnp.float32),
        ],
    )(
        u,
        f1T,
        W_l1.T,
        stats,
        gn_g.reshape(1, 128),
        gn_b.reshape(1, 128),
        W_m1a.T,
        b_m1a.reshape(1, 256),
        W_m1b.T,
        b_m1b.reshape(1, 512),
    )

    lfT, gf = pl.pallas_call(
        _mlp2_body,
        grid=(B, N // RN),
        in_specs=[
            pl.BlockSpec((1, RN, 128), lambda b, j: (b, j, 0)),
            pl.BlockSpec((1, 8, 512), lambda b, j: (b, 0, 0)),
            pl.BlockSpec((128, 256), lambda b, j: (0, 0)),
            pl.BlockSpec((512, 256), lambda b, j: (0, 0)),
            pl.BlockSpec((1, 256), lambda b, j: (0, 0)),
            pl.BlockSpec((256, 128), lambda b, j: (0, 0)),
            pl.BlockSpec((1, 128), lambda b, j: (0, 0)),
            pl.BlockSpec((128, 256), lambda b, j: (0, 0)),
            pl.BlockSpec((1, 256), lambda b, j: (0, 0)),
            pl.BlockSpec((256, 512), lambda b, j: (0, 0)),
            pl.BlockSpec((1, 512), lambda b, j: (0, 0)),
        ],
        out_specs=[
            pl.BlockSpec((1, 128, RN), lambda b, j: (b, 0, j)),
            pl.BlockSpec((1, 8, 512), lambda b, j: (b, 0, 0)),
        ],
        out_shape=[
            jax.ShapeDtypeStruct((B, 128, N), jnp.float32),
            jax.ShapeDtypeStruct((B, 8, 512), jnp.float32),
        ],
    )(
        local_base,
        gmax,
        W_m2a[:, :128].T,
        W_m2a[:, 128:].T,
        b_m2a.reshape(1, 256),
        W_m2b.T,
        b_m2b.reshape(1, 128),
        W_m3a.T,
        b_m3a.reshape(1, 256),
        W_m3b.T,
        b_m3b.reshape(1, 512),
    )

    global_feat = gf[:, 0, :].reshape(B, 512, 1)
    return (global_feat, lfT)

# --- scband reference (transcript-rebuilt; emitter-appended) ---
"""Pipeline reference for scband-dgcnn-grouper-res-1967095021878 (READ-ONLY COPY).

The authoritative reference and input builder live on the scoring server;
editing this copy changes nothing except your own understanding.
"""

import jax, jax.numpy as jnp
import numpy as np


def _conv1(x, W, b=None):
    out = jnp.einsum('oc,bcn->bon', W, x)
    if b is not None:
        out = out + b[None, :, None]
    return out


def _conv2(x, W, b=None):
    out = jnp.einsum('oc,bcnk->bonk', W, x)
    if b is not None:
        out = out + b[None, :, None, None]
    return out


def _group_norm(x, g, b, groups=4, eps=1e-5):
    B, C, N, K = x.shape
    xr = x.reshape(B, groups, C // groups, N, K)
    mean = jnp.mean(xr, axis=(2, 3, 4), keepdims=True)
    var = jnp.var(xr, axis=(2, 3, 4), keepdims=True)
    xr = (xr - mean) / jnp.sqrt(var + eps)
    x = xr.reshape(B, C, N, K)
    return x * g[None, :, None, None] + b[None, :, None, None]


def _leaky_relu(x):
    return jnp.where(x > 0, x, 0.2 * x)


def _square_distance(src, dst):
    d = -2.0 * jnp.matmul(src, jnp.transpose(dst, (0, 2, 1)))
    d = d + jnp.sum(src ** 2, -1)[:, :, None]
    d = d + jnp.sum(dst ** 2, -1)[:, None, :]
    return d


def _knn_point(nsample, xyz, new_xyz):
    sqr = _square_distance(new_xyz, xyz)
    _, idx = jax.lax.top_k(-sqr, nsample)
    return idx


def _get_graph_feature(coor_q, x_q, coor_k, x_k, k):
    B, C, N = x_q.shape
    idx = _knn_point(k, jnp.transpose(coor_k, (0, 2, 1)), jnp.transpose(coor_q, (0, 2, 1)))
    idx = jax.lax.stop_gradient(idx)
    x_kT = jnp.transpose(x_k, (0, 2, 1))
    neighbors = jax.vmap(lambda xk, i: xk[i])(x_kT, idx)
    neighbors = jnp.transpose(neighbors, (0, 3, 1, 2))
    xq = jnp.broadcast_to(x_q[:, :, :, None], (B, C, N, k))
    return jnp.concatenate([neighbors - xq, xq], axis=1)


def setup_inputs(seed: int = 0):
    key = jax.random.key(seed)
    ks = jax.random.split(key, 12)
    B, N = 4, 2048
    inp = {}
    inp['x'] = jax.random.normal(ks[0], (B, 3, N), dtype=jnp.float32)
    inp['f'] = jax.random.normal(ks[1], (B, 3, N), dtype=jnp.float32)

    def w(k_, o, i):
        return jax.random.normal(k_, (o, i), dtype=jnp.float32) / np.sqrt(i)

    inp['W_it'] = w(ks[2], 64, 3)
    inp['b_it'] = jnp.zeros((64,), jnp.float32)
    inp['W_l1'] = w(ks[3], 128, 128)
    inp['gn_g'] = jnp.ones((128,), jnp.float32)
    inp['gn_b'] = jnp.zeros((128,), jnp.float32)
    inp['W_m1a'] = w(ks[4], 256, 128)
    inp['b_m1a'] = jnp.zeros((256,), jnp.float32)
    inp['W_m1b'] = w(ks[5], 512, 256)
    inp['b_m1b'] = jnp.zeros((512,), jnp.float32)
    inp['W_m2a'] = w(ks[6], 256, 640)
    inp['b_m2a'] = jnp.zeros((256,), jnp.float32)
    inp['W_m2b'] = w(ks[7], 128, 256)
    inp['b_m2b'] = jnp.zeros((128,), jnp.float32)
    inp['W_m3a'] = w(ks[8], 256, 128)
    inp['b_m3a'] = jnp.zeros((256,), jnp.float32)
    inp['W_m3b'] = w(ks[9], 512, 256)
    inp['b_m3b'] = jnp.zeros((512,), jnp.float32)
    return inp


def reference(x, f, W_it, b_it, W_l1, gn_g, gn_b, W_m1a, b_m1a, W_m1b, b_m1b, W_m2a, b_m2a, W_m2b, b_m2b, W_m3a, b_m3a, W_m3b, b_m3b):
    k = 16
    B, _, N = x.shape
    coor = x
    f1 = _conv1(f, W_it, b_it)
    feat = _get_graph_feature(coor, f1, coor, f1, k)
    feat = _leaky_relu(_group_norm(_conv2(feat, W_l1), gn_g, gn_b))
    local_base = jnp.max(feat, axis=-1)
    g = jax.nn.relu(_conv2(feat, W_m1a, b_m1a))
    g = jax.nn.relu(_conv2(g, W_m1b, b_m1b))
    global_feat = jnp.max(g, axis=-1)
    global_max = jnp.max(global_feat, axis=-1, keepdims=True)
    global_expand = jnp.broadcast_to(global_max, (B, 512, N))
    h = jax.nn.relu(_conv1(jnp.concatenate([local_base, global_expand], axis=1), W_m2a, b_m2a))
    local_feat = jax.nn.relu(_conv1(h, W_m2b, b_m2b))
    g3 = jax.nn.relu(_conv1(local_feat, W_m3a, b_m3a))
    g3 = jax.nn.relu(_conv1(g3, W_m3b, b_m3b))
    global_feat = jnp.max(g3, axis=-1, keepdims=True)
    return (global_feat, local_feat)

if __name__ == "__main__":
    import jax
    _d = setup_inputs()
    print(jax.jit(kernel)(*tuple(_d.values())))

</pallas_src>

<mosaic_0001>
#map = affine_map<(d0, d1) -> (0, 0)>
#map1 = affine_map<(d0, d1) -> (0)>
module attributes {stable_mosaic.version = 14 : i64} {
  func.func @gather(%arg0: i32, %arg1: i32, %arg2: memref<8192x128xf32, #tpu.memory_space<hbm>>, %arg3: memref<131072xi32, #tpu.memory_space<hbm>>, %arg4: memref<131072x128xf32, #tpu.memory_space<hbm>>, %arg5: memref<128xi32, #tpu.memory_space<vmem>>, %arg6: memref<128xi32, #tpu.memory_space<vmem>>, %arg7: memref<128x128xf32, #tpu.memory_space<vmem>>, %arg8: memref<128x128xf32, #tpu.memory_space<vmem>>, %arg9: memref<!tpu.dma_semaphore, #tpu.memory_space<semaphore_mem>>, %arg10: memref<!tpu.dma_semaphore, #tpu.memory_space<semaphore_mem>>, %arg11: memref<!tpu.dma_semaphore, #tpu.memory_space<semaphore_mem>>, %arg12: memref<!tpu.dma_semaphore, #tpu.memory_space<semaphore_mem>>) attributes {dimension_semantics = [#tpu.dimension_semantics<core_parallel>, #tpu.dimension_semantics<subcore_parallel>], iteration_bounds = array<i64: 2, 16>, scalar_prefetch = 0 : i64, scratch_operands = 8 : i64, tpu.core_type = #tpu.core_type<sc_vector_subcore>, window_params = [{transform_indices = #map}, {transform_indices = #map1}, {transform_indices = #map}]} {
    %mul3A = arith.constant 2 : i32
    %mul3A_0 = arith.muli %arg1, %mul3A : i32
    %add3A = arith.addi %mul3A_0, %arg0 : i32
    %mul3A_1 = arith.constant 4096 : i32
    %mul3A_2 = arith.muli %add3A, %mul3A_1 : i32
    %add3A_3 = arith.constant 0 : i32
    %add3A_4 = arith.addi %mul3A_2, %add3A_3 : i32
    %multiple_of3A = tpu.assume_multiple %add3A_4, 128 : i32
    "tpu.region"() ({
      %run_scoped3A = tpu.sem_alloc : memref<!tpu.dma_semaphore, #tpu.memory_space<semaphore_mem>>
      %dma_start3A_640 = tpu.memref_slice %arg3[%multiple_of3A] : memref<131072xi32, #tpu.memory_space<hbm>> -> memref<128xi32, #tpu.memory_space<hbm>>
      %dma_start3A_641 = tpu.memref_slice %arg3[%multiple_of3A] : memref<131072xi32, #tpu.memory_space<hbm>> -> memref<128xi32, #tpu.memory_space<hbm>>
      tpu.enqueue_dma source(%dma_start3A_641 : memref<128xi32, #tpu.memory_space<hbm>>) target(%arg5 : memref<128xi32, #tpu.memory_space<vmem>>) target_semaphore(%run_scoped3A : memref<!tpu.dma_semaphore, #tpu.memory_space<semaphore_mem>>)
      %dma_wait3A_642 = tpu.memref_slice %arg3[%multiple_of3A] : memref<131072xi32, #tpu.memory_space<hbm>> -> memref<128xi32, #tpu.memory_space<hbm>>
      %dma_wait3A_643 = tpu.memref_slice %arg3[%multiple_of3A] : memref<131072xi32, #tpu.memory_space<hbm>> -> memref<128xi32, #tpu.memory_space<hbm>>
      tpu.wait_dma2 semaphore(%run_scoped3A : memref<!tpu.dma_semaphore, #tpu.memory_space<semaphore_mem>>) src(%dma_wait3A_643 : memref<128xi32, #tpu.memory_space<hbm>>) dst(%arg5 : memref<128xi32, #tpu.memory_space<vmem>>)
      tpu.yield
    }) : () -> ()
    %dma_start3A = arith.constant 0 : i32
    %dma_start3A_5 = arith.constant 0 : i32
    %dma_start3A_6 = tpu.memref_slice %arg2[%dma_start3A, %dma_start3A_5] : memref<8192x128xf32, #tpu.memory_space<hbm>> -> memref<8192x128xf32, #tpu.memory_space<hbm>>
    tpu.enqueue_indirect_dma source(%dma_start3A_6 : memref<8192x128xf32, #tpu.memory_space<hbm>>) target(%arg7 : memref<128x128xf32, #tpu.memory_space<vmem>>) offsets(%arg5 : memref<128xi32, #tpu.memory_space<vmem>>) semaphore(%arg9 : memref<!tpu.dma_semaphore, #tpu.memory_space<semaphore_mem>>)
    %add3A_7 = arith.constant 128 : i32
    %add3A_8 = arith.addi %mul3A_2, %add3A_7 : i32
    %multiple_of3A_9 = tpu.assume_multiple %add3A_8, 128 : i32
    "tpu.region"() ({
      %run_scoped3A = tpu.sem_alloc : memref<!tpu.dma_semaphore, #tpu.memory_space<semaphore_mem>>
      %dma_start3A_640 = tpu.memref_slice %arg3[%multiple_of3A_9] : memref<131072xi32, #tpu.memory_space<hbm>> -> memref<128xi32, #tpu.memory_space<hbm>>
      %dma_start3A_641 = tpu.memref_slice %arg3[%multiple_of3A_9] : memref<131072xi32, #tpu.memory_space<hbm>> -> memref<128xi32, #tpu.memory_space<hbm>>
      tpu.enqueue_dma source(%dma_start3A_641 : memref<128xi32, #tpu.memory_space<hbm>>) target(%arg6 : memref<128xi32, #tpu.memory_space<vmem>>) target_semaphore(%run_scoped3A : memref<!tpu.dma_semaphore, #tpu.memory_space<semaphore_mem>>)
      %dma_wait3A_642 = tpu.memref_slice %arg3[%multiple_of3A_9] : memref<131072xi32, #tpu.memory_space<hbm>> -> memref<128xi32, #tpu.memory_space<hbm>>
      %dma_wait3A_643 = tpu.memref_slice %arg3[%multiple_of3A_9] : memref<131072xi32, #tpu.memory_space<hbm>> -> memref<128xi32, #tpu.memory_space<hbm>>
      tpu.wait_dma2 semaphore(%run_scoped3A : memref<!tpu.dma_semaphore, #tpu.memory_space<semaphore_mem>>) src(%dma_wait3A_643 : memref<128xi32, #tpu.memory_space<hbm>>) dst(%arg6 : memref<128xi32, #tpu.memory_space<vmem>>)
      tpu.yield
    }) : () -> ()
    %dma_start3A_10 = arith.constant 0 : i32
    %dma_start3A_11 = arith.constant 0 : i32
    %dma_start3A_12 = tpu.memref_slice %arg2[%dma_start3A_10, %dma_start3A_11] : memref<8192x128xf32, #tpu.memory_space<hbm>> -> memref<8192x128xf32, #tpu.memory_space<hbm>>
    tpu.enqueue_indirect_dma source(%dma_start3A_12 : memref<8192x128xf32, #tpu.memory_space<hbm>>) target(%arg8 : memref<128x128xf32, #tpu.memory_space<vmem>>) offsets(%arg6 : memref<128xi32, #tpu.memory_space<vmem>>) semaphore(%arg10 : memref<!tpu.dma_semaphore, #tpu.memory_space<semaphore_mem>>)
    %dma_wait3A = arith.constant 0 : i32
    %dma_wait3A_13 = arith.constant 0 : i32
    %dma_wait3A_14 = tpu.memref_slice %arg2[%dma_wait3A, %dma_wait3A_13] : memref<8192x128xf32, #tpu.memory_space<hbm>> -> memref<8192x128xf32, #tpu.memory_space<hbm>>
    tpu.wait_indirect_dma semaphore(%arg9 : memref<!tpu.dma_semaphore, #tpu.memory_space<semaphore_mem>>) src(%dma_wait3A_14 : memref<8192x128xf32, #tpu.memory_space<hbm>>) dst(%arg7 : memref<128x128xf32, #tpu.memory_space<vmem>>)
    %add3A_15 = arith.constant 0 : i32
    %add3A_16 = arith.addi %mul3A_2, %add3A_15 : i32
    %multiple_of3A_17 = tpu.assume_multiple %add3A_16, 128 : i32
    %dma_start3A_18 = arith.constant 0 : i32
    %dma_start3A_19 = tpu.memref_slice %arg4[%multiple_of3A_17, %dma_start3A_18] : memref<131072x128xf32, #tpu.memory_space<hbm>> -> memref<128x128xf32, #tpu.memory_space<hbm>>
    %dma_start3A_20 = arith.constant 0 : i32
    %dma_start3A_21 = tpu.memref_slice %arg4[%multiple_of3A_17, %dma_start3A_20] : memref<131072x128xf32, #tpu.memory_space<hbm>> -> memref<128x128xf32, #tpu.memory_space<hbm>>
    tpu.enqueue_dma source(%arg7 : memref<128x128xf32, #tpu.memory_space<vmem>>) target(%dma_start3A_21 : memref<128x128xf32, #tpu.memory_space<hbm>>) target_semaphore(%arg11 : memref<!tpu.dma_semaphore, #tpu.memory_space<semaphore_mem>>)
    %dma_wait3A_22 = arith.constant 0 : i32
    %dma_wait3A_23 = tpu.memref_slice %arg4[%multiple_of3A_17, %dma_wait3A_22] : memref<131072x128xf32, #tpu.memory_space<hbm>> -> memref<128x128xf32, #tpu.memory_space<hbm>>
    %dma_wait3A_24 = arith.constant 0 : i32
    %dma_wait3A_25 = tpu.memref_slice %arg4[%multiple_of3A_17, %dma_wait3A_24] : memref<131072x128xf32, #tpu.memory_space<hbm>> -> memref<128x128xf32, #tpu.memory_space<hbm>>
    tpu.wait_dma2 semaphore(%arg11 : memref<!tpu.dma_semaphore, #tpu.memory_space<semaphore_mem>>) src(%arg7 : memref<128x128xf32, #tpu.memory_space<vmem>>) dst(%dma_wait3A_25 : memref<128x128xf32, #tpu.memory_space<hbm>>)
    %add3A_26 = arith.constant 256 : i32
    %add3A_27 = arith.addi %mul3A_2, %add3A_26 : i32
    %multiple_of3A_28 = tpu.assume_multiple %add3A_27, 128 : i32
    "tpu.region"() ({
      %run_scoped3A = tpu.sem_alloc : memref<!tpu.dma_semaphore, #tpu.memory_space<semaphore_mem>>
      %dma_start3A_640 = tpu.memref_slice %arg3[%multiple_of3A_28] : memref<131072xi32, #tpu.memory_space<hbm>> -> memref<128xi32, #tpu.memory_space<hbm>>
      %dma_start3A_641 = tpu.memref_slice %arg3[%multiple_of3A_28] : memref<131072xi32, #tpu.memory_space<hbm>> -> memref<128xi32, #tpu.memory_space<hbm>>
      tpu.enqueue_dma source(%dma_start3A_641 : memref<128xi32, #tpu.memory_space<hbm>>) target(%arg5 : memref<128xi32, #tpu.memory_space<vmem>>) target_semaphore(%run_scoped3A : memref<!tpu.dma_semaphore, #tpu.memory_space<semaphore_mem>>)
      %dma_wait3A_642 = tpu.memref_slice %arg3[%multiple_of3A_28] : memref<131072xi32, #tpu.memory_space<hbm>> -> memref<128xi32, #tpu.memory_space<hbm>>
      %dma_wait3A_643 = tpu.memref_slice %arg3[%multiple_of3A_28] : memref<131072xi32, #tpu.memory_space<hbm>> -> memref<128xi32, #tpu.memory_space<hbm>>
      tpu.wait_dma2 semaphore(%run_scoped3A : memref<!tpu.dma_semaphore, #tpu.memory_space<semaphore_mem>>) src(%dma_wait3A_643 : memref<128xi32, #tpu.memory_space<hbm>>) dst(%arg5 : memref<128xi32, #tpu.memory_space<vmem>>)
      tpu.yield
    }) : () -> ()
    %dma_start3A_29 = arith.constant 0 : i32
    %dma_start3A_30 = arith.constant 0 : i32
    %dma_start3A_31 = tpu.memref_slice %arg2[%dma_start3A_29, %dma_start3A_30] : memref<8192x128xf32, #tpu.memory_space<hbm>> -> memref<8192x128xf32, #tpu.memory_space<hbm>>
    tpu.enqueue_indirect_dma source(%dma_start3A_31 : memref<8192x128xf32, #tpu.memory_space<hbm>>) target(%arg7 : memref<128x128xf32, #tpu.memory_space<vmem>>) offsets(%arg5 : memref<128xi32, #tpu.memory_space<vmem>>) semaphore(%arg9 : memref<!tpu.dma_semaphore, #tpu.memory_space<semaphore_mem>>)
    %dma_wait3A_32 = arith.constant 0 : i32
    %dma_wait3A_33 = arith.constant 0 : i32
    %dma_wait3A_34 = tpu.memref_slice %arg2[%dma_wait3A_32, %dma_wait3A_33] : memref<8192x128xf32, #tpu.memory_space<hbm>> -> memref<8192x128xf32, #tpu.memory_space<hbm>>
    tpu.wait_indirect_dma semaphore(%arg10 : memref<!tpu.dma_semaphore, #tpu.memory_space<semaphore_mem>>) src(%dma_wait3A_34 : memref<8192x128xf32, #tpu.memory_space<hbm>>) dst(%arg8 : memref<128x128xf32, #tpu.memory_space<vmem>>)
    %add3A_35 = arith.constant 128 : i32
    %add3A_36 = arith.addi %mul3A_2, %add3A_35 : i32
    %multiple_of3A_37 = tpu.assume_multiple %add3A_36, 128 : i32
    %dma_start3A_38 = arith.constant 0 : i32
    %dma_start3A_39 = tpu.memref_slice %arg4[%multiple_of3A_37, %dma_start3A_38] : memref<131072x128xf32, #tpu.memory_space<hbm>> -> memref<128x128xf32, #tpu.memory_space<hbm>>
    %dma_start3A_40 = arith.constant 0 : i32
    %dma_start3A_41 = tpu.memref_slice %arg4[%multiple_of3A_37, %dma_start3A_40] : memref<131072x128xf32, #tpu.memory_space<hbm>> -> memref<128x128xf32, #tpu.memory_space<hbm>>
    tpu.enqueue_dma source(%arg8 : memref<128x128xf32, #tpu.memory_space<vmem>>) target(%dma_start3A_41 : memref<128x128xf32, #tpu.memory_space<hbm>>) target_semaphore(%arg12 : memref<!tpu.dma_semaphore, #tpu.memory_space<semaphore_mem>>)
    %dma_wait3A_42 = arith.constant 0 : i32
    %dma_wait3A_43 = tpu.memref_slice %arg4[%multiple_of3A_37, %dma_wait3A_42] : memref<131072x128xf32, #tpu.memory_space<hbm>> -> memref<128x128xf32, #tpu.memory_space<hbm>>
    %dma_wait3A_44 = arith.constant 0 : i32
    %dma_wait3A_45 = tpu.memref_slice %arg4[%multiple_of3A_37, %dma_wait3A_44] : memref<131072x128xf32, #tpu.memory_space<hbm>> -> memref<128x128xf32, #tpu.memory_space<hbm>>
    tpu.wait_dma2 semaphore(%arg12 : memref<!tpu.dma_semaphore, #tpu.memory_space<semaphore_mem>>) src(%arg8 : memref<128x128xf32, #tpu.memory_space<vmem>>) dst(%dma_wait3A_45 : memref<128x128xf32, #tpu.memory_space<hbm>>)
    %add3A_46 = arith.constant 384 : i32
    %add3A_47 = arith.addi %mul3A_2, %add3A_46 : i32
    %multiple_of3A_48 = tpu.assume_multiple %add3A_47, 128 : i32
    "tpu.region"() ({
      %run_scoped3A = tpu.sem_alloc : memref<!tpu.dma_semaphore, #tpu.memory_space<semaphore_mem>>
      %dma_start3A_640 = tpu.memref_slice %arg3[%multiple_of3A_48] : memref<131072xi32, #tpu.memory_space<hbm>> -> memref<128xi32, #tpu.memory_space<hbm>>
      %dma_start3A_641 = tpu.memref_slice %arg3[%multiple_of3A_48] : memref<131072xi32, #tpu.memory_space<hbm>> -> memref<128xi32, #tpu.memory_space<hbm>>
      tpu.enqueue_dma source(%dma_start3A_641 : memref<128xi32, #tpu.memory_space<hbm>>) target(%arg6 : memref<128xi32, #tpu.memory_space<vmem>>) target_semaphore(%run_scoped3A : memref<!tpu.dma_semaphore, #tpu.memory_space<semaphore_mem>>)
      %dma_wait3A_642 = tpu.memref_slice %arg3[%multiple_of3A_48] : memref<131072xi32, #tpu.memory_space<hbm>> -> memref<128xi32, #tpu.memory_space<hbm>>
      %dma_wait3A_643 = tpu.memref_slice %arg3[%multiple_of3A_48] : memref<131072xi32, #tpu.memory_space<hbm>> -> memref<128xi32, #tpu.memory_space<hbm>>
      tpu.wait_dma2 semaphore(%run_scoped3A : memref<!tpu.dma_semaphore, #tpu.memory_space<semaphore_mem>>) src(%dma_wait3A_643 : memref<128xi32, #tpu.memory_space<hbm>>) dst(%arg6 : memref<128xi32, #tpu.memory_space<vmem>>)
      tpu.yield
    }) : () -> ()
    %dma_start3A_49 = arith.constant 0 : i32
    %dma_start3A_50 = arith.constant 0 : i32
    %dma_start3A_51 = tpu.memref_slice %arg2[%dma_start3A_49, %dma_start3A_50] : memref<8192x128xf32, #tpu.memory_space<hbm>> -> memref<8192x128xf32, #tpu.memory_space<hbm>>
    tpu.enqueue_indirect_dma source(%dma_start3A_51 : memref<8192x128xf32, #tpu.memory_space<hbm>>) target(%arg8 : memref<128x128xf32, #tpu.memory_space<vmem>>) offsets(%arg6 : memref<128xi32, #tpu.memory_space<vmem>>) semaphore(%arg10 : memref<!tpu.dma_semaphore, #tpu.memory_space<semaphore_mem>>)
    %dma_wait3A_52 = arith.constant 0 : i32
    %dma_wait3A_53 = arith.constant 0 : i32
    %dma_wait3A_54 = tpu.memref_slice %arg2[%dma_wait3A_52, %dma_wait3A_53] : memref<8192x128xf32, #tpu.memory_space<hbm>> -> memref<8192x128xf32, #tpu.memory_space<hbm>>
    tpu.wait_indirect_dma semaphore(%arg9 : memref<!tpu.dma_semaphore, #tpu.memory_space<semaphore_mem>>) src(%dma_wait3A_54 : memref<8192x128xf32, #tpu.memory_space<hbm>>) dst(%arg7 : memref<128x128xf32, #tpu.memory_space<vmem>>)
    %add3A_55 = arith.constant 256 : i32
    %add3A_56 = arith.addi %mul3A_2, %add3A_55 : i32
    %multiple_of3A_57 = tpu.assume_multiple %add3A_56, 128 : i32
    %dma_start3A_58 = arith.constant 0 : i32
    %dma_start3A_59 = tpu.memref_slice %arg4[%multiple_of3A_57, %dma_start3A_58] : memref<131072x128xf32, #tpu.memory_space<hbm>> -> memref<128x128xf32, #tpu.memory_space<hbm>>
    %dma_start3A_60 = arith.constant 0 : i32
    %dma_start3A_61 = tpu.memref_slice %arg4[%multiple_of3A_57, %dma_start3A_60] : memref<131072x128xf32, #tpu.memory_space<hbm>> -> memref<128x128xf32, #tpu.memory_space<hbm>>
    tpu.enqueue_dma source(%arg7 : memref<128x128xf32, #tpu.memory_space<vmem>>) target(%dma_start3A_61 : memref<128x128xf32, #tpu.memory_space<hbm>>) target_semaphore(%arg11 : memref<!tpu.dma_semaphore, #tpu.memory_space<semaphore_mem>>)
    %dma_wait3A_62 = arith.constant 0 : i32
    %dma_wait3A_63 = tpu.memref_slice %arg4[%multiple_of3A_57, %dma_wait3A_62] : memref<131072x128xf32, #tpu.memory_space<hbm>> -> memref<128x128xf32, #tpu.memory_space<hbm>>
    %dma_wait3A_64 = arith.constant 0 : i32
    %dma_wait3A_65 = tpu.memref_slice %arg4[%multiple_of3A_57, %dma_wait3A_64] : memref<131072x128xf32, #tpu.memory_space<hbm>> -> memref<128x128xf32, #tpu.memory_space<hbm>>
    tpu.wait_dma2 semaphore(%arg11 : memref<!tpu.dma_semaphore, #tpu.memory_space<semaphore_mem>>) src(%arg7 : memref<128x128xf32, #tpu.memory_space<vmem>>) dst(%dma_wait3A_65 : memref<128x128xf32, #tpu.memory_space<hbm>>)
    %add3A_66 = arith.constant 512 : i32
    %add3A_67 = arith.addi %mul3A_2, %add3A_66 : i32
    %multiple_of3A_68 = tpu.assume_multiple %add3A_67, 128 : i32
    "tpu.region"() ({
      %run_scoped3A = tpu.sem_alloc : memref<!tpu.dma_semaphore, #tpu.memory_space<semaphore_mem>>
      %dma_start3A_640 = tpu.memref_slice %arg3[%multiple_of3A_68] : memref<131072xi32, #tpu.memory_space<hbm>> -> memref<128xi32, #tpu.memory_space<hbm>>
      %dma_start3A_641 = tpu.memref_slice %arg3[%multiple_of3A_68] : memref<131072xi32, #tpu.memory_space<hbm>> -> memref<128xi32, #tpu.memory_space<hbm>>
      tpu.enqueue_dma source(%dma_start3A_641 : memref<128xi32, #tpu.memory_space<hbm>>) target(%arg5 : memref<128xi32, #tpu.memory_space<vmem>>) target_semaphore(%run_scoped3A : memref<!tpu.dma_semaphore, #tpu.memory_space<semaphore_mem>>)
      %dma_wait3A_642 = tpu.memref_slice %arg3[%multiple_of3A_68] : memref<131072xi32, #tpu.memory_space<hbm>> -> memref<128xi32, #tpu.memory_space<hbm>>
      %dma_wait3A_643 = tpu.memref_slice %arg3[%multiple_of3A_68] : memref<131072xi32, #tpu.memory_space<hbm>> -> memref<128xi32, #tpu.memory_space<hbm>>
      tpu.wait_dma2 semaphore(%run_scoped3A : memref<!tpu.dma_semaphore, #tpu.memory_space<semaphore_mem>>) src(%dma_wait3A_643 : memref<128xi32, #tpu.memory_space<hbm>>) dst(%arg5 : memref<128xi32, #tpu.memory_space<vmem>>)
      tpu.yield
    }) : () -> ()
    %dma_start3A_69 = arith.constant 0 : i32
    %dma_start3A_70 = arith.constant 0 : i32
    %dma_start3A_71 = tpu.memref_slice %arg2[%dma_start3A_69, %dma_start3A_70] : memref<8192x128xf32, #tpu.memory_space<hbm>> -> memref<8192x128xf32, #tpu.memory_space<hbm>>
    tpu.enqueue_indirect_dma source(%dma_start3A_71 : memref<8192x128xf32, #tpu.memory_space<hbm>>) target(%arg7 : memref<128x128xf32, #tpu.memory_space<vmem>>) offsets(%arg5 : memref<128xi32, #tpu.memory_space<vmem>>) semaphore(%arg9 : memref<!tpu.dma_semaphore, #tpu.memory_space<semaphore_mem>>)
    %dma_wait3A_72 = arith.constant 0 : i32
    %dma_wait3A_73 = arith.constant 0 : i32
    %dma_wait3A_74 = tpu.memref_slice %arg2[%dma_wait3A_72, %dma_wait3A_73] : memref<8192x128xf32, #tpu.memory_space<hbm>> -> memref<8192x128xf32, #tpu.memory_space<hbm>>
    tpu.wait_indirect_dma semaphore(%arg10 : memref<!tpu.dma_semaphore, #tpu.memory_space<semaphore_mem>>) src(%dma_wait3A_74 : memref<8192x128xf32, #tpu.memory_space<hbm>>) dst(%arg8 : memref<128x128xf32, #tpu.memory_space<vmem>>)
    %add3A_75 = arith.constant 384 : i32
    %add3A_76 = arith.addi %mul3A_2, %add3A_75 : i32
    %multiple_of3A_77 = tpu.assume_multiple %add3A_76, 128 : i32
    %dma_start3A_78 = arith.constant 0 : i32
    %dma_start3A_79 = tpu.memref_slice %arg4[%multiple_of3A_77, %dma_start3A_78] : memref<131072x128xf32, #tpu.memory_space<hbm>> -> memref<128x128xf32, #tpu.memory_space<hbm>>
    %dma_start3A_80 = arith.constant 0 : i32
    %dma_start3A_81 = tpu.memref_slice %arg4[%multiple_of3A_77, %dma_start3A_80] : memref<131072x128xf32, #tpu.memory_space<hbm>> -> memref<128x128xf32, #tpu.memory_space<hbm>>
    tpu.enqueue_dma source(%arg8 : memref<128x128xf32, #tpu.memory_space<vmem>>) target(%dma_start3A_81 : memref<128x128xf32, #tpu.memory_space<hbm>>) target_semaphore(%arg12 : memref<!tpu.dma_semaphore, #tpu.memory_space<semaphore_mem>>)
    %dma_wait3A_82 = arith.constant 0 : i32
    %dma_wait3A_83 = tpu.memref_slice %arg4[%multiple_of3A_77, %dma_wait3A_82] : memref<131072x128xf32, #tpu.memory_space<hbm>> -> memref<128x128xf32, #tpu.memory_space<hbm>>
    %dma_wait3A_84 = arith.constant 0 : i32
    %dma_wait3A_85 = tpu.memref_slice %arg4[%multiple_of3A_77, %dma_wait3A_84] : memref<131072x128xf32, #tpu.memory_space<hbm>> -> memref<128x128xf32, #tpu.memory_space<hbm>>
    tpu.wait_dma2 semaphore(%arg12 : memref<!tpu.dma_semaphore, #tpu.memory_space<semaphore_mem>>) src(%arg8 : memref<128x128xf32, #tpu.memory_space<vmem>>) dst(%dma_wait3A_85 : memref<128x128xf32, #tpu.memory_space<hbm>>)
    %add3A_86 = arith.constant 640 : i32
    %add3A_87 = arith.addi %mul3A_2, %add3A_86 : i32
    %multiple_of3A_88 = tpu.assume_multiple %add3A_87, 128 : i32
    "tpu.region"() ({
      %run_scoped3A = tpu.sem_alloc : memref<!tpu.dma_semaphore, #tpu.memory_space<semaphore_mem>>
      %dma_start3A_640 = tpu.memref_slice %arg3[%multiple_of3A_88] : memref<131072xi32, #tpu.memory_space<hbm>> -> memref<128xi32, #tpu.memory_space<hbm>>
      %dma_start3A_641 = tpu.memref_slice %arg3[%multiple_of3A_88] : memref<131072xi32, #tpu.memory_space<hbm>> -> memref<128xi32, #tpu.memory_space<hbm>>
      tpu.enqueue_dma source(%dma_start3A_641 : memref<128xi32, #tpu.memory_space<hbm>>) target(%arg6 : memref<128xi32, #tpu.memory_space<vmem>>) target_semaphore(%run_scoped3A : memref<!tpu.dma_semaphore, #tpu.memory_space<semaphore_mem>>)
      %dma_wait3A_642 = tpu.memref_slice %arg3[%multiple_of3A_88] : memref<131072xi32, #tpu.memory_space<hbm>> -> memref<128xi32, #tpu.memory_space<hbm>>
      %dma_wait3A_643 = tpu.memref_slice %arg3[%multiple_of3A_88] : memref<131072xi32, #tpu.memory_space<hbm>> -> memref<128xi32, #tpu.memory_space<hbm>>
      tpu.wait_dma2 semaphore(%run_scoped3A : memref<!tpu.dma_semaphore, #tpu.memory_space<semaphore_mem>>) src(%dma_wait3A_643 : memref<128xi32, #tpu.memory_space<hbm>>) dst(%arg6 : memref<128xi32, #tpu.memory_space<vmem>>)
      tpu.yield
    }) : () -> ()
    %dma_start3A_89 = arith.constant 0 : i32
    %dma_start3A_90 = arith.constant 0 : i32
    %dma_start3A_91 = tpu.memref_slice %arg2[%dma_start3A_89, %dma_start3A_90] : memref<8192x128xf32, #tpu.memory_space<hbm>> -> memref<8192x128xf32, #tpu.memory_space<hbm>>
    tpu.enqueue_indirect_dma source(%dma_start3A_91 : memref<8192x128xf32, #tpu.memory_space<hbm>>) target(%arg8 : memref<128x128xf32, #tpu.memory_space<vmem>>) offsets(%arg6 : memref<128xi32, #tpu.memory_space<vmem>>) semaphore(%arg10 : memref<!tpu.dma_semaphore, #tpu.memory_space<semaphore_mem>>)
    %dma_wait3A_92 = arith.constant 0 : i32
    %dma_wait3A_93 = arith.constant 0 : i32
    %dma_wait3A_94 = tpu.memref_slice %arg2[%dma_wait3A_92, %dma_wait3A_93] : memref<8192x128xf32, #tpu.memory_space<hbm>> -> memref<8192x128xf32, #tpu.memory_space<hbm>>
    tpu.wait_indirect_dma semaphore(%arg9 : memref<!tpu.dma_semaphore, #tpu.memory_space<semaphore_mem>>) src(%dma_wait3A_94 : memref<8192x128xf32, #tpu.memory_space<hbm>>) dst(%arg7 : memref<128x128xf32, #tpu.memory_space<vmem>>)
    %add3A_95 = arith.constant 512 : i32
    %add3A_96 = arith.addi %mul3A_2, %add3A_95 : i32
    %multiple_of3A_97 = tpu.assume_multiple %add3A_96, 128 : i32
    %dma_start3A_98 = arith.constant 0 : i32
    %dma_start3A_99 = tpu.memref_slice %arg4[%multiple_of3A_97, %dma_start3A_98] : memref<131072x128xf32, #tpu.memory_space<hbm>> -> memref<128x128xf32, #tpu.memory_space<hbm>>
    %dma_start3A_100 = arith.constant 0 : i32
    %dma_start3A_101 = tpu.memref_slice %arg4[%multiple_of3A_97, %dma_start3A_100] : memref<131072x128xf32, #tpu.memory_space<hbm>> -> memref<128x128xf32, #tpu.memory_space<hbm>>
    tpu.enqueue_dma source(%arg7 : memref<128x128xf32, #tpu.memory_space<vmem>>) target(%dma_start3A_101 : memref<128x128xf32, #tpu.memory_space<hbm>>) target_semaphore(%arg11 : memref<!tpu.dma_semaphore, #tpu.memory_space<semaphore_mem>>)
    %dma_wait3A_102 = arith.constant 0 : i32
    %dma_wait3A_103 = tpu.memref_slice %arg4[%multiple_of3A_97, %dma_wait3A_102] : memref<131072x128xf32, #tpu.memory_space<hbm>> -> memref<128x128xf32, #tpu.memory_space<hbm>>
    %dma_wait3A_104 = arith.constant 0 : i32
    %dma_wait3A_105 = tpu.memref_slice %arg4[%multiple_of3A_97, %dma_wait3A_104] : memref<131072x128xf32, #tpu.memory_space<hbm>> -> memref<128x128xf32, #tpu.memory_space<hbm>>
    tpu.wait_dma2 semaphore(%arg11 : memref<!tpu.dma_semaphore, #tpu.memory_space<semaphore_mem>>) src(%arg7 : memref<128x128xf32, #tpu.memory_space<vmem>>) dst(%dma_wait3A_105 : memref<128x128xf32, #tpu.memory_space<hbm>>)
    %add3A_106 = arith.constant 768 : i32
    %add3A_107 = arith.addi %mul3A_2, %add3A_106 : i32
    %multiple_of3A_108 = tpu.assume_multiple %add3A_107, 128 : i32
    "tpu.region"() ({
      %run_scoped3A = tpu.sem_alloc : memref<!tpu.dma_semaphore, #tpu.memory_space<semaphore_mem>>
      %dma_start3A_640 = tpu.memref_slice %arg3[%multiple_of3A_108] : memref<131072xi32, #tpu.memory_space<hbm>> -> memref<128xi32, #tpu.memory_space<hbm>>
      %dma_start3A_641 = tpu.memref_slice %arg3[%multiple_of3A_108] : memref<131072xi32, #tpu.memory_space<hbm>> -> memref<128xi32, #tpu.memory_space<hbm>>
      tpu.enqueue_dma source(%dma_start3A_641 : memref<128xi32, #tpu.memory_space<hbm>>) target(%arg5 : memref<128xi32, #tpu.memory_space<vmem>>) target_semaphore(%run_scoped3A : memref<!tpu.dma_semaphore, #tpu.memory_space<semaphore_mem>>)
      %dma_wait3A_642 = tpu.memref_slice %arg3[%multiple_of3A_108] : memref<131072xi32, #tpu.memory_space<hbm>> -> memref<128xi32, #tpu.memory_space<hbm>>
      %dma_wait3A_643 = tpu.memref_slice %arg3[%multiple_of3A_108] : memref<131072xi32, #tpu.memory_space<hbm>> -> memref<128xi32, #tpu.memory_space<hbm>>
      tpu.wait_dma2 semaphore(%run_scoped3A : memref<!tpu.dma_semaphore, #tpu.memory_space<semaphore_mem>>) src(%dma_wait3A_643 : memref<128xi32, #tpu.memory_space<hbm>>) dst(%arg5 : memref<128xi32, #tpu.memory_space<vmem>>)
      tpu.yield
    }) : () -> ()
    %dma_start3A_109 = arith.constant 0 : i32
    %dma_start3A_110 = arith.constant 0 : i32
    %dma_start3A_111 = tpu.memref_slice %arg2[%dma_start3A_109, %dma_start3A_110] : memref<8192x128xf32, #tpu.memory_space<hbm>> -> memref<8192x128xf32, #tpu.memory_space<hbm>>
    tpu.enqueue_indirect_dma source(%dma_start3A_111 : memref<8192x128xf32, #tpu.memory_space<hbm>>) target(%arg7 : memref<128x128xf32, #tpu.memory_space<vmem>>) offsets(%arg5 : memref<128xi32, #tpu.memory_space<vmem>>) semaphore(%arg9 : memref<!tpu.dma_semaphore, #tpu.memory_space<semaphore_mem>>)
    %dma_wait3A_112 = arith.constant 0 : i32
    %dma_wait3A_113 = arith.constant 0 : i32
    %dma_wait3A_114 = tpu.memref_slice %arg2[%dma_wait3A_112, %dma_wait3A_113] : memref<8192x128xf32, #tpu.memory_space<hbm>> -> memref<8192x128xf32, #tpu.memory_space<hbm>>
    tpu.wait_indirect_dma semaphore(%arg10 : memref<!tpu.dma_semaphore, #tpu.memory_space<semaphore_mem>>) src(%dma_wait3A_114 : memref<8192x128xf32, #tpu.memory_space<hbm>>) dst(%arg8 : memref<128x128xf32, #tpu.memory_space<vmem>>)
    %add3A_115 = arith.constant 640 : i32
    %add3A_116 = arith.addi %mul3A_2, %add3A_115 : i32
    %multiple_of3A_117 = tpu.assume_multiple %add3A_116, 128 : i32
    %dma_start3A_118 = arith.constant 0 : i32
    %dma_start3A_119 = tpu.memref_slice %arg4[%multiple_of3A_117, %dma_start3A_118] : memref<131072x128xf32, #tpu.memory_space<hbm>> -> memref<128x128xf32, #tpu.memory_space<hbm>>
    %dma_start3A_120 = arith.constant 0 : i32
    %dma_start3A_121 = tpu.memref_slice %arg4[%multiple_of3A_117, %dma_start3A_120] : memref<131072x128xf32, #tpu.memory_space<hbm>> -> memref<128x128xf32, #tpu.memory_space<hbm>>
    tpu.enqueue_dma source(%arg8 : memref<128x128xf32, #tpu.memory_space<vmem>>) target(%dma_start3A_121 : memref<128x128xf32, #tpu.memory_space<hbm>>) target_semaphore(%arg12 : memref<!tpu.dma_semaphore, #tpu.memory_space<semaphore_mem>>)
    %dma_wait3A_122 = arith.constant 0 : i32
    %dma_wait3A_123 = tpu.memref_slice %arg4[%multiple_of3A_117, %dma_wait3A_122] : memref<131072x128xf32, #tpu.memory_space<hbm>> -> memref<128x128xf32, #tpu.memory_space<hbm>>
    %dma_wait3A_124 = arith.constant 0 : i32
    %dma_wait3A_125 = tpu.memref_slice %arg4[%multiple_of3A_117, %dma_wait3A_124] : memref<131072x128xf32, #tpu.memory_space<hbm>> -> memref<128x128xf32, #tpu.memory_space<hbm>>
    tpu.wait_dma2 semaphore(%arg12 : memref<!tpu.dma_semaphore, #tpu.memory_space<semaphore_mem>>) src(%arg8 : memref<128x128xf32, #tpu.memory_space<vmem>>) dst(%dma_wait3A_125 : memref<128x128xf32, #tpu.memory_space<hbm>>)
    %add3A_126 = arith.constant 896 : i32
    %add3A_127 = arith.addi %mul3A_2, %add3A_126 : i32
    %multiple_of3A_128 = tpu.assume_multiple %add3A_127, 128 : i32
    "tpu.region"() ({
      %run_scoped3A = tpu.sem_alloc : memref<!tpu.dma_semaphore, #tpu.memory_space<semaphore_mem>>
      %dma_start3A_640 = tpu.memref_slice %arg3[%multiple_of3A_128] : memref<131072xi32, #tpu.memory_space<hbm>> -> memref<128xi32, #tpu.memory_space<hbm>>
      %dma_start3A_641 = tpu.memref_slice %arg3[%multiple_of3A_128] : memref<131072xi32, #tpu.memory_space<hbm>> -> memref<128xi32, #tpu.memory_space<hbm>>
      tpu.enqueue_dma source(%dma_start3A_641 : memref<128xi32, #tpu.memory_space<hbm>>) target(%arg6 : memref<128xi32, #tpu.memory_space<vmem>>) target_semaphore(%run_scoped3A : memref<!tpu.dma_semaphore, #tpu.memory_space<semaphore_mem>>)
      %dma_wait3A_642 = tpu.memref_slice %arg3[%multiple_of3A_128] : memref<131072xi32, #tpu.memory_space<hbm>> -> memref<128xi32, #tpu.memory_space<hbm>>
      %dma_wait3A_643 = tpu.memref_slice %arg3[%multiple_of3A_128] : memref<131072xi32, #tpu.memory_space<hbm>> -> memref<128xi32, #tpu.memory_space<hbm>>
      tpu.wait_dma2 semaphore(%run_scoped3A : memref<!tpu.dma_semaphore, #tpu.memory_space<semaphore_mem>>) src(%dma_wait3A_643 : memref<128xi32, #tpu.memory_space<hbm>>) dst(%arg6 : memref<128xi32, #tpu.memory_space<vmem>>)
      tpu.yield
    }) : () -> ()
    %dma_start3A_129 = arith.constant 0 : i32
    %dma_start3A_130 = arith.constant 0 : i32
    %dma_start3A_131 = tpu.memref_slice %arg2[%dma_start3A_129, %dma_start3A_130] : memref<8192x128xf32, #tpu.memory_space<hbm>> -> memref<8192x128xf32, #tpu.memory_space<hbm>>
    tpu.enqueue_indirect_dma source(%dma_start3A_131 : memref<8192x128xf32, #tpu.memory_space<hbm>>) target(%arg8 : memref<128x128xf32, #tpu.memory_space<vmem>>) offsets(%arg6 : memref<128xi32, #tpu.memory_space<vmem>>) semaphore(%arg10 : memref<!tpu.dma_semaphore, #tpu.memory_space<semaphore_mem>>)
    %dma_wait3A_132 = arith.constant 0 : i32
    %dma_wait3A_133 = arith.constant 0 : i32
    %dma_wait3A_134 = tpu.memref_slice %arg2[%dma_wait3A_132, %dma_wait3A_133] : memref<8192x128xf32, #tpu.memory_space<hbm>> -> memref<8192x128xf32, #tpu.memory_space<hbm>>
    tpu.wait_indirect_dma semaphore(%arg9 : memref<!tpu.dma_semaphore, #tpu.memory_space<semaphore_mem>>) src(%dma_wait3A_134 : memref<8192x128xf32, #tpu.memory_space<hbm>>) dst(%arg7 : memref<128x128xf32, #tpu.memory_space<vmem>>)
    %add3A_135 = arith.constant 768 : i32
    %add3A_136 = arith.addi %mul3A_2, %add3A_135 : i32
    %multiple_of3A_137 = tpu.assume_multiple %add3A_136, 128 : i32
    %dma_start3A_138 = arith.constant 0 : i32
    %dma_start3A_139 = tpu.memref_slice %arg4[%multiple_of3A_137, %dma_start3A_138] : memref<131072x128xf32, #tpu.memory_space<hbm>> -> memref<128x128xf32, #tpu.memory_space<hbm>>
    %dma_start3A_140 = arith.constant 0 : i32
    %dma_start3A_141 = tpu.memref_slice %arg4[%multiple_of3A_137, %dma_start3A_140] : memref<131072x128xf32, #tpu.memory_space<hbm>> -> memref<128x128xf32, #tpu.memory_space<hbm>>
    tpu.enqueue_dma source(%arg7 : memref<128x128xf32, #tpu.memory_space<vmem>>) target(%dma_start3A_141 : memref<128x128xf32, #tpu.memory_space<hbm>>) target_semaphore(%arg11 : memref<!tpu.dma_semaphore, #tpu.memory_space<semaphore_mem>>)
    %dma_wait3A_142 = arith.constant 0 : i32
    %dma_wait3A_143 = tpu.memref_slice %arg4[%multiple_of3A_137, %dma_wait3A_142] : memref<131072x128xf32, #tpu.memory_space<hbm>> -> memref<128x128xf32, #tpu.memory_space<hbm>>
    %dma_wait3A_144 = arith.constant 0 : i32
    %dma_wait3A_145 = tpu.memref_slice %arg4[%multiple_of3A_137, %dma_wait3A_144] : memref<131072x128xf32, #tpu.memory_space<hbm>> -> memref<128x128xf32, #tpu.memory_space<hbm>>
    tpu.wait_dma2 semaphore(%arg11 : memref<!tpu.dma_semaphore, #tpu.memory_space<semaphore_mem>>) src(%arg7 : memref<128x128xf32, #tpu.memory_space<vmem>>) dst(%dma_wait3A_145 : memref<128x128xf32, #tpu.memory_space<hbm>>)
    %add3A_146 = arith.constant 1024 : i32
    %add3A_147 = arith.addi %mul3A_2, %add3A_146 : i32
    %multiple_of3A_148 = tpu.assume_multiple %add3A_147, 128 : i32
    "tpu.region"() ({
      %run_scoped3A = tpu.sem_alloc : memref<!tpu.dma_semaphore, #tpu.memory_space<semaphore_mem>>
      %dma_start3A_640 = tpu.memref_slice %arg3[%multiple_of3A_148] : memref<131072xi32, #tpu.memory_space<hbm>> -> memref<128xi32, #tpu.memory_space<hbm>>
      %dma_start3A_641 = tpu.memref_slice %arg3[%multiple_of3A_148] : memref<131072xi32, #tpu.memory_space<hbm>> -> memref<128xi32, #tpu.memory_space<hbm>>
      tpu.enqueue_dma source(%dma_start3A_641 : memref<128xi32, #tpu.memory_space<hbm>>) target(%arg5 : memref<128xi32, #tpu.memory_space<vmem>>) target_semaphore(%run_scoped3A : memref<!tpu.dma_semaphore, #tpu.memory_space<semaphore_mem>>)
      %dma_wait3A_642 = tpu.memref_slice %arg3[%multiple_of3A_148] : memref<131072xi32, #tpu.memory_space<hbm>> -> memref<128xi32, #tpu.memory_space<hbm>>
      %dma_wait3A_643 = tpu.memref_slice %arg3[%multiple_of3A_148] : memref<131072xi32, #tpu.memory_space<hbm>> -> memref<128xi32, #tpu.memory_space<hbm>>
      tpu.wait_dma2 semaphore(%run_scoped3A : memref<!tpu.dma_semaphore, #tpu.memory_space<semaphore_mem>>) src(%dma_wait3A_643 : memref<128xi32, #tpu.memory_space<hbm>>) dst(%arg5 : memref<128xi32, #tpu.memory_space<vmem>>)
      tpu.yield
    }) : () -> ()
    %dma_start3A_149 = arith.constant 0 : i32
    %dma_start3A_150 = arith.constant 0 : i32
    %dma_start3A_151 = tpu.memref_slice %arg2[%dma_start3A_149, %dma_start3A_150] : memref<8192x128xf32, #tpu.memory_space<hbm>> -> memref<8192x128xf32, #tpu.memory_space<hbm>>
    tpu.enqueue_indirect_dma source(%dma_start3A_151 : memref<8192x128xf32, #tpu.memory_space<hbm>>) target(%arg7 : memref<128x128xf32, #tpu.memory_space<vmem>>) offsets(%arg5 : memref<128xi32, #tpu.memory_space<vmem>>) semaphore(%arg9 : memref<!tpu.dma_semaphore, #tpu.memory_space<semaphore_mem>>)
    %dma_wait3A_152 = arith.constant 0 : i32
    %dma_wait3A_153 = arith.constant 0 : i32
    %dma_wait3A_154 = tpu.memref_slice %arg2[%dma_wait3A_152, %dma_wait3A_153] : memref<8192x128xf32, #tpu.memory_space<hbm>> -> memref<8192x128xf32, #tpu.memory_space<hbm>>
    tpu.wait_indirect_dma semaphore(%arg10 : memref<!tpu.dma_semaphore, #tpu.memory_space<semaphore_mem>>) src(%dma_wait3A_154 : memref<8192x128xf32, #tpu.memory_space<hbm>>) dst(%arg8 : memref<128x128xf32, #tpu.memory_space<vmem>>)
    %add3A_155 = arith.constant 896 : i32
    %add3A_156 = arith.addi %mul3A_2, %add3A_155 : i32
    %multiple_of3A_157 = tpu.assume_multiple %add3A_156, 128 : i32
    %dma_start3A_158 = arith.constant 0 : i32
    %dma_start3A_159 = tpu.memref_slice %arg4[%multiple_of3A_157, %dma_start3A_158] : memref<131072x128xf32, #tpu.memory_space<hbm>> -> memref<128x128xf32, #tpu.memory_space<hbm>>
    %dma_start3A_160 = arith.constant 0 : i32
    %dma_start3A_161 = tpu.memref_slice %arg4[%multiple_of3A_157, %dma_start3A_160] : memref<131072x128xf32, #tpu.memory_space<hbm>> -> memref<128x128xf32, #tpu.memory_space<hbm>>
    tpu.enqueue_dma source(%arg8 : memref<128x128xf32, #tpu.memory_space<vmem>>) target(%dma_start3A_161 : memref<128x128xf32, #tpu.memory_space<hbm>>) target_semaphore(%arg12 : memref<!tpu.dma_semaphore, #tpu.memory_space<semaphore_mem>>)
    %dma_wait3A_162 = arith.constant 0 : i32
    %dma_wait3A_163 = tpu.memref_slice %arg4[%multiple_of3A_157, %dma_wait3A_162] : memref<131072x128xf32, #tpu.memory_space<hbm>> -> memref<128x128xf32, #tpu.memory_space<hbm>>
    %dma_wait3A_164 = arith.constant 0 : i32
    %dma_wait3A_165 = tpu.memref_slice %arg4[%multiple_of3A_157, %dma_wait3A_164] : memref<131072x128xf32, #tpu.memory_space<hbm>> -> memref<128x128xf32, #tpu.memory_space<hbm>>
    tpu.wait_dma2 semaphore(%arg12 : memref<!tpu.dma_semaphore, #tpu.memory_space<semaphore_mem>>) src(%arg8 : memref<128x128xf32, #tpu.memory_space<vmem>>) dst(%dma_wait3A_165 : memref<128x128xf32, #tpu.memory_space<hbm>>)
    %add3A_166 = arith.constant 1152 : i32
    %add3A_167 = arith.addi %mul3A_2, %add3A_166 : i32
    %multiple_of3A_168 = tpu.assume_multiple %add3A_167, 128 : i32
    "tpu.region"() ({
      %run_scoped3A = tpu.sem_alloc : memref<!tpu.dma_semaphore, #tpu.memory_space<semaphore_mem>>
      %dma_start3A_640 = tpu.memref_slice %arg3[%multiple_of3A_168] : memref<131072xi32, #tpu.memory_space<hbm>> -> memref<128xi32, #tpu.memory_space<hbm>>
      %dma_start3A_641 = tpu.memref_slice %arg3[%multiple_of3A_168] : memref<131072xi32, #tpu.memory_space<hbm>> -> memref<128xi32, #tpu.memory_space<hbm>>
      tpu.enqueue_dma source(%dma_start3A_641 : memref<128xi32, #tpu.memory_space<hbm>>) target(%arg6 : memref<128xi32, #tpu.memory_space<vmem>>) target_semaphore(%run_scoped3A : memref<!tpu.dma_semaphore, #tpu.memory_space<semaphore_mem>>)
      %dma_wait3A_642 = tpu.memref_slice %arg3[%multiple_of3A_168] : memref<131072xi32, #tpu.memory_space<hbm>> -> memref<128xi32, #tpu.memory_space<hbm>>
      %dma_wait3A_643 = tpu.memref_slice %arg3[%multiple_of3A_168] : memref<131072xi32, #tpu.memory_space<hbm>> -> memref<128xi32, #tpu.memory_space<hbm>>
      tpu.wait_dma2 semaphore(%run_scoped3A : memref<!tpu.dma_semaphore, #tpu.memory_space<semaphore_mem>>) src(%dma_wait3A_643 : memref<128xi32, #tpu.memory_space<hbm>>) dst(%arg6 : memref<128xi32, #tpu.memory_space<vmem>>)
      tpu.yield
    }) : () -> ()
    %dma_start3A_169 = arith.constant 0 : i32
    %dma_start3A_170 = arith.constant 0 : i32
    %dma_start3A_171 = tpu.memref_slice %arg2[%dma_start3A_169, %dma_start3A_170] : memref<8192x128xf32, #tpu.memory_space<hbm>> -> memref<8192x128xf32, #tpu.memory_space<hbm>>
    tpu.enqueue_indirect_dma source(%dma_start3A_171 : memref<8192x128xf32, #tpu.memory_space<hbm>>) target(%arg8 : memref<128x128xf32, #tpu.memory_space<vmem>>) offsets(%arg6 : memref<128xi32, #tpu.memory_space<vmem>>) semaphore(%arg10 : memref<!tpu.dma_semaphore, #tpu.memory_space<semaphore_mem>>)
    %dma_wait3A_172 = arith.constant 0 : i32
    %dma_wait3A_173 = arith.constant 0 : i32
    %dma_wait3A_174 = tpu.memref_slice %arg2[%dma_wait3A_172, %dma_wait3A_173] : memref<8192x128xf32, #tpu.memory_space<hbm>> -> memref<8192x128xf32, #tpu.memory_space<hbm>>
    tpu.wait_indirect_dma semaphore(%arg9 : memref<!tpu.dma_semaphore, #tpu.memory_space<semaphore_mem>>) src(%dma_wait3A_174 : memref<8192x128xf32, #tpu.memory_space<hbm>>) dst(%arg7 : memref<128x128xf32, #tpu.memory_space<vmem>>)
    %add3A_175 = arith.constant 1024 : i32
    %add3A_176 = arith.addi %mul3A_2, %add3A_175 : i32
    %multiple_of3A_177 = tpu.assume_multiple %add3A_176, 128 : i32
    %dma_start3A_178 = arith.constant 0 : i32
    %dma_start3A_179 = tpu.memref_slice %arg4[%multiple_of3A_177, %dma_start3A_178] : memref<131072x128xf32, #tpu.memory_space<hbm>> -> memref<128x128xf32, #tpu.memory_space<hbm>>
    %dma_start3A_180 = arith.constant 0 : i32
    %dma_start3A_181 = tpu.memref_slice %arg4[%multiple_of3A_177, %dma_start3A_180] : memref<131072x128xf32, #tpu.memory_space<hbm>> -> memref<128x128xf32, #tpu.memory_space<hbm>>
    tpu.enqueue_dma source(%arg7 : memref<128x128xf32, #tpu.memory_space<vmem>>) target(%dma_start3A_181 : memref<128x128xf32, #tpu.memory_space<hbm>>) target_semaphore(%arg11 : memref<!tpu.dma_semaphore, #tpu.memory_space<semaphore_mem>>)
    %dma_wait3A_182 = arith.constant 0 : i32
    %dma_wait3A_183 = tpu.memref_slice %arg4[%multiple_of3A_177, %dma_wait3A_182] : memref<131072x128xf32, #tpu.memory_space<hbm>> -> memref<128x128xf32, #tpu.memory_space<hbm>>
    %dma_wait3A_184 = arith.constant 0 : i32
    %dma_wait3A_185 = tpu.memref_slice %arg4[%multiple_of3A_177, %dma_wait3A_184] : memref<131072x128xf32, #tpu.memory_space<hbm>> -> memref<128x128xf32, #tpu.memory_space<hbm>>
    tpu.wait_dma2 semaphore(%arg11 : memref<!tpu.dma_semaphore, #tpu.memory_space<semaphore_mem>>) src(%arg7 : memref<128x128xf32, #tpu.memory_space<vmem>>) dst(%dma_wait3A_185 : memref<128x128xf32, #tpu.memory_space<hbm>>)
    %add3A_186 = arith.constant 1280 : i32
    %add3A_187 = arith.addi %mul3A_2, %add3A_186 : i32
    %multiple_of3A_188 = tpu.assume_multiple %add3A_187, 128 : i32
    "tpu.region"() ({
      %run_scoped3A = tpu.sem_alloc : memref<!tpu.dma_semaphore, #tpu.memory_space<semaphore_mem>>
      %dma_start3A_640 = tpu.memref_slice %arg3[%multiple_of3A_188] : memref<131072xi32, #tpu.memory_space<hbm>> -> memref<128xi32, #tpu.memory_space<hbm>>
      %dma_start3A_641 = tpu.memref_slice %arg3[%multiple_of3A_188] : memref<131072xi32, #tpu.memory_space<hbm>> -> memref<128xi32, #tpu.memory_space<hbm>>
      tpu.enqueue_dma source(%dma_start3A_641 : memref<128xi32, #tpu.memory_space<hbm>>) target(%arg5 : memref<128xi32, #tpu.memory_space<vmem>>) target_semaphore(%run_scoped3A : memref<!tpu.dma_semaphore, #tpu.memory_space<semaphore_mem>>)
      %dma_wait3A_642 = tpu.memref_slice %arg3[%multiple_of3A_188] : memref<131072xi32, #tpu.memory_space<hbm>> -> memref<128xi32, #tpu.memory_space<hbm>>
      %dma_wait3A_643 = tpu.memref_slice %arg3[%multiple_of3A_188] : memref<131072xi32, #tpu.memory_space<hbm>> -> memref<128xi32, #tpu.memory_space<hbm>>
      tpu.wait_dma2 semaphore(%run_scoped3A : memref<!tpu.dma_semaphore, #tpu.memory_space<semaphore_mem>>) src(%dma_wait3A_643 : memref<128xi32, #tpu.memory_space<hbm>>) dst(%arg5 : memref<128xi32, #tpu.memory_space<vmem>>)
      tpu.yield
    }) : () -> ()
    %dma_start3A_189 = arith.constant 0 : i32
    %dma_start3A_190 = arith.constant 0 : i32
    %dma_start3A_191 = tpu.memref_slice %arg2[%dma_start3A_189, %dma_start3A_190] : memref<8192x128xf32, #tpu.memory_space<hbm>> -> memref<8192x128xf32, #tpu.memory_space<hbm>>
    tpu.enqueue_indirect_dma source(%dma_start3A_191 : memref<8192x128xf32, #tpu.memory_space<hbm>>) target(%arg7 : memref<128x128xf32, #tpu.memory_space<vmem>>) offsets(%arg5 : memref<128xi32, #tpu.memory_space<vmem>>) semaphore(%arg9 : memref<!tpu.dma_semaphore, #tpu.memory_space<semaphore_mem>>)
    %dma_wait3A_192 = arith.constant 0 : i32
    %dma_wait3A_193 = arith.constant 0 : i32
    %dma_wait3A_194 = tpu.memref_slice %arg2[%dma_wait3A_192, %dma_wait3A_193] : memref<8192x128xf32, #tpu.memory_space<hbm>> -> memref<8192x128xf32, #tpu.memory_space<hbm>>
    tpu.wait_indirect_dma semaphore(%arg10 : memref<!tpu.dma_semaphore, #tpu.memory_space<semaphore_mem>>) src(%dma_wait3A_194 : memref<8192x128xf32, #tpu.memory_space<hbm>>) dst(%arg8 : memref<128x128xf32, #tpu.memory_space<vmem>>)
    %add3A_195 = arith.constant 1152 : i32
    %add3A_196 = arith.addi %mul3A_2, %add3A_195 : i32
    %multiple_of3A_197 = tpu.assume_multiple %add3A_196, 128 : i32
    %dma_start3A_198 = arith.constant 0 : i32
    %dma_start3A_199 = tpu.memref_slice %arg4[%multiple_of3A_197, %dma_start3A_198] : memref<131072x128xf32, #tpu.memory_space<hbm>> -> memref<128x128xf32, #tpu.memory_space<hbm>>
    %dma_start3A_200 = arith.constant 0 : i32
    %dma_start3A_201 = tpu.memref_slice %arg4[%multiple_of3A_197, %dma_start3A_200] : memref<131072x128xf32, #tpu.memory_space<hbm>> -> memref<128x128xf32, #tpu.memory_space<hbm>>
    tpu.enqueue_dma source(%arg8 : memref<128x128xf32, #tpu.memory_space<vmem>>) target(%dma_start3A_201 : memref<128x128xf32, #tpu.memory_space<hbm>>) target_semaphore(%arg12 : memref<!tpu.dma_semaphore, #tpu.memory_space<semaphore_mem>>)
    %dma_wait3A_202 = arith.constant 0 : i32
    %dma_wait3A_203 = tpu.memref_slice %arg4[%multiple_of3A_197, %dma_wait3A_202] : memref<131072x128xf32, #tpu.memory_space<hbm>> -> memref<128x128xf32, #tpu.memory_space<hbm>>
    %dma_wait3A_204 = arith.constant 0 : i32
    %dma_wait3A_205 = tpu.memref_slice %arg4[%multiple_of3A_197, %dma_wait3A_204] : memref<131072x128xf32, #tpu.memory_space<hbm>> -> memref<128x128xf32, #tpu.memory_space<hbm>>
    tpu.wait_dma2 semaphore(%arg12 : memref<!tpu.dma_semaphore, #tpu.memory_space<semaphore_mem>>) src(%arg8 : memref<128x128xf32, #tpu.memory_space<vmem>>) dst(%dma_wait3A_205 : memref<128x128xf32, #tpu.memory_space<hbm>>)
    %add3A_206 = arith.constant 1408 : i32
    %add3A_207 = arith.addi %mul3A_2, %add3A_206 : i32
    %multiple_of3A_208 = tpu.assume_multiple %add3A_207, 128 : i32
    "tpu.region"() ({
      %run_scoped3A = tpu.sem_alloc : memref<!tpu.dma_semaphore, #tpu.memory_space<semaphore_mem>>
      %dma_start3A_640 = tpu.memref_slice %arg3[%multiple_of3A_208] : memref<131072xi32, #tpu.memory_space<hbm>> -> memref<128xi32, #tpu.memory_space<hbm>>
      %dma_start3A_641 = tpu.memref_slice %arg3[%multiple_of3A_208] : memref<131072xi32, #tpu.memory_space<hbm>> -> memref<128xi32, #tpu.memory_space<hbm>>
      tpu.enqueue_dma source(%dma_start3A_641 : memref<128xi32, #tpu.memory_space<hbm>>) target(%arg6 : memref<128xi32, #tpu.memory_space<vmem>>) target_semaphore(%run_scoped3A : memref<!tpu.dma_semaphore, #tpu.memory_space<semaphore_mem>>)
      %dma_wait3A_642 = tpu.memref_slice %arg3[%multiple_of3A_208] : memref<131072xi32, #tpu.memory_space<hbm>> -> memref<128xi32, #tpu.memory_space<hbm>>
      %dma_wait3A_643 = tpu.memref_slice %arg3[%multiple_of3A_208] : memref<131072xi32, #tpu.memory_space<hbm>> -> memref<128xi32, #tpu.memory_space<hbm>>
      tpu.wait_dma2 semaphore(%run_scoped3A : memref<!tpu.dma_semaphore, #tpu.memory_space<semaphore_mem>>) src(%dma_wait3A_643 : memref<128xi32, #tpu.memory_space<hbm>>) dst(%arg6 : memref<128xi32, #tpu.memory_space<vmem>>)
      tpu.yield
    }) : () -> ()
    %dma_start3A_209 = arith.constant 0 : i32
    %dma_start3A_210 = arith.constant 0 : i32
    %dma_start3A_211 = tpu.memref_slice %arg2[%dma_start3A_209, %dma_start3A_210] : memref<8192x128xf32, #tpu.memory_space<hbm>> -> memref<8192x128xf32, #tpu.memory_space<hbm>>
    tpu.enqueue_indirect_dma source(%dma_start3A_211 : memref<8192x128xf32, #tpu.memory_space<hbm>>) target(%arg8 : memref<128x128xf32, #tpu.memory_space<vmem>>) offsets(%arg6 : memref<128xi32, #tpu.memory_space<vmem>>) semaphore(%arg10 : memref<!tpu.dma_semaphore, #tpu.memory_space<semaphore_mem>>)
    %dma_wait3A_212 = arith.constant 0 : i32
    %dma_wait3A_213 = arith.constant 0 : i32
    %dma_wait3A_214 = tpu.memref_slice %arg2[%dma_wait3A_212, %dma_wait3A_213] : memref<8192x128xf32, #tpu.memory_space<hbm>> -> memref<8192x128xf32, #tpu.memory_space<hbm>>
    tpu.wait_indirect_dma semaphore(%arg9 : memref<!tpu.dma_semaphore, #tpu.memory_space<semaphore_mem>>) src(%dma_wait3A_214 : memref<8192x128xf32, #tpu.memory_space<hbm>>) dst(%arg7 : memref<128x128xf32, #tpu.memory_space<vmem>>)
    %add3A_215 = arith.constant 1280 : i32
    %add3A_216 = arith.addi %mul3A_2, %add3A_215 : i32
    %multiple_of3A_217 = tpu.assume_multiple %add3A_216, 128 : i32
    %dma_start3A_218 = arith.constant 0 : i32
    %dma_start3A_219 = tpu.memref_slice %arg4[%multiple_of3A_217, %dma_start3A_218] : memref<131072x128xf32, #tpu.memory_space<hbm>> -> memref<128x128xf32, #tpu.memory_space<hbm>>
    %dma_start3A_220 = arith.constant 0 : i32
    %dma_start3A_221 = tpu.memref_slice %arg4[%multiple_of3A_217, %dma_start3A_220] : memref<131072x128xf32, #tpu.memory_space<hbm>> -> memref<128x128xf32, #tpu.memory_space<hbm>>
    tpu.enqueue_dma source(%arg7 : memref<128x128xf32, #tpu.memory_space<vmem>>) target(%dma_start3A_221 : memref<128x128xf32, #tpu.memory_space<hbm>>) target_semaphore(%arg11 : memref<!tpu.dma_semaphore, #tpu.memory_space<semaphore_mem>>)
    %dma_wait3A_222 = arith.constant 0 : i32
    %dma_wait3A_223 = tpu.memref_slice %arg4[%multiple_of3A_217, %dma_wait3A_222] : memref<131072x128xf32, #tpu.memory_space<hbm>> -> memref<128x128xf32, #tpu.memory_space<hbm>>
    %dma_wait3A_224 = arith.constant 0 : i32
    %dma_wait3A_225 = tpu.memref_slice %arg4[%multiple_of3A_217, %dma_wait3A_224] : memref<131072x128xf32, #tpu.memory_space<hbm>> -> memref<128x128xf32, #tpu.memory_space<hbm>>
    tpu.wait_dma2 semaphore(%arg11 : memref<!tpu.dma_semaphore, #tpu.memory_space<semaphore_mem>>) src(%arg7 : memref<128x128xf32, #tpu.memory_space<vmem>>) dst(%dma_wait3A_225 : memref<128x128xf32, #tpu.memory_space<hbm>>)
    %add3A_226 = arith.constant 1536 : i32
    %add3A_227 = arith.addi %mul3A_2, %add3A_226 : i32
    %multiple_of3A_228 = tpu.assume_multiple %add3A_227, 128 : i32
    "tpu.region"() ({
      %run_scoped3A = tpu.sem_alloc : memref<!tpu.dma_semaphore, #tpu.memory_space<semaphore_mem>>
      %dma_start3A_640 = tpu.memref_slice %arg3[%multiple_of3A_228] : memref<131072xi32, #tpu.memory_space<hbm>> -> memref<128xi32, #tpu.memory_space<hbm>>
      %dma_start3A_641 = tpu.memref_slice %arg3[%multiple_of3A_228] : memref<131072xi32, #tpu.memory_space<hbm>> -> memref<128xi32, #tpu.memory_space<hbm>>
      tpu.enqueue_dma source(%dma_start3A_641 : memref<128xi32, #tpu.memory_space<hbm>>) target(%arg5 : memref<128xi32, #tpu.memory_space<vmem>>) target_semaphore(%run_scoped3A : memref<!tpu.dma_semaphore, #tpu.memory_space<semaphore_mem>>)
      %dma_wait3A_642 = tpu.memref_slice %arg3[%multiple_of3A_228] : memref<131072xi32, #tpu.memory_space<hbm>> -> memref<128xi32, #tpu.memory_space<hbm>>
      %dma_wait3A_643 = tpu.memref_slice %arg3[%multiple_of3A_228] : memref<131072xi32, #tpu.memory_space<hbm>> -> memref<128xi32, #tpu.memory_space<hbm>>
      tpu.wait_dma2 semaphore(%run_scoped3A : memref<!tpu.dma_semaphore, #tpu.memory_space<semaphore_mem>>) src(%dma_wait3A_643 : memref<128xi32, #tpu.memory_space<hbm>>) dst(%arg5 : memref<128xi32, #tpu.memory_space<vmem>>)
      tpu.yield
    }) : () -> ()
    %dma_start3A_229 = arith.constant 0 : i32
    %dma_start3A_230 = arith.constant 0 : i32
    %dma_start3A_231 = tpu.memref_slice %arg2[%dma_start3A_229, %dma_start3A_230] : memref<8192x128xf32, #tpu.memory_space<hbm>> -> memref<8192x128xf32, #tpu.memory_space<hbm>>
    tpu.enqueue_indirect_dma source(%dma_start3A_231 : memref<8192x128xf32, #tpu.memory_space<hbm>>) target(%arg7 : memref<128x128xf32, #tpu.memory_space<vmem>>) offsets(%arg5 : memref<128xi32, #tpu.memory_space<vmem>>) semaphore(%arg9 : memref<!tpu.dma_semaphore, #tpu.memory_space<semaphore_mem>>)
    %dma_wait3A_232 = arith.constant 0 : i32
    %dma_wait3A_233 = arith.constant 0 : i32
    %dma_wait3A_234 = tpu.memref_slice %arg2[%dma_wait3A_232, %dma_wait3A_233] : memref<8192x128xf32, #tpu.memory_space<hbm>> -> memref<8192x128xf32, #tpu.memory_space<hbm>>
    tpu.wait_indirect_dma semaphore(%arg10 : memref<!tpu.dma_semaphore, #tpu.memory_space<semaphore_mem>>) src(%dma_wait3A_234 : memref<8192x128xf32, #tpu.memory_space<hbm>>) dst(%arg8 : memref<128x128xf32, #tpu.memory_space<vmem>>)
    %add3A_235 = arith.constant 1408 : i32
    %add3A_236 = arith.addi %mul3A_2, %add3A_235 : i32
    %multiple_of3A_237 = tpu.assume_multiple %add3A_236, 128 : i32
    %dma_start3A_238 = arith.constant 0 : i32
    %dma_start3A_239 = tpu.memref_slice %arg4[%multiple_of3A_237, %dma_start3A_238] : memref<131072x128xf32, #tpu.memory_space<hbm>> -> memref<128x128xf32, #tpu.memory_space<hbm>>
    %dma_start3A_240 = arith.constant 0 : i32
    %dma_start3A_241 = tpu.memref_slice %arg4[%multiple_of3A_237, %dma_start3A_240] : memref<131072x128xf32, #tpu.memory_space<hbm>> -> memref<128x128xf32, #tpu.memory_space<hbm>>
    tpu.enqueue_dma source(%arg8 : memref<128x128xf32, #tpu.memory_space<vmem>>) target(%dma_start3A_241 : memref<128x128xf32, #tpu.memory_space<hbm>>) target_semaphore(%arg12 : memref<!tpu.dma_semaphore, #tpu.memory_space<semaphore_mem>>)
    %dma_wait3A_242 = arith.constant 0 : i32
    %dma_wait3A_243 = tpu.memref_slice %arg4[%multiple_of3A_237, %dma_wait3A_242] : memref<131072x128xf32, #tpu.memory_space<hbm>> -> memref<128x128xf32, #tpu.memory_space<hbm>>
    %dma_wait3A_244 = arith.constant 0 : i32
    %dma_wait3A_245 = tpu.memref_slice %arg4[%multiple_of3A_237, %dma_wait3A_244] : memref<131072x128xf32, #tpu.memory_space<hbm>> -> memref<128x128xf32, #tpu.memory_space<hbm>>
    tpu.wait_dma2 semaphore(%arg12 : memref<!tpu.dma_semaphore, #tpu.memory_space<semaphore_mem>>) src(%arg8 : memref<128x128xf32, #tpu.memory_space<vmem>>) dst(%dma_wait3A_245 : memref<128x128xf32, #tpu.memory_space<hbm>>)
    %add3A_246 = arith.constant 1664 : i32
    %add3A_247 = arith.addi %mul3A_2, %add3A_246 : i32
    %multiple_of3A_248 = tpu.assume_multiple %add3A_247, 128 : i32
    "tpu.region"() ({
      %run_scoped3A = tpu.sem_alloc : memref<!tpu.dma_semaphore, #tpu.memory_space<semaphore_mem>>
      %dma_start3A_640 = tpu.memref_slice %arg3[%multiple_of3A_248] : memref<131072xi32, #tpu.memory_space<hbm>> -> memref<128xi32, #tpu.memory_space<hbm>>
      %dma_start3A_641 = tpu.memref_slice %arg3[%multiple_of3A_248] : memref<131072xi32, #tpu.memory_space<hbm>> -> memref<128xi32, #tpu.memory_space<hbm>>
      tpu.enqueue_dma source(%dma_start3A_641 : memref<128xi32, #tpu.memory_space<hbm>>) target(%arg6 : memref<128xi32, #tpu.memory_space<vmem>>) target_semaphore(%run_scoped3A : memref<!tpu.dma_semaphore, #tpu.memory_space<semaphore_mem>>)
      %dma_wait3A_642 = tpu.memref_slice %arg3[%multiple_of3A_248] : memref<131072xi32, #tpu.memory_space<hbm>> -> memref<128xi32, #tpu.memory_space<hbm>>
      %dma_wait3A_643 = tpu.memref_slice %arg3[%multiple_of3A_248] : memref<131072xi32, #tpu.memory_space<hbm>> -> memref<128xi32, #tpu.memory_space<hbm>>
      tpu.wait_dma2 semaphore(%run_scoped3A : memref<!tpu.dma_semaphore, #tpu.memory_space<semaphore_mem>>) src(%dma_wait3A_643 : memref<128xi32, #tpu.memory_space<hbm>>) dst(%arg6 : memref<128xi32, #tpu.memory_space<vmem>>)
      tpu.yield
    }) : () -> ()
    %dma_start3A_249 = arith.constant 0 : i32
    %dma_start3A_250 = arith.constant 0 : i32
    %dma_start3A_251 = tpu.memref_slice %arg2[%dma_start3A_249, %dma_start3A_250] : memref<8192x128xf32, #tpu.memory_space<hbm>> -> memref<8192x128xf32, #tpu.memory_space<hbm>>
    tpu.enqueue_indirect_dma source(%dma_start3A_251 : memref<8192x128xf32, #tpu.memory_space<hbm>>) target(%arg8 : memref<128x128xf32, #tpu.memory_space<vmem>>) offsets(%arg6 : memref<128xi32, #tpu.memory_space<vmem>>) semaphore(%arg10 : memref<!tpu.dma_semaphore, #tpu.memory_space<semaphore_mem>>)
    %dma_wait3A_252 = arith.constant 0 : i32
    %dma_wait3A_253 = arith.constant 0 : i32
    %dma_wait3A_254 = tpu.memref_slice %arg2[%dma_wait3A_252, %dma_wait3A_253] : memref<8192x128xf32, #tpu.memory_space<hbm>> -> memref<8192x128xf32, #tpu.memory_space<hbm>>
    tpu.wait_indirect_dma semaphore(%arg9 : memref<!tpu.dma_semaphore, #tpu.memory_space<semaphore_mem>>) src(%dma_wait3A_254 : memref<8192x128xf32, #tpu.memory_space<hbm>>) dst(%arg7 : memref<128x128xf32, #tpu.memory_space<vmem>>)
    %add3A_255 = arith.constant 1536 : i32
    %add3A_256 = arith.addi %mul3A_2, %add3A_255 : i32
    %multiple_of3A_257 = tpu.assume_multiple %add3A_256, 128 : i32
    %dma_start3A_258 = arith.constant 0 : i32
    %dma_start3A_259 = tpu.memref_slice %arg4[%multiple_of3A_257, %dma_start3A_258] : memref<131072x128xf32, #tpu.memory_space<hbm>> -> memref<128x128xf32, #tpu.memory_space<hbm>>
    %dma_start3A_260 = arith.constant 0 : i32
    %dma_start3A_261 = tpu.memref_slice %arg4[%multiple_of3A_257, %dma_start3A_260] : memref<131072x128xf32, #tpu.memory_space<hbm>> -> memref<128x128xf32, #tpu.memory_space<hbm>>
    tpu.enqueue_dma source(%arg7 : memref<128x128xf32, #tpu.memory_space<vmem>>) target(%dma_start3A_261 : memref<128x128xf32, #tpu.memory_space<hbm>>) target_semaphore(%arg11 : memref<!tpu.dma_semaphore, #tpu.memory_space<semaphore_mem>>)
    %dma_wait3A_262 = arith.constant 0 : i32
    %dma_wait3A_263 = tpu.memref_slice %arg4[%multiple_of3A_257, %dma_wait3A_262] : memref<131072x128xf32, #tpu.memory_space<hbm>> -> memref<128x128xf32, #tpu.memory_space<hbm>>
    %dma_wait3A_264 = arith.constant 0 : i32
    %dma_wait3A_265 = tpu.memref_slice %arg4[%multiple_of3A_257, %dma_wait3A_264] : memref<131072x128xf32, #tpu.memory_space<hbm>> -> memref<128x128xf32, #tpu.memory_space<hbm>>
    tpu.wait_dma2 semaphore(%arg11 : memref<!tpu.dma_semaphore, #tpu.memory_space<semaphore_mem>>) src(%arg7 : memref<128x128xf32, #tpu.memory_space<vmem>>) dst(%dma_wait3A_265 : memref<128x128xf32, #tpu.memory_space<hbm>>)
    %add3A_266 = arith.constant 1792 : i32
    %add3A_267 = arith.addi %mul3A_2, %add3A_266 : i32
    %multiple_of3A_268 = tpu.assume_multiple %add3A_267, 128 : i32
    "tpu.region"() ({
      %run_scoped3A = tpu.sem_alloc : memref<!tpu.dma_semaphore, #tpu.memory_space<semaphore_mem>>
      %dma_start3A_640 = tpu.memref_slice %arg3[%multiple_of3A_268] : memref<131072xi32, #tpu.memory_space<hbm>> -> memref<128xi32, #tpu.memory_space<hbm>>
      %dma_start3A_641 = tpu.memref_slice %arg3[%multiple_of3A_268] : memref<131072xi32, #tpu.memory_space<hbm>> -> memref<128xi32, #tpu.memory_space<hbm>>
      tpu.enqueue_dma source(%dma_start3A_641 : memref<128xi32, #tpu.memory_space<hbm>>) target(%arg5 : memref<128xi32, #tpu.memory_space<vmem>>) target_semaphore(%run_scoped3A : memref<!tpu.dma_semaphore, #tpu.memory_space<semaphore_mem>>)
      %dma_wait3A_642 = tpu.memref_slice %arg3[%multiple_of3A_268] : memref<131072xi32, #tpu.memory_space<hbm>> -> memref<128xi32, #tpu.memory_space<hbm>>
      %dma_wait3A_643 = tpu.memref_slice %arg3[%multiple_of3A_268] : memref<131072xi32, #tpu.memory_space<hbm>> -> memref<128xi32, #tpu.memory_space<hbm>>
      tpu.wait_dma2 semaphore(%run_scoped3A : memref<!tpu.dma_semaphore, #tpu.memory_space<semaphore_mem>>) src(%dma_wait3A_643 : memref<128xi32, #tpu.memory_space<hbm>>) dst(%arg5 : memref<128xi32, #tpu.memory_space<vmem>>)
      tpu.yield
    }) : () -> ()
    %dma_start3A_269 = arith.constant 0 : i32
    %dma_start3A_270 = arith.constant 0 : i32
    %dma_start3A_271 = tpu.memref_slice %arg2[%dma_start3A_269, %dma_start3A_270] : memref<8192x128xf32, #tpu.memory_space<hbm>> -> memref<8192x128xf32, #tpu.memory_space<hbm>>
    tpu.enqueue_indirect_dma source(%dma_start3A_271 : memref<8192x128xf32, #tpu.memory_space<hbm>>) target(%arg7 : memref<128x128xf32, #tpu.memory_space<vmem>>) offsets(%arg5 : memref<128xi32, #tpu.memory_space<vmem>>) semaphore(%arg9 : memref<!tpu.dma_semaphore, #tpu.memory_space<semaphore_mem>>)
    %dma_wait3A_272 = arith.constant 0 : i32
    %dma_wait3A_273 = arith.constant 0 : i32
    %dma_wait3A_274 = tpu.memref_slice %arg2[%dma_wait3A_272, %dma_wait3A_273] : memref<8192x128xf32, #tpu.memory_space<hbm>> -> memref<8192x128xf32, #tpu.memory_space<hbm>>
    tpu.wait_indirect_dma semaphore(%arg10 : memref<!tpu.dma_semaphore, #tpu.memory_space<semaphore_mem>>) src(%dma_wait3A_274 : memref<8192x128xf32, #tpu.memory_space<hbm>>) dst(%arg8 : memref<128x128xf32, #tpu.memory_space<vmem>>)
    %add3A_275 = arith.constant 1664 : i32
    %add3A_276 = arith.addi %mul3A_2, %add3A_275 : i32
    %multiple_of3A_277 = tpu.assume_multiple %add3A_276, 128 : i32
    %dma_start3A_278 = arith.constant 0 : i32
    %dma_start3A_279 = tpu.memref_slice %arg4[%multiple_of3A_277, %dma_start3A_278] : memref<131072x128xf32, #tpu.memory_space<hbm>> -> memref<128x128xf32, #tpu.memory_space<hbm>>
    %dma_start3A_280 = arith.constant 0 : i32
    %dma_start3A_281 = tpu.memref_slice %arg4[%multiple_of3A_277, %dma_start3A_280] : memref<131072x128xf32, #tpu.memory_space<hbm>> -> memref<128x128xf32, #tpu.memory_space<hbm>>
    tpu.enqueue_dma source(%arg8 : memref<128x128xf32, #tpu.memory_space<vmem>>) target(%dma_start3A_281 : memref<128x128xf32, #tpu.memory_space<hbm>>) target_semaphore(%arg12 : memref<!tpu.dma_semaphore, #tpu.memory_space<semaphore_mem>>)
    %dma_wait3A_282 = arith.constant 0 : i32
    %dma_wait3A_283 = tpu.memref_slice %arg4[%multiple_of3A_277, %dma_wait3A_282] : memref<131072x128xf32, #tpu.memory_space<hbm>> -> memref<128x128xf32, #tpu.memory_space<hbm>>
    %dma_wait3A_284 = arith.constant 0 : i32
    %dma_wait3A_285 = tpu.memref_slice %arg4[%multiple_of3A_277, %dma_wait3A_284] : memref<131072x128xf32, #tpu.memory_space<hbm>> -> memref<128x128xf32, #tpu.memory_space<hbm>>
    tpu.wait_dma2 semaphore(%arg12 : memref<!tpu.dma_semaphore, #tpu.memory_space<semaphore_mem>>) src(%arg8 : memref<128x128xf32, #tpu.memory_space<vmem>>) dst(%dma_wait3A_285 : memref<128x128xf32, #tpu.memory_space<hbm>>)
    %add3A_286 = arith.constant 1920 : i32
    %add3A_287 = arith.addi %mul3A_2, %add3A_286 : i32
    %multiple_of3A_288 = tpu.assume_multiple %add3A_287, 128 : i32
    "tpu.region"() ({
      %run_scoped3A = tpu.sem_alloc : memref<!tpu.dma_semaphore, #tpu.memory_space<semaphore_mem>>
      %dma_start3A_640 = tpu.memref_slice %arg3[%multiple_of3A_288] : memref<131072xi32, #tpu.memory_space<hbm>> -> memref<128xi32, #tpu.memory_space<hbm>>
      %dma_start3A_641 = tpu.memref_slice %arg3[%multiple_of3A_288] : memref<131072xi32, #tpu.memory_space<hbm>> -> memref<128xi32, #tpu.memory_space<hbm>>
      tpu.enqueue_dma source(%dma_start3A_641 : memref<128xi32, #tpu.memory_space<hbm>>) target(%arg6 : memref<128xi32, #tpu.memory_space<vmem>>) target_semaphore(%run_scoped3A : memref<!tpu.dma_semaphore, #tpu.memory_space<semaphore_mem>>)
      %dma_wait3A_642 = tpu.memref_slice %arg3[%multiple_of3A_288] : memref<131072xi32, #tpu.memory_space<hbm>> -> memref<128xi32, #tpu.memory_space<hbm>>
      %dma_wait3A_643 = tpu.memref_slice %arg3[%multiple_of3A_288] : memref<131072xi32, #tpu.memory_space<hbm>> -> memref<128xi32, #tpu.memory_space<hbm>>
      tpu.wait_dma2 semaphore(%run_scoped3A : memref<!tpu.dma_semaphore, #tpu.memory_space<semaphore_mem>>) src(%dma_wait3A_643 : memref<128xi32, #tpu.memory_space<hbm>>) dst(%arg6 : memref<128xi32, #tpu.memory_space<vmem>>)
      tpu.yield
    }) : () -> ()
    %dma_start3A_289 = arith.constant 0 : i32
    %dma_start3A_290 = arith.constant 0 : i32
    %dma_start3A_291 = tpu.memref_slice %arg2[%dma_start3A_289, %dma_start3A_290] : memref<8192x128xf32, #tpu.memory_space<hbm>> -> memref<8192x128xf32, #tpu.memory_space<hbm>>
    tpu.enqueue_indirect_dma source(%dma_start3A_291 : memref<8192x128xf32, #tpu.memory_space<hbm>>) target(%arg8 : memref<128x128xf32, #tpu.memory_space<vmem>>) offsets(%arg6 : memref<128xi32, #tpu.memory_space<vmem>>) semaphore(%arg10 : memref<!tpu.dma_semaphore, #tpu.memory_space<semaphore_mem>>)
    %dma_wait3A_292 = arith.constant 0 : i32
    %dma_wait3A_293 = arith.constant 0 : i32
    %dma_wait3A_294 = tpu.memref_slice %arg2[%dma_wait3A_292, %dma_wait3A_293] : memref<8192x128xf32, #tpu.memory_space<hbm>> -> memref<8192x128xf32, #tpu.memory_space<hbm>>
    tpu.wait_indirect_dma semaphore(%arg9 : memref<!tpu.dma_semaphore, #tpu.memory_space<semaphore_mem>>) src(%dma_wait3A_294 : memref<8192x128xf32, #tpu.memory_space<hbm>>) dst(%arg7 : memref<128x128xf32, #tpu.memory_space<vmem>>)
    %add3A_295 = arith.constant 1792 : i32
    %add3A_296 = arith.addi %mul3A_2, %add3A_295 : i32
    %multiple_of3A_297 = tpu.assume_multiple %add3A_296, 128 : i32
    %dma_start3A_298 = arith.constant 0 : i32
    %dma_start3A_299 = tpu.memref_slice %arg4[%multiple_of3A_297, %dma_start3A_298] : memref<131072x128xf32, #tpu.memory_space<hbm>> -> memref<128x128xf32, #tpu.memory_space<hbm>>
    %dma_start3A_300 = arith.constant 0 : i32
    %dma_start3A_301 = tpu.memref_slice %arg4[%multiple_of3A_297, %dma_start3A_300] : memref<131072x128xf32, #tpu.memory_space<hbm>> -> memref<128x128xf32, #tpu.memory_space<hbm>>
    tpu.enqueue_dma source(%arg7 : memref<128x128xf32, #tpu.memory_space<vmem>>) target(%dma_start3A_301 : memref<128x128xf32, #tpu.memory_space<hbm>>) target_semaphore(%arg11 : memref<!tpu.dma_semaphore, #tpu.memory_space<semaphore_mem>>)
    %dma_wait3A_302 = arith.constant 0 : i32
    %dma_wait3A_303 = tpu.memref_slice %arg4[%multiple_of3A_297, %dma_wait3A_302] : memref<131072x128xf32, #tpu.memory_space<hbm>> -> memref<128x128xf32, #tpu.memory_space<hbm>>
    %dma_wait3A_304 = arith.constant 0 : i32
    %dma_wait3A_305 = tpu.memref_slice %arg4[%multiple_of3A_297, %dma_wait3A_304] : memref<131072x128xf32, #tpu.memory_space<hbm>> -> memref<128x128xf32, #tpu.memory_space<hbm>>
    tpu.wait_dma2 semaphore(%arg11 : memref<!tpu.dma_semaphore, #tpu.memory_space<semaphore_mem>>) src(%arg7 : memref<128x128xf32, #tpu.memory_space<vmem>>) dst(%dma_wait3A_305 : memref<128x128xf32, #tpu.memory_space<hbm>>)
    %add3A_306 = arith.constant 2048 : i32
    %add3A_307 = arith.addi %mul3A_2, %add3A_306 : i32
    %multiple_of3A_308 = tpu.assume_multiple %add3A_307, 128 : i32
    "tpu.region"() ({
      %run_scoped3A = tpu.sem_alloc : memref<!tpu.dma_semaphore, #tpu.memory_space<semaphore_mem>>
      %dma_start3A_640 = tpu.memref_slice %arg3[%multiple_of3A_308] : memref<131072xi32, #tpu.memory_space<hbm>> -> memref<128xi32, #tpu.memory_space<hbm>>
      %dma_start3A_641 = tpu.memref_slice %arg3[%multiple_of3A_308] : memref<131072xi32, #tpu.memory_space<hbm>> -> memref<128xi32, #tpu.memory_space<hbm>>
      tpu.enqueue_dma source(%dma_start3A_641 : memref<128xi32, #tpu.memory_space<hbm>>) target(%arg5 : memref<128xi32, #tpu.memory_space<vmem>>) target_semaphore(%run_scoped3A : memref<!tpu.dma_semaphore, #tpu.memory_space<semaphore_mem>>)
      %dma_wait3A_642 = tpu.memref_slice %arg3[%multiple_of3A_308] : memref<131072xi32, #tpu.memory_space<hbm>> -> memref<128xi32, #tpu.memory_space<hbm>>
      %dma_wait3A_643 = tpu.memref_slice %arg3[%multiple_of3A_308] : memref<131072xi32, #tpu.memory_space<hbm>> -> memref<128xi32, #tpu.memory_space<hbm>>
      tpu.wait_dma2 semaphore(%run_scoped3A : memref<!tpu.dma_semaphore, #tpu.memory_space<semaphore_mem>>) src(%dma_wait3A_643 : memref<128xi32, #tpu.memory_space<hbm>>) dst(%arg5 : memref<128xi32, #tpu.memory_space<vmem>>)
      tpu.yield
    }) : () -> ()
    %dma_start3A_309 = arith.constant 0 : i32
    %dma_start3A_310 = arith.constant 0 : i32
    %dma_start3A_311 = tpu.memref_slice %arg2[%dma_start3A_309, %dma_start3A_310] : memref<8192x128xf32, #tpu.memory_space<hbm>> -> memref<8192x128xf32, #tpu.memory_space<hbm>>
    tpu.enqueue_indirect_dma source(%dma_start3A_311 : memref<8192x128xf32, #tpu.memory_space<hbm>>) target(%arg7 : memref<128x128xf32, #tpu.memory_space<vmem>>) offsets(%arg5 : memref<128xi32, #tpu.memory_space<vmem>>) semaphore(%arg9 : memref<!tpu.dma_semaphore, #tpu.memory_space<semaphore_mem>>)
    %dma_wait3A_312 = arith.constant 0 : i32
    %dma_wait3A_313 = arith.constant 0 : i32
    %dma_wait3A_314 = tpu.memref_slice %arg2[%dma_wait3A_312, %dma_wait3A_313] : memref<8192x128xf32, #tpu.memory_space<hbm>> -> memref<8192x128xf32, #tpu.memory_space<hbm>>
    tpu.wait_indirect_dma semaphore(%arg10 : memref<!tpu.dma_semaphore, #tpu.memory_space<semaphore_mem>>) src(%dma_wait3A_314 : memref<8192x128xf32, #tpu.memory_space<hbm>>) dst(%arg8 : memref<128x128xf32, #tpu.memory_space<vmem>>)
    %add3A_315 = arith.constant 1920 : i32
    %add3A_316 = arith.addi %mul3A_2, %add3A_315 : i32
    %multiple_of3A_317 = tpu.assume_multiple %add3A_316, 128 : i32
    %dma_start3A_318 = arith.constant 0 : i32
    %dma_start3A_319 = tpu.memref_slice %arg4[%multiple_of3A_317, %dma_start3A_318] : memref<131072x128xf32, #tpu.memory_space<hbm>> -> memref<128x128xf32, #tpu.memory_space<hbm>>
    %dma_start3A_320 = arith.constant 0 : i32
    %dma_start3A_321 = tpu.memref_slice %arg4[%multiple_of3A_317, %dma_start3A_320] : memref<131072x128xf32, #tpu.memory_space<hbm>> -> memref<128x128xf32, #tpu.memory_space<hbm>>
    tpu.enqueue_dma source(%arg8 : memref<128x128xf32, #tpu.memory_space<vmem>>) target(%dma_start3A_321 : memref<128x128xf32, #tpu.memory_space<hbm>>) target_semaphore(%arg12 : memref<!tpu.dma_semaphore, #tpu.memory_space<semaphore_mem>>)
    %dma_wait3A_322 = arith.constant 0 : i32
    %dma_wait3A_323 = tpu.memref_slice %arg4[%multiple_of3A_317, %dma_wait3A_322] : memref<131072x128xf32, #tpu.memory_space<hbm>> -> memref<128x128xf32, #tpu.memory_space<hbm>>
    %dma_wait3A_324 = arith.constant 0 : i32
    %dma_wait3A_325 = tpu.memref_slice %arg4[%multiple_of3A_317, %dma_wait3A_324] : memref<131072x128xf32, #tpu.memory_space<hbm>> -> memref<128x128xf32, #tpu.memory_space<hbm>>
    tpu.wait_dma2 semaphore(%arg12 : memref<!tpu.dma_semaphore, #tpu.memory_space<semaphore_mem>>) src(%arg8 : memref<128x128xf32, #tpu.memory_space<vmem>>) dst(%dma_wait3A_325 : memref<128x128xf32, #tpu.memory_space<hbm>>)
    %add3A_326 = arith.constant 2176 : i32
    %add3A_327 = arith.addi %mul3A_2, %add3A_326 : i32
    %multiple_of3A_328 = tpu.assume_multiple %add3A_327, 128 : i32
    "tpu.region"() ({
      %run_scoped3A = tpu.sem_alloc : memref<!tpu.dma_semaphore, #tpu.memory_space<semaphore_mem>>
      %dma_start3A_640 = tpu.memref_slice %arg3[%multiple_of3A_328] : memref<131072xi32, #tpu.memory_space<hbm>> -> memref<128xi32, #tpu.memory_space<hbm>>
      %dma_start3A_641 = tpu.memref_slice %arg3[%multiple_of3A_328] : memref<131072xi32, #tpu.memory_space<hbm>> -> memref<128xi32, #tpu.memory_space<hbm>>
      tpu.enqueue_dma source(%dma_start3A_641 : memref<128xi32, #tpu.memory_space<hbm>>) target(%arg6 : memref<128xi32, #tpu.memory_space<vmem>>) target_semaphore(%run_scoped3A : memref<!tpu.dma_semaphore, #tpu.memory_space<semaphore_mem>>)
      %dma_wait3A_642 = tpu.memref_slice %arg3[%multiple_of3A_328] : memref<131072xi32, #tpu.memory_space<hbm>> -> memref<128xi32, #tpu.memory_space<hbm>>
      %dma_wait3A_643 = tpu.memref_slice %arg3[%multiple_of3A_328] : memref<131072xi32, #tpu.memory_space<hbm>> -> memref<128xi32, #tpu.memory_space<hbm>>
      tpu.wait_dma2 semaphore(%run_scoped3A : memref<!tpu.dma_semaphore, #tpu.memory_space<semaphore_mem>>) src(%dma_wait3A_643 : memref<128xi32, #tpu.memory_space<hbm>>) dst(%arg6 : memref<128xi32, #tpu.memory_space<vmem>>)
      tpu.yield
    }) : () -> ()
    %dma_start3A_329 = arith.constant 0 : i32
    %dma_start3A_330 = arith.constant 0 : i32
    %dma_start3A_331 = tpu.memref_slice %arg2[%dma_start3A_329, %dma_start3A_330] : memref<8192x128xf32, #tpu.memory_space<hbm>> -> memref<8192x128xf32, #tpu.memory_space<hbm>>
    tpu.enqueue_indirect_dma source(%dma_start3A_331 : memref<8192x128xf32, #tpu.memory_space<hbm>>) target(%arg8 : memref<128x128xf32, #tpu.memory_space<vmem>>) offsets(%arg6 : memref<128xi32, #tpu.memory_space<vmem>>) semaphore(%arg10 : memref<!tpu.dma_semaphore, #tpu.memory_space<semaphore_mem>>)
    %dma_wait3A_332 = arith.constant 0 : i32
    %dma_wait3A_333 = arith.constant 0 : i32
    %dma_wait3A_334 = tpu.memref_slice %arg2[%dma_wait3A_332, %dma_wait3A_333] : memref<8192x128xf32, #tpu.memory_space<hbm>> -> memref<8192x128xf32, #tpu.memory_space<hbm>>
    tpu.wait_indirect_dma semaphore(%arg9 : memref<!tpu.dma_semaphore, #tpu.memory_space<semaphore_mem>>) src(%dma_wait3A_334 : memref<8192x128xf32, #tpu.memory_space<hbm>>) dst(%arg7 : memref<128x128xf32, #tpu.memory_space<vmem>>)
    %add3A_335 = arith.constant 2048 : i32
    %add3A_336 = arith.addi %mul3A_2, %add3A_335 : i32
    %multiple_of3A_337 = tpu.assume_multiple %add3A_336, 128 : i32
    %dma_start3A_338 = arith.constant 0 : i32
    %dma_start3A_339 = tpu.memref_slice %arg4[%multiple_of3A_337, %dma_start3A_338] : memref<131072x128xf32, #tpu.memory_space<hbm>> -> memref<128x128xf32, #tpu.memory_space<hbm>>
    %dma_start3A_340 = arith.constant 0 : i32
    %dma_start3A_341 = tpu.memref_slice %arg4[%multiple_of3A_337, %dma_start3A_340] : memref<131072x128xf32, #tpu.memory_space<hbm>> -> memref<128x128xf32, #tpu.memory_space<hbm>>
    tpu.enqueue_dma source(%arg7 : memref<128x128xf32, #tpu.memory_space<vmem>>) target(%dma_start3A_341 : memref<128x128xf32, #tpu.memory_space<hbm>>) target_semaphore(%arg11 : memref<!tpu.dma_semaphore, #tpu.memory_space<semaphore_mem>>)
    %dma_wait3A_342 = arith.constant 0 : i32
    %dma_wait3A_343 = tpu.memref_slice %arg4[%multiple_of3A_337, %dma_wait3A_342] : memref<131072x128xf32, #tpu.memory_space<hbm>> -> memref<128x128xf32, #tpu.memory_space<hbm>>
    %dma_wait3A_344 = arith.constant 0 : i32
    %dma_wait3A_345 = tpu.memref_slice %arg4[%multiple_of3A_337, %dma_wait3A_344] : memref<131072x128xf32, #tpu.memory_space<hbm>> -> memref<128x128xf32, #tpu.memory_space<hbm>>
    tpu.wait_dma2 semaphore(%arg11 : memref<!tpu.dma_semaphore, #tpu.memory_space<semaphore_mem>>) src(%arg7 : memref<128x128xf32, #tpu.memory_space<vmem>>) dst(%dma_wait3A_345 : memref<128x128xf32, #tpu.memory_space<hbm>>)
    %add3A_346 = arith.constant 2304 : i32
    %add3A_347 = arith.addi %mul3A_2, %add3A_346 : i32
    %multiple_of3A_348 = tpu.assume_multiple %add3A_347, 128 : i32
    "tpu.region"() ({
      %run_scoped3A = tpu.sem_alloc : memref<!tpu.dma_semaphore, #tpu.memory_space<semaphore_mem>>
      %dma_start3A_640 = tpu.memref_slice %arg3[%multiple_of3A_348] : memref<131072xi32, #tpu.memory_space<hbm>> -> memref<128xi32, #tpu.memory_space<hbm>>
      %dma_start3A_641 = tpu.memref_slice %arg3[%multiple_of3A_348] : memref<131072xi32, #tpu.memory_space<hbm>> -> memref<128xi32, #tpu.memory_space<hbm>>
      tpu.enqueue_dma source(%dma_start3A_641 : memref<128xi32, #tpu.memory_space<hbm>>) target(%arg5 : memref<128xi32, #tpu.memory_space<vmem>>) target_semaphore(%run_scoped3A : memref<!tpu.dma_semaphore, #tpu.memory_space<semaphore_mem>>)
      %dma_wait3A_642 = tpu.memref_slice %arg3[%multiple_of3A_348] : memref<131072xi32, #tpu.memory_space<hbm>> -> memref<128xi32, #tpu.memory_space<hbm>>
      %dma_wait3A_643 = tpu.memref_slice %arg3[%multiple_of3A_348] : memref<131072xi32, #tpu.memory_space<hbm>> -> memref<128xi32, #tpu.memory_space<hbm>>
      tpu.wait_dma2 semaphore(%run_scoped3A : memref<!tpu.dma_semaphore, #tpu.memory_space<semaphore_mem>>) src(%dma_wait3A_643 : memref<128xi32, #tpu.memory_space<hbm>>) dst(%arg5 : memref<128xi32, #tpu.memory_space<vmem>>)
      tpu.yield
    }) : () -> ()
    %dma_start3A_349 = arith.constant 0 : i32
    %dma_start3A_350 = arith.constant 0 : i32
    %dma_start3A_351 = tpu.memref_slice %arg2[%dma_start3A_349, %dma_start3A_350] : memref<8192x128xf32, #tpu.memory_space<hbm>> -> memref<8192x128xf32, #tpu.memory_space<hbm>>
    tpu.enqueue_indirect_dma source(%dma_start3A_351 : memref<8192x128xf32, #tpu.memory_space<hbm>>) target(%arg7 : memref<128x128xf32, #tpu.memory_space<vmem>>) offsets(%arg5 : memref<128xi32, #tpu.memory_space<vmem>>) semaphore(%arg9 : memref<!tpu.dma_semaphore, #tpu.memory_space<semaphore_mem>>)
    %dma_wait3A_352 = arith.constant 0 : i32
    %dma_wait3A_353 = arith.constant 0 : i32
    %dma_wait3A_354 = tpu.memref_slice %arg2[%dma_wait3A_352, %dma_wait3A_353] : memref<8192x128xf32, #tpu.memory_space<hbm>> -> memref<8192x128xf32, #tpu.memory_space<hbm>>
    tpu.wait_indirect_dma semaphore(%arg10 : memref<!tpu.dma_semaphore, #tpu.memory_space<semaphore_mem>>) src(%dma_wait3A_354 : memref<8192x128xf32, #tpu.memory_space<hbm>>) dst(%arg8 : memref<128x128xf32, #tpu.memory_space<vmem>>)
    %add3A_355 = arith.constant 2176 : i32
    %add3A_356 = arith.addi %mul3A_2, %add3A_355 : i32
    %multiple_of3A_357 = tpu.assume_multiple %add3A_356, 128 : i32
    %dma_start3A_358 = arith.constant 0 : i32
    %dma_start3A_359 = tpu.memref_slice %arg4[%multiple_of3A_357, %dma_start3A_358] : memref<131072x128xf32, #tpu.memory_space<hbm>> -> memref<128x128xf32, #tpu.memory_space<hbm>>
    %dma_start3A_360 = arith.constant 0 : i32
    %dma_start3A_361 = tpu.memref_slice %arg4[%multiple_of3A_357, %dma_start3A_360] : memref<131072x128xf32, #tpu.memory_space<hbm>> -> memref<128x128xf32, #tpu.memory_space<hbm>>
    tpu.enqueue_dma source(%arg8 : memref<128x128xf32, #tpu.memory_space<vmem>>) target(%dma_start3A_361 : memref<128x128xf32, #tpu.memory_space<hbm>>) target_semaphore(%arg12 : memref<!tpu.dma_semaphore, #tpu.memory_space<semaphore_mem>>)
    %dma_wait3A_362 = arith.constant 0 : i32
    %dma_wait3A_363 = tpu.memref_slice %arg4[%multiple_of3A_357, %dma_wait3A_362] : memref<131072x128xf32, #tpu.memory_space<hbm>> -> memref<128x128xf32, #tpu.memory_space<hbm>>
    %dma_wait3A_364 = arith.constant 0 : i32
    %dma_wait3A_365 = tpu.memref_slice %arg4[%multiple_of3A_357, %dma_wait3A_364] : memref<131072x128xf32, #tpu.memory_space<hbm>> -> memref<128x128xf32, #tpu.memory_space<hbm>>
    tpu.wait_dma2 semaphore(%arg12 : memref<!tpu.dma_semaphore, #tpu.memory_space<semaphore_mem>>) src(%arg8 : memref<128x128xf32, #tpu.memory_space<vmem>>) dst(%dma_wait3A_365 : memref<128x128xf32, #tpu.memory_space<hbm>>)
    %add3A_366 = arith.constant 2432 : i32
    %add3A_367 = arith.addi %mul3A_2, %add3A_366 : i32
    %multiple_of3A_368 = tpu.assume_multiple %add3A_367, 128 : i32
    "tpu.region"() ({
      %run_scoped3A = tpu.sem_alloc : memref<!tpu.dma_semaphore, #tpu.memory_space<semaphore_mem>>
      %dma_start3A_640 = tpu.memref_slice %arg3[%multiple_of3A_368] : memref<131072xi32, #tpu.memory_space<hbm>> -> memref<128xi32, #tpu.memory_space<hbm>>
      %dma_start3A_641 = tpu.memref_slice %arg3[%multiple_of3A_368] : memref<131072xi32, #tpu.memory_space<hbm>> -> memref<128xi32, #tpu.memory_space<hbm>>
      tpu.enqueue_dma source(%dma_start3A_641 : memref<128xi32, #tpu.memory_space<hbm>>) target(%arg6 : memref<128xi32, #tpu.memory_space<vmem>>) target_semaphore(%run_scoped3A : memref<!tpu.dma_semaphore, #tpu.memory_space<semaphore_mem>>)
      %dma_wait3A_642 = tpu.memref_slice %arg3[%multiple_of3A_368] : memref<131072xi32, #tpu.memory_space<hbm>> -> memref<128xi32, #tpu.memory_space<hbm>>
      %dma_wait3A_643 = tpu.memref_slice %arg3[%multiple_of3A_368] : memref<131072xi32, #tpu.memory_space<hbm>> -> memref<128xi32, #tpu.memory_space<hbm>>
      tpu.wait_dma2 semaphore(%run_scoped3A : memref<!tpu.dma_semaphore, #tpu.memory_space<semaphore_mem>>) src(%dma_wait3A_643 : memref<128xi32, #tpu.memory_space<hbm>>) dst(%arg6 : memref<128xi32, #tpu.memory_space<vmem>>)
      tpu.yield
    }) : () -> ()
    %dma_start3A_369 = arith.constant 0 : i32
    %dma_start3A_370 = arith.constant 0 : i32
    %dma_start3A_371 = tpu.memref_slice %arg2[%dma_start3A_369, %dma_start3A_370] : memref<8192x128xf32, #tpu.memory_space<hbm>> -> memref<8192x128xf32, #tpu.memory_space<hbm>>
    tpu.enqueue_indirect_dma source(%dma_start3A_371 : memref<8192x128xf32, #tpu.memory_space<hbm>>) target(%arg8 : memref<128x128xf32, #tpu.memory_space<vmem>>) offsets(%arg6 : memref<128xi32, #tpu.memory_space<vmem>>) semaphore(%arg10 : memref<!tpu.dma_semaphore, #tpu.memory_space<semaphore_mem>>)
    %dma_wait3A_372 = arith.constant 0 : i32
    %dma_wait3A_373 = arith.constant 0 : i32
    %dma_wait3A_374 = tpu.memref_slice %arg2[%dma_wait3A_372, %dma_wait3A_373] : memref<8192x128xf32, #tpu.memory_space<hbm>> -> memref<8192x128xf32, #tpu.memory_space<hbm>>
    tpu.wait_indirect_dma semaphore(%arg9 : memref<!tpu.dma_semaphore, #tpu.memory_space<semaphore_mem>>) src(%dma_wait3A_374 : memref<8192x128xf32, #tpu.memory_space<hbm>>) dst(%arg7 : memref<128x128xf32, #tpu.memory_space<vmem>>)
    %add3A_375 = arith.constant 2304 : i32
    %add3A_376 = arith.addi %mul3A_2, %add3A_375 : i32
    %multiple_of3A_377 = tpu.assume_multiple %add3A_376, 128 : i32
    %dma_start3A_378 = arith.constant 0 : i32
    %dma_start3A_379 = tpu.memref_slice %arg4[%multiple_of3A_377, %dma_start3A_378] : memref<131072x128xf32, #tpu.memory_space<hbm>> -> memref<128x128xf32, #tpu.memory_space<hbm>>
    %dma_start3A_380 = arith.constant 0 : i32
    %dma_start3A_381 = tpu.memref_slice %arg4[%multiple_of3A_377, %dma_start3A_380] : memref<131072x128xf32, #tpu.memory_space<hbm>> -> memref<128x128xf32, #tpu.memory_space<hbm>>
    tpu.enqueue_dma source(%arg7 : memref<128x128xf32, #tpu.memory_space<vmem>>) target(%dma_start3A_381 : memref<128x128xf32, #tpu.memory_space<hbm>>) target_semaphore(%arg11 : memref<!tpu.dma_semaphore, #tpu.memory_space<semaphore_mem>>)
    %dma_wait3A_382 = arith.constant 0 : i32
    %dma_wait3A_383 = tpu.memref_slice %arg4[%multiple_of3A_377, %dma_wait3A_382] : memref<131072x128xf32, #tpu.memory_space<hbm>> -> memref<128x128xf32, #tpu.memory_space<hbm>>
    %dma_wait3A_384 = arith.constant 0 : i32
    %dma_wait3A_385 = tpu.memref_slice %arg4[%multiple_of3A_377, %dma_wait3A_384] : memref<131072x128xf32, #tpu.memory_space<hbm>> -> memref<128x128xf32, #tpu.memory_space<hbm>>
    tpu.wait_dma2 semaphore(%arg11 : memref<!tpu.dma_semaphore, #tpu.memory_space<semaphore_mem>>) src(%arg7 : memref<128x128xf32, #tpu.memory_space<vmem>>) dst(%dma_wait3A_385 : memref<128x128xf32, #tpu.memory_space<hbm>>)
    %add3A_386 = arith.constant 2560 : i32
    %add3A_387 = arith.addi %mul3A_2, %add3A_386 : i32
    %multiple_of3A_388 = tpu.assume_multiple %add3A_387, 128 : i32
    "tpu.region"() ({
      %run_scoped3A = tpu.sem_alloc : memref<!tpu.dma_semaphore, #tpu.memory_space<semaphore_mem>>
      %dma_start3A_640 = tpu.memref_slice %arg3[%multiple_of3A_388] : memref<131072xi32, #tpu.memory_space<hbm>> -> memref<128xi32, #tpu.memory_space<hbm>>
      %dma_start3A_641 = tpu.memref_slice %arg3[%multiple_of3A_388] : memref<131072xi32, #tpu.memory_space<hbm>> -> memref<128xi32, #tpu.memory_space<hbm>>
      tpu.enqueue_dma source(%dma_start3A_641 : memref<128xi32, #tpu.memory_space<hbm>>) target(%arg5 : memref<128xi32, #tpu.memory_space<vmem>>) target_semaphore(%run_scoped3A : memref<!tpu.dma_semaphore, #tpu.memory_space<semaphore_mem>>)
      %dma_wait3A_642 = tpu.memref_slice %arg3[%multiple_of3A_388] : memref<131072xi32, #tpu.memory_space<hbm>> -> memref<128xi32, #tpu.memory_space<hbm>>
      %dma_wait3A_643 = tpu.memref_slice %arg3[%multiple_of3A_388] : memref<131072xi32, #tpu.memory_space<hbm>> -> memref<128xi32, #tpu.memory_space<hbm>>
      tpu.wait_dma2 semaphore(%run_scoped3A : memref<!tpu.dma_semaphore, #tpu.memory_space<semaphore_mem>>) src(%dma_wait3A_643 : memref<128xi32, #tpu.memory_space<hbm>>) dst(%arg5 : memref<128xi32, #tpu.memory_space<vmem>>)
      tpu.yield
    }) : () -> ()
    %dma_start3A_389 = arith.constant 0 : i32
    %dma_start3A_390 = arith.constant 0 : i32
    %dma_start3A_391 = tpu.memref_slice %arg2[%dma_start3A_389, %dma_start3A_390] : memref<8192x128xf32, #tpu.memory_space<hbm>> -> memref<8192x128xf32, #tpu.memory_space<hbm>>
    tpu.enqueue_indirect_dma source(%dma_start3A_391 : memref<8192x128xf32, #tpu.memory_space<hbm>>) target(%arg7 : memref<128x128xf32, #tpu.memory_space<vmem>>) offsets(%arg5 : memref<128xi32, #tpu.memory_space<vmem>>) semaphore(%arg9 : memref<!tpu.dma_semaphore, #tpu.memory_space<semaphore_mem>>)
    %dma_wait3A_392 = arith.constant 0 : i32
    %dma_wait3A_393 = arith.constant 0 : i32
    %dma_wait3A_394 = tpu.memref_slice %arg2[%dma_wait3A_392, %dma_wait3A_393] : memref<8192x128xf32, #tpu.memory_space<hbm>> -> memref<8192x128xf32, #tpu.memory_space<hbm>>
    tpu.wait_indirect_dma semaphore(%arg10 : memref<!tpu.dma_semaphore, #tpu.memory_space<semaphore_mem>>) src(%dma_wait3A_394 : memref<8192x128xf32, #tpu.memory_space<hbm>>) dst(%arg8 : memref<128x128xf32, #tpu.memory_space<vmem>>)
    %add3A_395 = arith.constant 2432 : i32
    %add3A_396 = arith.addi %mul3A_2, %add3A_395 : i32
    %multiple_of3A_397 = tpu.assume_multiple %add3A_396, 128 : i32
    %dma_start3A_398 = arith.constant 0 : i32
    %dma_start3A_399 = tpu.memref_slice %arg4[%multiple_of3A_397, %dma_start3A_398] : memref<131072x128xf32, #tpu.memory_space<hbm>> -> memref<128x128xf32, #tpu.memory_space<hbm>>
    %dma_start3A_400 = arith.constant 0 : i32
    %dma_start3A_401 = tpu.memref_slice %arg4[%multiple_of3A_397, %dma_start3A_400] : memref<131072x128xf32, #tpu.memory_space<hbm>> -> memref<128x128xf32, #tpu.memory_space<hbm>>
    tpu.enqueue_dma source(%arg8 : memref<128x128xf32, #tpu.memory_space<vmem>>) target(%dma_start3A_401 : memref<128x128xf32, #tpu.memory_space<hbm>>) target_semaphore(%arg12 : memref<!tpu.dma_semaphore, #tpu.memory_space<semaphore_mem>>)
    %dma_wait3A_402 = arith.constant 0 : i32
    %dma_wait3A_403 = tpu.memref_slice %arg4[%multiple_of3A_397, %dma_wait3A_402] : memref<131072x128xf32, #tpu.memory_space<hbm>> -> memref<128x128xf32, #tpu.memory_space<hbm>>
    %dma_wait3A_404 = arith.constant 0 : i32
    %dma_wait3A_405 = tpu.memref_slice %arg4[%multiple_of3A_397, %dma_wait3A_404] : memref<131072x128xf32, #tpu.memory_space<hbm>> -> memref<128x128xf32, #tpu.memory_space<hbm>>
    tpu.wait_dma2 semaphore(%arg12 : memref<!tpu.dma_semaphore, #tpu.memory_space<semaphore_mem>>) src(%arg8 : memref<128x128xf32, #tpu.memory_space<vmem>>) dst(%dma_wait3A_405 : memref<128x128xf32, #tpu.memory_space<hbm>>)
    %add3A_406 = arith.constant 2688 : i32
    %add3A_407 = arith.addi %mul3A_2, %add3A_406 : i32
    %multiple_of3A_408 = tpu.assume_multiple %add3A_407, 128 : i32
    "tpu.region"() ({
      %run_scoped3A = tpu.sem_alloc : memref<!tpu.dma_semaphore, #tpu.memory_space<semaphore_mem>>
      %dma_start3A_640 = tpu.memref_slice %arg3[%multiple_of3A_408] : memref<131072xi32, #tpu.memory_space<hbm>> -> memref<128xi32, #tpu.memory_space<hbm>>
      %dma_start3A_641 = tpu.memref_slice %arg3[%multiple_of3A_408] : memref<131072xi32, #tpu.memory_space<hbm>> -> memref<128xi32, #tpu.memory_space<hbm>>
      tpu.enqueue_dma source(%dma_start3A_641 : memref<128xi32, #tpu.memory_space<hbm>>) target(%arg6 : memref<128xi32, #tpu.memory_space<vmem>>) target_semaphore(%run_scoped3A : memref<!tpu.dma_semaphore, #tpu.memory_space<semaphore_mem>>)
      %dma_wait3A_642 = tpu.memref_slice %arg3[%multiple_of3A_408] : memref<131072xi32, #tpu.memory_space<hbm>> -> memref<128xi32, #tpu.memory_space<hbm>>
      %dma_wait3A_643 = tpu.memref_slice %arg3[%multiple_of3A_408] : memref<131072xi32, #tpu.memory_space<hbm>> -> memref<128xi32, #tpu.memory_space<hbm>>
      tpu.wait_dma2 semaphore(%run_scoped3A : memref<!tpu.dma_semaphore, #tpu.memory_space<semaphore_mem>>) src(%dma_wait3A_643 : memref<128xi32, #tpu.memory_space<hbm>>) dst(%arg6 : memref<128xi32, #tpu.memory_space<vmem>>)
      tpu.yield
    }) : () -> ()
    %dma_start3A_409 = arith.constant 0 : i32
    %dma_start3A_410 = arith.constant 0 : i32
    %dma_start3A_411 = tpu.memref_slice %arg2[%dma_start3A_409, %dma_start3A_410] : memref<8192x128xf32, #tpu.memory_space<hbm>> -> memref<8192x128xf32, #tpu.memory_space<hbm>>
    tpu.enqueue_indirect_dma source(%dma_start3A_411 : memref<8192x128xf32, #tpu.memory_space<hbm>>) target(%arg8 : memref<128x128xf32, #tpu.memory_space<vmem>>) offsets(%arg6 : memref<128xi32, #tpu.memory_space<vmem>>) semaphore(%arg10 : memref<!tpu.dma_semaphore, #tpu.memory_space<semaphore_mem>>)
    %dma_wait3A_412 = arith.constant 0 : i32
    %dma_wait3A_413 = arith.constant 0 : i32
    %dma_wait3A_414 = tpu.memref_slice %arg2[%dma_wait3A_412, %dma_wait3A_413] : memref<8192x128xf32, #tpu.memory_space<hbm>> -> memref<8192x128xf32, #tpu.memory_space<hbm>>
    tpu.wait_indirect_dma semaphore(%arg9 : memref<!tpu.dma_semaphore, #tpu.memory_space<semaphore_mem>>) src(%dma_wait3A_414 : memref<8192x128xf32, #tpu.memory_space<hbm>>) dst(%arg7 : memref<128x128xf32, #tpu.memory_space<vmem>>)
    %add3A_415 = arith.constant 2560 : i32
    %add3A_416 = arith.addi %mul3A_2, %add3A_415 : i32
    %multiple_of3A_417 = tpu.assume_multiple %add3A_416, 128 : i32
    %dma_start3A_418 = arith.constant 0 : i32
    %dma_start3A_419 = tpu.memref_slice %arg4[%multiple_of3A_417, %dma_start3A_418] : memref<131072x128xf32, #tpu.memory_space<hbm>> -> memref<128x128xf32, #tpu.memory_space<hbm>>
    %dma_start3A_420 = arith.constant 0 : i32
    %dma_start3A_421 = tpu.memref_slice %arg4[%multiple_of3A_417, %dma_start3A_420] : memref<131072x128xf32, #tpu.memory_space<hbm>> -> memref<128x128xf32, #tpu.memory_space<hbm>>
    tpu.enqueue_dma source(%arg7 : memref<128x128xf32, #tpu.memory_space<vmem>>) target(%dma_start3A_421 : memref<128x128xf32, #tpu.memory_space<hbm>>) target_semaphore(%arg11 : memref<!tpu.dma_semaphore, #tpu.memory_space<semaphore_mem>>)
    %dma_wait3A_422 = arith.constant 0 : i32
    %dma_wait3A_423 = tpu.memref_slice %arg4[%multiple_of3A_417, %dma_wait3A_422] : memref<131072x128xf32, #tpu.memory_space<hbm>> -> memref<128x128xf32, #tpu.memory_space<hbm>>
    %dma_wait3A_424 = arith.constant 0 : i32
    %dma_wait3A_425 = tpu.memref_slice %arg4[%multiple_of3A_417, %dma_wait3A_424] : memref<131072x128xf32, #tpu.memory_space<hbm>> -> memref<128x128xf32, #tpu.memory_space<hbm>>
    tpu.wait_dma2 semaphore(%arg11 : memref<!tpu.dma_semaphore, #tpu.memory_space<semaphore_mem>>) src(%arg7 : memref<128x128xf32, #tpu.memory_space<vmem>>) dst(%dma_wait3A_425 : memref<128x128xf32, #tpu.memory_space<hbm>>)
    %add3A_426 = arith.constant 2816 : i32
    %add3A_427 = arith.addi %mul3A_2, %add3A_426 : i32
    %multiple_of3A_428 = tpu.assume_multiple %add3A_427, 128 : i32
    "tpu.region"() ({
      %run_scoped3A = tpu.sem_alloc : memref<!tpu.dma_semaphore, #tpu.memory_space<semaphore_mem>>
      %dma_start3A_640 = tpu.memref_slice %arg3[%multiple_of3A_428] : memref<131072xi32, #tpu.memory_space<hbm>> -> memref<128xi32, #tpu.memory_space<hbm>>
      %dma_start3A_641 = tpu.memref_slice %arg3[%multiple_of3A_428] : memref<131072xi32, #tpu.memory_space<hbm>> -> memref<128xi32, #tpu.memory_space<hbm>>
      tpu.enqueue_dma source(%dma_start3A_641 : memref<128xi32, #tpu.memory_space<hbm>>) target(%arg5 : memref<128xi32, #tpu.memory_space<vmem>>) target_semaphore(%run_scoped3A : memref<!tpu.dma_semaphore, #tpu.memory_space<semaphore_mem>>)
      %dma_wait3A_642 = tpu.memref_slice %arg3[%multiple_of3A_428] : memref<131072xi32, #tpu.memory_space<hbm>> -> memref<128xi32, #tpu.memory_space<hbm>>
      %dma_wait3A_643 = tpu.memref_slice %arg3[%multiple_of3A_428] : memref<131072xi32, #tpu.memory_space<hbm>> -> memref<128xi32, #tpu.memory_space<hbm>>
      tpu.wait_dma2 semaphore(%run_scoped3A : memref<!tpu.dma_semaphore, #tpu.memory_space<semaphore_mem>>) src(%dma_wait3A_643 : memref<128xi32, #tpu.memory_space<hbm>>) dst(%arg5 : memref<128xi32, #tpu.memory_space<vmem>>)
      tpu.yield
    }) : () -> ()
    %dma_start3A_429 = arith.constant 0 : i32
    %dma_start3A_430 = arith.constant 0 : i32
    %dma_start3A_431 = tpu.memref_slice %arg2[%dma_start3A_429, %dma_start3A_430] : memref<8192x128xf32, #tpu.memory_space<hbm>> -> memref<8192x128xf32, #tpu.memory_space<hbm>>
    tpu.enqueue_indirect_dma source(%dma_start3A_431 : memref<8192x128xf32, #tpu.memory_space<hbm>>) target(%arg7 : memref<128x128xf32, #tpu.memory_space<vmem>>) offsets(%arg5 : memref<128xi32, #tpu.memory_space<vmem>>) semaphore(%arg9 : memref<!tpu.dma_semaphore, #tpu.memory_space<semaphore_mem>>)
    %dma_wait3A_432 = arith.constant 0 : i32
    %dma_wait3A_433 = arith.constant 0 : i32
    %dma_wait3A_434 = tpu.memref_slice %arg2[%dma_wait3A_432, %dma_wait3A_433] : memref<8192x128xf32, #tpu.memory_space<hbm>> -> memref<8192x128xf32, #tpu.memory_space<hbm>>
    tpu.wait_indirect_dma semaphore(%arg10 : memref<!tpu.dma_semaphore, #tpu.memory_space<semaphore_mem>>) src(%dma_wait3A_434 : memref<8192x128xf32, #tpu.memory_space<hbm>>) dst(%arg8 : memref<128x128xf32, #tpu.memory_space<vmem>>)
    %add3A_435 = arith.constant 2688 : i32
    %add3A_436 = arith.addi %mul3A_2, %add3A_435 : i32
    %multiple_of3A_437 = tpu.assume_multiple %add3A_436, 128 : i32
    %dma_start3A_438 = arith.constant 0 : i32
    %dma_start3A_439 = tpu.memref_slice %arg4[%multiple_of3A_437, %dma_start3A_438] : memref<131072x128xf32, #tpu.memory_space<hbm>> -> memref<128x128xf32, #tpu.memory_space<hbm>>
    %dma_start3A_440 = arith.constant 0 : i32
    %dma_start3A_441 = tpu.memref_slice %arg4[%multiple_of3A_437, %dma_start3A_440] : memref<131072x128xf32, #tpu.memory_space<hbm>> -> memref<128x128xf32, #tpu.memory_space<hbm>>
    tpu.enqueue_dma source(%arg8 : memref<128x128xf32, #tpu.memory_space<vmem>>) target(%dma_start3A_441 : memref<128x128xf32, #tpu.memory_space<hbm>>) target_semaphore(%arg12 : memref<!tpu.dma_semaphore, #tpu.memory_space<semaphore_mem>>)
    %dma_wait3A_442 = arith.constant 0 : i32
    %dma_wait3A_443 = tpu.memref_slice %arg4[%multiple_of3A_437, %dma_wait3A_442] : memref<131072x128xf32, #tpu.memory_space<hbm>> -> memref<128x128xf32, #tpu.memory_space<hbm>>
    %dma_wait3A_444 = arith.constant 0 : i32
    %dma_wait3A_445 = tpu.memref_slice %arg4[%multiple_of3A_437, %dma_wait3A_444] : memref<131072x128xf32, #tpu.memory_space<hbm>> -> memref<128x128xf32, #tpu.memory_space<hbm>>
    tpu.wait_dma2 semaphore(%arg12 : memref<!tpu.dma_semaphore, #tpu.memory_space<semaphore_mem>>) src(%arg8 : memref<128x128xf32, #tpu.memory_space<vmem>>) dst(%dma_wait3A_445 : memref<128x128xf32, #tpu.memory_space<hbm>>)
    %add3A_446 = arith.constant 2944 : i32
    %add3A_447 = arith.addi %mul3A_2, %add3A_446 : i32
    %multiple_of3A_448 = tpu.assume_multiple %add3A_447, 128 : i32
    "tpu.region"() ({
      %run_scoped3A = tpu.sem_alloc : memref<!tpu.dma_semaphore, #tpu.memory_space<semaphore_mem>>
      %dma_start3A_640 = tpu.memref_slice %arg3[%multiple_of3A_448] : memref<131072xi32, #tpu.memory_space<hbm>> -> memref<128xi32, #tpu.memory_space<hbm>>
      %dma_start3A_641 = tpu.memref_slice %arg3[%multiple_of3A_448] : memref<131072xi32, #tpu.memory_space<hbm>> -> memref<128xi32, #tpu.memory_space<hbm>>
      tpu.enqueue_dma source(%dma_start3A_641 : memref<128xi32, #tpu.memory_space<hbm>>) target(%arg6 : memref<128xi32, #tpu.memory_space<vmem>>) target_semaphore(%run_scoped3A : memref<!tpu.dma_semaphore, #tpu.memory_space<semaphore_mem>>)
      %dma_wait3A_642 = tpu.memref_slice %arg3[%multiple_of3A_448] : memref<131072xi32, #tpu.memory_space<hbm>> -> memref<128xi32, #tpu.memory_space<hbm>>
      %dma_wait3A_643 = tpu.memref_slice %arg3[%multiple_of3A_448] : memref<131072xi32, #tpu.memory_space<hbm>> -> memref<128xi32, #tpu.memory_space<hbm>>
      tpu.wait_dma2 semaphore(%run_scoped3A : memref<!tpu.dma_semaphore, #tpu.memory_space<semaphore_mem>>) src(%dma_wait3A_643 : memref<128xi32, #tpu.memory_space<hbm>>) dst(%arg6 : memref<128xi32, #tpu.memory_space<vmem>>)
      tpu.yield
    }) : () -> ()
    %dma_start3A_449 = arith.constant 0 : i32
    %dma_start3A_450 = arith.constant 0 : i32
    %dma_start3A_451 = tpu.memref_slice %arg2[%dma_start3A_449, %dma_start3A_450] : memref<8192x128xf32, #tpu.memory_space<hbm>> -> memref<8192x128xf32, #tpu.memory_space<hbm>>
    tpu.enqueue_indirect_dma source(%dma_start3A_451 : memref<8192x128xf32, #tpu.memory_space<hbm>>) target(%arg8 : memref<128x128xf32, #tpu.memory_space<vmem>>) offsets(%arg6 : memref<128xi32, #tpu.memory_space<vmem>>) semaphore(%arg10 : memref<!tpu.dma_semaphore, #tpu.memory_space<semaphore_mem>>)
    %dma_wait3A_452 = arith.constant 0 : i32
    %dma_wait3A_453 = arith.constant 0 : i32
    %dma_wait3A_454 = tpu.memref_slice %arg2[%dma_wait3A_452, %dma_wait3A_453] : memref<8192x128xf32, #tpu.memory_space<hbm>> -> memref<8192x128xf32, #tpu.memory_space<hbm>>
    tpu.wait_indirect_dma semaphore(%arg9 : memref<!tpu.dma_semaphore, #tpu.memory_space<semaphore_mem>>) src(%dma_wait3A_454 : memref<8192x128xf32, #tpu.memory_space<hbm>>) dst(%arg7 : memref<128x128xf32, #tpu.memory_space<vmem>>)
    %add3A_455 = arith.constant 2816 : i32
    %add3A_456 = arith.addi %mul3A_2, %add3A_455 : i32
    %multiple_of3A_457 = tpu.assume_multiple %add3A_456, 128 : i32
    %dma_start3A_458 = arith.constant 0 : i32
    %dma_start3A_459 = tpu.memref_slice %arg4[%multiple_of3A_457, %dma_start3A_458] : memref<131072x128xf32, #tpu.memory_space<hbm>> -> memref<128x128xf32, #tpu.memory_space<hbm>>
    %dma_start3A_460 = arith.constant 0 : i32
    %dma_start3A_461 = tpu.memref_slice %arg4[%multiple_of3A_457, %dma_start3A_460] : memref<131072x128xf32, #tpu.memory_space<hbm>> -> memref<128x128xf32, #tpu.memory_space<hbm>>
    tpu.enqueue_dma source(%arg7 : memref<128x128xf32, #tpu.memory_space<vmem>>) target(%dma_start3A_461 : memref<128x128xf32, #tpu.memory_space<hbm>>) target_semaphore(%arg11 : memref<!tpu.dma_semaphore, #tpu.memory_space<semaphore_mem>>)
    %dma_wait3A_462 = arith.constant 0 : i32
    %dma_wait3A_463 = tpu.memref_slice %arg4[%multiple_of3A_457, %dma_wait3A_462] : memref<131072x128xf32, #tpu.memory_space<hbm>> -> memref<128x128xf32, #tpu.memory_space<hbm>>
    %dma_wait3A_464 = arith.constant 0 : i32
    %dma_wait3A_465 = tpu.memref_slice %arg4[%multiple_of3A_457, %dma_wait3A_464] : memref<131072x128xf32, #tpu.memory_space<hbm>> -> memref<128x128xf32, #tpu.memory_space<hbm>>
    tpu.wait_dma2 semaphore(%arg11 : memref<!tpu.dma_semaphore, #tpu.memory_space<semaphore_mem>>) src(%arg7 : memref<128x128xf32, #tpu.memory_space<vmem>>) dst(%dma_wait3A_465 : memref<128x128xf32, #tpu.memory_space<hbm>>)
    %add3A_466 = arith.constant 3072 : i32
    %add3A_467 = arith.addi %mul3A_2, %add3A_466 : i32
    %multiple_of3A_468 = tpu.assume_multiple %add3A_467, 128 : i32
    "tpu.region"() ({
      %run_scoped3A = tpu.sem_alloc : memref<!tpu.dma_semaphore, #tpu.memory_space<semaphore_mem>>
      %dma_start3A_640 = tpu.memref_slice %arg3[%multiple_of3A_468] : memref<131072xi32, #tpu.memory_space<hbm>> -> memref<128xi32, #tpu.memory_space<hbm>>
      %dma_start3A_641 = tpu.memref_slice %arg3[%multiple_of3A_468] : memref<131072xi32, #tpu.memory_space<hbm>> -> memref<128xi32, #tpu.memory_space<hbm>>
      tpu.enqueue_dma source(%dma_start3A_641 : memref<128xi32, #tpu.memory_space<hbm>>) target(%arg5 : memref<128xi32, #tpu.memory_space<vmem>>) target_semaphore(%run_scoped3A : memref<!tpu.dma_semaphore, #tpu.memory_space<semaphore_mem>>)
      %dma_wait3A_642 = tpu.memref_slice %arg3[%multiple_of3A_468] : memref<131072xi32, #tpu.memory_space<hbm>> -> memref<128xi32, #tpu.memory_space<hbm>>
      %dma_wait3A_643 = tpu.memref_slice %arg3[%multiple_of3A_468] : memref<131072xi32, #tpu.memory_space<hbm>> -> memref<128xi32, #tpu.memory_space<hbm>>
      tpu.wait_dma2 semaphore(%run_scoped3A : memref<!tpu.dma_semaphore, #tpu.memory_space<semaphore_mem>>) src(%dma_wait3A_643 : memref<128xi32, #tpu.memory_space<hbm>>) dst(%arg5 : memref<128xi32, #tpu.memory_space<vmem>>)
      tpu.yield
    }) : () -> ()
    %dma_start3A_469 = arith.constant 0 : i32
    %dma_start3A_470 = arith.constant 0 : i32
    %dma_start3A_471 = tpu.memref_slice %arg2[%dma_start3A_469, %dma_start3A_470] : memref<8192x128xf32, #tpu.memory_space<hbm>> -> memref<8192x128xf32, #tpu.memory_space<hbm>>
    tpu.enqueue_indirect_dma source(%dma_start3A_471 : memref<8192x128xf32, #tpu.memory_space<hbm>>) target(%arg7 : memref<128x128xf32, #tpu.memory_space<vmem>>) offsets(%arg5 : memref<128xi32, #tpu.memory_space<vmem>>) semaphore(%arg9 : memref<!tpu.dma_semaphore, #tpu.memory_space<semaphore_mem>>)
    %dma_wait3A_472 = arith.constant 0 : i32
    %dma_wait3A_473 = arith.constant 0 : i32
    %dma_wait3A_474 = tpu.memref_slice %arg2[%dma_wait3A_472, %dma_wait3A_473] : memref<8192x128xf32, #tpu.memory_space<hbm>> -> memref<8192x128xf32, #tpu.memory_space<hbm>>
    tpu.wait_indirect_dma semaphore(%arg10 : memref<!tpu.dma_semaphore, #tpu.memory_space<semaphore_mem>>) src(%dma_wait3A_474 : memref<8192x128xf32, #tpu.memory_space<hbm>>) dst(%arg8 : memref<128x128xf32, #tpu.memory_space<vmem>>)
    %add3A_475 = arith.constant 2944 : i32
    %add3A_476 = arith.addi %mul3A_2, %add3A_475 : i32
    %multiple_of3A_477 = tpu.assume_multiple %add3A_476, 128 : i32
    %dma_start3A_478 = arith.constant 0 : i32
    %dma_start3A_479 = tpu.memref_slice %arg4[%multiple_of3A_477, %dma_start3A_478] : memref<131072x128xf32, #tpu.memory_space<hbm>> -> memref<128x128xf32, #tpu.memory_space<hbm>>
    %dma_start3A_480 = arith.constant 0 : i32
    %dma_start3A_481 = tpu.memref_slice %arg4[%multiple_of3A_477, %dma_start3A_480] : memref<131072x128xf32, #tpu.memory_space<hbm>> -> memref<128x128xf32, #tpu.memory_space<hbm>>
    tpu.enqueue_dma source(%arg8 : memref<128x128xf32, #tpu.memory_space<vmem>>) target(%dma_start3A_481 : memref<128x128xf32, #tpu.memory_space<hbm>>) target_semaphore(%arg12 : memref<!tpu.dma_semaphore, #tpu.memory_space<semaphore_mem>>)
    %dma_wait3A_482 = arith.constant 0 : i32
    %dma_wait3A_483 = tpu.memref_slice %arg4[%multiple_of3A_477, %dma_wait3A_482] : memref<131072x128xf32, #tpu.memory_space<hbm>> -> memref<128x128xf32, #tpu.memory_space<hbm>>
    %dma_wait3A_484 = arith.constant 0 : i32
    %dma_wait3A_485 = tpu.memref_slice %arg4[%multiple_of3A_477, %dma_wait3A_484] : memref<131072x128xf32, #tpu.memory_space<hbm>> -> memref<128x128xf32, #tpu.memory_space<hbm>>
    tpu.wait_dma2 semaphore(%arg12 : memref<!tpu.dma_semaphore, #tpu.memory_space<semaphore_mem>>) src(%arg8 : memref<128x128xf32, #tpu.memory_space<vmem>>) dst(%dma_wait3A_485 : memref<128x128xf32, #tpu.memory_space<hbm>>)
    %add3A_486 = arith.constant 3200 : i32
    %add3A_487 = arith.addi %mul3A_2, %add3A_486 : i32
    %multiple_of3A_488 = tpu.assume_multiple %add3A_487, 128 : i32
    "tpu.region"() ({
      %run_scoped3A = tpu.sem_alloc : memref<!tpu.dma_semaphore, #tpu.memory_space<semaphore_mem>>
      %dma_start3A_640 = tpu.memref_slice %arg3[%multiple_of3A_488] : memref<131072xi32, #tpu.memory_space<hbm>> -> memref<128xi32, #tpu.memory_space<hbm>>
      %dma_start3A_641 = tpu.memref_slice %arg3[%multiple_of3A_488] : memref<131072xi32, #tpu.memory_space<hbm>> -> memref<128xi32, #tpu.memory_space<hbm>>
      tpu.enqueue_dma source(%dma_start3A_641 : memref<128xi32, #tpu.memory_space<hbm>>) target(%arg6 : memref<128xi32, #tpu.memory_space<vmem>>) target_semaphore(%run_scoped3A : memref<!tpu.dma_semaphore, #tpu.memory_space<semaphore_mem>>)
      %dma_wait3A_642 = tpu.memref_slice %arg3[%multiple_of3A_488] : memref<131072xi32, #tpu.memory_space<hbm>> -> memref<128xi32, #tpu.memory_space<hbm>>
      %dma_wait3A_643 = tpu.memref_slice %arg3[%multiple_of3A_488] : memref<131072xi32, #tpu.memory_space<hbm>> -> memref<128xi32, #tpu.memory_space<hbm>>
      tpu.wait_dma2 semaphore(%run_scoped3A : memref<!tpu.dma_semaphore, #tpu.memory_space<semaphore_mem>>) src(%dma_wait3A_643 : memref<128xi32, #tpu.memory_space<hbm>>) dst(%arg6 : memref<128xi32, #tpu.memory_space<vmem>>)
      tpu.yield
    }) : () -> ()
    %dma_start3A_489 = arith.constant 0 : i32
    %dma_start3A_490 = arith.constant 0 : i32
    %dma_start3A_491 = tpu.memref_slice %arg2[%dma_start3A_489, %dma_start3A_490] : memref<8192x128xf32, #tpu.memory_space<hbm>> -> memref<8192x128xf32, #tpu.memory_space<hbm>>
    tpu.enqueue_indirect_dma source(%dma_start3A_491 : memref<8192x128xf32, #tpu.memory_space<hbm>>) target(%arg8 : memref<128x128xf32, #tpu.memory_space<vmem>>) offsets(%arg6 : memref<128xi32, #tpu.memory_space<vmem>>) semaphore(%arg10 : memref<!tpu.dma_semaphore, #tpu.memory_space<semaphore_mem>>)
    %dma_wait3A_492 = arith.constant 0 : i32
    %dma_wait3A_493 = arith.constant 0 : i32
    %dma_wait3A_494 = tpu.memref_slice %arg2[%dma_wait3A_492, %dma_wait3A_493] : memref<8192x128xf32, #tpu.memory_space<hbm>> -> memref<8192x128xf32, #tpu.memory_space<hbm>>
    tpu.wait_indirect_dma semaphore(%arg9 : memref<!tpu.dma_semaphore, #tpu.memory_space<semaphore_mem>>) src(%dma_wait3A_494 : memref<8192x128xf32, #tpu.memory_space<hbm>>) dst(%arg7 : memref<128x128xf32, #tpu.memory_space<vmem>>)
    %add3A_495 = arith.constant 3072 : i32
    %add3A_496 = arith.addi %mul3A_2, %add3A_495 : i32
    %multiple_of3A_497 = tpu.assume_multiple %add3A_496, 128 : i32
    %dma_start3A_498 = arith.constant 0 : i32
    %dma_start3A_499 = tpu.memref_slice %arg4[%multiple_of3A_497, %dma_start3A_498] : memref<131072x128xf32, #tpu.memory_space<hbm>> -> memref<128x128xf32, #tpu.memory_space<hbm>>
    %dma_start3A_500 = arith.constant 0 : i32
    %dma_start3A_501 = tpu.memref_slice %arg4[%multiple_of3A_497, %dma_start3A_500] : memref<131072x128xf32, #tpu.memory_space<hbm>> -> memref<128x128xf32, #tpu.memory_space<hbm>>
    tpu.enqueue_dma source(%arg7 : memref<128x128xf32, #tpu.memory_space<vmem>>) target(%dma_start3A_501 : memref<128x128xf32, #tpu.memory_space<hbm>>) target_semaphore(%arg11 : memref<!tpu.dma_semaphore, #tpu.memory_space<semaphore_mem>>)
    %dma_wait3A_502 = arith.constant 0 : i32
    %dma_wait3A_503 = tpu.memref_slice %arg4[%multiple_of3A_497, %dma_wait3A_502] : memref<131072x128xf32, #tpu.memory_space<hbm>> -> memref<128x128xf32, #tpu.memory_space<hbm>>
    %dma_wait3A_504 = arith.constant 0 : i32
    %dma_wait3A_505 = tpu.memref_slice %arg4[%multiple_of3A_497, %dma_wait3A_504] : memref<131072x128xf32, #tpu.memory_space<hbm>> -> memref<128x128xf32, #tpu.memory_space<hbm>>
    tpu.wait_dma2 semaphore(%arg11 : memref<!tpu.dma_semaphore, #tpu.memory_space<semaphore_mem>>) src(%arg7 : memref<128x128xf32, #tpu.memory_space<vmem>>) dst(%dma_wait3A_505 : memref<128x128xf32, #tpu.memory_space<hbm>>)
    %add3A_506 = arith.constant 3328 : i32
    %add3A_507 = arith.addi %mul3A_2, %add3A_506 : i32
    %multiple_of3A_508 = tpu.assume_multiple %add3A_507, 128 : i32
    "tpu.region"() ({
      %run_scoped3A = tpu.sem_alloc : memref<!tpu.dma_semaphore, #tpu.memory_space<semaphore_mem>>
      %dma_start3A_640 = tpu.memref_slice %arg3[%multiple_of3A_508] : memref<131072xi32, #tpu.memory_space<hbm>> -> memref<128xi32, #tpu.memory_space<hbm>>
      %dma_start3A_641 = tpu.memref_slice %arg3[%multiple_of3A_508] : memref<131072xi32, #tpu.memory_space<hbm>> -> memref<128xi32, #tpu.memory_space<hbm>>
      tpu.enqueue_dma source(%dma_start3A_641 : memref<128xi32, #tpu.memory_space<hbm>>) target(%arg5 : memref<128xi32, #tpu.memory_space<vmem>>) target_semaphore(%run_scoped3A : memref<!tpu.dma_semaphore, #tpu.memory_space<semaphore_mem>>)
      %dma_wait3A_642 = tpu.memref_slice %arg3[%multiple_of3A_508] : memref<131072xi32, #tpu.memory_space<hbm>> -> memref<128xi32, #tpu.memory_space<hbm>>
      %dma_wait3A_643 = tpu.memref_slice %arg3[%multiple_of3A_508] : memref<131072xi32, #tpu.memory_space<hbm>> -> memref<128xi32, #tpu.memory_space<hbm>>
      tpu.wait_dma2 semaphore(%run_scoped3A : memref<!tpu.dma_semaphore, #tpu.memory_space<semaphore_mem>>) src(%dma_wait3A_643 : memref<128xi32, #tpu.memory_space<hbm>>) dst(%arg5 : memref<128xi32, #tpu.memory_space<vmem>>)
      tpu.yield
    }) : () -> ()
    %dma_start3A_509 = arith.constant 0 : i32
    %dma_start3A_510 = arith.constant 0 : i32
    %dma_start3A_511 = tpu.memref_slice %arg2[%dma_start3A_509, %dma_start3A_510] : memref<8192x128xf32, #tpu.memory_space<hbm>> -> memref<8192x128xf32, #tpu.memory_space<hbm>>
    tpu.enqueue_indirect_dma source(%dma_start3A_511 : memref<8192x128xf32, #tpu.memory_space<hbm>>) target(%arg7 : memref<128x128xf32, #tpu.memory_space<vmem>>) offsets(%arg5 : memref<128xi32, #tpu.memory_space<vmem>>) semaphore(%arg9 : memref<!tpu.dma_semaphore, #tpu.memory_space<semaphore_mem>>)
    %dma_wait3A_512 = arith.constant 0 : i32
    %dma_wait3A_513 = arith.constant 0 : i32
    %dma_wait3A_514 = tpu.memref_slice %arg2[%dma_wait3A_512, %dma_wait3A_513] : memref<8192x128xf32, #tpu.memory_space<hbm>> -> memref<8192x128xf32, #tpu.memory_space<hbm>>
    tpu.wait_indirect_dma semaphore(%arg10 : memref<!tpu.dma_semaphore, #tpu.memory_space<semaphore_mem>>) src(%dma_wait3A_514 : memref<8192x128xf32, #tpu.memory_space<hbm>>) dst(%arg8 : memref<128x128xf32, #tpu.memory_space<vmem>>)
    %add3A_515 = arith.constant 3200 : i32
    %add3A_516 = arith.addi %mul3A_2, %add3A_515 : i32
    %multiple_of3A_517 = tpu.assume_multiple %add3A_516, 128 : i32
    %dma_start3A_518 = arith.constant 0 : i32
    %dma_start3A_519 = tpu.memref_slice %arg4[%multiple_of3A_517, %dma_start3A_518] : memref<131072x128xf32, #tpu.memory_space<hbm>> -> memref<128x128xf32, #tpu.memory_space<hbm>>
    %dma_start3A_520 = arith.constant 0 : i32
    %dma_start3A_521 = tpu.memref_slice %arg4[%multiple_of3A_517, %dma_start3A_520] : memref<131072x128xf32, #tpu.memory_space<hbm>> -> memref<128x128xf32, #tpu.memory_space<hbm>>
    tpu.enqueue_dma source(%arg8 : memref<128x128xf32, #tpu.memory_space<vmem>>) target(%dma_start3A_521 : memref<128x128xf32, #tpu.memory_space<hbm>>) target_semaphore(%arg12 : memref<!tpu.dma_semaphore, #tpu.memory_space<semaphore_mem>>)
    %dma_wait3A_522 = arith.constant 0 : i32
    %dma_wait3A_523 = tpu.memref_slice %arg4[%multiple_of3A_517, %dma_wait3A_522] : memref<131072x128xf32, #tpu.memory_space<hbm>> -> memref<128x128xf32, #tpu.memory_space<hbm>>
    %dma_wait3A_524 = arith.constant 0 : i32
    %dma_wait3A_525 = tpu.memref_slice %arg4[%multiple_of3A_517, %dma_wait3A_524] : memref<131072x128xf32, #tpu.memory_space<hbm>> -> memref<128x128xf32, #tpu.memory_space<hbm>>
    tpu.wait_dma2 semaphore(%arg12 : memref<!tpu.dma_semaphore, #tpu.memory_space<semaphore_mem>>) src(%arg8 : memref<128x128xf32, #tpu.memory_space<vmem>>) dst(%dma_wait3A_525 : memref<128x128xf32, #tpu.memory_space<hbm>>)
    %add3A_526 = arith.constant 3456 : i32
    %add3A_527 = arith.addi %mul3A_2, %add3A_526 : i32
    %multiple_of3A_528 = tpu.assume_multiple %add3A_527, 128 : i32
    "tpu.region"() ({
      %run_scoped3A = tpu.sem_alloc : memref<!tpu.dma_semaphore, #tpu.memory_space<semaphore_mem>>
      %dma_start3A_640 = tpu.memref_slice %arg3[%multiple_of3A_528] : memref<131072xi32, #tpu.memory_space<hbm>> -> memref<128xi32, #tpu.memory_space<hbm>>
      %dma_start3A_641 = tpu.memref_slice %arg3[%multiple_of3A_528] : memref<131072xi32, #tpu.memory_space<hbm>> -> memref<128xi32, #tpu.memory_space<hbm>>
      tpu.enqueue_dma source(%dma_start3A_641 : memref<128xi32, #tpu.memory_space<hbm>>) target(%arg6 : memref<128xi32, #tpu.memory_space<vmem>>) target_semaphore(%run_scoped3A : memref<!tpu.dma_semaphore, #tpu.memory_space<semaphore_mem>>)
      %dma_wait3A_642 = tpu.memref_slice %arg3[%multiple_of3A_528] : memref<131072xi32, #tpu.memory_space<hbm>> -> memref<128xi32, #tpu.memory_space<hbm>>
      %dma_wait3A_643 = tpu.memref_slice %arg3[%multiple_of3A_528] : memref<131072xi32, #tpu.memory_space<hbm>> -> memref<128xi32, #tpu.memory_space<hbm>>
      tpu.wait_dma2 semaphore(%run_scoped3A : memref<!tpu.dma_semaphore, #tpu.memory_space<semaphore_mem>>) src(%dma_wait3A_643 : memref<128xi32, #tpu.memory_space<hbm>>) dst(%arg6 : memref<128xi32, #tpu.memory_space<vmem>>)
      tpu.yield
    }) : () -> ()
    %dma_start3A_529 = arith.constant 0 : i32
    %dma_start3A_530 = arith.constant 0 : i32
    %dma_start3A_531 = tpu.memref_slice %arg2[%dma_start3A_529, %dma_start3A_530] : memref<8192x128xf32, #tpu.memory_space<hbm>> -> memref<8192x128xf32, #tpu.memory_space<hbm>>
    tpu.enqueue_indirect_dma source(%dma_start3A_531 : memref<8192x128xf32, #tpu.memory_space<hbm>>) target(%arg8 : memref<128x128xf32, #tpu.memory_space<vmem>>) offsets(%arg6 : memref<128xi32, #tpu.memory_space<vmem>>) semaphore(%arg10 : memref<!tpu.dma_semaphore, #tpu.memory_space<semaphore_mem>>)
    %dma_wait3A_532 = arith.constant 0 : i32
    %dma_wait3A_533 = arith.constant 0 : i32
    %dma_wait3A_534 = tpu.memref_slice %arg2[%dma_wait3A_532, %dma_wait3A_533] : memref<8192x128xf32, #tpu.memory_space<hbm>> -> memref<8192x128xf32, #tpu.memory_space<hbm>>
    tpu.wait_indirect_dma semaphore(%arg9 : memref<!tpu.dma_semaphore, #tpu.memory_space<semaphore_mem>>) src(%dma_wait3A_534 : memref<8192x128xf32, #tpu.memory_space<hbm>>) dst(%arg7 : memref<128x128xf32, #tpu.memory_space<vmem>>)
    %add3A_535 = arith.constant 3328 : i32
    %add3A_536 = arith.addi %mul3A_2, %add3A_535 : i32
    %multiple_of3A_537 = tpu.assume_multiple %add3A_536, 128 : i32
    %dma_start3A_538 = arith.constant 0 : i32
    %dma_start3A_539 = tpu.memref_slice %arg4[%multiple_of3A_537, %dma_start3A_538] : memref<131072x128xf32, #tpu.memory_space<hbm>> -> memref<128x128xf32, #tpu.memory_space<hbm>>
    %dma_start3A_540 = arith.constant 0 : i32
    %dma_start3A_541 = tpu.memref_slice %arg4[%multiple_of3A_537, %dma_start3A_540] : memref<131072x128xf32, #tpu.memory_space<hbm>> -> memref<128x128xf32, #tpu.memory_space<hbm>>
    tpu.enqueue_dma source(%arg7 : memref<128x128xf32, #tpu.memory_space<vmem>>) target(%dma_start3A_541 : memref<128x128xf32, #tpu.memory_space<hbm>>) target_semaphore(%arg11 : memref<!tpu.dma_semaphore, #tpu.memory_space<semaphore_mem>>)
    %dma_wait3A_542 = arith.constant 0 : i32
    %dma_wait3A_543 = tpu.memref_slice %arg4[%multiple_of3A_537, %dma_wait3A_542] : memref<131072x128xf32, #tpu.memory_space<hbm>> -> memref<128x128xf32, #tpu.memory_space<hbm>>
    %dma_wait3A_544 = arith.constant 0 : i32
    %dma_wait3A_545 = tpu.memref_slice %arg4[%multiple_of3A_537, %dma_wait3A_544] : memref<131072x128xf32, #tpu.memory_space<hbm>> -> memref<128x128xf32, #tpu.memory_space<hbm>>
    tpu.wait_dma2 semaphore(%arg11 : memref<!tpu.dma_semaphore, #tpu.memory_space<semaphore_mem>>) src(%arg7 : memref<128x128xf32, #tpu.memory_space<vmem>>) dst(%dma_wait3A_545 : memref<128x128xf32, #tpu.memory_space<hbm>>)
    %add3A_546 = arith.constant 3584 : i32
    %add3A_547 = arith.addi %mul3A_2, %add3A_546 : i32
    %multiple_of3A_548 = tpu.assume_multiple %add3A_547, 128 : i32
    "tpu.region"() ({
      %run_scoped3A = tpu.sem_alloc : memref<!tpu.dma_semaphore, #tpu.memory_space<semaphore_mem>>
      %dma_start3A_640 = tpu.memref_slice %arg3[%multiple_of3A_548] : memref<131072xi32, #tpu.memory_space<hbm>> -> memref<128xi32, #tpu.memory_space<hbm>>
      %dma_start3A_641 = tpu.memref_slice %arg3[%multiple_of3A_548] : memref<131072xi32, #tpu.memory_space<hbm>> -> memref<128xi32, #tpu.memory_space<hbm>>
      tpu.enqueue_dma source(%dma_start3A_641 : memref<128xi32, #tpu.memory_space<hbm>>) target(%arg5 : memref<128xi32, #tpu.memory_space<vmem>>) target_semaphore(%run_scoped3A : memref<!tpu.dma_semaphore, #tpu.memory_space<semaphore_mem>>)
      %dma_wait3A_642 = tpu.memref_slice %arg3[%multiple_of3A_548] : memref<131072xi32, #tpu.memory_space<hbm>> -> memref<128xi32, #tpu.memory_space<hbm>>
      %dma_wait3A_643 = tpu.memref_slice %arg3[%multiple_of3A_548] : memref<131072xi32, #tpu.memory_space<hbm>> -> memref<128xi32, #tpu.memory_space<hbm>>
      tpu.wait_dma2 semaphore(%run_scoped3A : memref<!tpu.dma_semaphore, #tpu.memory_space<semaphore_mem>>) src(%dma_wait3A_643 : memref<128xi32, #tpu.memory_space<hbm>>) dst(%arg5 : memref<128xi32, #tpu.memory_space<vmem>>)
      tpu.yield
    }) : () -> ()
    %dma_start3A_549 = arith.constant 0 : i32
    %dma_start3A_550 = arith.constant 0 : i32
    %dma_start3A_551 = tpu.memref_slice %arg2[%dma_start3A_549, %dma_start3A_550] : memref<8192x128xf32, #tpu.memory_space<hbm>> -> memref<8192x128xf32, #tpu.memory_space<hbm>>
    tpu.enqueue_indirect_dma source(%dma_start3A_551 : memref<8192x128xf32, #tpu.memory_space<hbm>>) target(%arg7 : memref<128x128xf32, #tpu.memory_space<vmem>>) offsets(%arg5 : memref<128xi32, #tpu.memory_space<vmem>>) semaphore(%arg9 : memref<!tpu.dma_semaphore, #tpu.memory_space<semaphore_mem>>)
    %dma_wait3A_552 = arith.constant 0 : i32
    %dma_wait3A_553 = arith.constant 0 : i32
    %dma_wait3A_554 = tpu.memref_slice %arg2[%dma_wait3A_552, %dma_wait3A_553] : memref<8192x128xf32, #tpu.memory_space<hbm>> -> memref<8192x128xf32, #tpu.memory_space<hbm>>
    tpu.wait_indirect_dma semaphore(%arg10 : memref<!tpu.dma_semaphore, #tpu.memory_space<semaphore_mem>>) src(%dma_wait3A_554 : memref<8192x128xf32, #tpu.memory_space<hbm>>) dst(%arg8 : memref<128x128xf32, #tpu.memory_space<vmem>>)
    %add3A_555 = arith.constant 3456 : i32
    %add3A_556 = arith.addi %mul3A_2, %add3A_555 : i32
    %multiple_of3A_557 = tpu.assume_multiple %add3A_556, 128 : i32
    %dma_start3A_558 = arith.constant 0 : i32
    %dma_start3A_559 = tpu.memref_slice %arg4[%multiple_of3A_557, %dma_start3A_558] : memref<131072x128xf32, #tpu.memory_space<hbm>> -> memref<128x128xf32, #tpu.memory_space<hbm>>
    %dma_start3A_560 = arith.constant 0 : i32
    %dma_start3A_561 = tpu.memref_slice %arg4[%multiple_of3A_557, %dma_start3A_560] : memref<131072x128xf32, #tpu.memory_space<hbm>> -> memref<128x128xf32, #tpu.memory_space<hbm>>
    tpu.enqueue_dma source(%arg8 : memref<128x128xf32, #tpu.memory_space<vmem>>) target(%dma_start3A_561 : memref<128x128xf32, #tpu.memory_space<hbm>>) target_semaphore(%arg12 : memref<!tpu.dma_semaphore, #tpu.memory_space<semaphore_mem>>)
    %dma_wait3A_562 = arith.constant 0 : i32
    %dma_wait3A_563 = tpu.memref_slice %arg4[%multiple_of3A_557, %dma_wait3A_562] : memref<131072x128xf32, #tpu.memory_space<hbm>> -> memref<128x128xf32, #tpu.memory_space<hbm>>
    %dma_wait3A_564 = arith.constant 0 : i32
    %dma_wait3A_565 = tpu.memref_slice %arg4[%multiple_of3A_557, %dma_wait3A_564] : memref<131072x128xf32, #tpu.memory_space<hbm>> -> memref<128x128xf32, #tpu.memory_space<hbm>>
    tpu.wait_dma2 semaphore(%arg12 : memref<!tpu.dma_semaphore, #tpu.memory_space<semaphore_mem>>) src(%arg8 : memref<128x128xf32, #tpu.memory_space<vmem>>) dst(%dma_wait3A_565 : memref<128x128xf32, #tpu.memory_space<hbm>>)
    %add3A_566 = arith.constant 3712 : i32
    %add3A_567 = arith.addi %mul3A_2, %add3A_566 : i32
    %multiple_of3A_568 = tpu.assume_multiple %add3A_567, 128 : i32
    "tpu.region"() ({
      %run_scoped3A = tpu.sem_alloc : memref<!tpu.dma_semaphore, #tpu.memory_space<semaphore_mem>>
      %dma_start3A_640 = tpu.memref_slice %arg3[%multiple_of3A_568] : memref<131072xi32, #tpu.memory_space<hbm>> -> memref<128xi32, #tpu.memory_space<hbm>>
      %dma_start3A_641 = tpu.memref_slice %arg3[%multiple_of3A_568] : memref<131072xi32, #tpu.memory_space<hbm>> -> memref<128xi32, #tpu.memory_space<hbm>>
      tpu.enqueue_dma source(%dma_start3A_641 : memref<128xi32, #tpu.memory_space<hbm>>) target(%arg6 : memref<128xi32, #tpu.memory_space<vmem>>) target_semaphore(%run_scoped3A : memref<!tpu.dma_semaphore, #tpu.memory_space<semaphore_mem>>)
      %dma_wait3A_642 = tpu.memref_slice %arg3[%multiple_of3A_568] : memref<131072xi32, #tpu.memory_space<hbm>> -> memref<128xi32, #tpu.memory_space<hbm>>
      %dma_wait3A_643 = tpu.memref_slice %arg3[%multiple_of3A_568] : memref<131072xi32, #tpu.memory_space<hbm>> -> memref<128xi32, #tpu.memory_space<hbm>>
      tpu.wait_dma2 semaphore(%run_scoped3A : memref<!tpu.dma_semaphore, #tpu.memory_space<semaphore_mem>>) src(%dma_wait3A_643 : memref<128xi32, #tpu.memory_space<hbm>>) dst(%arg6 : memref<128xi32, #tpu.memory_space<vmem>>)
      tpu.yield
    }) : () -> ()
    %dma_start3A_569 = arith.constant 0 : i32
    %dma_start3A_570 = arith.constant 0 : i32
    %dma_start3A_571 = tpu.memref_slice %arg2[%dma_start3A_569, %dma_start3A_570] : memref<8192x128xf32, #tpu.memory_space<hbm>> -> memref<8192x128xf32, #tpu.memory_space<hbm>>
    tpu.enqueue_indirect_dma source(%dma_start3A_571 : memref<8192x128xf32, #tpu.memory_space<hbm>>) target(%arg8 : memref<128x128xf32, #tpu.memory_space<vmem>>) offsets(%arg6 : memref<128xi32, #tpu.memory_space<vmem>>) semaphore(%arg10 : memref<!tpu.dma_semaphore, #tpu.memory_space<semaphore_mem>>)
    %dma_wait3A_572 = arith.constant 0 : i32
    %dma_wait3A_573 = arith.constant 0 : i32
    %dma_wait3A_574 = tpu.memref_slice %arg2[%dma_wait3A_572, %dma_wait3A_573] : memref<8192x128xf32, #tpu.memory_space<hbm>> -> memref<8192x128xf32, #tpu.memory_space<hbm>>
    tpu.wait_indirect_dma semaphore(%arg9 : memref<!tpu.dma_semaphore, #tpu.memory_space<semaphore_mem>>) src(%dma_wait3A_574 : memref<8192x128xf32, #tpu.memory_space<hbm>>) dst(%arg7 : memref<128x128xf32, #tpu.memory_space<vmem>>)
    %add3A_575 = arith.constant 3584 : i32
    %add3A_576 = arith.addi %mul3A_2, %add3A_575 : i32
    %multiple_of3A_577 = tpu.assume_multiple %add3A_576, 128 : i32
    %dma_start3A_578 = arith.constant 0 : i32
    %dma_start3A_579 = tpu.memref_slice %arg4[%multiple_of3A_577, %dma_start3A_578] : memref<131072x128xf32, #tpu.memory_space<hbm>> -> memref<128x128xf32, #tpu.memory_space<hbm>>
    %dma_start3A_580 = arith.constant 0 : i32
    %dma_start3A_581 = tpu.memref_slice %arg4[%multiple_of3A_577, %dma_start3A_580] : memref<131072x128xf32, #tpu.memory_space<hbm>> -> memref<128x128xf32, #tpu.memory_space<hbm>>
    tpu.enqueue_dma source(%arg7 : memref<128x128xf32, #tpu.memory_space<vmem>>) target(%dma_start3A_581 : memref<128x128xf32, #tpu.memory_space<hbm>>) target_semaphore(%arg11 : memref<!tpu.dma_semaphore, #tpu.memory_space<semaphore_mem>>)
    %dma_wait3A_582 = arith.constant 0 : i32
    %dma_wait3A_583 = tpu.memref_slice %arg4[%multiple_of3A_577, %dma_wait3A_582] : memref<131072x128xf32, #tpu.memory_space<hbm>> -> memref<128x128xf32, #tpu.memory_space<hbm>>
    %dma_wait3A_584 = arith.constant 0 : i32
    %dma_wait3A_585 = tpu.memref_slice %arg4[%multiple_of3A_577, %dma_wait3A_584] : memref<131072x128xf32, #tpu.memory_space<hbm>> -> memref<128x128xf32, #tpu.memory_space<hbm>>
    tpu.wait_dma2 semaphore(%arg11 : memref<!tpu.dma_semaphore, #tpu.memory_space<semaphore_mem>>) src(%arg7 : memref<128x128xf32, #tpu.memory_space<vmem>>) dst(%dma_wait3A_585 : memref<128x128xf32, #tpu.memory_space<hbm>>)
    %add3A_586 = arith.constant 3840 : i32
    %add3A_587 = arith.addi %mul3A_2, %add3A_586 : i32
    %multiple_of3A_588 = tpu.assume_multiple %add3A_587, 128 : i32
    "tpu.region"() ({
      %run_scoped3A = tpu.sem_alloc : memref<!tpu.dma_semaphore, #tpu.memory_space<semaphore_mem>>
      %dma_start3A_640 = tpu.memref_slice %arg3[%multiple_of3A_588] : memref<131072xi32, #tpu.memory_space<hbm>> -> memref<128xi32, #tpu.memory_space<hbm>>
      %dma_start3A_641 = tpu.memref_slice %arg3[%multiple_of3A_588] : memref<131072xi32, #tpu.memory_space<hbm>> -> memref<128xi32, #tpu.memory_space<hbm>>
      tpu.enqueue_dma source(%dma_start3A_641 : memref<128xi32, #tpu.memory_space<hbm>>) target(%arg5 : memref<128xi32, #tpu.memory_space<vmem>>) target_semaphore(%run_scoped3A : memref<!tpu.dma_semaphore, #tpu.memory_space<semaphore_mem>>)
      %dma_wait3A_642 = tpu.memref_slice %arg3[%multiple_of3A_588] : memref<131072xi32, #tpu.memory_space<hbm>> -> memref<128xi32, #tpu.memory_space<hbm>>
      %dma_wait3A_643 = tpu.memref_slice %arg3[%multiple_of3A_588] : memref<131072xi32, #tpu.memory_space<hbm>> -> memref<128xi32, #tpu.memory_space<hbm>>
      tpu.wait_dma2 semaphore(%run_scoped3A : memref<!tpu.dma_semaphore, #tpu.memory_space<semaphore_mem>>) src(%dma_wait3A_643 : memref<128xi32, #tpu.memory_space<hbm>>) dst(%arg5 : memref<128xi32, #tpu.memory_space<vmem>>)
      tpu.yield
    }) : () -> ()
    %dma_start3A_589 = arith.constant 0 : i32
    %dma_start3A_590 = arith.constant 0 : i32
    %dma_start3A_591 = tpu.memref_slice %arg2[%dma_start3A_589, %dma_start3A_590] : memref<8192x128xf32, #tpu.memory_space<hbm>> -> memref<8192x128xf32, #tpu.memory_space<hbm>>
    tpu.enqueue_indirect_dma source(%dma_start3A_591 : memref<8192x128xf32, #tpu.memory_space<hbm>>) target(%arg7 : memref<128x128xf32, #tpu.memory_space<vmem>>) offsets(%arg5 : memref<128xi32, #tpu.memory_space<vmem>>) semaphore(%arg9 : memref<!tpu.dma_semaphore, #tpu.memory_space<semaphore_mem>>)
    %dma_wait3A_592 = arith.constant 0 : i32
    %dma_wait3A_593 = arith.constant 0 : i32
    %dma_wait3A_594 = tpu.memref_slice %arg2[%dma_wait3A_592, %dma_wait3A_593] : memref<8192x128xf32, #tpu.memory_space<hbm>> -> memref<8192x128xf32, #tpu.memory_space<hbm>>
    tpu.wait_indirect_dma semaphore(%arg10 : memref<!tpu.dma_semaphore, #tpu.memory_space<semaphore_mem>>) src(%dma_wait3A_594 : memref<8192x128xf32, #tpu.memory_space<hbm>>) dst(%arg8 : memref<128x128xf32, #tpu.memory_space<vmem>>)
    %add3A_595 = arith.constant 3712 : i32
    %add3A_596 = arith.addi %mul3A_2, %add3A_595 : i32
    %multiple_of3A_597 = tpu.assume_multiple %add3A_596, 128 : i32
    %dma_start3A_598 = arith.constant 0 : i32
    %dma_start3A_599 = tpu.memref_slice %arg4[%multiple_of3A_597, %dma_start3A_598] : memref<131072x128xf32, #tpu.memory_space<hbm>> -> memref<128x128xf32, #tpu.memory_space<hbm>>
    %dma_start3A_600 = arith.constant 0 : i32
    %dma_start3A_601 = tpu.memref_slice %arg4[%multiple_of3A_597, %dma_start3A_600] : memref<131072x128xf32, #tpu.memory_space<hbm>> -> memref<128x128xf32, #tpu.memory_space<hbm>>
    tpu.enqueue_dma source(%arg8 : memref<128x128xf32, #tpu.memory_space<vmem>>) target(%dma_start3A_601 : memref<128x128xf32, #tpu.memory_space<hbm>>) target_semaphore(%arg12 : memref<!tpu.dma_semaphore, #tpu.memory_space<semaphore_mem>>)
    %dma_wait3A_602 = arith.constant 0 : i32
    %dma_wait3A_603 = tpu.memref_slice %arg4[%multiple_of3A_597, %dma_wait3A_602] : memref<131072x128xf32, #tpu.memory_space<hbm>> -> memref<128x128xf32, #tpu.memory_space<hbm>>
    %dma_wait3A_604 = arith.constant 0 : i32
    %dma_wait3A_605 = tpu.memref_slice %arg4[%multiple_of3A_597, %dma_wait3A_604] : memref<131072x128xf32, #tpu.memory_space<hbm>> -> memref<128x128xf32, #tpu.memory_space<hbm>>
    tpu.wait_dma2 semaphore(%arg12 : memref<!tpu.dma_semaphore, #tpu.memory_space<semaphore_mem>>) src(%arg8 : memref<128x128xf32, #tpu.memory_space<vmem>>) dst(%dma_wait3A_605 : memref<128x128xf32, #tpu.memory_space<hbm>>)
    %add3A_606 = arith.constant 3968 : i32
    %add3A_607 = arith.addi %mul3A_2, %add3A_606 : i32
    %multiple_of3A_608 = tpu.assume_multiple %add3A_607, 128 : i32
    "tpu.region"() ({
      %run_scoped3A = tpu.sem_alloc : memref<!tpu.dma_semaphore, #tpu.memory_space<semaphore_mem>>
      %dma_start3A_640 = tpu.memref_slice %arg3[%multiple_of3A_608] : memref<131072xi32, #tpu.memory_space<hbm>> -> memref<128xi32, #tpu.memory_space<hbm>>
      %dma_start3A_641 = tpu.memref_slice %arg3[%multiple_of3A_608] : memref<131072xi32, #tpu.memory_space<hbm>> -> memref<128xi32, #tpu.memory_space<hbm>>
      tpu.enqueue_dma source(%dma_start3A_641 : memref<128xi32, #tpu.memory_space<hbm>>) target(%arg6 : memref<128xi32, #tpu.memory_space<vmem>>) target_semaphore(%run_scoped3A : memref<!tpu.dma_semaphore, #tpu.memory_space<semaphore_mem>>)
      %dma_wait3A_642 = tpu.memref_slice %arg3[%multiple_of3A_608] : memref<131072xi32, #tpu.memory_space<hbm>> -> memref<128xi32, #tpu.memory_space<hbm>>
      %dma_wait3A_643 = tpu.memref_slice %arg3[%multiple_of3A_608] : memref<131072xi32, #tpu.memory_space<hbm>> -> memref<128xi32, #tpu.memory_space<hbm>>
      tpu.wait_dma2 semaphore(%run_scoped3A : memref<!tpu.dma_semaphore, #tpu.memory_space<semaphore_mem>>) src(%dma_wait3A_643 : memref<128xi32, #tpu.memory_space<hbm>>) dst(%arg6 : memref<128xi32, #tpu.memory_space<vmem>>)
      tpu.yield
    }) : () -> ()
    %dma_start3A_609 = arith.constant 0 : i32
    %dma_start3A_610 = arith.constant 0 : i32
    %dma_start3A_611 = tpu.memref_slice %arg2[%dma_start3A_609, %dma_start3A_610] : memref<8192x128xf32, #tpu.memory_space<hbm>> -> memref<8192x128xf32, #tpu.memory_space<hbm>>
    tpu.enqueue_indirect_dma source(%dma_start3A_611 : memref<8192x128xf32, #tpu.memory_space<hbm>>) target(%arg8 : memref<128x128xf32, #tpu.memory_space<vmem>>) offsets(%arg6 : memref<128xi32, #tpu.memory_space<vmem>>) semaphore(%arg10 : memref<!tpu.dma_semaphore, #tpu.memory_space<semaphore_mem>>)
    %dma_wait3A_612 = arith.constant 0 : i32
    %dma_wait3A_613 = arith.constant 0 : i32
    %dma_wait3A_614 = tpu.memref_slice %arg2[%dma_wait3A_612, %dma_wait3A_613] : memref<8192x128xf32, #tpu.memory_space<hbm>> -> memref<8192x128xf32, #tpu.memory_space<hbm>>
    tpu.wait_indirect_dma semaphore(%arg9 : memref<!tpu.dma_semaphore, #tpu.memory_space<semaphore_mem>>) src(%dma_wait3A_614 : memref<8192x128xf32, #tpu.memory_space<hbm>>) dst(%arg7 : memref<128x128xf32, #tpu.memory_space<vmem>>)
    %add3A_615 = arith.constant 3840 : i32
    %add3A_616 = arith.addi %mul3A_2, %add3A_615 : i32
    %multiple_of3A_617 = tpu.assume_multiple %add3A_616, 128 : i32
    %dma_start3A_618 = arith.constant 0 : i32
    %dma_start3A_619 = tpu.memref_slice %arg4[%multiple_of3A_617, %dma_start3A_618] : memref<131072x128xf32, #tpu.memory_space<hbm>> -> memref<128x128xf32, #tpu.memory_space<hbm>>
    %dma_start3A_620 = arith.constant 0 : i32
    %dma_start3A_621 = tpu.memref_slice %arg4[%multiple_of3A_617, %dma_start3A_620] : memref<131072x128xf32, #tpu.memory_space<hbm>> -> memref<128x128xf32, #tpu.memory_space<hbm>>
    tpu.enqueue_dma source(%arg7 : memref<128x128xf32, #tpu.memory_space<vmem>>) target(%dma_start3A_621 : memref<128x128xf32, #tpu.memory_space<hbm>>) target_semaphore(%arg11 : memref<!tpu.dma_semaphore, #tpu.memory_space<semaphore_mem>>)
    %dma_wait3A_622 = arith.constant 0 : i32
    %dma_wait3A_623 = arith.constant 0 : i32
    %dma_wait3A_624 = tpu.memref_slice %arg2[%dma_wait3A_622, %dma_wait3A_623] : memref<8192x128xf32, #tpu.memory_space<hbm>> -> memref<8192x128xf32, #tpu.memory_space<hbm>>
    tpu.wait_indirect_dma semaphore(%arg10 : memref<!tpu.dma_semaphore, #tpu.memory_space<semaphore_mem>>) src(%dma_wait3A_624 : memref<8192x128xf32, #tpu.memory_space<hbm>>) dst(%arg8 : memref<128x128xf32, #tpu.memory_space<vmem>>)
    %add3A_625 = arith.constant 3968 : i32
    %add3A_626 = arith.addi %mul3A_2, %add3A_625 : i32
    %multiple_of3A_627 = tpu.assume_multiple %add3A_626, 128 : i32
    %dma_start3A_628 = arith.constant 0 : i32
    %dma_start3A_629 = tpu.memref_slice %arg4[%multiple_of3A_627, %dma_start3A_628] : memref<131072x128xf32, #tpu.memory_space<hbm>> -> memref<128x128xf32, #tpu.memory_space<hbm>>
    %dma_start3A_630 = arith.constant 0 : i32
    %dma_start3A_631 = tpu.memref_slice %arg4[%multiple_of3A_627, %dma_start3A_630] : memref<131072x128xf32, #tpu.memory_space<hbm>> -> memref<128x128xf32, #tpu.memory_space<hbm>>
    tpu.enqueue_dma source(%arg8 : memref<128x128xf32, #tpu.memory_space<vmem>>) target(%dma_start3A_631 : memref<128x128xf32, #tpu.memory_space<hbm>>) target_semaphore(%arg12 : memref<!tpu.dma_semaphore, #tpu.memory_space<semaphore_mem>>)
    %dma_wait3A_632 = arith.constant 0 : i32
    %dma_wait3A_633 = tpu.memref_slice %arg4[%multiple_of3A_617, %dma_wait3A_632] : memref<131072x128xf32, #tpu.memory_space<hbm>> -> memref<128x128xf32, #tpu.memory_space<hbm>>
    %dma_wait3A_634 = arith.constant 0 : i32
    %dma_wait3A_635 = tpu.memref_slice %arg4[%multiple_of3A_617, %dma_wait3A_634] : memref<131072x128xf32, #tpu.memory_space<hbm>> -> memref<128x128xf32, #tpu.memory_space<hbm>>
    tpu.wait_dma2 semaphore(%arg11 : memref<!tpu.dma_semaphore, #tpu.memory_space<semaphore_mem>>) src(%arg7 : memref<128x128xf32, #tpu.memory_space<vmem>>) dst(%dma_wait3A_635 : memref<128x128xf32, #tpu.memory_space<hbm>>)
    %dma_wait3A_636 = arith.constant 0 : i32
    %dma_wait3A_637 = tpu.memref_slice %arg4[%multiple_of3A_627, %dma_wait3A_636] : memref<131072x128xf32, #tpu.memory_space<hbm>> -> memref<128x128xf32, #tpu.memory_space<hbm>>
    %dma_wait3A_638 = arith.constant 0 : i32
    %dma_wait3A_639 = tpu.memref_slice %arg4[%multiple_of3A_627, %dma_wait3A_638] : memref<131072x128xf32, #tpu.memory_space<hbm>> -> memref<128x128xf32, #tpu.memory_space<hbm>>
    tpu.wait_dma2 semaphore(%arg12 : memref<!tpu.dma_semaphore, #tpu.memory_space<semaphore_mem>>) src(%arg8 : memref<128x128xf32, #tpu.memory_space<vmem>>) dst(%dma_wait3A_639 : memref<128x128xf32, #tpu.memory_space<hbm>>)
    return
  }
}

module attributes {stable_mosaic.version = 14 : i64} {
  func.func @_norms_body(%arg0: i32, %arg1: memref<1x3x2048xf32, #tpu.memory_space<vmem>>, %arg2: memref<1x1x2048xf32, #tpu.memory_space<vmem>>) attributes {dimension_semantics = [#tpu.dimension_semantics<arbitrary>], iteration_bounds = array<i64: 4>, scalar_prefetch = 0 : i64, scratch_operands = 0 : i64, tpu.core_type = #tpu.core_type<tc>, window_params = [{transform_indices = @transform_0, window_bounds = array<i64: 1, 3, 2048>}, {transform_indices = @transform_1, window_bounds = array<i64: 1, 1, 2048>}]} {
    %get3A = arith.constant 0 : index
    %get3A_0 = arith.constant 0 : index
    %get3A_1 = arith.constant 0 : index
    %get3A_2 = vector.load %arg1[%get3A, %get3A_0, %get3A_1] : memref<1x3x2048xf32, #tpu.memory_space<vmem>>, vector<1x1x2048xf32>
    %get3A_3 = vector.shape_cast %get3A_2 : vector<1x1x2048xf32> to vector<1x2048xf32>
    %get3A_4 = arith.constant 0 : index
    %get3A_5 = arith.constant 1 : index
    %get3A_6 = arith.constant 0 : index
    %get3A_7 = vector.load %arg1[%get3A_4, %get3A_5, %get3A_6] : memref<1x3x2048xf32, #tpu.memory_space<vmem>>, vector<1x1x2048xf32>
    %get3A_8 = vector.shape_cast %get3A_7 : vector<1x1x2048xf32> to vector<1x2048xf32>
    %get3A_9 = arith.constant 0 : index
    %get3A_10 = arith.constant 2 : index
    %get3A_11 = arith.constant 0 : index
    %get3A_12 = vector.load %arg1[%get3A_9, %get3A_10, %get3A_11] : memref<1x3x2048xf32, #tpu.memory_space<vmem>>, vector<1x1x2048xf32>
    %get3A_13 = vector.shape_cast %get3A_12 : vector<1x1x2048xf32> to vector<1x2048xf32>
    %mul3A = arith.mulf %get3A_3, %get3A_3 : vector<1x2048xf32>
    %mul3A_14 = arith.mulf %get3A_8, %get3A_8 : vector<1x2048xf32>
    %add3A = arith.addf %mul3A, %mul3A_14 : vector<1x2048xf32>
    %mul3A_15 = arith.mulf %get3A_13, %get3A_13 : vector<1x2048xf32>
    %add3A_16 = arith.addf %add3A, %mul3A_15 : vector<1x2048xf32>
    %swap3A = arith.constant 0 : index
    %swap3A_17 = arith.constant 0 : index
    %swap3A_18 = arith.constant 0 : index
    %swap3A_19 = vector.load %arg2[%swap3A, %swap3A_17, %swap3A_18] : memref<1x1x2048xf32, #tpu.memory_space<vmem>>, vector<1x1x2048xf32>
    %swap3A_20 = vector.shape_cast %swap3A_19 : vector<1x1x2048xf32> to vector<1x2048xf32>
    %swap3A_21 = vector.shape_cast %add3A_16 : vector<1x2048xf32> to vector<1x1x2048xf32>
    tpu.vector_store %arg2[%swap3A, %swap3A_17, %swap3A_18], %swap3A_21 {strides = array<i32>} : memref<1x1x2048xf32, #tpu.memory_space<vmem>>, vector<1x1x2048xf32>,
    return
  }
  func.func @transform_0(%arg0: i32) -> (i32, i32, i32) {
    %c0_i32 = arith.constant 0 : i32
    %c0_i32_0 = arith.constant 0 : i32
    %c0_i32_1 = arith.constant 0 : i32
    return %arg0, %c0_i32, %c0_i32_0 : i32, i32, i32
  }
  func.func @transform_1(%arg0: i32) -> (i32, i32, i32) {
    %c0_i32 = arith.constant 0 : i32
    %c0_i32_0 = arith.constant 0 : i32
    %c0_i32_1 = arith.constant 0 : i32
    return %arg0, %c0_i32, %c0_i32_0 : i32, i32, i32
  }
}

module attributes {stable_mosaic.version = 14 : i64} {
  func.func @_topk_body(%arg0: i32, %arg1: i32, %arg2: memref<1x256x8xf32, #tpu.memory_space<vmem>>, %arg3: memref<1x2048x8xf32, #tpu.memory_space<vmem>>, %arg4: memref<1x1x2048xf32, #tpu.memory_space<vmem>>, %arg5: memref<1x256x16xi32, #tpu.memory_space<vmem>>) attributes {dimension_semantics = [#tpu.dimension_semantics<arbitrary>, #tpu.dimension_semantics<arbitrary>], iteration_bounds = array<i64: 4, 8>, scalar_prefetch = 0 : i64, scratch_operands = 0 : i64, tpu.core_type = #tpu.core_type<tc>, window_params = [{transform_indices = @transform_0, window_bounds = array<i64: 1, 256, 8>}, {transform_indices = @transform_1, window_bounds = array<i64: 1, 2048, 8>}, {transform_indices = @transform_2, window_bounds = array<i64: 1, 1, 2048>}, {transform_indices = @transform_3, window_bounds = array<i64: 1, 256, 16>}]} {
    %get3A = arith.constant 0 : index
    %get3A_0 = arith.constant 0 : index
    %get3A_1 = arith.constant 0 : index
    %get3A_2 = vector.load %arg2[%get3A, %get3A_0, %get3A_1] : memref<1x256x8xf32, #tpu.memory_space<vmem>>, vector<1x256x8xf32>
    %get3A_3 = vector.shape_cast %get3A_2 : vector<1x256x8xf32> to vector<256x8xf32>
    %get3A_4 = arith.constant 0 : index
    %get3A_5 = arith.constant 0 : index
    %get3A_6 = arith.constant 0 : index
    %get3A_7 = vector.load %arg3[%get3A_4, %get3A_5, %get3A_6] : memref<1x2048x8xf32, #tpu.memory_space<vmem>>, vector<1x2048x8xf32>
    %get3A_8 = vector.shape_cast %get3A_7 : vector<1x2048x8xf32> to vector<2048x8xf32>
    %dot_general3A = arith.constant dense<0.000000e+00> : vector<256x2048xf32>
    %dot_general3A_9 = tpu.matmul %get3A_3, %get3A_8, %dot_general3A {dimension_numbers = #tpu.dot_dimension_numbers<[1], [1], [0], [0], [0, 0, 1, 0], [], []>, transpose_lhs_hint = false} : vector<256x8xf32>, vector<2048x8xf32>, vector<256x2048xf32> -> vector<256x2048xf32>
    %slice3A = vector.extract_strided_slice %get3A_3 {offsets = [0, 0], sizes = [256, 1], strides = [1, 1]} : vector<256x8xf32> to vector<256x1xf32>
    %slice3A_10 = vector.extract_strided_slice %get3A_3 {offsets = [0, 1], sizes = [256, 1], strides = [1, 1]} : vector<256x8xf32> to vector<256x1xf32>
    %slice3A_11 = vector.extract_strided_slice %get3A_3 {offsets = [0, 2], sizes = [256, 1], strides = [1, 1]} : vector<256x8xf32> to vector<256x1xf32>
    %mul3A = arith.mulf %slice3A, %slice3A : vector<256x1xf32>
    %mul3A_12 = arith.mulf %slice3A_10, %slice3A_10 : vector<256x1xf32>
    %add3A = arith.addf %mul3A, %mul3A_12 : vector<256x1xf32>
    %mul3A_13 = arith.mulf %slice3A_11, %slice3A_11 : vector<256x1xf32>
    %add3A_14 = arith.addf %add3A, %mul3A_13 : vector<256x1xf32>
    %get3A_15 = arith.constant 0 : index
    %get3A_16 = arith.constant 0 : index
    %get3A_17 = arith.constant 0 : index
    %get3A_18 = vector.load %arg4[%get3A_15, %get3A_16, %get3A_17] : memref<1x1x2048xf32, #tpu.memory_space<vmem>>, vector<1x1x2048xf32>
    %get3A_19 = vector.shape_cast %get3A_18 : vector<1x1x2048xf32> to vector<1x2048xf32>
    %mul3A_20 = arith.constant -2.000000e+00 : f32
    %mul3A_21 = vector.broadcast %mul3A_20 : f32 to vector<256x2048xf32>
    %mul3A_22 = arith.mulf %mul3A_21, %dot_general3A_9 : vector<256x2048xf32>
    %add3A_23 = vector.broadcast %add3A_14 : vector<256x1xf32> to vector<256x2048xf32>
    %add3A_24 = arith.addf %mul3A_22, %add3A_23 : vector<256x2048xf32>
    %add3A_25 = vector.broadcast %get3A_19 : vector<1x2048xf32> to vector<256x2048xf32>
    %add3A_26 = arith.addf %add3A_24, %add3A_25 : vector<256x2048xf32>
    %iota3A = tpu.iota {dimensions = array<i32: 1>} : vector<256x2048xi32>
    %reduce_min3A = arith.constant dense<0x7F800000> : vector<256xf32>
    %reduce_min3A_27 = vector.multi_reduction <minimumf>, %add3A_26, %reduce_min3A [1] : vector<256x2048xf32> to vector<256xf32>
    %broadcast_in_dim3A = vector.shape_cast %reduce_min3A_27 : vector<256xf32> to vector<256x1xf32>
    %eq3A = vector.broadcast %broadcast_in_dim3A : vector<256x1xf32> to vector<256x2048xf32>
    %eq3A_28 = arith.cmpf oeq, %add3A_26, %eq3A : vector<256x2048xf32>
    %jit3A = arith.constant 2048 : i32
    %broadcast_in_dim3A_29 = vector.broadcast %jit3A : i32 to vector<256x2048xi32>
    %select_n3A = arith.select %eq3A_28, %iota3A, %broadcast_in_dim3A_29 : vector<256x2048xi1>, vector<256x2048xi32>
    %reduce_min3A_30 = arith.constant dense<2147483647> : vector<256xi32>
    %reduce_min3A_31 = vector.multi_reduction <minsi>, %select_n3A, %reduce_min3A_30 [1] : vector<256x2048xi32> to vector<256xi32>
    %broadcast_in_dim3A_32 = vector.shape_cast %reduce_min3A_31 : vector<256xi32> to vector<256x1xi32>
    %eq3A_33 = vector.broadcast %broadcast_in_dim3A_32 : vector<256x1xi32> to vector<256x2048xi32>
    %eq3A_34 = arith.cmpi eq, %iota3A, %eq3A_33 : vector<256x2048xi32>
    %jit3A_35 = arith.constant 0x7F800000 : f32
    %broadcast_in_dim3A_36 = vector.broadcast %jit3A_35 : f32 to vector<256x2048xf32>
    %select_n3A_37 = arith.select %eq3A_34, %broadcast_in_dim3A_36, %add3A_26 : vector<256x2048xi1>, vector<256x2048xf32>
    %reduce_min3A_38 = arith.constant dense<0x7F800000> : vector<256xf32>
    %reduce_min3A_39 = vector.multi_reduction <minimumf>, %select_n3A_37, %reduce_min3A_38 [1] : vector<256x2048xf32> to vector<256xf32>
    %broadcast_in_dim3A_40 = vector.shape_cast %reduce_min3A_39 : vector<256xf32> to vector<256x1xf32>
    %eq3A_41 = vector.broadcast %broadcast_in_dim3A_40 : vector<256x1xf32> to vector<256x2048xf32>
    %eq3A_42 = arith.cmpf oeq, %select_n3A_37, %eq3A_41 : vector<256x2048xf32>
    %jit3A_43 = arith.constant 2048 : i32
    %broadcast_in_dim3A_44 = vector.broadcast %jit3A_43 : i32 to vector<256x2048xi32>
    %select_n3A_45 = arith.select %eq3A_42, %iota3A, %broadcast_in_dim3A_44 : vector<256x2048xi1>, vector<256x2048xi32>
    %reduce_min3A_46 = arith.constant dense<2147483647> : vector<256xi32>
    %reduce_min3A_47 = vector.multi_reduction <minsi>, %select_n3A_45, %reduce_min3A_46 [1] : vector<256x2048xi32> to vector<256xi32>
    %broadcast_in_dim3A_48 = vector.shape_cast %reduce_min3A_47 : vector<256xi32> to vector<256x1xi32>
    %eq3A_49 = vector.broadcast %broadcast_in_dim3A_48 : vector<256x1xi32> to vector<256x2048xi32>
    %eq3A_50 = arith.cmpi eq, %iota3A, %eq3A_49 : vector<256x2048xi32>
    %jit3A_51 = arith.constant 0x7F800000 : f32
    %broadcast_in_dim3A_52 = vector.broadcast %jit3A_51 : f32 to vector<256x2048xf32>
    %select_n3A_53 = arith.select %eq3A_50, %broadcast_in_dim3A_52, %select_n3A_37 : vector<256x2048xi1>, vector<256x2048xf32>
    %reduce_min3A_54 = arith.constant dense<0x7F800000> : vector<256xf32>
    %reduce_min3A_55 = vector.multi_reduction <minimumf>, %select_n3A_53, %reduce_min3A_54 [1] : vector<256x2048xf32> to vector<256xf32>
    %broadcast_in_dim3A_56 = vector.shape_cast %reduce_min3A_55 : vector<256xf32> to vector<256x1xf32>
    %eq3A_57 = vector.broadcast %broadcast_in_dim3A_56 : vector<256x1xf32> to vector<256x2048xf32>
    %eq3A_58 = arith.cmpf oeq, %select_n3A_53, %eq3A_57 : vector<256x2048xf32>
    %jit3A_59 = arith.constant 2048 : i32
    %broadcast_in_dim3A_60 = vector.broadcast %jit3A_59 : i32 to vector<256x2048xi32>
    %select_n3A_61 = arith.select %eq3A_58, %iota3A, %broadcast_in_dim3A_60 : vector<256x2048xi1>, vector<256x2048xi32>
    %reduce_min3A_62 = arith.constant dense<2147483647> : vector<256xi32>
    %reduce_min3A_63 = vector.multi_reduction <minsi>, %select_n3A_61, %reduce_min3A_62 [1] : vector<256x2048xi32> to vector<256xi32>
    %broadcast_in_dim3A_64 = vector.shape_cast %reduce_min3A_63 : vector<256xi32> to vector<256x1xi32>
    %eq3A_65 = vector.broadcast %broadcast_in_dim3A_64 : vector<256x1xi32> to vector<256x2048xi32>
    %eq3A_66 = arith.cmpi eq, %iota3A, %eq3A_65 : vector<256x2048xi32>
    %jit3A_67 = arith.constant 0x7F800000 : f32
    %broadcast_in_dim3A_68 = vector.broadcast %jit3A_67 : f32 to vector<256x2048xf32>
    %select_n3A_69 = arith.select %eq3A_66, %broadcast_in_dim3A_68, %select_n3A_53 : vector<256x2048xi1>, vector<256x2048xf32>
    %reduce_min3A_70 = arith.constant dense<0x7F800000> : vector<256xf32>
    %reduce_min3A_71 = vector.multi_reduction <minimumf>, %select_n3A_69, %reduce_min3A_70 [1] : vector<256x2048xf32> to vector<256xf32>
    %broadcast_in_dim3A_72 = vector.shape_cast %reduce_min3A_71 : vector<256xf32> to vector<256x1xf32>
    %eq3A_73 = vector.broadcast %broadcast_in_dim3A_72 : vector<256x1xf32> to vector<256x2048xf32>
    %eq3A_74 = arith.cmpf oeq, %select_n3A_69, %eq3A_73 : vector<256x2048xf32>
    %jit3A_75 = arith.constant 2048 : i32
    %broadcast_in_dim3A_76 = vector.broadcast %jit3A_75 : i32 to vector<256x2048xi32>
    %select_n3A_77 = arith.select %eq3A_74, %iota3A, %broadcast_in_dim3A_76 : vector<256x2048xi1>, vector<256x2048xi32>
    %reduce_min3A_78 = arith.constant dense<2147483647> : vector<256xi32>
    %reduce_min3A_79 = vector.multi_reduction <minsi>, %select_n3A_77, %reduce_min3A_78 [1] : vector<256x2048xi32> to vector<256xi32>
    %broadcast_in_dim3A_80 = vector.shape_cast %reduce_min3A_79 : vector<256xi32> to vector<256x1xi32>
    %eq3A_81 = vector.broadcast %broadcast_in_dim3A_80 : vector<256x1xi32> to vector<256x2048xi32>
    %eq3A_82 = arith.cmpi eq, %iota3A, %eq3A_81 : vector<256x2048xi32>
    %jit3A_83 = arith.constant 0x7F800000 : f32
    %broadcast_in_dim3A_84 = vector.broadcast %jit3A_83 : f32 to vector<256x2048xf32>
    %select_n3A_85 = arith.select %eq3A_82, %broadcast_in_dim3A_84, %select_n3A_69 : vector<256x2048xi1>, vector<256x2048xf32>
    %reduce_min3A_86 = arith.constant dense<0x7F800000> : vector<256xf32>
    %reduce_min3A_87 = vector.multi_reduction <minimumf>, %select_n3A_85, %reduce_min3A_86 [1] : vector<256x2048xf32> to vector<256xf32>
    %broadcast_in_dim3A_88 = vector.shape_cast %reduce_min3A_87 : vector<256xf32> to vector<256x1xf32>
    %eq3A_89 = vector.broadcast %broadcast_in_dim3A_88 : vector<256x1xf32> to vector<256x2048xf32>
    %eq3A_90 = arith.cmpf oeq, %select_n3A_85, %eq3A_89 : vector<256x2048xf32>
    %jit3A_91 = arith.constant 2048 : i32
    %broadcast_in_dim3A_92 = vector.broadcast %jit3A_91 : i32 to vector<256x2048xi32>
    %select_n3A_93 = arith.select %eq3A_90, %iota3A, %broadcast_in_dim3A_92 : vector<256x2048xi1>, vector<256x2048xi32>
    %reduce_min3A_94 = arith.constant dense<2147483647> : vector<256xi32>
    %reduce_min3A_95 = vector.multi_reduction <minsi>, %select_n3A_93, %reduce_min3A_94 [1] : vector<256x2048xi32> to vector<256xi32>
    %broadcast_in_dim3A_96 = vector.shape_cast %reduce_min3A_95 : vector<256xi32> to vector<256x1xi32>
    %eq3A_97 = vector.broadcast %broadcast_in_dim3A_96 : vector<256x1xi32> to vector<256x2048xi32>
    %eq3A_98 = arith.cmpi eq, %iota3A, %eq3A_97 : vector<256x2048xi32>
    %jit3A_99 = arith.constant 0x7F800000 : f32
    %broadcast_in_dim3A_100 = vector.broadcast %jit3A_99 : f32 to vector<256x2048xf32>
    %select_n3A_101 = arith.select %eq3A_98, %broadcast_in_dim3A_100, %select_n3A_85 : vector<256x2048xi1>, vector<256x2048xf32>
    %reduce_min3A_102 = arith.constant dense<0x7F800000> : vector<256xf32>
    %reduce_min3A_103 = vector.multi_reduction <minimumf>, %select_n3A_101, %reduce_min3A_102 [1] : vector<256x2048xf32> to vector<256xf32>
    %broadcast_in_dim3A_104 = vector.shape_cast %reduce_min3A_103 : vector<256xf32> to vector<256x1xf32>
    %eq3A_105 = vector.broadcast %broadcast_in_dim3A_104 : vector<256x1xf32> to vector<256x2048xf32>
    %eq3A_106 = arith.cmpf oeq, %select_n3A_101, %eq3A_105 : vector<256x2048xf32>
    %jit3A_107 = arith.constant 2048 : i32
    %broadcast_in_dim3A_108 = vector.broadcast %jit3A_107 : i32 to vector<256x2048xi32>
    %select_n3A_109 = arith.select %eq3A_106, %iota3A, %broadcast_in_dim3A_108 : vector<256x2048xi1>, vector<256x2048xi32>
    %reduce_min3A_110 = arith.constant dense<2147483647> : vector<256xi32>
    %reduce_min3A_111 = vector.multi_reduction <minsi>, %select_n3A_109, %reduce_min3A_110 [1] : vector<256x2048xi32> to vector<256xi32>
    %broadcast_in_dim3A_112 = vector.shape_cast %reduce_min3A_111 : vector<256xi32> to vector<256x1xi32>
    %eq3A_113 = vector.broadcast %broadcast_in_dim3A_112 : vector<256x1xi32> to vector<256x2048xi32>
    %eq3A_114 = arith.cmpi eq, %iota3A, %eq3A_113 : vector<256x2048xi32>
    %jit3A_115 = arith.constant 0x7F800000 : f32
    %broadcast_in_dim3A_116 = vector.broadcast %jit3A_115 : f32 to vector<256x2048xf32>
    %select_n3A_117 = arith.select %eq3A_114, %broadcast_in_dim3A_116, %select_n3A_101 : vector<256x2048xi1>, vector<256x2048xf32>
    %reduce_min3A_118 = arith.constant dense<0x7F800000> : vector<256xf32>
    %reduce_min3A_119 = vector.multi_reduction <minimumf>, %select_n3A_117, %reduce_min3A_118 [1] : vector<256x2048xf32> to vector<256xf32>
    %broadcast_in_dim3A_120 = vector.shape_cast %reduce_min3A_119 : vector<256xf32> to vector<256x1xf32>
    %eq3A_121 = vector.broadcast %broadcast_in_dim3A_120 : vector<256x1xf32> to vector<256x2048xf32>
    %eq3A_122 = arith.cmpf oeq, %select_n3A_117, %eq3A_121 : vector<256x2048xf32>
    %jit3A_123 = arith.constant 2048 : i32
    %broadcast_in_dim3A_124 = vector.broadcast %jit3A_123 : i32 to vector<256x2048xi32>
    %select_n3A_125 = arith.select %eq3A_122, %iota3A, %broadcast_in_dim3A_124 : vector<256x2048xi1>, vector<256x2048xi32>
    %reduce_min3A_126 = arith.constant dense<2147483647> : vector<256xi32>
    %reduce_min3A_127 = vector.multi_reduction <minsi>, %select_n3A_125, %reduce_min3A_126 [1] : vector<256x2048xi32> to vector<256xi32>
    %broadcast_in_dim3A_128 = vector.shape_cast %reduce_min3A_127 : vector<256xi32> to vector<256x1xi32>
    %eq3A_129 = vector.broadcast %broadcast_in_dim3A_128 : vector<256x1xi32> to vector<256x2048xi32>
    %eq3A_130 = arith.cmpi eq, %iota3A, %eq3A_129 : vector<256x2048xi32>
    %jit3A_131 = arith.constant 0x7F800000 : f32
    %broadcast_in_dim3A_132 = vector.broadcast %jit3A_131 : f32 to vector<256x2048xf32>
    %select_n3A_133 = arith.select %eq3A_130, %broadcast_in_dim3A_132, %select_n3A_117 : vector<256x2048xi1>, vector<256x2048xf32>
    %reduce_min3A_134 = arith.constant dense<0x7F800000> : vector<256xf32>
    %reduce_min3A_135 = vector.multi_reduction <minimumf>, %select_n3A_133, %reduce_min3A_134 [1] : vector<256x2048xf32> to vector<256xf32>
    %broadcast_in_dim3A_136 = vector.shape_cast %reduce_min3A_135 : vector<256xf32> to vector<256x1xf32>
    %eq3A_137 = vector.broadcast %broadcast_in_dim3A_136 : vector<256x1xf32> to vector<256x2048xf32>
    %eq3A_138 = arith.cmpf oeq, %select_n3A_133, %eq3A_137 : vector<256x2048xf32>
    %jit3A_139 = arith.constant 2048 : i32
    %broadcast_in_dim3A_140 = vector.broadcast %jit3A_139 : i32 to vector<256x2048xi32>
    %select_n3A_141 = arith.select %eq3A_138, %iota3A, %broadcast_in_dim3A_140 : vector<256x2048xi1>, vector<256x2048xi32>
    %reduce_min3A_142 = arith.constant dense<2147483647> : vector<256xi32>
    %reduce_min3A_143 = vector.multi_reduction <minsi>, %select_n3A_141, %reduce_min3A_142 [1] : vector<256x2048xi32> to vector<256xi32>
    %broadcast_in_dim3A_144 = vector.shape_cast %reduce_min3A_143 : vector<256xi32> to vector<256x1xi32>
    %eq3A_145 = vector.broadcast %broadcast_in_dim3A_144 : vector<256x1xi32> to vector<256x2048xi32>
    %eq3A_146 = arith.cmpi eq, %iota3A, %eq3A_145 : vector<256x2048xi32>
    %jit3A_147 = arith.constant 0x7F800000 : f32
    %broadcast_in_dim3A_148 = vector.broadcast %jit3A_147 : f32 to vector<256x2048xf32>
    %select_n3A_149 = arith.select %eq3A_146, %broadcast_in_dim3A_148, %select_n3A_133 : vector<256x2048xi1>, vector<256x2048xf32>
    %reduce_min3A_150 = arith.constant dense<0x7F800000> : vector<256xf32>
    %reduce_min3A_151 = vector.multi_reduction <minimumf>, %select_n3A_149, %reduce_min3A_150 [1] : vector<256x2048xf32> to vector<256xf32>
    %broadcast_in_dim3A_152 = vector.shape_cast %reduce_min3A_151 : vector<256xf32> to vector<256x1xf32>
    %eq3A_153 = vector.broadcast %broadcast_in_dim3A_152 : vector<256x1xf32> to vector<256x2048xf32>
    %eq3A_154 = arith.cmpf oeq, %select_n3A_149, %eq3A_153 : vector<256x2048xf32>
    %jit3A_155 = arith.constant 2048 : i32
    %broadcast_in_dim3A_156 = vector.broadcast %jit3A_155 : i32 to vector<256x2048xi32>
    %select_n3A_157 = arith.select %eq3A_154, %iota3A, %broadcast_in_dim3A_156 : vector<256x2048xi1>, vector<256x2048xi32>
    %reduce_min3A_158 = arith.constant dense<2147483647> : vector<256xi32>
    %reduce_min3A_159 = vector.multi_reduction <minsi>, %select_n3A_157, %reduce_min3A_158 [1] : vector<256x2048xi32> to vector<256xi32>
    %broadcast_in_dim3A_160 = vector.shape_cast %reduce_min3A_159 : vector<256xi32> to vector<256x1xi32>
    %eq3A_161 = vector.broadcast %broadcast_in_dim3A_160 : vector<256x1xi32> to vector<256x2048xi32>
    %eq3A_162 = arith.cmpi eq, %iota3A, %eq3A_161 : vector<256x2048xi32>
    %jit3A_163 = arith.constant 0x7F800000 : f32
    %broadcast_in_dim3A_164 = vector.broadcast %jit3A_163 : f32 to vector<256x2048xf32>
    %select_n3A_165 = arith.select %eq3A_162, %broadcast_in_dim3A_164, %select_n3A_149 : vector<256x2048xi1>, vector<256x2048xf32>
    %reduce_min3A_166 = arith.constant dense<0x7F800000> : vector<256xf32>
    %reduce_min3A_167 = vector.multi_reduction <minimumf>, %select_n3A_165, %reduce_min3A_166 [1] : vector<256x2048xf32> to vector<256xf32>
    %broadcast_in_dim3A_168 = vector.shape_cast %reduce_min3A_167 : vector<256xf32> to vector<256x1xf32>
    %eq3A_169 = vector.broadcast %broadcast_in_dim3A_168 : vector<256x1xf32> to vector<256x2048xf32>
    %eq3A_170 = arith.cmpf oeq, %select_n3A_165, %eq3A_169 : vector<256x2048xf32>
    %jit3A_171 = arith.constant 2048 : i32
    %broadcast_in_dim3A_172 = vector.broadcast %jit3A_171 : i32 to vector<256x2048xi32>
    %select_n3A_173 = arith.select %eq3A_170, %iota3A, %broadcast_in_dim3A_172 : vector<256x2048xi1>, vector<256x2048xi32>
    %reduce_min3A_174 = arith.constant dense<2147483647> : vector<256xi32>
    %reduce_min3A_175 = vector.multi_reduction <minsi>, %select_n3A_173, %reduce_min3A_174 [1] : vector<256x2048xi32> to vector<256xi32>
    %broadcast_in_dim3A_176 = vector.shape_cast %reduce_min3A_175 : vector<256xi32> to vector<256x1xi32>
    %eq3A_177 = vector.broadcast %broadcast_in_dim3A_176 : vector<256x1xi32> to vector<256x2048xi32>
    %eq3A_178 = arith.cmpi eq, %iota3A, %eq3A_177 : vector<256x2048xi32>
    %jit3A_179 = arith.constant 0x7F800000 : f32
    %broadcast_in_dim3A_180 = vector.broadcast %jit3A_179 : f32 to vector<256x2048xf32>
    %select_n3A_181 = arith.select %eq3A_178, %broadcast_in_dim3A_180, %select_n3A_165 : vector<256x2048xi1>, vector<256x2048xf32>
    %reduce_min3A_182 = arith.constant dense<0x7F800000> : vector<256xf32>
    %reduce_min3A_183 = vector.multi_reduction <minimumf>, %select_n3A_181, %reduce_min3A_182 [1] : vector<256x2048xf32> to vector<256xf32>
    %broadcast_in_dim3A_184 = vector.shape_cast %reduce_min3A_183 : vector<256xf32> to vector<256x1xf32>
    %eq3A_185 = vector.broadcast %broadcast_in_dim3A_184 : vector<256x1xf32> to vector<256x2048xf32>
    %eq3A_186 = arith.cmpf oeq, %select_n3A_181, %eq3A_185 : vector<256x2048xf32>
    %jit3A_187 = arith.constant 2048 : i32
    %broadcast_in_dim3A_188 = vector.broadcast %jit3A_187 : i32 to vector<256x2048xi32>
    %select_n3A_189 = arith.select %eq3A_186, %iota3A, %broadcast_in_dim3A_188 : vector<256x2048xi1>, vector<256x2048xi32>
    %reduce_min3A_190 = arith.constant dense<2147483647> : vector<256xi32>
    %reduce_min3A_191 = vector.multi_reduction <minsi>, %select_n3A_189, %reduce_min3A_190 [1] : vector<256x2048xi32> to vector<256xi32>
    %broadcast_in_dim3A_192 = vector.shape_cast %reduce_min3A_191 : vector<256xi32> to vector<256x1xi32>
    %eq3A_193 = vector.broadcast %broadcast_in_dim3A_192 : vector<256x1xi32> to vector<256x2048xi32>
    %eq3A_194 = arith.cmpi eq, %iota3A, %eq3A_193 : vector<256x2048xi32>
    %jit3A_195 = arith.constant 0x7F800000 : f32
    %broadcast_in_dim3A_196 = vector.broadcast %jit3A_195 : f32 to vector<256x2048xf32>
    %select_n3A_197 = arith.select %eq3A_194, %broadcast_in_dim3A_196, %select_n3A_181 : vector<256x2048xi1>, vector<256x2048xf32>
    %reduce_min3A_198 = arith.constant dense<0x7F800000> : vector<256xf32>
    %reduce_min3A_199 = vector.multi_reduction <minimumf>, %select_n3A_197, %reduce_min3A_198 [1] : vector<256x2048xf32> to vector<256xf32>
    %broadcast_in_dim3A_200 = vector.shape_cast %reduce_min3A_199 : vector<256xf32> to vector<256x1xf32>
    %eq3A_201 = vector.broadcast %broadcast_in_dim3A_200 : vector<256x1xf32> to vector<256x2048xf32>
    %eq3A_202 = arith.cmpf oeq, %select_n3A_197, %eq3A_201 : vector<256x2048xf32>
    %jit3A_203 = arith.constant 2048 : i32
    %broadcast_in_dim3A_204 = vector.broadcast %jit3A_203 : i32 to vector<256x2048xi32>
    %select_n3A_205 = arith.select %eq3A_202, %iota3A, %broadcast_in_dim3A_204 : vector<256x2048xi1>, vector<256x2048xi32>
    %reduce_min3A_206 = arith.constant dense<2147483647> : vector<256xi32>
    %reduce_min3A_207 = vector.multi_reduction <minsi>, %select_n3A_205, %reduce_min3A_206 [1] : vector<256x2048xi32> to vector<256xi32>
    %broadcast_in_dim3A_208 = vector.shape_cast %reduce_min3A_207 : vector<256xi32> to vector<256x1xi32>
    %eq3A_209 = vector.broadcast %broadcast_in_dim3A_208 : vector<256x1xi32> to vector<256x2048xi32>
    %eq3A_210 = arith.cmpi eq, %iota3A, %eq3A_209 : vector<256x2048xi32>
    %jit3A_211 = arith.constant 0x7F800000 : f32
    %broadcast_in_dim3A_212 = vector.broadcast %jit3A_211 : f32 to vector<256x2048xf32>
    %select_n3A_213 = arith.select %eq3A_210, %broadcast_in_dim3A_212, %select_n3A_197 : vector<256x2048xi1>, vector<256x2048xf32>
    %reduce_min3A_214 = arith.constant dense<0x7F800000> : vector<256xf32>
    %reduce_min3A_215 = vector.multi_reduction <minimumf>, %select_n3A_213, %reduce_min3A_214 [1] : vector<256x2048xf32> to vector<256xf32>
    %broadcast_in_dim3A_216 = vector.shape_cast %reduce_min3A_215 : vector<256xf32> to vector<256x1xf32>
    %eq3A_217 = vector.broadcast %broadcast_in_dim3A_216 : vector<256x1xf32> to vector<256x2048xf32>
    %eq3A_218 = arith.cmpf oeq, %select_n3A_213, %eq3A_217 : vector<256x2048xf32>
    %jit3A_219 = arith.constant 2048 : i32
    %broadcast_in_dim3A_220 = vector.broadcast %jit3A_219 : i32 to vector<256x2048xi32>
    %select_n3A_221 = arith.select %eq3A_218, %iota3A, %broadcast_in_dim3A_220 : vector<256x2048xi1>, vector<256x2048xi32>
    %reduce_min3A_222 = arith.constant dense<2147483647> : vector<256xi32>
    %reduce_min3A_223 = vector.multi_reduction <minsi>, %select_n3A_221, %reduce_min3A_222 [1] : vector<256x2048xi32> to vector<256xi32>
    %broadcast_in_dim3A_224 = vector.shape_cast %reduce_min3A_223 : vector<256xi32> to vector<256x1xi32>
    %eq3A_225 = vector.broadcast %broadcast_in_dim3A_224 : vector<256x1xi32> to vector<256x2048xi32>
    %eq3A_226 = arith.cmpi eq, %iota3A, %eq3A_225 : vector<256x2048xi32>
    %jit3A_227 = arith.constant 0x7F800000 : f32
    %broadcast_in_dim3A_228 = vector.broadcast %jit3A_227 : f32 to vector<256x2048xf32>
    %select_n3A_229 = arith.select %eq3A_226, %broadcast_in_dim3A_228, %select_n3A_213 : vector<256x2048xi1>, vector<256x2048xf32>
    %reduce_min3A_230 = arith.constant dense<0x7F800000> : vector<256xf32>
    %reduce_min3A_231 = vector.multi_reduction <minimumf>, %select_n3A_229, %reduce_min3A_230 [1] : vector<256x2048xf32> to vector<256xf32>
    %broadcast_in_dim3A_232 = vector.shape_cast %reduce_min3A_231 : vector<256xf32> to vector<256x1xf32>
    %eq3A_233 = vector.broadcast %broadcast_in_dim3A_232 : vector<256x1xf32> to vector<256x2048xf32>
    %eq3A_234 = arith.cmpf oeq, %select_n3A_229, %eq3A_233 : vector<256x2048xf32>
    %jit3A_235 = arith.constant 2048 : i32
    %broadcast_in_dim3A_236 = vector.broadcast %jit3A_235 : i32 to vector<256x2048xi32>
    %select_n3A_237 = arith.select %eq3A_234, %iota3A, %broadcast_in_dim3A_236 : vector<256x2048xi1>, vector<256x2048xi32>
    %reduce_min3A_238 = arith.constant dense<2147483647> : vector<256xi32>
    %reduce_min3A_239 = vector.multi_reduction <minsi>, %select_n3A_237, %reduce_min3A_238 [1] : vector<256x2048xi32> to vector<256xi32>
    %broadcast_in_dim3A_240 = vector.shape_cast %reduce_min3A_239 : vector<256xi32> to vector<256x1xi32>
    %eq3A_241 = vector.broadcast %broadcast_in_dim3A_240 : vector<256x1xi32> to vector<256x2048xi32>
    %eq3A_242 = arith.cmpi eq, %iota3A, %eq3A_241 : vector<256x2048xi32>
    %jit3A_243 = arith.constant 0x7F800000 : f32
    %broadcast_in_dim3A_244 = vector.broadcast %jit3A_243 : f32 to vector<256x2048xf32>
    %select_n3A_245 = arith.select %eq3A_242, %broadcast_in_dim3A_244, %select_n3A_229 : vector<256x2048xi1>, vector<256x2048xf32>
    %reduce_min3A_246 = arith.constant dense<0x7F800000> : vector<256xf32>
    %reduce_min3A_247 = vector.multi_reduction <minimumf>, %select_n3A_245, %reduce_min3A_246 [1] : vector<256x2048xf32> to vector<256xf32>
    %broadcast_in_dim3A_248 = vector.shape_cast %reduce_min3A_247 : vector<256xf32> to vector<256x1xf32>
    %eq3A_249 = vector.broadcast %broadcast_in_dim3A_248 : vector<256x1xf32> to vector<256x2048xf32>
    %eq3A_250 = arith.cmpf oeq, %select_n3A_245, %eq3A_249 : vector<256x2048xf32>
    %jit3A_251 = arith.constant 2048 : i32
    %broadcast_in_dim3A_252 = vector.broadcast %jit3A_251 : i32 to vector<256x2048xi32>
    %select_n3A_253 = arith.select %eq3A_250, %iota3A, %broadcast_in_dim3A_252 : vector<256x2048xi1>, vector<256x2048xi32>
    %reduce_min3A_254 = arith.constant dense<2147483647> : vector<256xi32>
    %reduce_min3A_255 = vector.multi_reduction <minsi>, %select_n3A_253, %reduce_min3A_254 [1] : vector<256x2048xi32> to vector<256xi32>
    %broadcast_in_dim3A_256 = vector.shape_cast %reduce_min3A_255 : vector<256xi32> to vector<256x1xi32>
    %eq3A_257 = vector.broadcast %broadcast_in_dim3A_256 : vector<256x1xi32> to vector<256x2048xi32>
    %eq3A_258 = arith.cmpi eq, %iota3A, %eq3A_257 : vector<256x2048xi32>
    %jit3A_259 = arith.constant 0x7F800000 : f32
    %broadcast_in_dim3A_260 = vector.broadcast %jit3A_259 : f32 to vector<256x2048xf32>
    %select_n3A_261 = arith.select %eq3A_258, %broadcast_in_dim3A_260, %select_n3A_245 : vector<256x2048xi1>, vector<256x2048xf32>
    %reduce_min3A_262 = arith.constant dense<0x7F800000> : vector<256xf32>
    %reduce_min3A_263 = vector.multi_reduction <minimumf>, %select_n3A_261, %reduce_min3A_262 [1] : vector<256x2048xf32> to vector<256xf32>
    %broadcast_in_dim3A_264 = vector.shape_cast %reduce_min3A_263 : vector<256xf32> to vector<256x1xf32>
    %eq3A_265 = vector.broadcast %broadcast_in_dim3A_264 : vector<256x1xf32> to vector<256x2048xf32>
    %eq3A_266 = arith.cmpf oeq, %select_n3A_261, %eq3A_265 : vector<256x2048xf32>
    %jit3A_267 = arith.constant 2048 : i32
    %broadcast_in_dim3A_268 = vector.broadcast %jit3A_267 : i32 to vector<256x2048xi32>
    %select_n3A_269 = arith.select %eq3A_266, %iota3A, %broadcast_in_dim3A_268 : vector<256x2048xi1>, vector<256x2048xi32>
    %reduce_min3A_270 = arith.constant dense<2147483647> : vector<256xi32>
    %reduce_min3A_271 = vector.multi_reduction <minsi>, %select_n3A_269, %reduce_min3A_270 [1] : vector<256x2048xi32> to vector<256xi32>
    %broadcast_in_dim3A_272 = vector.shape_cast %reduce_min3A_271 : vector<256xi32> to vector<256x1xi32>
    %concatenate3A = tpu.concatenate %broadcast_in_dim3A_32, %broadcast_in_dim3A_48, %broadcast_in_dim3A_64, %broadcast_in_dim3A_80, %broadcast_in_dim3A_96, %broadcast_in_dim3A_112, %broadcast_in_dim3A_128, %broadcast_in_dim3A_144, %broadcast_in_dim3A_160, %broadcast_in_dim3A_176, %broadcast_in_dim3A_192, %broadcast_in_dim3A_208, %broadcast_in_dim3A_224, %broadcast_in_dim3A_240, %broadcast_in_dim3A_256, %broadcast_in_dim3A_272 in 1 : vector<256x1xi32>, vector<256x1xi32>, vector<256x1xi32>, vector<256x1xi32>, vector<256x1xi32>, vector<256x1xi32>, vector<256x1xi32>, vector<256x1xi32>, vector<256x1xi32>, vector<256x1xi32>, vector<256x1xi32>, vector<256x1xi32>, vector<256x1xi32>, vector<256x1xi32>, vector<256x1xi32>, vector<256x1xi32> -> vector<256x16xi32>
    %mul3A_273 = arith.constant 2048 : i32
    %mul3A_274 = arith.muli %arg0, %mul3A_273 : i32
    %add3A_275 = vector.broadcast %mul3A_274 : i32 to vector<256x16xi32>
    %add3A_276 = arith.addi %concatenate3A, %add3A_275 : vector<256x16xi32>
    %swap3A = arith.constant 0 : index
    %swap3A_277 = arith.constant 0 : index
    %swap3A_278 = arith.constant 0 : index
    %swap3A_279 = vector.load %arg5[%swap3A, %swap3A_277, %swap3A_278] : memref<1x256x16xi32, #tpu.memory_space<vmem>>, vector<1x256x16xi32>
    %swap3A_280 = vector.shape_cast %swap3A_279 : vector<1x256x16xi32> to vector<256x16xi32>
    %swap3A_281 = vector.shape_cast %add3A_276 : vector<256x16xi32> to vector<1x256x16xi32>
    tpu.vector_store %arg5[%swap3A, %swap3A_277, %swap3A_278], %swap3A_281 {strides = array<i32>} : memref<1x256x16xi32, #tpu.memory_space<vmem>>, vector<1x256x16xi32>,
    return
  }
  func.func @transform_0(%arg0: i32, %arg1: i32) -> (i32, i32, i32) {
    %c0_i32 = arith.constant 0 : i32
    %c0_i32_0 = arith.constant 0 : i32
    return %arg0, %arg1, %c0_i32 : i32, i32, i32
  }
  func.func @transform_1(%arg0: i32, %arg1: i32) -> (i32, i32, i32) {
    %c0_i32 = arith.constant 0 : i32
    %c0_i32_0 = arith.constant 0 : i32
    %c0_i32_1 = arith.constant 0 : i32
    return %arg0, %c0_i32, %c0_i32_0 : i32, i32, i32
  }
  func.func @transform_2(%arg0: i32, %arg1: i32) -> (i32, i32, i32) {
    %c0_i32 = arith.constant 0 : i32
    %c0_i32_0 = arith.constant 0 : i32
    %c0_i32_1 = arith.constant 0 : i32
    return %arg0, %c0_i32, %c0_i32_0 : i32, i32, i32
  }
  func.func @transform_3(%arg0: i32, %arg1: i32) -> (i32, i32, i32) {
    %c0_i32 = arith.constant 0 : i32
    %c0_i32_0 = arith.constant 0 : i32
    return %arg0, %arg1, %c0_i32 : i32, i32, i32
  }
}

module attributes {stable_mosaic.version = 14 : i64} {
  func.func @_f1_body(%arg0: i32, %arg1: memref<1x2048x8xf32, #tpu.memory_space<vmem>>, %arg2: memref<8x64xf32, #tpu.memory_space<vmem>>, %arg3: memref<1x64xf32, #tpu.memory_space<vmem>>, %arg4: memref<128x128xf32, #tpu.memory_space<vmem>>, %arg5: memref<1x2048x64xf32, #tpu.memory_space<vmem>>, %arg6: memref<1x2048x128xf32, #tpu.memory_space<vmem>>) attributes {dimension_semantics = [#tpu.dimension_semantics<arbitrary>], iteration_bounds = array<i64: 4>, scalar_prefetch = 0 : i64, scratch_operands = 0 : i64, tpu.core_type = #tpu.core_type<tc>, window_params = [{transform_indices = @transform_0, window_bounds = array<i64: 1, 2048, 8>}, {pipeline_mode = #tpu.pipeline_mode<synchronous>, transform_indices = @transform_1, window_bounds = array<i64: 8, 64>}, {pipeline_mode = #tpu.pipeline_mode<synchronous>, transform_indices = @transform_2, window_bounds = array<i64: 1, 64>}, {pipeline_mode = #tpu.pipeline_mode<synchronous>, transform_indices = @transform_3, window_bounds = array<i64: 128, 128>}, {transform_indices = @transform_4, window_bounds = array<i64: 1, 2048, 64>}, {transform_indices = @transform_5, window_bounds = array<i64: 1, 2048, 128>}]} {
    %get3A = arith.constant 0 : index
    %get3A_0 = arith.constant 0 : index
    %get3A_1 = arith.constant 0 : index
    %get3A_2 = vector.load %arg1[%get3A, %get3A_0, %get3A_1] : memref<1x2048x8xf32, #tpu.memory_space<vmem>>, vector<1x2048x8xf32>
    %get3A_3 = vector.shape_cast %get3A_2 : vector<1x2048x8xf32> to vector<2048x8xf32>
    %get3A_4 = arith.constant 0 : index
    %get3A_5 = arith.constant 0 : index
    %get3A_6 = vector.load %arg2[%get3A_4, %get3A_5] : memref<8x64xf32, #tpu.memory_space<vmem>>, vector<8x64xf32>
    %dot_general3A = arith.constant dense<0.000000e+00> : vector<2048x64xf32>
    %dot_general3A_7 = tpu.matmul %get3A_3, %get3A_6, %dot_general3A {dimension_numbers = #tpu.dot_dimension_numbers<[1], [0], [0], [1], [0, 0, 1, 1], [], []>, transpose_lhs_hint = false} : vector<2048x8xf32>, vector<8x64xf32>, vector<2048x64xf32> -> vector<2048x64xf32>
    %get3A_8 = arith.constant 0 : index
    %get3A_9 = arith.constant 0 : index
    %get3A_10 = vector.load %arg3[%get3A_8, %get3A_9] : memref<1x64xf32, #tpu.memory_space<vmem>>, vector<1x64xf32>
    %add3A = vector.broadcast %get3A_10 : vector<1x64xf32> to vector<2048x64xf32>
    %add3A_11 = arith.addf %dot_general3A_7, %add3A : vector<2048x64xf32>
    %swap3A = arith.constant 0 : index
    %swap3A_12 = arith.constant 0 : index
    %swap3A_13 = arith.constant 0 : index
    %swap3A_14 = vector.load %arg5[%swap3A, %swap3A_12, %swap3A_13] : memref<1x2048x64xf32, #tpu.memory_space<vmem>>, vector<1x2048x64xf32>
    %swap3A_15 = vector.shape_cast %swap3A_14 : vector<1x2048x64xf32> to vector<2048x64xf32>
    %swap3A_16 = vector.shape_cast %add3A_11 : vector<2048x64xf32> to vector<1x2048x64xf32>
    tpu.vector_store %arg5[%swap3A, %swap3A_12, %swap3A_13], %swap3A_16 {strides = array<i32>} : memref<1x2048x64xf32, #tpu.memory_space<vmem>>, vector<1x2048x64xf32>,
    %get3A_17 = arith.constant 0 : index
    %get3A_18 = arith.constant 0 : index
    %get3A_19 = vector.load %arg4[%get3A_17, %get3A_18] : memref<128x128xf32, #tpu.memory_space<vmem>>, vector<64x128xf32>
    %dot_general3A_20 = arith.constant dense<0.000000e+00> : vector<2048x128xf32>
    %dot_general3A_21 = tpu.matmul %add3A_11, %get3A_19, %dot_general3A_20 {dimension_numbers = #tpu.dot_dimension_numbers<[1], [0], [0], [1], [0, 0, 1, 1], [], []>, transpose_lhs_hint = false} : vector<2048x64xf32>, vector<64x128xf32>, vector<2048x128xf32> -> vector<2048x128xf32>
    %swap3A_22 = arith.constant 0 : index
    %swap3A_23 = arith.constant 0 : index
    %swap3A_24 = arith.constant 0 : index
    %swap3A_25 = vector.load %arg6[%swap3A_22, %swap3A_23, %swap3A_24] : memref<1x2048x128xf32, #tpu.memory_space<vmem>>, vector<1x2048x128xf32>
    %swap3A_26 = vector.shape_cast %swap3A_25 : vector<1x2048x128xf32> to vector<2048x128xf32>
    %swap3A_27 = vector.shape_cast %dot_general3A_21 : vector<2048x128xf32> to vector<1x2048x128xf32>
    tpu.vector_store %arg6[%swap3A_22, %swap3A_23, %swap3A_24], %swap3A_27 {strides = array<i32>} : memref<1x2048x128xf32, #tpu.memory_space<vmem>>, vector<1x2048x128xf32>,
    return
  }
  func.func @transform_0(%arg0: i32) -> (i32, i32, i32) {
    %c0_i32 = arith.constant 0 : i32
    %c0_i32_0 = arith.constant 0 : i32
    %c0_i32_1 = arith.constant 0 : i32
    return %arg0, %c0_i32, %c0_i32_0 : i32, i32, i32
  }
  func.func @transform_1(%arg0: i32) -> (i32, i32) {
    %c0_i32 = arith.constant 0 : i32
    %c0_i32_0 = arith.constant 0 : i32
    %c0_i32_1 = arith.constant 0 : i32
    return %c0_i32, %c0_i32_0 : i32, i32
  }
  func.func @transform_2(%arg0: i32) -> (i32, i32) {
    %c0_i32 = arith.constant 0 : i32
    %c0_i32_0 = arith.constant 0 : i32
    %c0_i32_1 = arith.constant 0 : i32
    return %c0_i32, %c0_i32_0 : i32, i32
  }
  func.func @transform_3(%arg0: i32) -> (i32, i32) {
    %c0_i32 = arith.constant 0 : i32
    %c0_i32_0 = arith.constant 0 : i32
    %c0_i32_1 = arith.constant 0 : i32
    return %c0_i32, %c0_i32_0 : i32, i32
  }
  func.func @transform_4(%arg0: i32) -> (i32, i32, i32) {
    %c0_i32 = arith.constant 0 : i32
    %c0_i32_0 = arith.constant 0 : i32
    %c0_i32_1 = arith.constant 0 : i32
    return %arg0, %c0_i32, %c0_i32_0 : i32, i32, i32
  }
  func.func @transform_5(%arg0: i32) -> (i32, i32, i32) {
    %c0_i32 = arith.constant 0 : i32
    %c0_i32_0 = arith.constant 0 : i32
    %c0_i32_1 = arith.constant 0 : i32
    return %arg0, %c0_i32, %c0_i32_0 : i32, i32, i32
  }
}

module attributes {stable_mosaic.version = 14 : i64} {
  func.func @_stats_body(%arg0: i32, %arg1: i32, %arg2: memref<1x2048x128xf32, #tpu.memory_space<vmem>>, %arg3: memref<1x128x64xf32, #tpu.memory_space<vmem>>, %arg4: memref<128x128xf32, #tpu.memory_space<vmem>>, %arg5: memref<1x8x128xf32, #tpu.memory_space<vmem>>) attributes {dimension_semantics = [#tpu.dimension_semantics<arbitrary>, #tpu.dimension_semantics<arbitrary>], iteration_bounds = array<i64: 4, 16>, scalar_prefetch = 0 : i64, scratch_operands = 0 : i64, tpu.core_type = #tpu.core_type<tc>, window_params = [{transform_indices = @transform_0, window_bounds = array<i64: 1, 2048, 128>}, {transform_indices = @transform_1, window_bounds = array<i64: 1, 128, 64>}, {pipeline_mode = #tpu.pipeline_mode<synchronous>, transform_indices = @transform_2, window_bounds = array<i64: 128, 128>}, {transform_indices = @transform_3, window_bounds = array<i64: 1, 8, 128>}]} {
    %get3A = arith.constant 0 : index
    %get3A_0 = arith.constant 0 : index
    %get3A_1 = arith.constant 0 : index
    %get3A_2 = vector.load %arg2[%get3A, %get3A_0, %get3A_1] : memref<1x2048x128xf32, #tpu.memory_space<vmem>>, vector<1x2048x128xf32>
    %get3A_3 = vector.shape_cast %get3A_2 : vector<1x2048x128xf32> to vector<2048x128xf32>
    %get3A_4 = arith.constant 0 : index
    %get3A_5 = arith.constant 0 : index
    %get3A_6 = arith.constant 0 : index
    %get3A_7 = vector.load %arg3[%get3A_4, %get3A_5, %get3A_6] : memref<1x128x64xf32, #tpu.memory_space<vmem>>, vector<1x128x64xf32>
    %get3A_8 = vector.shape_cast %get3A_7 : vector<1x128x64xf32> to vector<128x64xf32>
    %get3A_9 = arith.constant 0 : index
    %get3A_10 = arith.constant 0 : index
    %get3A_11 = vector.load %arg4[%get3A_9, %get3A_10] : memref<128x128xf32, #tpu.memory_space<vmem>>, vector<128x128xf32>
    %slice3A = vector.extract_strided_slice %get3A_11 {offsets = [64, 0], sizes = [64, 128], strides = [1, 1]} : vector<128x128xf32> to vector<64x128xf32>
    %slice3A_12 = vector.extract_strided_slice %get3A_11 {offsets = [0, 0], sizes = [64, 128], strides = [1, 1]} : vector<128x128xf32> to vector<64x128xf32>
    %sub3A = arith.subf %slice3A, %slice3A_12 : vector<64x128xf32>
    %dot_general3A = arith.constant dense<0.000000e+00> : vector<128x128xf32>
    %dot_general3A_13 = tpu.matmul %get3A_8, %sub3A, %dot_general3A {dimension_numbers = #tpu.dot_dimension_numbers<[1], [0], [0], [1], [0, 0, 1, 1], [], []>, transpose_lhs_hint = false} : vector<128x64xf32>, vector<64x128xf32>, vector<128x128xf32> -> vector<128x128xf32>
    %reshape3A = vector.shape_cast %get3A_3 : vector<2048x128xf32> to vector<128x16x128xf32>
    %broadcast_in_dim3A = vector.shape_cast %dot_general3A_13 : vector<128x128xf32> to vector<128x1x128xf32>
    %add3A = vector.broadcast %broadcast_in_dim3A : vector<128x1x128xf32> to vector<128x16x128xf32>
    %add3A_14 = arith.addf %reshape3A, %add3A : vector<128x16x128xf32>
    %reshape3A_15 = vector.shape_cast %add3A_14 : vector<128x16x128xf32> to vector<2048x128xf32>
    %reduce_sum3A = arith.constant dense<0.000000e+00> : vector<128xf32>
    %reduce_sum3A_16 = vector.multi_reduction <add>, %reshape3A_15, %reduce_sum3A [0] : vector<2048x128xf32> to vector<128xf32>
    %broadcast_in_dim3A_17 = vector.shape_cast %reduce_sum3A_16 : vector<128xf32> to vector<1x128xf32>
    %mul3A = arith.mulf %reshape3A_15, %reshape3A_15 : vector<2048x128xf32>
    %reduce_sum3A_18 = arith.constant dense<0.000000e+00> : vector<128xf32>
    %reduce_sum3A_19 = vector.multi_reduction <add>, %mul3A, %reduce_sum3A_18 [0] : vector<2048x128xf32> to vector<128xf32>
    %broadcast_in_dim3A_20 = vector.shape_cast %reduce_sum3A_19 : vector<128xf32> to vector<1x128xf32>
    %broadcast_in_dim3A_21 = arith.constant 0.000000e+00 : f32
    %broadcast_in_dim3A_22 = vector.broadcast %broadcast_in_dim3A_21 : f32 to vector<6x128xf32>
    %concatenate3A = tpu.concatenate %broadcast_in_dim3A_17, %broadcast_in_dim3A_20, %broadcast_in_dim3A_22 in 0 : vector<1x128xf32>, vector<1x128xf32>, vector<6x128xf32> -> vector<8x128xf32>
    %eq3A = arith.constant 0 : i32
    %eq3A_23 = arith.cmpi eq, %arg1, %eq3A : i32
    %convert_element_type3A = arith.extui %eq3A_23 : i1 to i32
    %cond3A = arith.constant 0 : i32
    %cond3A_24 = arith.cmpi ne, %convert_element_type3A, %cond3A : i32
    scf.if %cond3A_24 {
      %broadcast_in_dim3A_36 = arith.constant 0.000000e+00 : f32
      %broadcast_in_dim3A_37 = vector.broadcast %broadcast_in_dim3A_36 : f32 to vector<8x128xf32>
      %swap3A_38 = arith.constant 0 : index
      %swap3A_39 = arith.constant 0 : index
      %swap3A_40 = arith.constant 0 : index
      %swap3A_41 = vector.load %arg5[%swap3A_38, %swap3A_39, %swap3A_40] : memref<1x8x128xf32, #tpu.memory_space<vmem>>, vector<1x8x128xf32>
      %swap3A_42 = vector.shape_cast %swap3A_41 : vector<1x8x128xf32> to vector<8x128xf32>
      %swap3A_43 = vector.shape_cast %broadcast_in_dim3A_37 : vector<8x128xf32> to vector<1x8x128xf32>
      tpu.vector_store %arg5[%swap3A_38, %swap3A_39, %swap3A_40], %swap3A_43 {strides = array<i32>} : memref<1x8x128xf32, #tpu.memory_space<vmem>>, vector<1x8x128xf32>,
    } else {
    }
    %get3A_25 = arith.constant 0 : index
    %get3A_26 = arith.constant 0 : index
    %get3A_27 = arith.constant 0 : index
    %get3A_28 = vector.load %arg5[%get3A_25, %get3A_26, %get3A_27] : memref<1x8x128xf32, #tpu.memory_space<vmem>>, vector<1x8x128xf32>
    %get3A_29 = vector.shape_cast %get3A_28 : vector<1x8x128xf32> to vector<8x128xf32>
    %add3A_30 = arith.addf %get3A_29, %concatenate3A : vector<8x128xf32>
    %swap3A = arith.constant 0 : index
    %swap3A_31 = arith.constant 0 : index
    %swap3A_32 = arith.constant 0 : index
    %swap3A_33 = vector.load %arg5[%swap3A, %swap3A_31, %swap3A_32] : memref<1x8x128xf32, #tpu.memory_space<vmem>>, vector<1x8x128xf32>
    %swap3A_34 = vector.shape_cast %swap3A_33 : vector<1x8x128xf32> to vector<8x128xf32>
    %swap3A_35 = vector.shape_cast %add3A_30 : vector<8x128xf32> to vector<1x8x128xf32>
    tpu.vector_store %arg5[%swap3A, %swap3A_31, %swap3A_32], %swap3A_35 {strides = array<i32>} : memref<1x8x128xf32, #tpu.memory_space<vmem>>, vector<1x8x128xf32>,
    return
  }
  func.func @transform_0(%arg0: i32, %arg1: i32) -> (i32, i32, i32) {
    %c0_i32 = arith.constant 0 : i32
    %c0_i32_0 = arith.constant 0 : i32
    return %arg0, %arg1, %c0_i32 : i32, i32, i32
  }
  func.func @transform_1(%arg0: i32, %arg1: i32) -> (i32, i32, i32) {
    %c0_i32 = arith.constant 0 : i32
    %c0_i32_0 = arith.constant 0 : i32
    return %arg0, %arg1, %c0_i32 : i32, i32, i32
  }
  func.func @transform_2(%arg0: i32, %arg1: i32) -> (i32, i32) {
    %c0_i32 = arith.constant 0 : i32
    %c0_i32_0 = arith.constant 0 : i32
    %c0_i32_1 = arith.constant 0 : i32
    return %c0_i32, %c0_i32_0 : i32, i32
  }
  func.func @transform_3(%arg0: i32, %arg1: i32) -> (i32, i32, i32) {
    %c0_i32 = arith.constant 0 : i32
    %c0_i32_0 = arith.constant 0 : i32
    %c0_i32_1 = arith.constant 0 : i32
    return %arg0, %c0_i32, %c0_i32_0 : i32, i32, i32
  }
}

module attributes {stable_mosaic.version = 14 : i64} {
  func.func @_mlp1_body(%arg0: i32, %arg1: i32, %arg2: memref<1x2048x128xf32, #tpu.memory_space<vmem>>, %arg3: memref<1x128x64xf32, #tpu.memory_space<vmem>>, %arg4: memref<128x128xf32, #tpu.memory_space<vmem>>, %arg5: memref<1x8x128xf32, #tpu.memory_space<vmem>>, %arg6: memref<1x128xf32, #tpu.memory_space<vmem>>, %arg7: memref<1x128xf32, #tpu.memory_space<vmem>>, %arg8: memref<128x256xf32, #tpu.memory_space<vmem>>, %arg9: memref<1x256xf32, #tpu.memory_space<vmem>>, %arg10: memref<256x512xf32, #tpu.memory_space<vmem>>, %arg11: memref<1x512xf32, #tpu.memory_space<vmem>>, %arg12: memref<1x128x128xf32, #tpu.memory_space<vmem>>, %arg13: memref<1x8x512xf32, #tpu.memory_space<vmem>>) attributes {dimension_semantics = [#tpu.dimension_semantics<arbitrary>, #tpu.dimension_semantics<arbitrary>], iteration_bounds = array<i64: 4, 16>, scalar_prefetch = 0 : i64, scratch_operands = 0 : i64, tpu.core_type = #tpu.core_type<tc>, window_params = [{transform_indices = @transform_0, window_bounds = array<i64: 1, 2048, 128>}, {transform_indices = @transform_1, window_bounds = array<i64: 1, 128, 64>}, {pipeline_mode = #tpu.pipeline_mode<synchronous>, transform_indices = @transform_2, window_bounds = array<i64: 128, 128>}, {transform_indices = @transform_3, window_bounds = array<i64: 1, 8, 128>}, {pipeline_mode = #tpu.pipeline_mode<synchronous>, transform_indices = @transform_4, window_bounds = array<i64: 1, 128>}, {pipeline_mode = #tpu.pipeline_mode<synchronous>, transform_indices = @transform_5, window_bounds = array<i64: 1, 128>}, {pipeline_mode = #tpu.pipeline_mode<synchronous>, transform_indices = @transform_6, window_bounds = array<i64: 128, 256>}, {pipeline_mode = #tpu.pipeline_mode<synchronous>, transform_indices = @transform_7, window_bounds = array<i64: 1, 256>}, {pipeline_mode = #tpu.pipeline_mode<synchronous>, transform_indices = @transform_8, window_bounds = array<i64: 256, 512>}, {pipeline_mode = #tpu.pipeline_mode<synchronous>, transform_indices = @transform_9, window_bounds = array<i64: 1, 512>}, {transform_indices = @transform_10, window_bounds = array<i64: 1, 128, 128>}, {transform_indices = @transform_11, window_bounds = array<i64: 1, 8, 512>}]} {
    %get3A = arith.constant 0 : index
    %get3A_0 = arith.constant 0 : index
    %get3A_1 = arith.constant 0 : index
    %get3A_2 = vector.load %arg2[%get3A, %get3A_0, %get3A_1] : memref<1x2048x128xf32, #tpu.memory_space<vmem>>, vector<1x2048x128xf32>
    %get3A_3 = vector.shape_cast %get3A_2 : vector<1x2048x128xf32> to vector<2048x128xf32>
    %get3A_4 = arith.constant 0 : index
    %get3A_5 = arith.constant 0 : index
    %get3A_6 = arith.constant 0 : index
    %get3A_7 = vector.load %arg3[%get3A_4, %get3A_5, %get3A_6] : memref<1x128x64xf32, #tpu.memory_space<vmem>>, vector<1x128x64xf32>
    %get3A_8 = vector.shape_cast %get3A_7 : vector<1x128x64xf32> to vector<128x64xf32>
    %get3A_9 = arith.constant 0 : index
    %get3A_10 = arith.constant 0 : index
    %get3A_11 = vector.load %arg4[%get3A_9, %get3A_10] : memref<128x128xf32, #tpu.memory_space<vmem>>, vector<128x128xf32>
    %slice3A = vector.extract_strided_slice %get3A_11 {offsets = [64, 0], sizes = [64, 128], strides = [1, 1]} : vector<128x128xf32> to vector<64x128xf32>
    %slice3A_12 = vector.extract_strided_slice %get3A_11 {offsets = [0, 0], sizes = [64, 128], strides = [1, 1]} : vector<128x128xf32> to vector<64x128xf32>
    %sub3A = arith.subf %slice3A, %slice3A_12 : vector<64x128xf32>
    %dot_general3A = arith.constant dense<0.000000e+00> : vector<128x128xf32>
    %dot_general3A_13 = tpu.matmul %get3A_8, %sub3A, %dot_general3A {dimension_numbers = #tpu.dot_dimension_numbers<[1], [0], [0], [1], [0, 0, 1, 1], [], []>, transpose_lhs_hint = false} : vector<128x64xf32>, vector<64x128xf32>, vector<128x128xf32> -> vector<128x128xf32>
    %reshape3A = vector.shape_cast %get3A_3 : vector<2048x128xf32> to vector<128x16x128xf32>
    %broadcast_in_dim3A = vector.shape_cast %dot_general3A_13 : vector<128x128xf32> to vector<128x1x128xf32>
    %add3A = vector.broadcast %broadcast_in_dim3A : vector<128x1x128xf32> to vector<128x16x128xf32>
    %add3A_14 = arith.addf %reshape3A, %add3A : vector<128x16x128xf32>
    %iota3A = tpu.iota {dimensions = array<i32: 0>} : vector<128x128xi32>
    %jit3A = arith.constant 32 : i32
    %div3A = vector.broadcast %jit3A : i32 to vector<128x128xi32>
    %div3A_15 = arith.divsi %iota3A, %div3A : vector<128x128xi32>
    %sign3A = arith.constant 0 : i32
    %sign3A_16 = vector.broadcast %sign3A : i32 to vector<128x128xi32>
    %sign3A_17 = arith.cmpi sgt, %iota3A, %sign3A_16 : vector<128x128xi32>
    %sign3A_18 = arith.extui %sign3A_17 : vector<128x128xi1> to vector<128x128xi32>
    %sign3A_19 = arith.constant 0 : i32
    %sign3A_20 = vector.broadcast %sign3A_19 : i32 to vector<128x128xi32>
    %sign3A_21 = arith.cmpi slt, %iota3A, %sign3A_20 : vector<128x128xi32>
    %sign3A_22 = arith.extui %sign3A_21 : vector<128x128xi1> to vector<128x128xi32>
    %sign3A_23 = arith.subi %sign3A_18, %sign3A_22 : vector<128x128xi32>
    %sign3A_24 = arith.constant 0 : i32
    %sign3A_25 = arith.cmpi sgt, %jit3A, %sign3A_24 : i32
    %sign3A_26 = arith.extui %sign3A_25 : i1 to i32
    %sign3A_27 = arith.constant 0 : i32
    %sign3A_28 = arith.cmpi slt, %jit3A, %sign3A_27 : i32
    %sign3A_29 = arith.extui %sign3A_28 : i1 to i32
    %sign3A_30 = arith.subi %sign3A_26, %sign3A_29 : i32
    %ne3A = vector.broadcast %sign3A_30 : i32 to vector<128x128xi32>
    %ne3A_31 = arith.cmpi ne, %sign3A_23, %ne3A : vector<128x128xi32>
    %rem3A = vector.broadcast %jit3A : i32 to vector<128x128xi32>
    %rem3A_32 = arith.remsi %iota3A, %rem3A : vector<128x128xi32>
    %ne3A_33 = arith.constant 0 : i32
    %ne3A_34 = vector.broadcast %ne3A_33 : i32 to vector<128x128xi32>
    %ne3A_35 = arith.cmpi ne, %rem3A_32, %ne3A_34 : vector<128x128xi32>
    %and3A = arith.andi %ne3A_31, %ne3A_35 : vector<128x128xi1>
    %sub3A_36 = arith.constant 1 : i32
    %sub3A_37 = vector.broadcast %sub3A_36 : i32 to vector<128x128xi32>
    %sub3A_38 = arith.subi %div3A_15, %sub3A_37 : vector<128x128xi32>
    %select_n3A = arith.select %and3A, %sub3A_38, %div3A_15 : vector<128x128xi1>, vector<128x128xi32>
    %iota3A_39 = tpu.iota {dimensions = array<i32: 1>} : vector<128x128xi32>
    %jit3A_40 = arith.constant 32 : i32
    %div3A_41 = vector.broadcast %jit3A_40 : i32 to vector<128x128xi32>
    %div3A_42 = arith.divsi %iota3A_39, %div3A_41 : vector<128x128xi32>
    %sign3A_43 = arith.constant 0 : i32
    %sign3A_44 = vector.broadcast %sign3A_43 : i32 to vector<128x128xi32>
    %sign3A_45 = arith.cmpi sgt, %iota3A_39, %sign3A_44 : vector<128x128xi32>
    %sign3A_46 = arith.extui %sign3A_45 : vector<128x128xi1> to vector<128x128xi32>
    %sign3A_47 = arith.constant 0 : i32
    %sign3A_48 = vector.broadcast %sign3A_47 : i32 to vector<128x128xi32>
    %sign3A_49 = arith.cmpi slt, %iota3A_39, %sign3A_48 : vector<128x128xi32>
    %sign3A_50 = arith.extui %sign3A_49 : vector<128x128xi1> to vector<128x128xi32>
    %sign3A_51 = arith.subi %sign3A_46, %sign3A_50 : vector<128x128xi32>
    %sign3A_52 = arith.constant 0 : i32
    %sign3A_53 = arith.cmpi sgt, %jit3A_40, %sign3A_52 : i32
    %sign3A_54 = arith.extui %sign3A_53 : i1 to i32
    %sign3A_55 = arith.constant 0 : i32
    %sign3A_56 = arith.cmpi slt, %jit3A_40, %sign3A_55 : i32
    %sign3A_57 = arith.extui %sign3A_56 : i1 to i32
    %sign3A_58 = arith.subi %sign3A_54, %sign3A_57 : i32
    %ne3A_59 = vector.broadcast %sign3A_58 : i32 to vector<128x128xi32>
    %ne3A_60 = arith.cmpi ne, %sign3A_51, %ne3A_59 : vector<128x128xi32>
    %rem3A_61 = vector.broadcast %jit3A_40 : i32 to vector<128x128xi32>
    %rem3A_62 = arith.remsi %iota3A_39, %rem3A_61 : vector<128x128xi32>
    %ne3A_63 = arith.constant 0 : i32
    %ne3A_64 = vector.broadcast %ne3A_63 : i32 to vector<128x128xi32>
    %ne3A_65 = arith.cmpi ne, %rem3A_62, %ne3A_64 : vector<128x128xi32>
    %and3A_66 = arith.andi %ne3A_60, %ne3A_65 : vector<128x128xi1>
    %sub3A_67 = arith.constant 1 : i32
    %sub3A_68 = vector.broadcast %sub3A_67 : i32 to vector<128x128xi32>
    %sub3A_69 = arith.subi %div3A_42, %sub3A_68 : vector<128x128xi32>
    %select_n3A_70 = arith.select %and3A_66, %sub3A_69, %div3A_42 : vector<128x128xi1>, vector<128x128xi32>
    %eq3A = arith.cmpi eq, %select_n3A, %select_n3A_70 : vector<128x128xi32>
    %convert_element_type3A = arith.extui %eq3A : vector<128x128xi1> to vector<128x128xi32>
    %convert_element_type3A_71 = arith.sitofp %convert_element_type3A : vector<128x128xi32> to vector<128x128xf32>
    %get3A_72 = arith.constant 0 : index
    %get3A_73 = arith.constant 0 : index
    %get3A_74 = arith.constant 0 : index
    %get3A_75 = vector.load %arg5[%get3A_72, %get3A_73, %get3A_74] : memref<1x8x128xf32, #tpu.memory_space<vmem>>, vector<1x1x128xf32>
    %get3A_76 = vector.shape_cast %get3A_75 : vector<1x1x128xf32> to vector<1x128xf32>
    %get3A_77 = arith.constant 0 : index
    %get3A_78 = arith.constant 1 : index
    %get3A_79 = arith.constant 0 : index
    %get3A_80 = vector.load %arg5[%get3A_77, %get3A_78, %get3A_79] : memref<1x8x128xf32, #tpu.memory_space<vmem>>, vector<1x1x128xf32>
    %get3A_81 = vector.shape_cast %get3A_80 : vector<1x1x128xf32> to vector<1x128xf32>
    %dot_general3A_82 = arith.constant dense<0.000000e+00> : vector<1x128xf32>
    %dot_general3A_83 = tpu.matmul %get3A_76, %convert_element_type3A_71, %dot_general3A_82 {dimension_numbers = #tpu.dot_dimension_numbers<[1], [0], [0], [1], [0, 0, 1, 1], [], []>, transpose_lhs_hint = false} : vector<1x128xf32>, vector<128x128xf32>, vector<1x128xf32> -> vector<1x128xf32>
    %div3A_84 = arith.constant 0x49800000 : f32
    %div3A_85 = vector.broadcast %div3A_84 : f32 to vector<1x128xf32>
    %div3A_86 = arith.divf %dot_general3A_83, %div3A_85 : vector<1x128xf32>
    %dot_general3A_87 = arith.constant dense<0.000000e+00> : vector<1x128xf32>
    %dot_general3A_88 = tpu.matmul %get3A_81, %convert_element_type3A_71, %dot_general3A_87 {dimension_numbers = #tpu.dot_dimension_numbers<[1], [0], [0], [1], [0, 0, 1, 1], [], []>, transpose_lhs_hint = false} : vector<1x128xf32>, vector<128x128xf32>, vector<1x128xf32> -> vector<1x128xf32>
    %div3A_89 = arith.constant 0x49800000 : f32
    %div3A_90 = vector.broadcast %div3A_89 : f32 to vector<1x128xf32>
    %div3A_91 = arith.divf %dot_general3A_88, %div3A_90 : vector<1x128xf32>
    %mul3A = arith.mulf %div3A_86, %div3A_86 : vector<1x128xf32>
    %sub3A_92 = arith.subf %div3A_91, %mul3A : vector<1x128xf32>
    %add3A_93 = arith.constant 9.99999974E-6 : f32
    %add3A_94 = vector.broadcast %add3A_93 : f32 to vector<1x128xf32>
    %add3A_95 = arith.addf %sub3A_92, %add3A_94 : vector<1x128xf32>
    %rsqrt3A = math.rsqrt %add3A_95 : vector<1x128xf32>
    %get3A_96 = arith.constant 0 : index
    %get3A_97 = arith.constant 0 : index
    %get3A_98 = vector.load %arg6[%get3A_96, %get3A_97] : memref<1x128xf32, #tpu.memory_space<vmem>>, vector<1x128xf32>
    %mul3A_99 = arith.mulf %rsqrt3A, %get3A_98 : vector<1x128xf32>
    %get3A_100 = arith.constant 0 : index
    %get3A_101 = arith.constant 0 : index
    %get3A_102 = vector.load %arg7[%get3A_100, %get3A_101] : memref<1x128xf32, #tpu.memory_space<vmem>>, vector<1x128xf32>
    %mul3A_103 = arith.mulf %div3A_86, %mul3A_99 : vector<1x128xf32>
    %sub3A_104 = arith.subf %get3A_102, %mul3A_103 : vector<1x128xf32>
    %broadcast_in_dim3A_105 = vector.shape_cast %mul3A_99 : vector<1x128xf32> to vector<1x1x128xf32>
    %mul3A_106 = vector.broadcast %broadcast_in_dim3A_105 : vector<1x1x128xf32> to vector<128x16x128xf32>
    %mul3A_107 = arith.mulf %add3A_14, %mul3A_106 : vector<128x16x128xf32>
    %broadcast_in_dim3A_108 = vector.shape_cast %sub3A_104 : vector<1x128xf32> to vector<1x1x128xf32>
    %add3A_109 = vector.broadcast %broadcast_in_dim3A_108 : vector<1x1x128xf32> to vector<128x16x128xf32>
    %add3A_110 = arith.addf %mul3A_107, %add3A_109 : vector<128x16x128xf32>
    %gt3A = arith.constant 0.000000e+00 : f32
    %gt3A_111 = vector.broadcast %gt3A : f32 to vector<128x16x128xf32>
    %gt3A_112 = arith.cmpf ogt, %add3A_110, %gt3A_111 : vector<128x16x128xf32>
    %mul3A_113 = arith.constant 2.000000e-01 : f32
    %mul3A_114 = vector.broadcast %mul3A_113 : f32 to vector<128x16x128xf32>
    %mul3A_115 = arith.mulf %mul3A_114, %add3A_110 : vector<128x16x128xf32>
    %select_n3A_116 = arith.select %gt3A_112, %add3A_110, %mul3A_115 : vector<128x16x128xi1>, vector<128x16x128xf32>
    %reduce_max3A = arith.constant dense<0xFF800000> : vector<128x128xf32>
    %reduce_max3A_117 = vector.multi_reduction <maximumf>, %select_n3A_116, %reduce_max3A [1] : vector<128x16x128xf32> to vector<128x128xf32>
    %swap3A = arith.constant 0 : index
    %swap3A_118 = arith.constant 0 : index
    %swap3A_119 = arith.constant 0 : index
    %swap3A_120 = vector.load %arg12[%swap3A, %swap3A_118, %swap3A_119] : memref<1x128x128xf32, #tpu.memory_space<vmem>>, vector<1x128x128xf32>
    %swap3A_121 = vector.shape_cast %swap3A_120 : vector<1x128x128xf32> to vector<128x128xf32>
    %swap3A_122 = vector.shape_cast %reduce_max3A_117 : vector<128x128xf32> to vector<1x128x128xf32>
    tpu.vector_store %arg12[%swap3A, %swap3A_118, %swap3A_119], %swap3A_122 {strides = array<i32>} : memref<1x128x128xf32, #tpu.memory_space<vmem>>, vector<1x128x128xf32>,
    %reshape3A_123 = vector.shape_cast %select_n3A_116 : vector<128x16x128xf32> to vector<2048x128xf32>
    %get3A_124 = arith.constant 0 : index
    %get3A_125 = arith.constant 0 : index
    %get3A_126 = vector.load %arg8[%get3A_124, %get3A_125] : memref<128x256xf32, #tpu.memory_space<vmem>>, vector<128x256xf32>
    %dot_general3A_127 = arith.constant dense<0.000000e+00> : vector<2048x256xf32>
    %dot_general3A_128 = tpu.matmul %reshape3A_123, %get3A_126, %dot_general3A_127 {dimension_numbers = #tpu.dot_dimension_numbers<[1], [0], [0], [1], [0, 0, 1, 1], [], []>, transpose_lhs_hint = false} : vector<2048x128xf32>, vector<128x256xf32>, vector<2048x256xf32> -> vector<2048x256xf32>
    %get3A_129 = arith.constant 0 : index
    %get3A_130 = arith.constant 0 : index
    %get3A_131 = vector.load %arg9[%get3A_129, %get3A_130] : memref<1x256xf32, #tpu.memory_space<vmem>>, vector<1x256xf32>
    %add3A_132 = vector.broadcast %get3A_131 : vector<1x256xf32> to vector<2048x256xf32>
    %add3A_133 = arith.addf %dot_general3A_128, %add3A_132 : vector<2048x256xf32>
    %max3A = arith.constant 0.000000e+00 : f32
    %max3A_134 = vector.broadcast %max3A : f32 to vector<2048x256xf32>
    %max3A_135 = arith.maximumf %add3A_133, %max3A_134 : vector<2048x256xf32>
    %get3A_136 = arith.constant 0 : index
    %get3A_137 = arith.constant 0 : index
    %get3A_138 = vector.load %arg10[%get3A_136, %get3A_137] : memref<256x512xf32, #tpu.memory_space<vmem>>, vector<256x512xf32>
    %dot_general3A_139 = arith.constant dense<0.000000e+00> : vector<2048x512xf32>
    %dot_general3A_140 = tpu.matmul %max3A_135, %get3A_138, %dot_general3A_139 {dimension_numbers = #tpu.dot_dimension_numbers<[1], [0], [0], [1], [0, 0, 1, 1], [], []>, transpose_lhs_hint = false} : vector<2048x256xf32>, vector<256x512xf32>, vector<2048x512xf32> -> vector<2048x512xf32>
    %get3A_141 = arith.constant 0 : index
    %get3A_142 = arith.constant 0 : index
    %get3A_143 = vector.load %arg11[%get3A_141, %get3A_142] : memref<1x512xf32, #tpu.memory_space<vmem>>, vector<1x512xf32>
    %add3A_144 = vector.broadcast %get3A_143 : vector<1x512xf32> to vector<2048x512xf32>
    %add3A_145 = arith.addf %dot_general3A_140, %add3A_144 : vector<2048x512xf32>
    %max3A_146 = arith.constant 0.000000e+00 : f32
    %max3A_147 = vector.broadcast %max3A_146 : f32 to vector<2048x512xf32>
    %max3A_148 = arith.maximumf %add3A_145, %max3A_147 : vector<2048x512xf32>
    %reshape3A_149 = vector.shape_cast %max3A_148 : vector<2048x512xf32> to vector<128x16x512xf32>
    %reduce_max3A_150 = arith.constant dense<0xFF800000> : vector<128x512xf32>
    %reduce_max3A_151 = vector.multi_reduction <maximumf>, %reshape3A_149, %reduce_max3A_150 [1] : vector<128x16x512xf32> to vector<128x512xf32>
    %reduce_max3A_152 = arith.constant dense<0xFF800000> : vector<512xf32>
    %reduce_max3A_153 = vector.multi_reduction <maximumf>, %reduce_max3A_151, %reduce_max3A_152 [0] : vector<128x512xf32> to vector<512xf32>
    %broadcast_in_dim3A_154 = vector.shape_cast %reduce_max3A_153 : vector<512xf32> to vector<1x512xf32>
    %broadcast_in_dim3A_155 = vector.shape_cast %broadcast_in_dim3A_154 : vector<1x512xf32> to vector<1x512xf32>
    %broadcast_in_dim3A_156 = vector.broadcast %broadcast_in_dim3A_155 : vector<1x512xf32> to vector<8x512xf32>
    %eq3A_157 = arith.constant 0 : i32
    %eq3A_158 = arith.cmpi eq, %arg1, %eq3A_157 : i32
    %convert_element_type3A_159 = arith.extui %eq3A_158 : i1 to i32
    %cond3A = arith.constant 0 : i32
    %cond3A_160 = arith.cmpi ne, %convert_element_type3A_159, %cond3A : i32
    scf.if %cond3A_160 {
      %broadcast_in_dim3A_173 = arith.constant 0xFF800000 : f32
      %broadcast_in_dim3A_174 = vector.broadcast %broadcast_in_dim3A_173 : f32 to vector<8x512xf32>
      %swap3A_175 = arith.constant 0 : index
      %swap3A_176 = arith.constant 0 : index
      %swap3A_177 = arith.constant 0 : index
      %swap3A_178 = vector.load %arg13[%swap3A_175, %swap3A_176, %swap3A_177] : memref<1x8x512xf32, #tpu.memory_space<vmem>>, vector<1x8x512xf32>
      %swap3A_179 = vector.shape_cast %swap3A_178 : vector<1x8x512xf32> to vector<8x512xf32>
      %swap3A_180 = vector.shape_cast %broadcast_in_dim3A_174 : vector<8x512xf32> to vector<1x8x512xf32>
      tpu.vector_store %arg13[%swap3A_175, %swap3A_176, %swap3A_177], %swap3A_180 {strides = array<i32>} : memref<1x8x512xf32, #tpu.memory_space<vmem>>, vector<1x8x512xf32>,
    } else {
    }
    %get3A_161 = arith.constant 0 : index
    %get3A_162 = arith.constant 0 : index
    %get3A_163 = arith.constant 0 : index
    %get3A_164 = vector.load %arg13[%get3A_161, %get3A_162, %get3A_163] : memref<1x8x512xf32, #tpu.memory_space<vmem>>, vector<1x8x512xf32>
    %get3A_165 = vector.shape_cast %get3A_164 : vector<1x8x512xf32> to vector<8x512xf32>
    %max3A_166 = arith.maximumf %get3A_165, %broadcast_in_dim3A_156 : vector<8x512xf32>
    %swap3A_167 = arith.constant 0 : index
    %swap3A_168 = arith.constant 0 : index
    %swap3A_169 = arith.constant 0 : index
    %swap3A_170 = vector.load %arg13[%swap3A_167, %swap3A_168, %swap3A_169] : memref<1x8x512xf32, #tpu.memory_space<vmem>>, vector<1x8x512xf32>
    %swap3A_171 = vector.shape_cast %swap3A_170 : vector<1x8x512xf32> to vector<8x512xf32>
    %swap3A_172 = vector.shape_cast %max3A_166 : vector<8x512xf32> to vector<1x8x512xf32>
    tpu.vector_store %arg13[%swap3A_167, %swap3A_168, %swap3A_169], %swap3A_172 {strides = array<i32>} : memref<1x8x512xf32, #tpu.memory_space<vmem>>, vector<1x8x512xf32>,
    return
  }
  func.func @transform_0(%arg0: i32, %arg1: i32) -> (i32, i32, i32) {
    %c0_i32 = arith.constant 0 : i32
    %c0_i32_0 = arith.constant 0 : i32
    return %arg0, %arg1, %c0_i32 : i32, i32, i32
  }
  func.func @transform_1(%arg0: i32, %arg1: i32) -> (i32, i32, i32) {
    %c0_i32 = arith.constant 0 : i32
    %c0_i32_0 = arith.constant 0 : i32
    return %arg0, %arg1, %c0_i32 : i32, i32, i32
  }
  func.func @transform_2(%arg0: i32, %arg1: i32) -> (i32, i32) {
    %c0_i32 = arith.constant 0 : i32
    %c0_i32_0 = arith.constant 0 : i32
    %c0_i32_1 = arith.constant 0 : i32
    return %c0_i32, %c0_i32_0 : i32, i32
  }
  func.func @transform_3(%arg0: i32, %arg1: i32) -> (i32, i32, i32) {
    %c0_i32 = arith.constant 0 : i32
    %c0_i32_0 = arith.constant 0 : i32
    %c0_i32_1 = arith.constant 0 : i32
    return %arg0, %c0_i32, %c0_i32_0 : i32, i32, i32
  }
  func.func @transform_4(%arg0: i32, %arg1: i32) -> (i32, i32) {
    %c0_i32 = arith.constant 0 : i32
    %c0_i32_0 = arith.constant 0 : i32
    %c0_i32_1 = arith.constant 0 : i32
    return %c0_i32, %c0_i32_0 : i32, i32
  }
  func.func @transform_5(%arg0: i32, %arg1: i32) -> (i32, i32) {
    %c0_i32 = arith.constant 0 : i32
    %c0_i32_0 = arith.constant 0 : i32
    %c0_i32_1 = arith.constant 0 : i32
    return %c0_i32, %c0_i32_0 : i32, i32
  }
  func.func @transform_6(%arg0: i32, %arg1: i32) -> (i32, i32) {
    %c0_i32 = arith.constant 0 : i32
    %c0_i32_0 = arith.constant 0 : i32
    %c0_i32_1 = arith.constant 0 : i32
    return %c0_i32, %c0_i32_0 : i32, i32
  }
  func.func @transform_7(%arg0: i32, %arg1: i32) -> (i32, i32) {
    %c0_i32 = arith.constant 0 : i32
    %c0_i32_0 = arith.constant 0 : i32
    %c0_i32_1 = arith.constant 0 : i32
    return %c0_i32, %c0_i32_0 : i32, i32
  }
  func.func @transform_8(%arg0: i32, %arg1: i32) -> (i32, i32) {
    %c0_i32 = arith.constant 0 : i32
    %c0_i32_0 = arith.constant 0 : i32
    %c0_i32_1 = arith.constant 0 : i32
    return %c0_i32, %c0_i32_0 : i32, i32
  }
  func.func @transform_9(%arg0: i32, %arg1: i32) -> (i32, i32) {
    %c0_i32 = arith.constant 0 : i32
    %c0_i32_0 = arith.constant 0 : i32
    %c0_i32_1 = arith.constant 0 : i32
    return %c0_i32, %c0_i32_0 : i32, i32
  }
  func.func @transform_10(%arg0: i32, %arg1: i32) -> (i32, i32, i32) {
    %c0_i32 = arith.constant 0 : i32
    %c0_i32_0 = arith.constant 0 : i32
    return %arg0, %arg1, %c0_i32 : i32, i32, i32
  }
  func.func @transform_11(%arg0: i32, %arg1: i32) -> (i32, i32, i32) {
    %c0_i32 = arith.constant 0 : i32
    %c0_i32_0 = arith.constant 0 : i32
    %c0_i32_1 = arith.constant 0 : i32
    return %arg0, %c0_i32, %c0_i32_0 : i32, i32, i32
  }
}

module attributes {stable_mosaic.version = 14 : i64} {
  func.func @_mlp2_body(%arg0: i32, %arg1: i32, %arg2: memref<1x512x128xf32, #tpu.memory_space<vmem>>, %arg3: memref<1x8x512xf32, #tpu.memory_space<vmem>>, %arg4: memref<128x256xf32, #tpu.memory_space<vmem>>, %arg5: memref<512x256xf32, #tpu.memory_space<vmem>>, %arg6: memref<1x256xf32, #tpu.memory_space<vmem>>, %arg7: memref<256x128xf32, #tpu.memory_space<vmem>>, %arg8: memref<1x128xf32, #tpu.memory_space<vmem>>, %arg9: memref<128x256xf32, #tpu.memory_space<vmem>>, %arg10: memref<1x256xf32, #tpu.memory_space<vmem>>, %arg11: memref<256x512xf32, #tpu.memory_space<vmem>>, %arg12: memref<1x512xf32, #tpu.memory_space<vmem>>, %arg13: memref<1x128x512xf32, #tpu.memory_space<vmem>>, %arg14: memref<1x8x512xf32, #tpu.memory_space<vmem>>) attributes {dimension_semantics = [#tpu.dimension_semantics<arbitrary>, #tpu.dimension_semantics<arbitrary>], iteration_bounds = array<i64: 4, 4>, scalar_prefetch = 0 : i64, scratch_operands = 0 : i64, tpu.core_type = #tpu.core_type<tc>, window_params = [{transform_indices = @transform_0, window_bounds = array<i64: 1, 512, 128>}, {transform_indices = @transform_1, window_bounds = array<i64: 1, 8, 512>}, {pipeline_mode = #tpu.pipeline_mode<synchronous>, transform_indices = @transform_2, window_bounds = array<i64: 128, 256>}, {pipeline_mode = #tpu.pipeline_mode<synchronous>, transform_indices = @transform_3, window_bounds = array<i64: 512, 256>}, {pipeline_mode = #tpu.pipeline_mode<synchronous>, transform_indices = @transform_4, window_bounds = array<i64: 1, 256>}, {pipeline_mode = #tpu.pipeline_mode<synchronous>, transform_indices = @transform_5, window_bounds = array<i64: 256, 128>}, {pipeline_mode = #tpu.pipeline_mode<synchronous>, transform_indices = @transform_6, window_bounds = array<i64: 1, 128>}, {pipeline_mode = #tpu.pipeline_mode<synchronous>, transform_indices = @transform_7, window_bounds = array<i64: 128, 256>}, {pipeline_mode = #tpu.pipeline_mode<synchronous>, transform_indices = @transform_8, window_bounds = array<i64: 1, 256>}, {pipeline_mode = #tpu.pipeline_mode<synchronous>, transform_indices = @transform_9, window_bounds = array<i64: 256, 512>}, {pipeline_mode = #tpu.pipeline_mode<synchronous>, transform_indices = @transform_10, window_bounds = array<i64: 1, 512>}, {transform_indices = @transform_11, window_bounds = array<i64: 1, 128, 512>}, {transform_indices = @transform_12, window_bounds = array<i64: 1, 8, 512>}]} {
    %get3A = arith.constant 0 : index
    %get3A_0 = arith.constant 0 : index
    %get3A_1 = arith.constant 0 : index
    %get3A_2 = vector.load %arg2[%get3A, %get3A_0, %get3A_1] : memref<1x512x128xf32, #tpu.memory_space<vmem>>, vector<1x512x128xf32>
    %get3A_3 = vector.shape_cast %get3A_2 : vector<1x512x128xf32> to vector<512x128xf32>
    %get3A_4 = arith.constant 0 : index
    %get3A_5 = arith.constant 0 : index
    %get3A_6 = arith.constant 0 : index
    %get3A_7 = vector.load %arg3[%get3A_4, %get3A_5, %get3A_6] : memref<1x8x512xf32, #tpu.memory_space<vmem>>, vector<1x8x512xf32>
    %get3A_8 = vector.shape_cast %get3A_7 : vector<1x8x512xf32> to vector<8x512xf32>
    %reduce_max3A = arith.constant dense<0xFF800000> : vector<512xf32>
    %reduce_max3A_9 = vector.multi_reduction <maximumf>, %get3A_8, %reduce_max3A [0] : vector<8x512xf32> to vector<512xf32>
    %broadcast_in_dim3A = vector.shape_cast %reduce_max3A_9 : vector<512xf32> to vector<1x512xf32>
    %get3A_10 = arith.constant 0 : index
    %get3A_11 = arith.constant 0 : index
    %get3A_12 = vector.load %arg5[%get3A_10, %get3A_11] : memref<512x256xf32, #tpu.memory_space<vmem>>, vector<512x256xf32>
    %dot_general3A = arith.constant dense<0.000000e+00> : vector<1x256xf32>
    %dot_general3A_13 = tpu.matmul %broadcast_in_dim3A, %get3A_12, %dot_general3A {dimension_numbers = #tpu.dot_dimension_numbers<[1], [0], [0], [1], [0, 0, 1, 1], [], []>, transpose_lhs_hint = false} : vector<1x512xf32>, vector<512x256xf32>, vector<1x256xf32> -> vector<1x256xf32>
    %get3A_14 = arith.constant 0 : index
    %get3A_15 = arith.constant 0 : index
    %get3A_16 = vector.load %arg4[%get3A_14, %get3A_15] : memref<128x256xf32, #tpu.memory_space<vmem>>, vector<128x256xf32>
    %dot_general3A_17 = arith.constant dense<0.000000e+00> : vector<512x256xf32>
    %dot_general3A_18 = tpu.matmul %get3A_3, %get3A_16, %dot_general3A_17 {dimension_numbers = #tpu.dot_dimension_numbers<[1], [0], [0], [1], [0, 0, 1, 1], [], []>, transpose_lhs_hint = false} : vector<512x128xf32>, vector<128x256xf32>, vector<512x256xf32> -> vector<512x256xf32>
    %add3A = vector.broadcast %dot_general3A_13 : vector<1x256xf32> to vector<512x256xf32>
    %add3A_19 = arith.addf %dot_general3A_18, %add3A : vector<512x256xf32>
    %get3A_20 = arith.constant 0 : index
    %get3A_21 = arith.constant 0 : index
    %get3A_22 = vector.load %arg6[%get3A_20, %get3A_21] : memref<1x256xf32, #tpu.memory_space<vmem>>, vector<1x256xf32>
    %add3A_23 = vector.broadcast %get3A_22 : vector<1x256xf32> to vector<512x256xf32>
    %add3A_24 = arith.addf %add3A_19, %add3A_23 : vector<512x256xf32>
    %max3A = arith.constant 0.000000e+00 : f32
    %max3A_25 = vector.broadcast %max3A : f32 to vector<512x256xf32>
    %max3A_26 = arith.maximumf %add3A_24, %max3A_25 : vector<512x256xf32>
    %get3A_27 = arith.constant 0 : index
    %get3A_28 = arith.constant 0 : index
    %get3A_29 = vector.load %arg7[%get3A_27, %get3A_28] : memref<256x128xf32, #tpu.memory_space<vmem>>, vector<256x128xf32>
    %dot_general3A_30 = arith.constant dense<0.000000e+00> : vector<512x128xf32>
    %dot_general3A_31 = tpu.matmul %max3A_26, %get3A_29, %dot_general3A_30 {dimension_numbers = #tpu.dot_dimension_numbers<[1], [0], [0], [1], [0, 0, 1, 1], [], []>, transpose_lhs_hint = false} : vector<512x256xf32>, vector<256x128xf32>, vector<512x128xf32> -> vector<512x128xf32>
    %get3A_32 = arith.constant 0 : index
    %get3A_33 = arith.constant 0 : index
    %get3A_34 = vector.load %arg8[%get3A_32, %get3A_33] : memref<1x128xf32, #tpu.memory_space<vmem>>, vector<1x128xf32>
    %add3A_35 = vector.broadcast %get3A_34 : vector<1x128xf32> to vector<512x128xf32>
    %add3A_36 = arith.addf %dot_general3A_31, %add3A_35 : vector<512x128xf32>
    %max3A_37 = arith.constant 0.000000e+00 : f32
    %max3A_38 = vector.broadcast %max3A_37 : f32 to vector<512x128xf32>
    %max3A_39 = arith.maximumf %add3A_36, %max3A_38 : vector<512x128xf32>
    %transpose3A = tpu.transpose %max3A_39, [1, 0] : vector<512x128xf32> -> vector<128x512xf32>
    %swap3A = arith.constant 0 : index
    %swap3A_40 = arith.constant 0 : index
    %swap3A_41 = arith.constant 0 : index
    %swap3A_42 = vector.load %arg13[%swap3A, %swap3A_40, %swap3A_41] : memref<1x128x512xf32, #tpu.memory_space<vmem>>, vector<1x128x512xf32>
    %swap3A_43 = vector.shape_cast %swap3A_42 : vector<1x128x512xf32> to vector<128x512xf32>
    %swap3A_44 = vector.shape_cast %transpose3A : vector<128x512xf32> to vector<1x128x512xf32>
    tpu.vector_store %arg13[%swap3A, %swap3A_40, %swap3A_41], %swap3A_44 {strides = array<i32>} : memref<1x128x512xf32, #tpu.memory_space<vmem>>, vector<1x128x512xf32>,
    %get3A_45 = arith.constant 0 : index
    %get3A_46 = arith.constant 0 : index
    %get3A_47 = vector.load %arg9[%get3A_45, %get3A_46] : memref<128x256xf32, #tpu.memory_space<vmem>>, vector<128x256xf32>
    %dot_general3A_48 = arith.constant dense<0.000000e+00> : vector<512x256xf32>
    %dot_general3A_49 = tpu.matmul %max3A_39, %get3A_47, %dot_general3A_48 {dimension_numbers = #tpu.dot_dimension_numbers<[1], [0], [0], [1], [0, 0, 1, 1], [], []>, transpose_lhs_hint = false} : vector<512x128xf32>, vector<128x256xf32>, vector<512x256xf32> -> vector<512x256xf32>
    %get3A_50 = arith.constant 0 : index
    %get3A_51 = arith.constant 0 : index
    %get3A_52 = vector.load %arg10[%get3A_50, %get3A_51] : memref<1x256xf32, #tpu.memory_space<vmem>>, vector<1x256xf32>
    %add3A_53 = vector.broadcast %get3A_52 : vector<1x256xf32> to vector<512x256xf32>
    %add3A_54 = arith.addf %dot_general3A_49, %add3A_53 : vector<512x256xf32>
    %max3A_55 = arith.constant 0.000000e+00 : f32
    %max3A_56 = vector.broadcast %max3A_55 : f32 to vector<512x256xf32>
    %max3A_57 = arith.maximumf %add3A_54, %max3A_56 : vector<512x256xf32>
    %get3A_58 = arith.constant 0 : index
    %get3A_59 = arith.constant 0 : index
    %get3A_60 = vector.load %arg11[%get3A_58, %get3A_59] : memref<256x512xf32, #tpu.memory_space<vmem>>, vector<256x512xf32>
    %dot_general3A_61 = arith.constant dense<0.000000e+00> : vector<512x512xf32>
    %dot_general3A_62 = tpu.matmul %max3A_57, %get3A_60, %dot_general3A_61 {dimension_numbers = #tpu.dot_dimension_numbers<[1], [0], [0], [1], [0, 0, 1, 1], [], []>, transpose_lhs_hint = false} : vector<512x256xf32>, vector<256x512xf32>, vector<512x512xf32> -> vector<512x512xf32>
    %get3A_63 = arith.constant 0 : index
    %get3A_64 = arith.constant 0 : index
    %get3A_65 = vector.load %arg12[%get3A_63, %get3A_64] : memref<1x512xf32, #tpu.memory_space<vmem>>, vector<1x512xf32>
    %add3A_66 = vector.broadcast %get3A_65 : vector<1x512xf32> to vector<512x512xf32>
    %add3A_67 = arith.addf %dot_general3A_62, %add3A_66 : vector<512x512xf32>
    %max3A_68 = arith.constant 0.000000e+00 : f32
    %max3A_69 = vector.broadcast %max3A_68 : f32 to vector<512x512xf32>
    %max3A_70 = arith.maximumf %add3A_67, %max3A_69 : vector<512x512xf32>
    %reduce_max3A_71 = arith.constant dense<0xFF800000> : vector<512xf32>
    %reduce_max3A_72 = vector.multi_reduction <maximumf>, %max3A_70, %reduce_max3A_71 [0] : vector<512x512xf32> to vector<512xf32>
    %broadcast_in_dim3A_73 = vector.shape_cast %reduce_max3A_72 : vector<512xf32> to vector<1x512xf32>
    %broadcast_in_dim3A_74 = vector.shape_cast %broadcast_in_dim3A_73 : vector<1x512xf32> to vector<1x512xf32>
    %broadcast_in_dim3A_75 = vector.broadcast %broadcast_in_dim3A_74 : vector<1x512xf32> to vector<8x512xf32>
    %eq3A = arith.constant 0 : i32
    %eq3A_76 = arith.cmpi eq, %arg1, %eq3A : i32
    %convert_element_type3A = arith.extui %eq3A_76 : i1 to i32
    %cond3A = arith.constant 0 : i32
    %cond3A_77 = arith.cmpi ne, %convert_element_type3A, %cond3A : i32
    scf.if %cond3A_77 {
      %broadcast_in_dim3A_90 = arith.constant 0xFF800000 : f32
      %broadcast_in_dim3A_91 = vector.broadcast %broadcast_in_dim3A_90 : f32 to vector<8x512xf32>
      %swap3A_92 = arith.constant 0 : index
      %swap3A_93 = arith.constant 0 : index
      %swap3A_94 = arith.constant 0 : index
      %swap3A_95 = vector.load %arg14[%swap3A_92, %swap3A_93, %swap3A_94] : memref<1x8x512xf32, #tpu.memory_space<vmem>>, vector<1x8x512xf32>
      %swap3A_96 = vector.shape_cast %swap3A_95 : vector<1x8x512xf32> to vector<8x512xf32>
      %swap3A_97 = vector.shape_cast %broadcast_in_dim3A_91 : vector<8x512xf32> to vector<1x8x512xf32>
      tpu.vector_store %arg14[%swap3A_92, %swap3A_93, %swap3A_94], %swap3A_97 {strides = array<i32>} : memref<1x8x512xf32, #tpu.memory_space<vmem>>, vector<1x8x512xf32>,
    } else {
    }
    %get3A_78 = arith.constant 0 : index
    %get3A_79 = arith.constant 0 : index
    %get3A_80 = arith.constant 0 : index
    %get3A_81 = vector.load %arg14[%get3A_78, %get3A_79, %get3A_80] : memref<1x8x512xf32, #tpu.memory_space<vmem>>, vector<1x8x512xf32>
    %get3A_82 = vector.shape_cast %get3A_81 : vector<1x8x512xf32> to vector<8x512xf32>
    %max3A_83 = arith.maximumf %get3A_82, %broadcast_in_dim3A_75 : vector<8x512xf32>
    %swap3A_84 = arith.constant 0 : index
    %swap3A_85 = arith.constant 0 : index
    %swap3A_86 = arith.constant 0 : index
    %swap3A_87 = vector.load %arg14[%swap3A_84, %swap3A_85, %swap3A_86] : memref<1x8x512xf32, #tpu.memory_space<vmem>>, vector<1x8x512xf32>
    %swap3A_88 = vector.shape_cast %swap3A_87 : vector<1x8x512xf32> to vector<8x512xf32>
    %swap3A_89 = vector.shape_cast %max3A_83 : vector<8x512xf32> to vector<1x8x512xf32>
    tpu.vector_store %arg14[%swap3A_84, %swap3A_85, %swap3A_86], %swap3A_89 {strides = array<i32>} : memref<1x8x512xf32, #tpu.memory_space<vmem>>, vector<1x8x512xf32>,
    return
  }
  func.func @transform_0(%arg0: i32, %arg1: i32) -> (i32, i32, i32) {
    %c0_i32 = arith.constant 0 : i32
    %c0_i32_0 = arith.constant 0 : i32
    return %arg0, %arg1, %c0_i32 : i32, i32, i32
  }
  func.func @transform_1(%arg0: i32, %arg1: i32) -> (i32, i32, i32) {
    %c0_i32 = arith.constant 0 : i32
    %c0_i32_0 = arith.constant 0 : i32
    %c0_i32_1 = arith.constant 0 : i32
    return %arg0, %c0_i32, %c0_i32_0 : i32, i32, i32
  }
  func.func @transform_2(%arg0: i32, %arg1: i32) -> (i32, i32) {
    %c0_i32 = arith.constant 0 : i32
    %c0_i32_0 = arith.constant 0 : i32
    %c0_i32_1 = arith.constant 0 : i32
    return %c0_i32, %c0_i32_0 : i32, i32
  }
  func.func @transform_3(%arg0: i32, %arg1: i32) -> (i32, i32) {
    %c0_i32 = arith.constant 0 : i32
    %c0_i32_0 = arith.constant 0 : i32
    %c0_i32_1 = arith.constant 0 : i32
    return %c0_i32, %c0_i32_0 : i32, i32
  }
  func.func @transform_4(%arg0: i32, %arg1: i32) -> (i32, i32) {
    %c0_i32 = arith.constant 0 : i32
    %c0_i32_0 = arith.constant 0 : i32
    %c0_i32_1 = arith.constant 0 : i32
    return %c0_i32, %c0_i32_0 : i32, i32
  }
  func.func @transform_5(%arg0: i32, %arg1: i32) -> (i32, i32) {
    %c0_i32 = arith.constant 0 : i32
    %c0_i32_0 = arith.constant 0 : i32
    %c0_i32_1 = arith.constant 0 : i32
    return %c0_i32, %c0_i32_0 : i32, i32
  }
  func.func @transform_6(%arg0: i32, %arg1: i32) -> (i32, i32) {
    %c0_i32 = arith.constant 0 : i32
    %c0_i32_0 = arith.constant 0 : i32
    %c0_i32_1 = arith.constant 0 : i32
    return %c0_i32, %c0_i32_0 : i32, i32
  }
  func.func @transform_7(%arg0: i32, %arg1: i32) -> (i32, i32) {
    %c0_i32 = arith.constant 0 : i32
    %c0_i32_0 = arith.constant 0 : i32
    %c0_i32_1 = arith.constant 0 : i32
    return %c0_i32, %c0_i32_0 : i32, i32
  }
  func.func @transform_8(%arg0: i32, %arg1: i32) -> (i32, i32) {
    %c0_i32 = arith.constant 0 : i32
    %c0_i32_0 = arith.constant 0 : i32
    %c0_i32_1 = arith.constant 0 : i32
    return %c0_i32, %c0_i32_0 : i32, i32
  }
  func.func @transform_9(%arg0: i32, %arg1: i32) -> (i32, i32) {
    %c0_i32 = arith.constant 0 : i32
    %c0_i32_0 = arith.constant 0 : i32
    %c0_i32_1 = arith.constant 0 : i32
    return %c0_i32, %c0_i32_0 : i32, i32
  }
  func.func @transform_10(%arg0: i32, %arg1: i32) -> (i32, i32) {
    %c0_i32 = arith.constant 0 : i32
    %c0_i32_0 = arith.constant 0 : i32
    %c0_i32_1 = arith.constant 0 : i32
    return %c0_i32, %c0_i32_0 : i32, i32
  }
  func.func @transform_11(%arg0: i32, %arg1: i32) -> (i32, i32, i32) {
    %c0_i32 = arith.constant 0 : i32
    %c0_i32_0 = arith.constant 0 : i32
    return %arg0, %c0_i32, %arg1 : i32, i32, i32
  }
  func.func @transform_12(%arg0: i32, %arg1: i32) -> (i32, i32, i32) {
    %c0_i32 = arith.constant 0 : i32
    %c0_i32_0 = arith.constant 0 : i32
    %c0_i32_1 = arith.constant 0 : i32
    return %arg0, %c0_i32, %c0_i32_0 : i32, i32, i32
  }
}

</mosaic_0001>

<sc_bundles>
// kernel: kernel.9.cloned.1.call-start
scs
__scs_entry_jumppad:
0x0: {  	(pc) =	sbr.rel $0x88, $3  }
0x1: {  	(tag) =	ssettag $0x0;
	lr =	simm.s32 $0x1  }
0x2: {  	[smem:$0x3F8E] =	sst lr;
	_ =	strace $0xD0000000  }
0x3: {  	_ = 	snop  }
0x4: {  	_ = 	snop  }
0x5: {  	_ = 	snop  }
0x6: {  	_ = 	snop  }
0x7: {  	_ = 	snop  }
__scs_overlays_trampoline_lowered:
0x8: {  	[smem:$0x3F9D] =	sst s0  }
0x9: {  	[smem:$0x3F9E] =	sst s1  }
0xa: {  	[smem:$0x3F9F] =	sst s2  }
0xb: {  	[smem:$0x3FA0] =	sst s3  }
0xc: {  	[smem:$0x3FA1] =	sst s4  }
0xd: {  	[smem:$0x3FA2] =	sst s5  }
0xe: {  	[smem:$0x3FA3] =	sst s6  }
0xf: {  	[smem:$0x3FA4] =	sst s7  }
0x10: {  	[smem:$0x3FA5] =	sst s8  }
0x11: {  	[smem:$0x3FA6] =	sst s9;
	s0 =	simm.s32 @!p0 $0x0  }
0x12: {  	s1 =	sld [smem:$0x3F8C];
	s0 =	simm.s32 @p0 $0x1  }
0x13: {  	[smem:$0x3FA7] =	sst s0;
	s0 =	simm.s32 @!p1 $0x0  }
0x14: {  	s2 =	sld [smem:$0x3F8B];
	s0 =	simm.s32 @p1 $0x1  }
0x15: {  	[smem:$0x3FA8] =	sst s0;
	s0 =	simm.s32 @!p2 $0x0  }
0x16: {  	s3 =	sld [smem:$0x3FDB];
	s0 =	simm.s32 @p2 $0x1  }
0x17: {  	s4 =	simm.s32 $0x1BF5;
	[smem:$0x3FAA] =	sst s0  }
0x18: {  	s0 =	sld [smem:$0x3F8D];
	_ =	swait.ge [sflag:s4], $0x0  }
0x19: {  	s7 =	sld [smem:$0x3F8E]  }
0x1a: {  	s8 =	sadd.s32 $0xFFFFE003, lr  }
0x1b: {  	s9 =	sadd.s32 $0xFFFFFEF7, lr;
	s5 =	simm.s32 $0xFFFFFFFF;
	p2 =	slt.u32 s8, $0xFFFFF086  }
0x1c: {  	p1 =	slt.u32 s9, $0xF7A;
	s5 =	simm.s32 @!p2 $0x0  }
0x1d: {  	s5 =	simm.s32 @p1 $0x1;
	p0 =	seq.s32 s7, s2  }
0x1e: {  	s7 =	smul.u32 @!p0 $0xF7A, s2;
	p2 =	seq.s32 @!p0 s5, $0x0  }
0x1f: {  	s9 =	smul.u32 $0xF7A, s1;
	s8 =	simm.s32 @!p0 $0x1BF5;
	p2 =	por !p2, p0  }
0x20: {  	[sflag:s8] =	ssyncset.s32 @!p0 $0xFFFFF086;
	s6 =	sadd.s32 @!p0 s3, s7;
	s7 =	simm.s32 @!p0 $0x108  }
0x21: {  	s3 =	sadd.s32 s3, s9;
	s6 =	sadd.s32 @!p0 $0x88, s6;
	s7 =	simm.s32 @p2 $0x1082  }
0x22: {  	[simem:s7], [sflag:s8] =	dma.local @!p0 [hbm:s6], $0xF7A  }
0x23: {  	s9 =	sor.u32 $0xD0000000, s2;
	s6 =	simm.s32 $0x108;
	_ =	swait.ge @!p0 [sflag:s8], $0x0  }
0x24: {  	s3 =	sadd.s32 $0x88, s3;
	s6 =	simm.s32 @!p1 $0x1082;
	[sflag:s4] =	ssyncset.s32 $0xFFFFF086  }
0x25: {  	[simem:s6], [sflag:s4] =	dma.local [hbm:s3], $0xF7A  }
0x26: {  	[smem:$0x3F8E] =	sst s1;
	(tag) =	ssettag s2;
	_ =	strace s9  }
0x27: {  	s1 =	sld [smem:$0x3F9E]  }
0x28: {  	s2 =	sld [smem:$0x3F9F]  }
0x29: {  	s4 =	sld [smem:$0x3FA1]  }
0x2a: {  	p0 =	seq.s32 s5, $0x0;
	s5 =	sld [smem:$0x3FA2]  }
0x2b: {  	s6 =	sld [smem:$0x3FA3]  }
0x2c: {  	s7 =	sld [smem:$0x3FA4]  }
0x2d: {  	s3 =	simm.s32 $0x108;
	s8 =	sld [smem:$0x3FA5]  }
0x2e: {  	s3 =	simm.s32 @!p0 $0x1082;
	s9 =	sld [smem:$0x3FA6]  }
0x2f: {  	lr =	sadd.s32 s0, s3;
	s0 =	sld [smem:$0x3F9D]  }
0x30: {  	s3 =	sld [smem:$0x3FA0]  }
0x31: {  	[smem:$0x3FA9] =	sst s10  }
0x32: {  	s10 =	sld [smem:$0x3FA7];
	_ =	sdelay $0x3  }
0x33: {  	p0 =	seq.s32 s10, $0x1;
	s10 =	sld [smem:$0x3FA9];
	_ =	sdelay $0x3  }
0x34: {  	[smem:$0x3FA9] =	sst s10  }
0x35: {  	s10 =	sld [smem:$0x3FA8];
	_ =	sdelay $0x3  }
0x36: {  	p1 =	seq.s32 s10, $0x1;
	s10 =	sld [smem:$0x3FA9];
	_ =	sdelay $0x3  }
0x37: {  	[smem:$0x3FA9] =	sst s10  }
0x38: {  	s10 =	sld [smem:$0x3FAA]  }
0x39: {  	_ = 	snop;
	(pc) =	sbr.ind lr, $3  }
0x3a: {  	_ = 	snop  }
0x3b: {  	_ = 	snop  }
0x3c: {  	p2 =	seq.s32 s10, $0x1;
	s10 =	sld [smem:$0x3FA9]  }
0x3d: {  	_ =	shalt  }
0x3e: {  	_ =	shalt  }
0x3f: {  	_ =	shalt  }
0x40: {  	_ =	shalt  }
0x41: {  	_ =	shalt  }
0x42: {  	_ =	shalt  }
0x43: {  	_ =	shalt  }
0x44: {  	_ =	shalt  }
0x45: {  	_ =	shalt  }
0x46: {  	_ =	shalt  }
0x47: {  	_ =	shalt  }
0x48: {  	_ =	shalt  }
0x49: {  	_ =	shalt  }
0x4a: {  	_ =	shalt  }
0x4b: {  	_ =	shalt  }
0x4c: {  	_ =	shalt  }
0x4d: {  	_ =	shalt  }
0x4e: {  	_ =	shalt  }
0x4f: {  	_ =	shalt  }
0x50: {  	_ =	shalt  }
0x51: {  	_ =	shalt  }
0x52: {  	_ =	shalt  }
0x53: {  	_ =	shalt  }
0x54: {  	_ =	shalt  }
0x55: {  	_ =	shalt  }
0x56: {  	_ =	shalt  }
0x57: {  	_ =	shalt  }
0x58: {  	_ =	shalt  }
0x59: {  	_ =	shalt  }
0x5a: {  	_ =	shalt  }
0x5b: {  	_ =	shalt  }
0x5c: {  	_ =	shalt  }
0x5d: {  	_ =	shalt  }
0x5e: {  	_ =	shalt  }
0x5f: {  	_ =	shalt  }
0x60: {  	_ =	shalt  }
0x61: {  	_ =	shalt  }
0x62: {  	_ =	shalt  }
0x63: {  	_ =	shalt  }
0x64: {  	_ =	shalt  }
0x65: {  	_ =	shalt  }
0x66: {  	_ =	shalt  }
0x67: {  	_ =	shalt  }
0x68: {  	_ =	shalt  }
0x69: {  	_ =	shalt  }
0x6a: {  	_ =	shalt  }
0x6b: {  	_ =	shalt  }
0x6c: {  	_ =	shalt  }
0x6d: {  	_ =	shalt  }
0x6e: {  	_ =	shalt  }
0x6f: {  	_ =	shalt  }
0x70: {  	_ =	shalt  }
0x71: {  	_ =	shalt  }
0x72: {  	_ =	shalt  }
0x73: {  	_ =	shalt  }
0x74: {  	_ =	shalt  }
0x75: {  	_ =	shalt  }
0x76: {  	_ =	shalt  }
0x77: {  	_ =	shalt  }
0x78: {  	_ =	shalt  }
0x79: {  	_ =	shalt  }
0x7a: {  	_ =	shalt  }
0x7b: {  	_ =	shalt  }
0x7c: {  	_ =	shalt  }
0x7d: {  	_ =	shalt  }
0x7e: {  	_ =	shalt  }
0x7f: {  	_ =	shalt  }
0x80: {  	_ =	shalt  }
0x81: {  	_ =	shalt  }
0x82: {  	_ =	shalt  }
0x83: {  	_ =	shalt  }
0x84: {  	_ =	shalt  }
0x85: {  	_ =	shalt  }
0x86: {  	_ =	shalt  }
0x87: {  	_ =	shalt  }
.Lfunc_end0:
.L_simem_size_0:
called_computation_lowered:
.L_overlay_start_0:
0x88: {  	s2 =	sld [smem:$0x3FD9]  }
0x89: {  	s3 =	sld [smem:$0x3FFE];
	_ =	sdelay $0x1  }
0x8a: {  	s1 =	srdreg.scid  }
0x8b: {  	s0 =	sand.u32 $0x1, s1  }
0x8c: {  	s14 =	sshll.u32 s0, $0xA;
	s2 =	sadd.s32 s3, s2  }
0x8d: {  	s2 =	sadd.s32 s2, s14  }
0x8e: {  	[smem:$0x3FB5] =	sst s2  }
0x8f: {  	_ = 	snop  }
0x90: {  	s2 =	sld [smem:$0x3FD0];
	_ =	sdelay $0x2  }
0x91: {  	s15 =	simm.s32 $0xA;
	s4 =	simm.s32 $0x10  }
0x92: {  	[smem:s4], [sflag:s15] =	dma.local [hbm:s2], $0x1  }
0x93: {  	_ =	swait.eq [sflag:s15], $0x1  }
0x94: {  	[sflag:s15] =	ssyncset.done $0x0  }
0x95: {  	[sflag:s15] =	ssyncadd.s32 $0xFFFFFFFF  }
0x96: {  	s16 =	sld [smem:$0x11];
	(tm) =	ssettm $0x1  }
0x97: {  	s17 =	sld [smem:$0x3FFB];
	_ =	sdelay $0x3  }
0x98: {  	_ =	strace s17  }
0x99: {  	s3 =	sld [smem:$0x3FFC];
	_ =	sdelay $0x3  }
0x9a: {  	_ =	strace s3  }
0x9b: {  	s3 =	sld [smem:$0x3FFD];
	_ =	sdelay $0x3  }
0x9c: {  	_ =	strace s3  }
0x9d: {  	_ =	strace $0x8FFFFFFF  }
0x9e: {  	s18 =	sld [smem:$0x3FDB];
	_ =	sdelay $0x1  }
0x9f: {  	s19 =	simm.s32 $_scs_section_size  }
0xa0: {  	s5 =	simm.s32 $_size__tile_overlayer_lowered;
	s6 =	simm.s32 $_tile_overlayer_lowered  }
0xa1: {  	s22 =	simm.s32 $0x1BFF;
	s21 =	sshll.u32 s6, $0x1;
	s3 =	sadd.s32 s19, s18  }
0xa2: {  	s7 =	simm.s32 $0x0;
	s20 =	sshll.u32 s5, $0x1;
	s5 =	sadd.s32 s21, s3  }
0xa3: {  	[timem:s7], [sflag:s22] =	dma.local [hbm:s5], s20  }
0xa4: {  	_ =	swait.ge [sflag:s22], s20  }
0xa5: {  	s4 =	ssub.s32 $0x0, s20;
	[sflag:s22] =	ssyncset.done $0x0  }
0xa6: {  	[sflag:s22] =	ssyncadd.s32 s4;
	_ =	sdelay $0x1  }
0xa7: {  	s23 =	simm.s32 $0x1B8B  }
0xa8: {  	_ =	swait.ge [sflag:s23], $0x1  }
0xa9: {  	[sflag:s23] =	ssyncset.done $0x0  }
0xaa: {  	s25 =	simm.s32 $0x1B8E;
	s24 =	sld [smem:$0x3FFE];
	[sflag:s23] =	ssyncadd.s32 $0xFFFFFFFF  }
0xab: {  	s26 =	simm.s32 $execute0_lowered;
	[smem:$0x3FD2] =	sst s25  }
0xac: {  	s5 =	sshll.u32 s26, $0x1;
	_ =	strace $0x80000046;
	[dreg:$0x1] =	wrdreg $0xFFFFFFFF  }
0xad: {  	s28 =	simm.s32 $_size_execute0_lowered;
	s3 =	sadd.s32 s3, s5;
	[dreg:$0x0] =	wrdreg $0x0  }
0xae: {  	s5 =	sshll.u32 s28, $0x1;
	[dreg:$0x2] =	wrdreg s3  }
0xaf: {  	[dreg:$0x3] =	wrdreg s5  }
0xb0: {  	[dreg:$0x4] =	wrdreg $0xC0  }
0xb1: {  	_ =	task [dreg:s7], $0x5FFFF  }
0xb2: {  	[dreg:$0x1] =	wrdreg $0xFFFFFFFF  }
0xb3: {  	[dreg:$0x0] =	wrdreg $0x60  }
0xb4: {  	[dreg:$0x2] =	wrdreg s16  }
0xb5: {  	[dreg:$0x3] =	wrdreg s24  }
0xb6: {  	[dreg:$0x4] =	wrdreg $0x9  }
0xb7: {  	_ =	task.clear_ibuf [dreg:s7], $0x5FFFF;
	_ =	strace $0x90000046  }
0xb8: {  	s29 =	simm.s32 $0x9;
	_ =	strace $0x80000048  }
0xb9: {  	_ =	swait.ge [sflag:s29], $0x1  }
0xba: {  	[sflag:s29] =	ssyncadd.s32 $0xFFFFFFFF  }
0xbb: {  	_ =	strace $0x90000048  }
0xbc: {  	_ =	sfence  }
0xbd: {  	s30 =	sld [smem:$0x0];
	_ =	sdelay $0x2  }
0xbe: {  	s31 =	sshll.u32 s1, $0xD;
	s1 =	sshrl.u32 s1, $0x2  }
0xbf: {  	s3 =	sand.u32 $0x4000, s31;
	s1 =	sadd.s32 s1, s30  }
0xc0: {  	s0 =	sor.u32 s3, s0;
	s1 =	sshll.u32 s1, $0x11  }
0xc1: {  	s0 =	sor.u32 s1, s0  }
0xc2: {  	s0 =	sadd.s32 $0x8F2B, s0  }
0xc3: {  	[sflag:s0] =	ssyncadd.remote.s32 $0x1  }
0xc4: {  	_ =	sfence.sel $0xFFFF  }
0xc5: {  	[dreg:$0x0] =	wrdreg $0xFFFFFFFF;
	(pc) =	sbr.abs _section_cstart, $3  }
0xc6: {  	[dreg:$0x1] =	wrdreg $0xFFFFFFFF  }
0xc7: {  	_ =	task.clear_ibuf [dreg:s7], $0x2FFFF;
	_ =	strace $0x9FFFFFFF  }
0xc8: {  	(tm) =	ssettm $0x7FFFFFFF  }
0xc9: {  	_ =	shalt  }
tec
execute0_lowered:
.L_overlay_start_1:
0x0: {  	(tag) =	ssettag $0x1  }
0x1: {  	s0 =	srdreg.scid  }
0x2: {  	s3 =	rddreg [dreg:$0x0];
	s1 =	stileid.u32  }
0x3: {  	s22 =	rddreg [dreg:$0x1];
	s2 =	simm.s32 $0x0;
	s6 =	sand.u32 $0x1, s0  }
0x4: {  	s1 =	sshll.u32 s1, $0xD;
	[smem:$0x7FF] =	sst s2;
	s4 =	sshll.u32 s6, $0xC  }
0x5: {  	p0 =	por $0x0, $0x0;
	_ =	strace $0x80000047;
	s5 =	sor.u32 s4, s1  }
0x6: {  	s6 =	ssub.s32 $0x2, s6;
	s1 =	sadd.s32 $0x3800, s22;
	s4 =	sshrl.u32 s5, $0x3  }
0x7: {  	s8 =	sor.u32 $0x80, s5;
	s24 =	sshll.u32 s5, $0x4;
	s9 =	sor.u32 $0x100, s5  }
0x8: {  	s12 =	sor.u32 $0x180, s5;
	s15 =	sor.u32 $0x200, s5;
	s20 =	sor.u32 $0x280, s5  }
0x9: {  	s7 =	sadd.s32 s1, s4;
	s4 =	sadd.s32 $0x7800, s22;
	s23 =	sshrl.u32 s8, $0x3  }
0xa: {  	s26 =	sshrl.u32 s9, $0x3;
	s10 =	sshll.u32 s8, $0x4;
	s13 =	sshrl.u32 s12, $0x3  }
0xb: {  	s14 =	sshll.u32 s9, $0x4;
	[dreg:$0x3] =	wrdreg s7;
	s0 =	sadd.s32 s1, s23  }
0xc: {  	s17 =	sshrl.u32 s15, $0x3;
	s25 =	sadd.s32 s4, s24;
	[dreg:$0x4] =	wrdreg s0  }
0xd: {  	s21 =	sshrl.u32 s20, $0x3;
	s7 =	sadd.s32 s1, s26;
	[dreg:$0x5] =	wrdreg s25  }
0xe: {  	s22 =	sshll.u32 s15, $0x4;
	s11 =	sadd.s32 s4, s10;
	[dreg:$0x6] =	wrdreg s7  }
0xf: {  	s16 =	sadd.s32 s4, s14;
	s18 =	sadd.s32 s1, s17;
	[dreg:$0x7] =	wrdreg s11  }
0x10: {  	s23 =	sor.u32 $0x300, s5;
	s24 =	sadd.s32 s4, s22;
	[dreg:$0x9] =	wrdreg s16  }
0x11: {  	s10 =	sor.u32 $0x380, s5;
	s0 =	sadd.s32 s1, s13;
	[dreg:$0xa] =	wrdreg s18  }
0x12: {  	s7 =	sshll.u32 s12, $0x4;
	s25 =	sshrl.u32 s23, $0x3;
	[dreg:$0xd] =	wrdreg s24  }
0x13: {  	s11 =	sshrl.u32 s10, $0x3;
	s12 =	sshll.u32 s23, $0x4;
	s13 =	sor.u32 $0x400, s5  }
0x14: {  	s18 =	sor.u32 $0x480, s5;
	[dreg:$0x8] =	wrdreg s0;
	s19 =	sadd.s32 s4, s7  }
0x15: {  	s0 =	sadd.s32 s1, s21;
	s26 =	sadd.s32 s1, s25;
	s7 =	sshll.u32 s20, $0x4  }
0x16: {  	s14 =	sadd.s32 s4, s12;
	s15 =	sshrl.u32 s13, $0x3;
	[dreg:$0xb] =	wrdreg s19  }
0x17: {  	s20 =	sshll.u32 s13, $0x4;
	s21 =	sor.u32 $0x500, s5;
	[dreg:$0xc] =	wrdreg s0  }
0x18: {  	[dreg:$0xe] =	wrdreg s26;
	s8 =	sadd.s32 s4, s7;
	s0 =	sadd.s32 s1, s11  }
0x19: {  	[dreg:$0x11] =	wrdreg s14;
	s16 =	sadd.s32 s1, s15;
	s7 =	sshll.u32 s10, $0x4  }
0x1a: {  	s19 =	sshrl.u32 s18, $0x3;
	s22 =	sadd.s32 s4, s20;
	s23 =	sshrl.u32 s21, $0x3  }
0x1b: {  	s26 =	sor.u32 $0x580, s5;
	s9 =	sshll.u32 s21, $0x4;
	[dreg:$0xf] =	wrdreg s8  }
0x1c: {  	s10 =	sor.u32 $0x600, s5;
	s15 =	sor.u32 $0x680, s5;
	[dreg:$0x10] =	wrdreg s0  }
0x1d: {  	[dreg:$0x12] =	wrdreg s16;
	s17 =	sadd.s32 s4, s7;
	s0 =	sadd.s32 s1, s19  }
0x1e: {  	[dreg:$0x15] =	wrdreg s22;
	s24 =	sadd.s32 s1, s23;
	s7 =	sshll.u32 s18, $0x4  }
0x1f: {  	s8 =	sshrl.u32 s26, $0x3;
	s11 =	sadd.s32 s4, s9;
	[dreg:$0x13] =	wrdreg s17  }
0x20: {  	s12 =	sshrl.u32 s10, $0x3;
	s16 =	sshrl.u32 s15, $0x3;
	[dreg:$0x14] =	wrdreg s0  }
0x21: {  	s18 =	sor.u32 $0x700, s5;
	s23 =	sor.u32 $0x780, s5;
	[dreg:$0x16] =	wrdreg s24  }
0x22: {  	s25 =	sadd.s32 s4, s7;
	s0 =	sadd.s32 s1, s8;
	[dreg:$0x19] =	wrdreg s11  }
0x23: {  	s13 =	sadd.s32 s1, s12;
	s7 =	sshll.u32 s26, $0x4;
	[dreg:$0x17] =	wrdreg s25  }
0x24: {  	s17 =	sshll.u32 s10, $0x4;
	s20 =	sshrl.u32 s18, $0x3;
	[dreg:$0x18] =	wrdreg s0  }
0x25: {  	s24 =	sshrl.u32 s23, $0x3;
	s26 =	sor.u32 $0x800, s5;
	[dreg:$0x1a] =	wrdreg s13  }
0x26: {  	s14 =	sadd.s32 s4, s7;
	s0 =	sadd.s32 s1, s16;
	s19 =	sadd.s32 s4, s17  }
0x27: {  	s21 =	sadd.s32 s1, s20;
	s7 =	sshll.u32 s15, $0x4;
	[dreg:$0x1b] =	wrdreg s14  }
0x28: {  	s25 =	sshll.u32 s18, $0x4;
	s10 =	sshrl.u32 s26, $0x3;
	[dreg:$0x1c] =	wrdreg s0  }
0x29: {  	s13 =	sor.u32 $0x880, s5;
	s15 =	sshll.u32 s26, $0x4;
	[dreg:$0x1d] =	wrdreg s19  }
0x2a: {  	s16 =	sor.u32 $0x900, s5;
	[dreg:$0x1e] =	wrdreg s21;
	s22 =	sadd.s32 s4, s7  }
0x2b: {  	s0 =	sadd.s32 s1, s24;
	s8 =	sadd.s32 s4, s25;
	s11 =	sadd.s32 s1, s10  }
0x2c: {  	s7 =	sshll.u32 s23, $0x4;
	s14 =	sshrl.u32 s13, $0x3;
	[dreg:$0x1f] =	wrdreg s22  }
0x2d: {  	s17 =	sadd.s32 s4, s15;
	s18 =	sshrl.u32 s16, $0x3;
	[smem:$0x7EE] =	sst s0  }
0x2e: {  	s21 =	sor.u32 $0x980, s5;
	s9 =	sshll.u32 s16, $0x4;
	[smem:$0x7EF] =	sst s8  }
0x2f: {  	s10 =	sor.u32 $0xA00, s5;
	[smem:$0x7F0] =	sst s11;
	s12 =	sadd.s32 s4, s7  }
0x30: {  	s0 =	sadd.s32 s1, s14;
	[smem:$0x7F3] =	sst s17;
	s19 =	sadd.s32 s1, s18  }
0x31: {  	s7 =	sshll.u32 s13, $0x4;
	s22 =	sshrl.u32 s6, $0x1;
	s23 =	sshrl.u32 s21, $0x3  }
0x32: {  	s24 =	sadd.s32 s4, s9;
	s25 =	sshrl.u32 s10, $0x3;
	[smem:$0x7F1] =	sst s12  }
0x33: {  	s11 =	sor.u32 $0xA80, s5;
	s13 =	sshll.u32 s10, $0x4;
	[smem:$0x7F2] =	sst s0  }
0x34: {  	s14 =	sor.u32 $0xB00, s5;
	s10 =	sor.u32 $0xD00, s5;
	[smem:$0x7F4] =	sst s19  }
0x35: {  	s20 =	sadd.s32 s4, s7;
	s0 =	sadd.s32 s1, s23;
	[smem:$0x7F7] =	sst s24  }
0x36: {  	s26 =	sadd.s32 s1, s25;
	s7 =	sshll.u32 s21, $0x4;
	s6 =	ssub.s32 s6, s22  }
0x37: {  	s12 =	sshrl.u32 s11, $0x3;
	s15 =	sadd.s32 s4, s13;
	s16 =	sshrl.u32 s14, $0x3  }
0x38: {  	s19 =	sor.u32 $0xB80, s5;
	s21 =	sshll.u32 s14, $0x4;
	[smem:$0x7F5] =	sst s20  }
0x39: {  	s22 =	sor.u32 $0xC00, s5;
	s24 =	sor.u32 $0xC80, s5;
	[smem:$0x7F6] =	sst s0  }
0x3a: {  	s13 =	sor.u32 $0xD80, s5;
	[smem:$0x7F8] =	sst s26;
	s9 =	sadd.s32 s4, s7  }
0x3b: {  	s0 =	sadd.s32 s1, s12;
	[smem:$0x7FB] =	sst s15;
	s17 =	sadd.s32 s1, s16  }
0x3c: {  	s7 =	sshll.u32 s11, $0x4;
	s20 =	sshrl.u32 s19, $0x3;
	s29 =	sadd.s32 s4, s21  }
0x3d: {  	s23 =	sshrl.u32 s22, $0x3;
	s8 =	sshrl.u32 s24, $0x3;
	[smem:$0x7F9] =	sst s9  }
0x3e: {  	s11 =	sshrl.u32 s10, $0x3;
	s12 =	sshll.u32 s24, $0x4;
	[smem:$0x7FA] =	sst s0  }
0x3f: {  	s14 =	sshrl.u32 s13, $0x3;
	s15 =	sor.u32 $0xE00, s5;
	[smem:$0x7FC] =	sst s17  }
0x40: {  	s18 =	sadd.s32 s4, s7;
	s31 =	sadd.s32 s1, s20;
	s7 =	sshll.u32 s19, $0x4  }
0x41: {  	s30 =	sadd.s32 s1, s23;
	s26 =	sadd.s32 s1, s8;
	s0 =	sshll.u32 s22, $0x4  }
0x42: {  	s24 =	sadd.s32 s1, s11;
	s22 =	sadd.s32 s4, s12;
	s23 =	sadd.s32 s1, s14  }
0x43: {  	s16 =	sshrl.u32 s15, $0x3;
	s17 =	sor.u32 $0xE80, s5;
	s11 =	sor.u32 $0xF00, s5  }
0x44: {  	s5 =	sor.u32 $0xF80, s5;
	s9 =	simm.s32 $0x4100;
	[smem:$0x7FD] =	sst s18  }
0x45: {  	s28 =	sadd.s32 s4, s7;
	s25 =	sadd.s32 s4, s0;
	s7 =	sshll.u32 s10, $0x4  }
0x46: {  	s20 =	sadd.s32 s1, s16;
	s0 =	sshll.u32 s13, $0x4;
	s8 =	sshrl.u32 s17, $0x3  }
0x47: {  	s10 =	sshll.u32 s15, $0x4;
	s12 =	sshrl.u32 s11, $0x3;
	s13 =	sshrl.u32 s5, $0x3  }
0x48: {  	s14 =	sshll.u32 s5, $0x4;
	s15 =	smax.u32 s6, $0x1;
	s6 =	simm.s32 $0x4  }
0x49: {  	s21 =	sadd.s32 s4, s7;
	s19 =	sadd.s32 s4, s0;
	s18 =	sadd.s32 s1, s8  }
0x4a: {  	s16 =	sadd.s32 s4, s10;
	s7 =	sshll.u32 s17, $0x4;
	p1 =	sne.s32 s15, $0x1  }
.Ltmp0:
0x4b: {  	s17 =	sadd.s32 s1, s12;
	s8 =	sadd.s32 s1, s13;
	(pc) =	sbr.rel @!p1 .LBB2_3-.Ltmp0, $4  }
0x4c: {  	s0 =	sshll.u32 s11, $0x4;
	s11 =	simm.s32 $0x5;
	s12 =	simm.s32 $0x80  }
0x4d: {  	s1 =	sadd.s32 $0xFFFFFFFF, s15;
	s13 =	simm.s32 $0x100;
	s15 =	simm.s32 $0x1  }
0x4e: {  	s10 =	sadd.s32 s4, s7;
	s5 =	sadd.s32 s4, s0;
	s4 =	sadd.s32 s4, s14  }
0x4f: {  	s7 =	simm.s32 $0x3;
	s14 =	simm.s32 $0x2;
	s0 =	rddreg [dreg:$0x3]  }
0x50: {  	[tilespmem:s2], [sflag:$0x5] =	stream.linear.gather [hbm4b:s0+s2], $0x80, $0x38;
	[tilespmem:$0x8100] =	vst v63  }
0x51: {  	_ =	swait.ge [sflag:s11], $0x80  }
0x52: {  	[sflag:s11] =	ssyncset.done $0x0  }
0x53: {  	[sflag:s11] =	ssyncadd.s32 $0xFFFFFF80  }
0x54: {  	[tilespmem:s13], [sflag:$0x1] =	stream.indirect.gather [hbm4b:s3+s12], $0x80, s2, s12, $0xb8;
	[tilespmem:$0x8100] =	vst v63  }
0x55: {  	s0 =	rddreg [dreg:$0x4]  }
0x56: {  	[tilespmem:s12], [sflag:$0x5] =	stream.linear.gather [hbm4b:s0+s2], $0x80, $0x38;
	[tilespmem:$0x8100] =	vst v63  }
0x57: {  	_ =	swait.ge [sflag:s11], $0x80  }
0x58: {  	[sflag:s11] =	ssyncset.done $0x0  }
0x59: {  	[sflag:s11] =	ssyncadd.s32 $0xFFFFFF80  }
0x5a: {  	[tilespmem:s9], [sflag:$0x2] =	stream.indirect.gather [hbm4b:s3+s12], $0x80, s12, s12, $0xb8;
	[tilespmem:$0x8100] =	vst v63  }
0x5b: {  	_ =	swait.ge [sflag:s15], $0x4000  }
0x5c: {  	[sflag:s15] =	ssyncset.done $0x0  }
0x5d: {  	s0 =	rddreg [dreg:$0x5];
	[sflag:s15] =	ssyncadd.s32 $0xFFFFC000  }
0x5e: {  	[hbm4b:s0+s2] =	stream.linear.scatter [tilespmem:s13], [sflag:$0x3], $0x4000, $0x38;
	[tilespmem:$0x8100] =	vst v63  }
0x5f: {  	_ =	swait.ge [sflag:s7], $0x4000  }
0x60: {  	[sflag:s7] =	ssyncset.done $0x0  }
0x61: {  	s0 =	rddreg [dreg:$0x6];
	[sflag:s7] =	ssyncadd.s32 $0xFFFFC000  }
0x62: {  	[tilespmem:s2], [sflag:$0x5] =	stream.linear.gather [hbm4b:s0+s2], $0x80, $0x38;
	[tilespmem:$0x8100] =	vst v63  }
0x63: {  	_ =	swait.ge [sflag:s11], $0x80  }
0x64: {  	[sflag:s11] =	ssyncset.done $0x0  }
0x65: {  	[sflag:s11] =	ssyncadd.s32 $0xFFFFFF80  }
0x66: {  	[tilespmem:s13], [sflag:$0x1] =	stream.indirect.gather [hbm4b:s3+s12], $0x80, s2, s12, $0xb8;
	[tilespmem:$0x8100] =	vst v63  }
0x67: {  	_ =	swait.ge [sflag:s14], $0x4000  }
0x68: {  	[sflag:s14] =	ssyncset.done $0x0  }
0x69: {  	s0 =	rddreg [dreg:$0x7];
	[sflag:s14] =	ssyncadd.s32 $0xFFFFC000  }
0x6a: {  	[hbm4b:s0+s2] =	stream.linear.scatter [tilespmem:s9], [sflag:$0x4], $0x4000, $0x38;
	[tilespmem:$0x8100] =	vst v63  }
0x6b: {  	_ =	swait.ge [sflag:s6], $0x4000  }
0x6c: {  	[sflag:s6] =	ssyncset.done $0x0  }
0x6d: {  	s0 =	rddreg [dreg:$0x8];
	[sflag:s6] =	ssyncadd.s32 $0xFFFFC000  }
0x6e: {  	[tilespmem:s12], [sflag:$0x5] =	stream.linear.gather [hbm4b:s0+s2], $0x80, $0x38;
	[tilespmem:$0x8100] =	vst v63  }
0x6f: {  	_ =	swait.ge [sflag:s11], $0x80  }
0x70: {  	[sflag:s11] =	ssyncset.done $0x0  }
0x71: {  	[sflag:s11] =	ssyncadd.s32 $0xFFFFFF80  }
0x72: {  	[tilespmem:s9], [sflag:$0x2] =	stream.indirect.gather [hbm4b:s3+s12], $0x80, s12, s12, $0xb8;
	[tilespmem:$0x8100] =	vst v63  }
0x73: {  	_ =	swait.ge [sflag:s15], $0x4000  }
0x74: {  	[sflag:s15] =	ssyncset.done $0x0  }
0x75: {  	s0 =	rddreg [dreg:$0x9];
	[sflag:s15] =	ssyncadd.s32 $0xFFFFC000  }
0x76: {  	[hbm4b:s0+s2] =	stream.linear.scatter [tilespmem:s13], [sflag:$0x3], $0x4000, $0x38;
	[tilespmem:$0x8100] =	vst v63  }
0x77: {  	_ =	swait.ge [sflag:s7], $0x4000  }
0x78: {  	[sflag:s7] =	ssyncset.done $0x0  }
0x79: {  	s0 =	rddreg [dreg:$0xa];
	[sflag:s7] =	ssyncadd.s32 $0xFFFFC000  }
0x7a: {  	[tilespmem:s2], [sflag:$0x5] =	stream.linear.gather [hbm4b:s0+s2], $0x80, $0x38;
	[tilespmem:$0x8100] =	vst v63  }
0x7b: {  	_ =	swait.ge [sflag:s11], $0x80  }
0x7c: {  	[sflag:s11] =	ssyncset.done $0x0  }
0x7d: {  	[sflag:s11] =	ssyncadd.s32 $0xFFFFFF80  }
0x7e: {  	[tilespmem:s13], [sflag:$0x1] =	stream.indirect.gather [hbm4b:s3+s12], $0x80, s2, s12, $0xb8;
	[tilespmem:$0x8100] =	vst v63  }
0x7f: {  	_ =	swait.ge [sflag:s14], $0x4000  }
0x80: {  	[sflag:s14] =	ssyncset.done $0x0  }
0x81: {  	s0 =	rddreg [dreg:$0xb];
	[sflag:s14] =	ssyncadd.s32 $0xFFFFC000  }
0x82: {  	[hbm4b:s0+s2] =	stream.linear.scatter [tilespmem:s9], [sflag:$0x4], $0x4000, $0x38;
	[tilespmem:$0x8100] =	vst v63  }
0x83: {  	_ =	swait.ge [sflag:s6], $0x4000  }
0x84: {  	[sflag:s6] =	ssyncset.done $0x0  }
0x85: {  	s0 =	rddreg [dreg:$0xc];
	[sflag:s6] =	ssyncadd.s32 $0xFFFFC000  }
0x86: {  	[tilespmem:s12], [sflag:$0x5] =	stream.linear.gather [hbm4b:s0+s2], $0x80, $0x38;
	[tilespmem:$0x8100] =	vst v63  }
0x87: {  	_ =	swait.ge [sflag:s11], $0x80  }
0x88: {  	[sflag:s11] =	ssyncset.done $0x0  }
0x89: {  	[sflag:s11] =	ssyncadd.s32 $0xFFFFFF80  }
0x8a: {  	[tilespmem:s9], [sflag:$0x2] =	stream.indirect.gather [hbm4b:s3+s12], $0x80, s12, s12, $0xb8;
	[tilespmem:$0x8100] =	vst v63  }
0x8b: {  	_ =	swait.ge [sflag:s15], $0x4000  }
0x8c: {  	[sflag:s15] =	ssyncset.done $0x0  }
0x8d: {  	s0 =	rddreg [dreg:$0xd];
	[sflag:s15] =	ssyncadd.s32 $0xFFFFC000  }
0x8e: {  	[hbm4b:s0+s2] =	stream.linear.scatter [tilespmem:s13], [sflag:$0x3], $0x4000, $0x38;
	[tilespmem:$0x8100] =	vst v63  }
0x8f: {  	_ =	swait.ge [sflag:s7], $0x4000  }
0x90: {  	[sflag:s7] =	ssyncset.done $0x0  }
0x91: {  	s0 =	rddreg [dreg:$0xe];
	[sflag:s7] =	ssyncadd.s32 $0xFFFFC000  }
0x92: {  	[tilespmem:s2], [sflag:$0x5] =	stream.linear.gather [hbm4b:s0+s2], $0x80, $0x38;
	[tilespmem:$0x8100] =	vst v63  }
0x93: {  	_ =	swait.ge [sflag:s11], $0x80  }
0x94: {  	[sflag:s11] =	ssyncset.done $0x0  }
0x95: {  	[sflag:s11] =	ssyncadd.s32 $0xFFFFFF80  }
0x96: {  	[tilespmem:s13], [sflag:$0x1] =	stream.indirect.gather [hbm4b:s3+s12], $0x80, s2, s12, $0xb8;
	[tilespmem:$0x8100] =	vst v63  }
0x97: {  	_ =	swait.ge [sflag:s14], $0x4000  }
0x98: {  	[sflag:s14] =	ssyncset.done $0x0  }
0x99: {  	s0 =	rddreg [dreg:$0xf];
	[sflag:s14] =	ssyncadd.s32 $0xFFFFC000  }
0x9a: {  	[hbm4b:s0+s2] =	stream.linear.scatter [tilespmem:s9], [sflag:$0x4], $0x4000, $0x38;
	[tilespmem:$0x8100] =	vst v63  }
0x9b: {  	_ =	swait.ge [sflag:s6], $0x4000  }
0x9c: {  	[sflag:s6] =	ssyncset.done $0x0  }
0x9d: {  	s0 =	rddreg [dreg:$0x10];
	[sflag:s6] =	ssyncadd.s32 $0xFFFFC000  }
0x9e: {  	[tilespmem:s12], [sflag:$0x5] =	stream.linear.gather [hbm4b:s0+s2], $0x80, $0x38;
	[tilespmem:$0x8100] =	vst v63  }
0x9f: {  	_ =	swait.ge [sflag:s11], $0x80  }
0xa0: {  	[sflag:s11] =	ssyncset.done $0x0  }
0xa1: {  	[sflag:s11] =	ssyncadd.s32 $0xFFFFFF80  }
0xa2: {  	[tilespmem:s9], [sflag:$0x2] =	stream.indirect.gather [hbm4b:s3+s12], $0x80, s12, s12, $0xb8;
	[tilespmem:$0x8100] =	vst v63  }
0xa3: {  	_ =	swait.ge [sflag:s15], $0x4000  }
0xa4: {  	[sflag:s15] =	ssyncset.done $0x0  }
0xa5: {  	s0 =	rddreg [dreg:$0x11];
	[sflag:s15] =	ssyncadd.s32 $0xFFFFC000  }
0xa6: {  	[hbm4b:s0+s2] =	stream.linear.scatter [tilespmem:s13], [sflag:$0x3], $0x4000, $0x38;
	[tilespmem:$0x8100] =	vst v63  }
0xa7: {  	_ =	swait.ge [sflag:s7], $0x4000  }
0xa8: {  	[sflag:s7] =	ssyncset.done $0x0  }
0xa9: {  	s0 =	rddreg [dreg:$0x12];
	[sflag:s7] =	ssyncadd.s32 $0xFFFFC000  }
0xaa: {  	[tilespmem:s2], [sflag:$0x5] =	stream.linear.gather [hbm4b:s0+s2], $0x80, $0x38;
	[tilespmem:$0x8100] =	vst v63  }
0xab: {  	_ =	swait.ge [sflag:s11], $0x80  }
0xac: {  	[sflag:s11] =	ssyncset.done $0x0  }
0xad: {  	[sflag:s11] =	ssyncadd.s32 $0xFFFFFF80  }
0xae: {  	[tilespmem:s13], [sflag:$0x1] =	stream.indirect.gather [hbm4b:s3+s12], $0x80, s2, s12, $0xb8;
	[tilespmem:$0x8100] =	vst v63  }
0xaf: {  	_ =	swait.ge [sflag:s14], $0x4000  }
0xb0: {  	[sflag:s14] =	ssyncset.done $0x0  }
0xb1: {  	s0 =	rddreg [dreg:$0x13];
	[sflag:s14] =	ssyncadd.s32 $0xFFFFC000  }
0xb2: {  	[hbm4b:s0+s2] =	stream.linear.scatter [tilespmem:s9], [sflag:$0x4], $0x4000, $0x38;
	[tilespmem:$0x8100] =	vst v63  }
0xb3: {  	_ =	swait.ge [sflag:s6], $0x4000  }
0xb4: {  	[sflag:s6] =	ssyncset.done $0x0  }
0xb5: {  	s0 =	rddreg [dreg:$0x14];
	[sflag:s6] =	ssyncadd.s32 $0xFFFFC000  }
0xb6: {  	[tilespmem:s12], [sflag:$0x5] =	stream.linear.gather [hbm4b:s0+s2], $0x80, $0x38;
	[tilespmem:$0x8100] =	vst v63  }
0xb7: {  	_ =	swait.ge [sflag:s11], $0x80  }
0xb8: {  	[sflag:s11] =	ssyncset.done $0x0  }
0xb9: {  	[sflag:s11] =	ssyncadd.s32 $0xFFFFFF80  }
0xba: {  	[tilespmem:s9], [sflag:$0x2] =	stream.indirect.gather [hbm4b:s3+s12], $0x80, s12, s12, $0xb8;
	[tilespmem:$0x8100] =	vst v63  }
0xbb: {  	_ =	swait.ge [sflag:s15], $0x4000  }
0xbc: {  	[sflag:s15] =	ssyncset.done $0x0  }
0xbd: {  	s0 =	rddreg [dreg:$0x15];
	[sflag:s15] =	ssyncadd.s32 $0xFFFFC000  }
0xbe: {  	[hbm4b:s0+s2] =	stream.linear.scatter [tilespmem:s13], [sflag:$0x3], $0x4000, $0x38;
	[tilespmem:$0x8100] =	vst v63  }
0xbf: {  	_ =	swait.ge [sflag:s7], $0x4000  }
0xc0: {  	[sflag:s7] =	ssyncset.done $0x0  }
0xc1: {  	s0 =	rddreg [dreg:$0x16];
	[sflag:s7] =	ssyncadd.s32 $0xFFFFC000  }
0xc2: {  	[tilespmem:s2], [sflag:$0x5] =	stream.linear.gather [hbm4b:s0+s2], $0x80, $0x38;
	[tilespmem:$0x8100] =	vst v63  }
0xc3: {  	_ =	swait.ge [sflag:s11], $0x80  }
0xc4: {  	[sflag:s11] =	ssyncset.done $0x0  }
0xc5: {  	[sflag:s11] =	ssyncadd.s32 $0xFFFFFF80  }
0xc6: {  	[tilespmem:s13], [sflag:$0x1] =	stream.indirect.gather [hbm4b:s3+s12], $0x80, s2, s12, $0xb8;
	[tilespmem:$0x8100] =	vst v63  }
0xc7: {  	_ =	swait.ge [sflag:s14], $0x4000  }
0xc8: {  	[sflag:s14] =	ssyncset.done $0x0  }
0xc9: {  	s0 =	rddreg [dreg:$0x17];
	[sflag:s14] =	ssyncadd.s32 $0xFFFFC000  }
0xca: {  	[hbm4b:s0+s2] =	stream.linear.scatter [tilespmem:s9], [sflag:$0x4], $0x4000, $0x38;
	[tilespmem:$0x8100] =	vst v63  }
0xcb: {  	_ =	swait.ge [sflag:s6], $0x4000  }
0xcc: {  	[sflag:s6] =	ssyncset.done $0x0  }
0xcd: {  	s0 =	rddreg [dreg:$0x18];
	[sflag:s6] =	ssyncadd.s32 $0xFFFFC000  }
0xce: {  	[tilespmem:s12], [sflag:$0x5] =	stream.linear.gather [hbm4b:s0+s2], $0x80, $0x38;
	[tilespmem:$0x8100] =	vst v63  }
0xcf: {  	_ =	swait.ge [sflag:s11], $0x80  }
0xd0: {  	[sflag:s11] =	ssyncset.done $0x0  }
0xd1: {  	[sflag:s11] =	ssyncadd.s32 $0xFFFFFF80  }
0xd2: {  	[tilespmem:s9], [sflag:$0x2] =	stream.indirect.gather [hbm4b:s3+s12], $0x80, s12, s12, $0xb8;
	[tilespmem:$0x8100] =	vst v63  }
0xd3: {  	_ =	swait.ge [sflag:s15], $0x4000  }
0xd4: {  	[sflag:s15] =	ssyncset.done $0x0  }
0xd5: {  	s0 =	rddreg [dreg:$0x19];
	[sflag:s15] =	ssyncadd.s32 $0xFFFFC000  }
0xd6: {  	[hbm4b:s0+s2] =	stream.linear.scatter [tilespmem:s13], [sflag:$0x3], $0x4000, $0x38;
	[tilespmem:$0x8100] =	vst v63  }
0xd7: {  	_ =	swait.ge [sflag:s7], $0x4000  }
0xd8: {  	[sflag:s7] =	ssyncset.done $0x0  }
0xd9: {  	s0 =	rddreg [dreg:$0x1a];
	[sflag:s7] =	ssyncadd.s32 $0xFFFFC000  }
0xda: {  	[tilespmem:s2], [sflag:$0x5] =	stream.linear.gather [hbm4b:s0+s2], $0x80, $0x38;
	[tilespmem:$0x8100] =	vst v63  }
0xdb: {  	_ =	swait.ge [sflag:s11], $0x80  }
0xdc: {  	[sflag:s11] =	ssyncset.done $0x0  }
0xdd: {  	[sflag:s11] =	ssyncadd.s32 $0xFFFFFF80  }
0xde: {  	[tilespmem:s13], [sflag:$0x1] =	stream.indirect.gather [hbm4b:s3+s12], $0x80, s2, s12, $0xb8;
	[tilespmem:$0x8100] =	vst v63  }
0xdf: {  	_ =	swait.ge [sflag:s14], $0x4000  }
0xe0: {  	[sflag:s14] =	ssyncset.done $0x0  }
0xe1: {  	s0 =	rddreg [dreg:$0x1b];
	[sflag:s14] =	ssyncadd.s32 $0xFFFFC000  }
0xe2: {  	[hbm4b:s0+s2] =	stream.linear.scatter [tilespmem:s9], [sflag:$0x4], $0x4000, $0x38;
	[tilespmem:$0x8100] =	vst v63  }
0xe3: {  	_ =	swait.ge [sflag:s6], $0x4000  }
0xe4: {  	[sflag:s6] =	ssyncset.done $0x0  }
0xe5: {  	s0 =	rddreg [dreg:$0x1c];
	[sflag:s6] =	ssyncadd.s32 $0xFFFFC000  }
0xe6: {  	[tilespmem:s12], [sflag:$0x5] =	stream.linear.gather [hbm4b:s0+s2], $0x80, $0x38;
	[tilespmem:$0x8100] =	vst v63  }
0xe7: {  	_ =	swait.ge [sflag:s11], $0x80  }
0xe8: {  	[sflag:s11] =	ssyncset.done $0x0  }
0xe9: {  	[sflag:s11] =	ssyncadd.s32 $0xFFFFFF80  }
0xea: {  	[tilespmem:s9], [sflag:$0x2] =	stream.indirect.gather [hbm4b:s3+s12], $0x80, s12, s12, $0xb8;
	[tilespmem:$0x8100] =	vst v63  }
0xeb: {  	_ =	swait.ge [sflag:s15], $0x4000  }
0xec: {  	[sflag:s15] =	ssyncset.done $0x0  }
0xed: {  	s0 =	rddreg [dreg:$0x1d];
	[sflag:s15] =	ssyncadd.s32 $0xFFFFC000  }
0xee: {  	[hbm4b:s0+s2] =	stream.linear.scatter [tilespmem:s13], [sflag:$0x3], $0x4000, $0x38;
	[tilespmem:$0x8100] =	vst v63  }
0xef: {  	_ =	swait.ge [sflag:s7], $0x4000  }
0xf0: {  	[sflag:s7] =	ssyncset.done $0x0  }
0xf1: {  	s0 =	rddreg [dreg:$0x1e];
	[sflag:s7] =	ssyncadd.s32 $0xFFFFC000  }
0xf2: {  	[tilespmem:s2], [sflag:$0x5] =	stream.linear.gather [hbm4b:s0+s2], $0x80, $0x38;
	[tilespmem:$0x8100] =	vst v63  }
0xf3: {  	_ =	swait.ge [sflag:s11], $0x80  }
0xf4: {  	[sflag:s11] =	ssyncset.done $0x0  }
0xf5: {  	[sflag:s11] =	ssyncadd.s32 $0xFFFFFF80  }
0xf6: {  	[tilespmem:s13], [sflag:$0x1] =	stream.indirect.gather [hbm4b:s3+s12], $0x80, s2, s12, $0xb8;
	[tilespmem:$0x8100] =	vst v63  }
0xf7: {  	_ =	swait.ge [sflag:s14], $0x4000  }
0xf8: {  	[sflag:s14] =	ssyncset.done $0x0  }
0xf9: {  	s0 =	rddreg [dreg:$0x1f];
	[sflag:s14] =	ssyncadd.s32 $0xFFFFC000  }
0xfa: {  	[hbm4b:s0+s2] =	stream.linear.scatter [tilespmem:s9], [sflag:$0x4], $0x4000, $0x38;
	[tilespmem:$0x8100] =	vst v63  }
0xfb: {  	_ =	swait.ge [sflag:s6], $0x4000  }
0xfc: {  	s0 =	sld [smem:$0x7EE]  }
0xfd: {  	[sflag:s6] =	ssyncset.done $0x0  }
0xfe: {  	[sflag:s6] =	ssyncadd.s32 $0xFFFFC000  }
0xff: {  	[tilespmem:s12], [sflag:$0x5] =	stream.linear.gather [hbm4b:s0+s2], $0x80, $0x38;
	[tilespmem:$0x8100] =	vst v63  }
0x100: {  	_ =	swait.ge [sflag:s11], $0x80  }
0x101: {  	[sflag:s11] =	ssyncset.done $0x0  }
0x102: {  	[sflag:s11] =	ssyncadd.s32 $0xFFFFFF80  }
0x103: {  	[tilespmem:s9], [sflag:$0x2] =	stream.indirect.gather [hbm4b:s3+s12], $0x80, s12, s12, $0xb8;
	[tilespmem:$0x8100] =	vst v63  }
0x104: {  	_ =	swait.ge [sflag:s15], $0x4000  }
0x105: {  	s0 =	sld [smem:$0x7EF]  }
0x106: {  	[sflag:s15] =	ssyncset.done $0x0  }
0x107: {  	[sflag:s15] =	ssyncadd.s32 $0xFFFFC000  }
0x108: {  	[hbm4b:s0+s2] =	stream.linear.scatter [tilespmem:s13], [sflag:$0x3], $0x4000, $0x38;
	[tilespmem:$0x8100] =	vst v63  }
0x109: {  	_ =	swait.ge [sflag:s7], $0x4000  }
0x10a: {  	s0 =	sld [smem:$0x7F0]  }
0x10b: {  	[sflag:s7] =	ssyncset.done $0x0  }
0x10c: {  	[sflag:s7] =	ssyncadd.s32 $0xFFFFC000  }
0x10d: {  	[tilespmem:s2], [sflag:$0x5] =	stream.linear.gather [hbm4b:s0+s2], $0x80, $0x38;
	[tilespmem:$0x8100] =	vst v63  }
0x10e: {  	_ =	swait.ge [sflag:s11], $0x80  }
0x10f: {  	[sflag:s11] =	ssyncset.done $0x0  }
0x110: {  	[sflag:s11] =	ssyncadd.s32 $0xFFFFFF80  }
0x111: {  	[tilespmem:s13], [sflag:$0x1] =	stream.indirect.gather [hbm4b:s3+s12], $0x80, s2, s12, $0xb8;
	[tilespmem:$0x8100] =	vst v63  }
0x112: {  	_ =	swait.ge [sflag:s14], $0x4000  }
0x113: {  	s0 =	sld [smem:$0x7F1]  }
0x114: {  	[sflag:s14] =	ssyncset.done $0x0  }
0x115: {  	[sflag:s14] =	ssyncadd.s32 $0xFFFFC000  }
0x116: {  	[hbm4b:s0+s2] =	stream.linear.scatter [tilespmem:s9], [sflag:$0x4], $0x4000, $0x38;
	[tilespmem:$0x8100] =	vst v63  }
0x117: {  	_ =	swait.ge [sflag:s6], $0x4000  }
0x118: {  	s0 =	sld [smem:$0x7F2]  }
0x119: {  	[sflag:s6] =	ssyncset.done $0x0  }
0x11a: {  	[sflag:s6] =	ssyncadd.s32 $0xFFFFC000  }
0x11b: {  	[tilespmem:s12], [sflag:$0x5] =	stream.linear.gather [hbm4b:s0+s2], $0x80, $0x38;
	[tilespmem:$0x8100] =	vst v63  }
0x11c: {  	_ =	swait.ge [sflag:s11], $0x80  }
0x11d: {  	[sflag:s11] =	ssyncset.done $0x0  }
0x11e: {  	[sflag:s11] =	ssyncadd.s32 $0xFFFFFF80  }
0x11f: {  	[tilespmem:s9], [sflag:$0x2] =	stream.indirect.gather [hbm4b:s3+s12], $0x80, s12, s12, $0xb8;
	[tilespmem:$0x8100] =	vst v63  }
0x120: {  	_ =	swait.ge [sflag:s15], $0x4000  }
0x121: {  	s0 =	sld [smem:$0x7F3]  }
0x122: {  	[sflag:s15] =	ssyncset.done $0x0  }
0x123: {  	[sflag:s15] =	ssyncadd.s32 $0xFFFFC000  }
0x124: {  	[hbm4b:s0+s2] =	stream.linear.scatter [tilespmem:s13], [sflag:$0x3], $0x4000, $0x38;
	[tilespmem:$0x8100] =	vst v63  }
0x125: {  	_ =	swait.ge [sflag:s7], $0x4000  }
0x126: {  	s0 =	sld [smem:$0x7F4]  }
0x127: {  	[sflag:s7] =	ssyncset.done $0x0  }
0x128: {  	[sflag:s7] =	ssyncadd.s32 $0xFFFFC000  }
0x129: {  	[tilespmem:s2], [sflag:$0x5] =	stream.linear.gather [hbm4b:s0+s2], $0x80, $0x38;
	[tilespmem:$0x8100] =	vst v63  }
0x12a: {  	_ =	swait.ge [sflag:s11], $0x80  }
0x12b: {  	[sflag:s11] =	ssyncset.done $0x0  }
0x12c: {  	[sflag:s11] =	ssyncadd.s32 $0xFFFFFF80  }
0x12d: {  	[tilespmem:s13], [sflag:$0x1] =	stream.indirect.gather [hbm4b:s3+s12], $0x80, s2, s12, $0xb8;
	[tilespmem:$0x8100] =	vst v63  }
0x12e: {  	_ =	swait.ge [sflag:s14], $0x4000  }
0x12f: {  	s0 =	sld [smem:$0x7F5]  }
0x130: {  	[sflag:s14] =	ssyncset.done $0x0  }
0x131: {  	[sflag:s14] =	ssyncadd.s32 $0xFFFFC000  }
0x132: {  	[hbm4b:s0+s2] =	stream.linear.scatter [tilespmem:s9], [sflag:$0x4], $0x4000, $0x38;
	[tilespmem:$0x8100] =	vst v63  }
0x133: {  	_ =	swait.ge [sflag:s6], $0x4000  }
0x134: {  	s0 =	sld [smem:$0x7F6]  }
0x135: {  	[sflag:s6] =	ssyncset.done $0x0  }
0x136: {  	[sflag:s6] =	ssyncadd.s32 $0xFFFFC000  }
0x137: {  	[tilespmem:s12], [sflag:$0x5] =	stream.linear.gather [hbm4b:s0+s2], $0x80, $0x38;
	[tilespmem:$0x8100] =	vst v63  }
0x138: {  	_ =	swait.ge [sflag:s11], $0x80  }
0x139: {  	[sflag:s11] =	ssyncset.done $0x0  }
0x13a: {  	[sflag:s11] =	ssyncadd.s32 $0xFFFFFF80  }
0x13b: {  	[tilespmem:s9], [sflag:$0x2] =	stream.indirect.gather [hbm4b:s3+s12], $0x80, s12, s12, $0xb8;
	[tilespmem:$0x8100] =	vst v63  }
0x13c: {  	_ =	swait.ge [sflag:s15], $0x4000  }
0x13d: {  	s0 =	sld [smem:$0x7F7]  }
0x13e: {  	[sflag:s15] =	ssyncset.done $0x0  }
0x13f: {  	[sflag:s15] =	ssyncadd.s32 $0xFFFFC000  }
0x140: {  	[hbm4b:s0+s2] =	stream.linear.scatter [tilespmem:s13], [sflag:$0x3], $0x4000, $0x38;
	[tilespmem:$0x8100] =	vst v63  }
0x141: {  	_ =	swait.ge [sflag:s7], $0x4000  }
0x142: {  	s0 =	sld [smem:$0x7F8]  }
0x143: {  	[sflag:s7] =	ssyncset.done $0x0  }
0x144: {  	[sflag:s7] =	ssyncadd.s32 $0xFFFFC000  }
0x145: {  	[tilespmem:s2], [sflag:$0x5] =	stream.linear.gather [hbm4b:s0+s2], $0x80, $0x38;
	[tilespmem:$0x8100] =	vst v63  }
0x146: {  	_ =	swait.ge [sflag:s11], $0x80  }
0x147: {  	[sflag:s11] =	ssyncset.done $0x0  }
0x148: {  	[sflag:s11] =	ssyncadd.s32 $0xFFFFFF80  }
0x149: {  	[tilespmem:s13], [sflag:$0x1] =	stream.indirect.gather [hbm4b:s3+s12], $0x80, s2, s12, $0xb8;
	[tilespmem:$0x8100] =	vst v63  }
0x14a: {  	_ =	swait.ge [sflag:s14], $0x4000  }
0x14b: {  	s0 =	sld [smem:$0x7F9]  }
0x14c: {  	[sflag:s14] =	ssyncset.done $0x0  }
0x14d: {  	[sflag:s14] =	ssyncadd.s32 $0xFFFFC000  }
0x14e: {  	[hbm4b:s0+s2] =	stream.linear.scatter [tilespmem:s9], [sflag:$0x4], $0x4000, $0x38;
	[tilespmem:$0x8100] =	vst v63  }
0x14f: {  	_ =	swait.ge [sflag:s6], $0x4000  }
0x150: {  	s0 =	sld [smem:$0x7FA]  }
0x151: {  	[sflag:s6] =	ssyncset.done $0x0  }
0x152: {  	[sflag:s6] =	ssyncadd.s32 $0xFFFFC000  }
0x153: {  	[tilespmem:s12], [sflag:$0x5] =	stream.linear.gather [hbm4b:s0+s2], $0x80, $0x38;
	[tilespmem:$0x8100] =	vst v63  }
0x154: {  	_ =	swait.ge [sflag:s11], $0x80  }
0x155: {  	[sflag:s11] =	ssyncset.done $0x0  }
0x156: {  	[sflag:s11] =	ssyncadd.s32 $0xFFFFFF80  }
0x157: {  	[tilespmem:s9], [sflag:$0x2] =	stream.indirect.gather [hbm4b:s3+s12], $0x80, s12, s12, $0xb8;
	[tilespmem:$0x8100] =	vst v63  }
0x158: {  	_ =	swait.ge [sflag:s15], $0x4000  }
0x159: {  	s0 =	sld [smem:$0x7FB]  }
0x15a: {  	[sflag:s15] =	ssyncset.done $0x0  }
0x15b: {  	[sflag:s15] =	ssyncadd.s32 $0xFFFFC000  }
0x15c: {  	[hbm4b:s0+s2] =	stream.linear.scatter [tilespmem:s13], [sflag:$0x3], $0x4000, $0x38;
	[tilespmem:$0x8100] =	vst v63  }
0x15d: {  	_ =	swait.ge [sflag:s7], $0x4000  }
0x15e: {  	s0 =	sld [smem:$0x7FC]  }
0x15f: {  	[sflag:s7] =	ssyncset.done $0x0  }
0x160: {  	[sflag:s7] =	ssyncadd.s32 $0xFFFFC000  }
0x161: {  	[tilespmem:s2], [sflag:$0x5] =	stream.linear.gather [hbm4b:s0+s2], $0x80, $0x38;
	[tilespmem:$0x8100] =	vst v63  }
0x162: {  	_ =	swait.ge [sflag:s11], $0x80  }
0x163: {  	[sflag:s11] =	ssyncset.done $0x0  }
0x164: {  	[sflag:s11] =	ssyncadd.s32 $0xFFFFFF80  }
0x165: {  	[tilespmem:s13], [sflag:$0x1] =	stream.indirect.gather [hbm4b:s3+s12], $0x80, s2, s12, $0xb8;
	[tilespmem:$0x8100] =	vst v63  }
0x166: {  	_ =	swait.ge [sflag:s14], $0x4000  }
0x167: {  	s0 =	sld [smem:$0x7FD]  }
0x168: {  	[sflag:s14] =	ssyncset.done $0x0  }
0x169: {  	[sflag:s14] =	ssyncadd.s32 $0xFFFFC000  }
0x16a: {  	[hbm4b:s0+s2] =	stream.linear.scatter [tilespmem:s9], [sflag:$0x4], $0x4000, $0x38;
	[tilespmem:$0x8100] =	vst v63  }
0x16b: {  	_ =	swait.ge [sflag:s6], $0x4000  }
0x16c: {  	[sflag:s6] =	ssyncset.done $0x0  }
0x16d: {  	[sflag:s6] =	ssyncadd.s32 $0xFFFFC000  }
0x16e: {  	[tilespmem:s12], [sflag:$0x5] =	stream.linear.gather [hbm4b:s31+s2], $0x80, $0x38;
	[tilespmem:$0x8100] =	vst v63  }
0x16f: {  	_ =	swait.ge [sflag:s11], $0x80  }
0x170: {  	[sflag:s11] =	ssyncset.done $0x0  }
0x171: {  	[sflag:s11] =	ssyncadd.s32 $0xFFFFFF80  }
0x172: {  	[tilespmem:s9], [sflag:$0x2] =	stream.indirect.gather [hbm4b:s3+s12], $0x80, s12, s12, $0xb8;
	[tilespmem:$0x8100] =	vst v63  }
0x173: {  	_ =	swait.ge [sflag:s15], $0x4000  }
0x174: {  	[sflag:s15] =	ssyncset.done $0x0  }
0x175: {  	[sflag:s15] =	ssyncadd.s32 $0xFFFFC000  }
0x176: {  	[hbm4b:s29+s2] =	stream.linear.scatter [tilespmem:s13], [sflag:$0x3], $0x4000, $0x38;
	[tilespmem:$0x8100] =	vst v63  }
0x177: {  	_ =	swait.ge [sflag:s7], $0x4000  }
0x178: {  	[sflag:s7] =	ssyncset.done $0x0  }
0x179: {  	[sflag:s7] =	ssyncadd.s32 $0xFFFFC000  }
0x17a: {  	[tilespmem:s2], [sflag:$0x5] =	stream.linear.gather [hbm4b:s30+s2], $0x80, $0x38;
	[tilespmem:$0x8100] =	vst v63  }
0x17b: {  	_ =	swait.ge [sflag:s11], $0x80  }
0x17c: {  	[sflag:s11] =	ssyncset.done $0x0  }
0x17d: {  	[sflag:s11] =	ssyncadd.s32 $0xFFFFFF80  }
0x17e: {  	[tilespmem:s13], [sflag:$0x1] =	stream.indirect.gather [hbm4b:s3+s12], $0x80, s2, s12, $0xb8;
	[tilespmem:$0x8100] =	vst v63  }
0x17f: {  	_ =	swait.ge [sflag:s14], $0x4000  }
0x180: {  	[sflag:s14] =	ssyncset.done $0x0  }
0x181: {  	[sflag:s14] =	ssyncadd.s32 $0xFFFFC000  }
0x182: {  	[hbm4b:s28+s2] =	stream.linear.scatter [tilespmem:s9], [sflag:$0x4], $0x4000, $0x38;
	[tilespmem:$0x8100] =	vst v63  }
0x183: {  	_ =	swait.ge [sflag:s6], $0x4000  }
0x184: {  	[sflag:s6] =	ssyncset.done $0x0  }
0x185: {  	[sflag:s6] =	ssyncadd.s32 $0xFFFFC000  }
0x186: {  	[tilespmem:s12], [sflag:$0x5] =	stream.linear.gather [hbm4b:s26+s2], $0x80, $0x38;
	[tilespmem:$0x8100] =	vst v63  }
0x187: {  	_ =	swait.ge [sflag:s11], $0x80  }
0x188: {  	[sflag:s11] =	ssyncset.done $0x0  }
0x189: {  	[sflag:s11] =	ssyncadd.s32 $0xFFFFFF80  }
0x18a: {  	[tilespmem:s9], [sflag:$0x2] =	stream.indirect.gather [hbm4b:s3+s12], $0x80, s12, s12, $0xb8;
	[tilespmem:$0x8100] =	vst v63  }
0x18b: {  	_ =	swait.ge [sflag:s15], $0x4000  }
0x18c: {  	[sflag:s15] =	ssyncset.done $0x0  }
0x18d: {  	[sflag:s15] =	ssyncadd.s32 $0xFFFFC000  }
0x18e: {  	[hbm4b:s25+s2] =	stream.linear.scatter [tilespmem:s13], [sflag:$0x3], $0x4000, $0x38;
	[tilespmem:$0x8100] =	vst v63  }
0x18f: {  	_ =	swait.ge [sflag:s7], $0x4000  }
0x190: {  	[sflag:s7] =	ssyncset.done $0x0  }
0x191: {  	[sflag:s7] =	ssyncadd.s32 $0xFFFFC000  }
0x192: {  	[tilespmem:s2], [sflag:$0x5] =	stream.linear.gather [hbm4b:s24+s2], $0x80, $0x38;
	[tilespmem:$0x8100] =	vst v63  }
0x193: {  	_ =	swait.ge [sflag:s11], $0x80  }
0x194: {  	[sflag:s11] =	ssyncset.done $0x0  }
0x195: {  	[sflag:s11] =	ssyncadd.s32 $0xFFFFFF80  }
0x196: {  	[tilespmem:s13], [sflag:$0x1] =	stream.indirect.gather [hbm4b:s3+s12], $0x80, s2, s12, $0xb8;
	[tilespmem:$0x8100] =	vst v63  }
0x197: {  	_ =	swait.ge [sflag:s14], $0x4000  }
0x198: {  	[sflag:s14] =	ssyncset.done $0x0  }
0x199: {  	[sflag:s14] =	ssyncadd.s32 $0xFFFFC000  }
0x19a: {  	[hbm4b:s22+s2] =	stream.linear.scatter [tilespmem:s9], [sflag:$0x4], $0x4000, $0x38;
	[tilespmem:$0x8100] =	vst v63  }
0x19b: {  	_ =	swait.ge [sflag:s6], $0x4000  }
0x19c: {  	[sflag:s6] =	ssyncset.done $0x0  }
0x19d: {  	[sflag:s6] =	ssyncadd.s32 $0xFFFFC000  }
0x19e: {  	[tilespmem:s12], [sflag:$0x5] =	stream.linear.gather [hbm4b:s23+s2], $0x80, $0x38;
	[tilespmem:$0x8100] =	vst v63  }
0x19f: {  	_ =	swait.ge [sflag:s11], $0x80  }
0x1a0: {  	[sflag:s11] =	ssyncset.done $0x0  }
0x1a1: {  	[sflag:s11] =	ssyncadd.s32 $0xFFFFFF80  }
0x1a2: {  	[tilespmem:s9], [sflag:$0x2] =	stream.indirect.gather [hbm4b:s3+s12], $0x80, s12, s12, $0xb8;
	[tilespmem:$0x8100] =	vst v63  }
0x1a3: {  	_ =	swait.ge [sflag:s15], $0x4000  }
0x1a4: {  	[sflag:s15] =	ssyncset.done $0x0  }
0x1a5: {  	[sflag:s15] =	ssyncadd.s32 $0xFFFFC000  }
0x1a6: {  	[hbm4b:s21+s2] =	stream.linear.scatter [tilespmem:s13], [sflag:$0x3], $0x4000, $0x38;
	[tilespmem:$0x8100] =	vst v63  }
0x1a7: {  	_ =	swait.ge [sflag:s7], $0x4000  }
0x1a8: {  	[sflag:s7] =	ssyncset.done $0x0  }
0x1a9: {  	[sflag:s7] =	ssyncadd.s32 $0xFFFFC000  }
0x1aa: {  	[tilespmem:s2], [sflag:$0x5] =	stream.linear.gather [hbm4b:s20+s2], $0x80, $0x38;
	[tilespmem:$0x8100] =	vst v63  }
0x1ab: {  	_ =	swait.ge [sflag:s11], $0x80  }
0x1ac: {  	[sflag:s11] =	ssyncset.done $0x0  }
0x1ad: {  	[sflag:s11] =	ssyncadd.s32 $0xFFFFFF80  }
0x1ae: {  	[tilespmem:s13], [sflag:$0x1] =	stream.indirect.gather [hbm4b:s3+s12], $0x80, s2, s12, $0xb8;
	[tilespmem:$0x8100] =	vst v63  }
0x1af: {  	_ =	swait.ge [sflag:s14], $0x4000  }
0x1b0: {  	[sflag:s14] =	ssyncset.done $0x0  }
0x1b1: {  	[sflag:s14] =	ssyncadd.s32 $0xFFFFC000  }
0x1b2: {  	[hbm4b:s19+s2] =	stream.linear.scatter [tilespmem:s9], [sflag:$0x4], $0x4000, $0x38;
	[tilespmem:$0x8100] =	vst v63  }
0x1b3: {  	_ =	swait.ge [sflag:s6], $0x4000  }
0x1b4: {  	[sflag:s6] =	ssyncset.done $0x0  }
0x1b5: {  	[sflag:s6] =	ssyncadd.s32 $0xFFFFC000  }
0x1b6: {  	[tilespmem:s12], [sflag:$0x5] =	stream.linear.gather [hbm4b:s18+s2], $0x80, $0x38;
	[tilespmem:$0x8100] =	vst v63  }
0x1b7: {  	_ =	swait.ge [sflag:s11], $0x80  }
0x1b8: {  	[sflag:s11] =	ssyncset.done $0x0  }
0x1b9: {  	[sflag:s11] =	ssyncadd.s32 $0xFFFFFF80  }
0x1ba: {  	[tilespmem:s9], [sflag:$0x2] =	stream.indirect.gather [hbm4b:s3+s12], $0x80, s12, s12, $0xb8;
	[tilespmem:$0x8100] =	vst v63  }
0x1bb: {  	_ =	swait.ge [sflag:s15], $0x4000  }
0x1bc: {  	[sflag:s15] =	ssyncset.done $0x0  }
0x1bd: {  	[sflag:s15] =	ssyncadd.s32 $0xFFFFC000  }
0x1be: {  	[hbm4b:s16+s2] =	stream.linear.scatter [tilespmem:s13], [sflag:$0x3], $0x4000, $0x38;
	[tilespmem:$0x8100] =	vst v63  }
0x1bf: {  	_ =	swait.ge [sflag:s7], $0x4000  }
0x1c0: {  	[sflag:s7] =	ssyncset.done $0x0  }
0x1c1: {  	[sflag:s7] =	ssyncadd.s32 $0xFFFFC000  }
0x1c2: {  	[tilespmem:s2], [sflag:$0x5] =	stream.linear.gather [hbm4b:s17+s2], $0x80, $0x38;
	[tilespmem:$0x8100] =	vst v63  }
0x1c3: {  	_ =	swait.ge [sflag:s11], $0x80  }
0x1c4: {  	[sflag:s11] =	ssyncset.done $0x0  }
0x1c5: {  	[sflag:s11] =	ssyncadd.s32 $0xFFFFFF80  }
0x1c6: {  	[tilespmem:s13], [sflag:$0x1] =	stream.indirect.gather [hbm4b:s3+s12], $0x80, s2, s12, $0xb8;
	[tilespmem:$0x8100] =	vst v63  }
0x1c7: {  	_ =	swait.ge [sflag:s14], $0x4000  }
0x1c8: {  	[sflag:s14] =	ssyncset.done $0x0  }
0x1c9: {  	[sflag:s14] =	ssyncadd.s32 $0xFFFFC000  }
0x1ca: {  	[hbm4b:s10+s2] =	stream.linear.scatter [tilespmem:s9], [sflag:$0x4], $0x4000, $0x38;
	[tilespmem:$0x8100] =	vst v63  }
0x1cb: {  	_ =	swait.ge [sflag:s6], $0x4000  }
0x1cc: {  	[sflag:s6] =	ssyncset.done $0x0  }
0x1cd: {  	[sflag:s6] =	ssyncadd.s32 $0xFFFFC000  }
0x1ce: {  	[tilespmem:s12], [sflag:$0x5] =	stream.linear.gather [hbm4b:s8+s2], $0x80, $0x38;
	[tilespmem:$0x8100] =	vst v63  }
0x1cf: {  	_ =	swait.ge [sflag:s11], $0x80  }
0x1d0: {  	[sflag:s11] =	ssyncset.done $0x0  }
0x1d1: {  	[sflag:s11] =	ssyncadd.s32 $0xFFFFFF80  }
0x1d2: {  	[tilespmem:s9], [sflag:$0x2] =	stream.indirect.gather [hbm4b:s3+s12], $0x80, s12, s12, $0xb8;
	[tilespmem:$0x8100] =	vst v63  }
0x1d3: {  	_ =	swait.ge [sflag:s15], $0x4000  }
0x1d4: {  	[sflag:s15] =	ssyncset.done $0x0  }
0x1d5: {  	[sflag:s15] =	ssyncadd.s32 $0xFFFFC000  }
0x1d6: {  	[hbm4b:s5+s2] =	stream.linear.scatter [tilespmem:s13], [sflag:$0x3], $0x4000, $0x38;
	[tilespmem:$0x8100] =	vst v63  }
0x1d7: {  	_ =	swait.ge [sflag:s14], $0x4000  }
0x1d8: {  	[sflag:s14] =	ssyncset.done $0x0  }
0x1d9: {  	p1 =	sne.s32 s1, $0x1;
	[sflag:s14] =	ssyncadd.s32 $0xFFFFC000  }
0x1da: {  	[hbm4b:s4+s2] =	stream.linear.scatter [tilespmem:s9], [sflag:$0x4], $0x4000, $0x38;
	[tilespmem:$0x8100] =	vst v63  }
.Ltmp1:
0x1db: {  	_ =	swait.ge [sflag:s7], $0x4000;
	(pc) =	sbr.rel @!p1 .LBB2_3-.Ltmp1, $4  }
0x1dc: {  	[sflag:s7] =	ssyncset.done $0x0  }
0x1dd: {  	[sflag:s7] =	ssyncadd.s32 $0xFFFFC000  }
0x1de: {  	s1 =	sadd.s32 $0xFFFFFFFF, s1;
	_ =	swait.ge [sflag:s6], $0x4000  }
0x1df: {  	p0 =	por $0x1, $0x1;
	s0 =	rddreg [dreg:$0x3];
	[sflag:s6] =	ssyncset.done $0x0  }
.LBB2_2:
0x1e0: {  	[sflag:s6] =	ssyncadd.s32 $0xFFFFC000  }
0x1e1: {  	[tilespmem:s2], [sflag:$0x5] =	stream.linear.gather [hbm4b:s0+s2], $0x80, $0x38;
	[tilespmem:$0x8100] =	vst v63  }
0x1e2: {  	_ =	swait.ge [sflag:s11], $0x80  }
0x1e3: {  	[sflag:s11] =	ssyncset.done $0x0  }
0x1e4: {  	[sflag:s11] =	ssyncadd.s32 $0xFFFFFF80  }
0x1e5: {  	[tilespmem:s13], [sflag:$0x1] =	stream.indirect.gather [hbm4b:s3+s12], $0x80, s2, s12, $0xb8;
	[tilespmem:$0x8100] =	vst v63  }
0x1e6: {  	s0 =	rddreg [dreg:$0x4]  }
0x1e7: {  	[tilespmem:s12], [sflag:$0x5] =	stream.linear.gather [hbm4b:s0+s2], $0x80, $0x38;
	[tilespmem:$0x8100] =	vst v63  }
0x1e8: {  	_ =	swait.ge [sflag:s11], $0x80  }
0x1e9: {  	[sflag:s11] =	ssyncset.done $0x0  }
0x1ea: {  	[sflag:s11] =	ssyncadd.s32 $0xFFFFFF80  }
0x1eb: {  	[tilespmem:s9], [sflag:$0x2] =	stream.indirect.gather [hbm4b:s3+s12], $0x80, s12, s12, $0xb8;
	[tilespmem:$0x8100] =	vst v63  }
0x1ec: {  	_ =	swait.ge [sflag:s15], $0x4000  }
0x1ed: {  	[sflag:s15] =	ssyncset.done $0x0  }
0x1ee: {  	s0 =	rddreg [dreg:$0x5];
	[sflag:s15] =	ssyncadd.s32 $0xFFFFC000  }
0x1ef: {  	[hbm4b:s0+s2] =	stream.linear.scatter [tilespmem:s13], [sflag:$0x3], $0x4000, $0x38;
	[tilespmem:$0x8100] =	vst v63  }
0x1f0: {  	_ =	swait.ge [sflag:s7], $0x4000  }
0x1f1: {  	[sflag:s7] =	ssyncset.done $0x0  }
0x1f2: {  	s0 =	rddreg [dreg:$0x6];
	[sflag:s7] =	ssyncadd.s32 $0xFFFFC000  }
0x1f3: {  	[tilespmem:s2], [sflag:$0x5] =	stream.linear.gather [hbm4b:s0+s2], $0x80, $0x38;
	[tilespmem:$0x8100] =	vst v63  }
0x1f4: {  	_ =	swait.ge [sflag:s11], $0x80  }
0x1f5: {  	[sflag:s11] =	ssyncset.done $0x0  }
0x1f6: {  	[sflag:s11] =	ssyncadd.s32 $0xFFFFFF80  }
0x1f7: {  	[tilespmem:s13], [sflag:$0x1] =	stream.indirect.gather [hbm4b:s3+s12], $0x80, s2, s12, $0xb8;
	[tilespmem:$0x8100] =	vst v63  }
0x1f8: {  	_ =	swait.ge [sflag:s14], $0x4000  }
0x1f9: {  	[sflag:s14] =	ssyncset.done $0x0  }
0x1fa: {  	s0 =	rddreg [dreg:$0x7];
	[sflag:s14] =	ssyncadd.s32 $0xFFFFC000  }
0x1fb: {  	[hbm4b:s0+s2] =	stream.linear.scatter [tilespmem:s9], [sflag:$0x4], $0x4000, $0x38;
	[tilespmem:$0x8100] =	vst v63  }
0x1fc: {  	_ =	swait.ge [sflag:s6], $0x4000  }
0x1fd: {  	[sflag:s6] =	ssyncset.done $0x0  }
0x1fe: {  	s0 =	rddreg [dreg:$0x8];
	[sflag:s6] =	ssyncadd.s32 $0xFFFFC000  }
0x1ff: {  	[tilespmem:s12], [sflag:$0x5] =	stream.linear.gather [hbm4b:s0+s2], $0x80, $0x38;
	[tilespmem:$0x8100] =	vst v63  }
0x200: {  	_ =	swait.ge [sflag:s11], $0x80  }
0x201: {  	[sflag:s11] =	ssyncset.done $0x0  }
0x202: {  	[sflag:s11] =	ssyncadd.s32 $0xFFFFFF80  }
0x203: {  	[tilespmem:s9], [sflag:$0x2] =	stream.indirect.gather [hbm4b:s3+s12], $0x80, s12, s12, $0xb8;
	[tilespmem:$0x8100] =	vst v63  }
0x204: {  	_ =	swait.ge [sflag:s15], $0x4000  }
0x205: {  	[sflag:s15] =	ssyncset.done $0x0  }
0x206: {  	s0 =	rddreg [dreg:$0x9];
	[sflag:s15] =	ssyncadd.s32 $0xFFFFC000  }
0x207: {  	[hbm4b:s0+s2] =	stream.linear.scatter [tilespmem:s13], [sflag:$0x3], $0x4000, $0x38;
	[tilespmem:$0x8100] =	vst v63  }
0x208: {  	_ =	swait.ge [sflag:s7], $0x4000  }
0x209: {  	[sflag:s7] =	ssyncset.done $0x0  }
0x20a: {  	s0 =	rddreg [dreg:$0xa];
	[sflag:s7] =	ssyncadd.s32 $0xFFFFC000  }
0x20b: {  	[tilespmem:s2], [sflag:$0x5] =	stream.linear.gather [hbm4b:s0+s2], $0x80, $0x38;
	[tilespmem:$0x8100] =	vst v63  }
0x20c: {  	_ =	swait.ge [sflag:s11], $0x80  }
0x20d: {  	[sflag:s11] =	ssyncset.done $0x0  }
0x20e: {  	[sflag:s11] =	ssyncadd.s32 $0xFFFFFF80  }
0x20f: {  	[tilespmem:s13], [sflag:$0x1] =	stream.indirect.gather [hbm4b:s3+s12], $0x80, s2, s12, $0xb8;
	[tilespmem:$0x8100] =	vst v63  }
0x210: {  	_ =	swait.ge [sflag:s14], $0x4000  }
0x211: {  	[sflag:s14] =	ssyncset.done $0x0  }
0x212: {  	s0 =	rddreg [dreg:$0xb];
	[sflag:s14] =	ssyncadd.s32 $0xFFFFC000  }
0x213: {  	[hbm4b:s0+s2] =	stream.linear.scatter [tilespmem:s9], [sflag:$0x4], $0x4000, $0x38;
	[tilespmem:$0x8100] =	vst v63  }
0x214: {  	_ =	swait.ge [sflag:s6], $0x4000  }
0x215: {  	[sflag:s6] =	ssyncset.done $0x0  }
0x216: {  	s0 =	rddreg [dreg:$0xc];
	[sflag:s6] =	ssyncadd.s32 $0xFFFFC000  }
0x217: {  	[tilespmem:s12], [sflag:$0x5] =	stream.linear.gather [hbm4b:s0+s2], $0x80, $0x38;
	[tilespmem:$0x8100] =	vst v63  }
0x218: {  	_ =	swait.ge [sflag:s11], $0x80  }
0x219: {  	[sflag:s11] =	ssyncset.done $0x0  }
0x21a: {  	[sflag:s11] =	ssyncadd.s32 $0xFFFFFF80  }
0x21b: {  	[tilespmem:s9], [sflag:$0x2] =	stream.indirect.gather [hbm4b:s3+s12], $0x80, s12, s12, $0xb8;
	[tilespmem:$0x8100] =	vst v63  }
0x21c: {  	_ =	swait.ge [sflag:s15], $0x4000  }
0x21d: {  	[sflag:s15] =	ssyncset.done $0x0  }
0x21e: {  	s0 =	rddreg [dreg:$0xd];
	[sflag:s15] =	ssyncadd.s32 $0xFFFFC000  }
0x21f: {  	[hbm4b:s0+s2] =	stream.linear.scatter [tilespmem:s13], [sflag:$0x3], $0x4000, $0x38;
	[tilespmem:$0x8100] =	vst v63  }
0x220: {  	_ =	swait.ge [sflag:s7], $0x4000  }
0x221: {  	[sflag:s7] =	ssyncset.done $0x0  }
0x222: {  	s0 =	rddreg [dreg:$0xe];
	[sflag:s7] =	ssyncadd.s32 $0xFFFFC000  }
0x223: {  	[tilespmem:s2], [sflag:$0x5] =	stream.linear.gather [hbm4b:s0+s2], $0x80, $0x38;
	[tilespmem:$0x8100] =	vst v63  }
0x224: {  	_ =	swait.ge [sflag:s11], $0x80  }
0x225: {  	[sflag:s11] =	ssyncset.done $0x0  }
0x226: {  	[sflag:s11] =	ssyncadd.s32 $0xFFFFFF80  }
0x227: {  	[tilespmem:s13], [sflag:$0x1] =	stream.indirect.gather [hbm4b:s3+s12], $0x80, s2, s12, $0xb8;
	[tilespmem:$0x8100] =	vst v63  }
0x228: {  	_ =	swait.ge [sflag:s14], $0x4000  }
0x229: {  	[sflag:s14] =	ssyncset.done $0x0  }
0x22a: {  	s0 =	rddreg [dreg:$0xf];
	[sflag:s14] =	ssyncadd.s32 $0xFFFFC000  }
0x22b: {  	[hbm4b:s0+s2] =	stream.linear.scatter [tilespmem:s9], [sflag:$0x4], $0x4000, $0x38;
	[tilespmem:$0x8100] =	vst v63  }
0x22c: {  	_ =	swait.ge [sflag:s6], $0x4000  }
0x22d: {  	[sflag:s6] =	ssyncset.done $0x0  }
0x22e: {  	s0 =	rddreg [dreg:$0x10];
	[sflag:s6] =	ssyncadd.s32 $0xFFFFC000  }
0x22f: {  	[tilespmem:s12], [sflag:$0x5] =	stream.linear.gather [hbm4b:s0+s2], $0x80, $0x38;
	[tilespmem:$0x8100] =	vst v63  }
0x230: {  	_ =	swait.ge [sflag:s11], $0x80  }
0x231: {  	[sflag:s11] =	ssyncset.done $0x0  }
0x232: {  	[sflag:s11] =	ssyncadd.s32 $0xFFFFFF80  }
0x233: {  	[tilespmem:s9], [sflag:$0x2] =	stream.indirect.gather [hbm4b:s3+s12], $0x80, s12, s12, $0xb8;
	[tilespmem:$0x8100] =	vst v63  }
0x234: {  	_ =	swait.ge [sflag:s15], $0x4000  }
0x235: {  	[sflag:s15] =	ssyncset.done $0x0  }
0x236: {  	s0 =	rddreg [dreg:$0x11];
	[sflag:s15] =	ssyncadd.s32 $0xFFFFC000  }
0x237: {  	[hbm4b:s0+s2] =	stream.linear.scatter [tilespmem:s13], [sflag:$0x3], $0x4000, $0x38;
	[tilespmem:$0x8100] =	vst v63  }
0x238: {  	_ =	swait.ge [sflag:s7], $0x4000  }
0x239: {  	[sflag:s7] =	ssyncset.done $0x0  }
0x23a: {  	s0 =	rddreg [dreg:$0x12];
	[sflag:s7] =	ssyncadd.s32 $0xFFFFC000  }
0x23b: {  	[tilespmem:s2], [sflag:$0x5] =	stream.linear.gather [hbm4b:s0+s2], $0x80, $0x38;
	[tilespmem:$0x8100] =	vst v63  }
0x23c: {  	_ =	swait.ge [sflag:s11], $0x80  }
0x23d: {  	[sflag:s11] =	ssyncset.done $0x0  }
0x23e: {  	[sflag:s11] =	ssyncadd.s32 $0xFFFFFF80  }
0x23f: {  	[tilespmem:s13], [sflag:$0x1] =	stream.indirect.gather [hbm4b:s3+s12], $0x80, s2, s12, $0xb8;
	[tilespmem:$0x8100] =	vst v63  }
0x240: {  	_ =	swait.ge [sflag:s14], $0x4000  }
0x241: {  	[sflag:s14] =	ssyncset.done $0x0  }
0x242: {  	s0 =	rddreg [dreg:$0x13];
	[sflag:s14] =	ssyncadd.s32 $0xFFFFC000  }
0x243: {  	[hbm4b:s0+s2] =	stream.linear.scatter [tilespmem:s9], [sflag:$0x4], $0x4000, $0x38;
	[tilespmem:$0x8100] =	vst v63  }
0x244: {  	_ =	swait.ge [sflag:s6], $0x4000  }
0x245: {  	[sflag:s6] =	ssyncset.done $0x0  }
0x246: {  	s0 =	rddreg [dreg:$0x14];
	[sflag:s6] =	ssyncadd.s32 $0xFFFFC000  }
0x247: {  	[tilespmem:s12], [sflag:$0x5] =	stream.linear.gather [hbm4b:s0+s2], $0x80, $0x38;
	[tilespmem:$0x8100] =	vst v63  }
0x248: {  	_ =	swait.ge [sflag:s11], $0x80  }
0x249: {  	[sflag:s11] =	ssyncset.done $0x0  }
0x24a: {  	[sflag:s11] =	ssyncadd.s32 $0xFFFFFF80  }
0x24b: {  	[tilespmem:s9], [sflag:$0x2] =	stream.indirect.gather [hbm4b:s3+s12], $0x80, s12, s12, $0xb8;
	[tilespmem:$0x8100] =	vst v63  }
0x24c: {  	_ =	swait.ge [sflag:s15], $0x4000  }
0x24d: {  	[sflag:s15] =	ssyncset.done $0x0  }
0x24e: {  	s0 =	rddreg [dreg:$0x15];
	[sflag:s15] =	ssyncadd.s32 $0xFFFFC000  }
0x24f: {  	[hbm4b:s0+s2] =	stream.linear.scatter [tilespmem:s13], [sflag:$0x3], $0x4000, $0x38;
	[tilespmem:$0x8100] =	vst v63  }
0x250: {  	_ =	swait.ge [sflag:s7], $0x4000  }
0x251: {  	[sflag:s7] =	ssyncset.done $0x0  }
0x252: {  	s0 =	rddreg [dreg:$0x16];
	[sflag:s7] =	ssyncadd.s32 $0xFFFFC000  }
0x253: {  	[tilespmem:s2], [sflag:$0x5] =	stream.linear.gather [hbm4b:s0+s2], $0x80, $0x38;
	[tilespmem:$0x8100] =	vst v63  }
0x254: {  	_ =	swait.ge [sflag:s11], $0x80  }
0x255: {  	[sflag:s11] =	ssyncset.done $0x0  }
0x256: {  	[sflag:s11] =	ssyncadd.s32 $0xFFFFFF80  }
0x257: {  	[tilespmem:s13], [sflag:$0x1] =	stream.indirect.gather [hbm4b:s3+s12], $0x80, s2, s12, $0xb8;
	[tilespmem:$0x8100] =	vst v63  }
0x258: {  	_ =	swait.ge [sflag:s14], $0x4000  }
0x259: {  	[sflag:s14] =	ssyncset.done $0x0  }
0x25a: {  	s0 =	rddreg [dreg:$0x17];
	[sflag:s14] =	ssyncadd.s32 $0xFFFFC000  }
0x25b: {  	[hbm4b:s0+s2] =	stream.linear.scatter [tilespmem:s9], [sflag:$0x4], $0x4000, $0x38;
	[tilespmem:$0x8100] =	vst v63  }
0x25c: {  	_ =	swait.ge [sflag:s6], $0x4000  }
0x25d: {  	[sflag:s6] =	ssyncset.done $0x0  }
0x25e: {  	s0 =	rddreg [dreg:$0x18];
	[sflag:s6] =	ssyncadd.s32 $0xFFFFC000  }
0x25f: {  	[tilespmem:s12], [sflag:$0x5] =	stream.linear.gather [hbm4b:s0+s2], $0x80, $0x38;
	[tilespmem:$0x8100] =	vst v63  }
0x260: {  	_ =	swait.ge [sflag:s11], $0x80  }
0x261: {  	[sflag:s11] =	ssyncset.done $0x0  }
0x262: {  	[sflag:s11] =	ssyncadd.s32 $0xFFFFFF80  }
0x263: {  	[tilespmem:s9], [sflag:$0x2] =	stream.indirect.gather [hbm4b:s3+s12], $0x80, s12, s12, $0xb8;
	[tilespmem:$0x8100] =	vst v63  }
0x264: {  	_ =	swait.ge [sflag:s15], $0x4000  }
0x265: {  	[sflag:s15] =	ssyncset.done $0x0  }
0x266: {  	s0 =	rddreg [dreg:$0x19];
	[sflag:s15] =	ssyncadd.s32 $0xFFFFC000  }
0x267: {  	[hbm4b:s0+s2] =	stream.linear.scatter [tilespmem:s13], [sflag:$0x3], $0x4000, $0x38;
	[tilespmem:$0x8100] =	vst v63  }
0x268: {  	_ =	swait.ge [sflag:s7], $0x4000  }
0x269: {  	[sflag:s7] =	ssyncset.done $0x0  }
0x26a: {  	s0 =	rddreg [dreg:$0x1a];
	[sflag:s7] =	ssyncadd.s32 $0xFFFFC000  }
0x26b: {  	[tilespmem:s2], [sflag:$0x5] =	stream.linear.gather [hbm4b:s0+s2], $0x80, $0x38;
	[tilespmem:$0x8100] =	vst v63  }
0x26c: {  	_ =	swait.ge [sflag:s11], $0x80  }
0x26d: {  	[sflag:s11] =	ssyncset.done $0x0  }
0x26e: {  	[sflag:s11] =	ssyncadd.s32 $0xFFFFFF80  }
0x26f: {  	[tilespmem:s13], [sflag:$0x1] =	stream.indirect.gather [hbm4b:s3+s12], $0x80, s2, s12, $0xb8;
	[tilespmem:$0x8100] =	vst v63  }
0x270: {  	_ =	swait.ge [sflag:s14], $0x4000  }
0x271: {  	[sflag:s14] =	ssyncset.done $0x0  }
0x272: {  	s0 =	rddreg [dreg:$0x1b];
	[sflag:s14] =	ssyncadd.s32 $0xFFFFC000  }
0x273: {  	[hbm4b:s0+s2] =	stream.linear.scatter [tilespmem:s9], [sflag:$0x4], $0x4000, $0x38;
	[tilespmem:$0x8100] =	vst v63  }
0x274: {  	_ =	swait.ge [sflag:s6], $0x4000  }
0x275: {  	[sflag:s6] =	ssyncset.done $0x0  }
0x276: {  	s0 =	rddreg [dreg:$0x1c];
	[sflag:s6] =	ssyncadd.s32 $0xFFFFC000  }
0x277: {  	[tilespmem:s12], [sflag:$0x5] =	stream.linear.gather [hbm4b:s0+s2], $0x80, $0x38;
	[tilespmem:$0x8100] =	vst v63  }
0x278: {  	_ =	swait.ge [sflag:s11], $0x80  }
0x279: {  	[sflag:s11] =	ssyncset.done $0x0  }
0x27a: {  	[sflag:s11] =	ssyncadd.s32 $0xFFFFFF80  }
0x27b: {  	[tilespmem:s9], [sflag:$0x2] =	stream.indirect.gather [hbm4b:s3+s12], $0x80, s12, s12, $0xb8;
	[tilespmem:$0x8100] =	vst v63  }
0x27c: {  	_ =	swait.ge [sflag:s15], $0x4000  }
0x27d: {  	[sflag:s15] =	ssyncset.done $0x0  }
0x27e: {  	s0 =	rddreg [dreg:$0x1d];
	[sflag:s15] =	ssyncadd.s32 $0xFFFFC000  }
0x27f: {  	[hbm4b:s0+s2] =	stream.linear.scatter [tilespmem:s13], [sflag:$0x3], $0x4000, $0x38;
	[tilespmem:$0x8100] =	vst v63  }
0x280: {  	_ =	swait.ge [sflag:s7], $0x4000  }
0x281: {  	[sflag:s7] =	ssyncset.done $0x0  }
0x282: {  	s0 =	rddreg [dreg:$0x1e];
	[sflag:s7] =	ssyncadd.s32 $0xFFFFC000  }
0x283: {  	[tilespmem:s2], [sflag:$0x5] =	stream.linear.gather [hbm4b:s0+s2], $0x80, $0x38;
	[tilespmem:$0x8100] =	vst v63  }
0x284: {  	_ =	swait.ge [sflag:s11], $0x80  }
0x285: {  	[sflag:s11] =	ssyncset.done $0x0  }
0x286: {  	[sflag:s11] =	ssyncadd.s32 $0xFFFFFF80  }
0x287: {  	[tilespmem:s13], [sflag:$0x1] =	stream.indirect.gather [hbm4b:s3+s12], $0x80, s2, s12, $0xb8;
	[tilespmem:$0x8100] =	vst v63  }
0x288: {  	_ =	swait.ge [sflag:s14], $0x4000  }
0x289: {  	[sflag:s14] =	ssyncset.done $0x0  }
0x28a: {  	s0 =	rddreg [dreg:$0x1f];
	[sflag:s14] =	ssyncadd.s32 $0xFFFFC000  }
0x28b: {  	[hbm4b:s0+s2] =	stream.linear.scatter [tilespmem:s9], [sflag:$0x4], $0x4000, $0x38;
	[tilespmem:$0x8100] =	vst v63  }
0x28c: {  	_ =	swait.ge [sflag:s6], $0x4000  }
0x28d: {  	s0 =	sld [smem:$0x7EE]  }
0x28e: {  	[sflag:s6] =	ssyncset.done $0x0  }
0x28f: {  	[sflag:s6] =	ssyncadd.s32 $0xFFFFC000  }
0x290: {  	[tilespmem:s12], [sflag:$0x5] =	stream.linear.gather [hbm4b:s0+s2], $0x80, $0x38;
	[tilespmem:$0x8100] =	vst v63  }
0x291: {  	_ =	swait.ge [sflag:s11], $0x80  }
0x292: {  	[sflag:s11] =	ssyncset.done $0x0  }
0x293: {  	[sflag:s11] =	ssyncadd.s32 $0xFFFFFF80  }
0x294: {  	[tilespmem:s9], [sflag:$0x2] =	stream.indirect.gather [hbm4b:s3+s12], $0x80, s12, s12, $0xb8;
	[tilespmem:$0x8100] =	vst v63  }
0x295: {  	_ =	swait.ge [sflag:s15], $0x4000  }
0x296: {  	s0 =	sld [smem:$0x7EF]  }
0x297: {  	[sflag:s15] =	ssyncset.done $0x0  }
0x298: {  	[sflag:s15] =	ssyncadd.s32 $0xFFFFC000  }
0x299: {  	[hbm4b:s0+s2] =	stream.linear.scatter [tilespmem:s13], [sflag:$0x3], $0x4000, $0x38;
	[tilespmem:$0x8100] =	vst v63  }
0x29a: {  	_ =	swait.ge [sflag:s7], $0x4000  }
0x29b: {  	s0 =	sld [smem:$0x7F0]  }
0x29c: {  	[sflag:s7] =	ssyncset.done $0x0  }
0x29d: {  	[sflag:s7] =	ssyncadd.s32 $0xFFFFC000  }
0x29e: {  	[tilespmem:s2], [sflag:$0x5] =	stream.linear.gather [hbm4b:s0+s2], $0x80, $0x38;
	[tilespmem:$0x8100] =	vst v63  }
0x29f: {  	_ =	swait.ge [sflag:s11], $0x80  }
0x2a0: {  	[sflag:s11] =	ssyncset.done $0x0  }
0x2a1: {  	[sflag:s11] =	ssyncadd.s32 $0xFFFFFF80  }
0x2a2: {  	[tilespmem:s13], [sflag:$0x1] =	stream.indirect.gather [hbm4b:s3+s12], $0x80, s2, s12, $0xb8;
	[tilespmem:$0x8100] =	vst v63  }
0x2a3: {  	_ =	swait.ge [sflag:s14], $0x4000  }
0x2a4: {  	s0 =	sld [smem:$0x7F1]  }
0x2a5: {  	[sflag:s14] =	ssyncset.done $0x0  }
0x2a6: {  	[sflag:s14] =	ssyncadd.s32 $0xFFFFC000  }
0x2a7: {  	[hbm4b:s0+s2] =	stream.linear.scatter [tilespmem:s9], [sflag:$0x4], $0x4000, $0x38;
	[tilespmem:$0x8100] =	vst v63  }
0x2a8: {  	_ =	swait.ge [sflag:s6], $0x4000  }
0x2a9: {  	s0 =	sld [smem:$0x7F2]  }
0x2aa: {  	[sflag:s6] =	ssyncset.done $0x0  }
0x2ab: {  	[sflag:s6] =	ssyncadd.s32 $0xFFFFC000  }
0x2ac: {  	[tilespmem:s12], [sflag:$0x5] =	stream.linear.gather [hbm4b:s0+s2], $0x80, $0x38;
	[tilespmem:$0x8100] =	vst v63  }
0x2ad: {  	_ =	swait.ge [sflag:s11], $0x80  }
0x2ae: {  	[sflag:s11] =	ssyncset.done $0x0  }
0x2af: {  	[sflag:s11] =	ssyncadd.s32 $0xFFFFFF80  }
0x2b0: {  	[tilespmem:s9], [sflag:$0x2] =	stream.indirect.gather [hbm4b:s3+s12], $0x80, s12, s12, $0xb8;
	[tilespmem:$0x8100] =	vst v63  }
0x2b1: {  	_ =	swait.ge [sflag:s15], $0x4000  }
0x2b2: {  	s0 =	sld [smem:$0x7F3]  }
0x2b3: {  	[sflag:s15] =	ssyncset.done $0x0  }
0x2b4: {  	[sflag:s15] =	ssyncadd.s32 $0xFFFFC000  }
0x2b5: {  	[hbm4b:s0+s2] =	stream.linear.scatter [tilespmem:s13], [sflag:$0x3], $0x4000, $0x38;
	[tilespmem:$0x8100] =	vst v63  }
0x2b6: {  	_ =	swait.ge [sflag:s7], $0x4000  }
0x2b7: {  	s0 =	sld [smem:$0x7F4]  }
0x2b8: {  	[sflag:s7] =	ssyncset.done $0x0  }
0x2b9: {  	[sflag:s7] =	ssyncadd.s32 $0xFFFFC000  }
0x2ba: {  	[tilespmem:s2], [sflag:$0x5] =	stream.linear.gather [hbm4b:s0+s2], $0x80, $0x38;
	[tilespmem:$0x8100] =	vst v63  }
0x2bb: {  	_ =	swait.ge [sflag:s11], $0x80  }
0x2bc: {  	[sflag:s11] =	ssyncset.done $0x0  }
0x2bd: {  	[sflag:s11] =	ssyncadd.s32 $0xFFFFFF80  }
0x2be: {  	[tilespmem:s13], [sflag:$0x1] =	stream.indirect.gather [hbm4b:s3+s12], $0x80, s2, s12, $0xb8;
	[tilespmem:$0x8100] =	vst v63  }
0x2bf: {  	_ =	swait.ge [sflag:s14], $0x4000  }
0x2c0: {  	s0 =	sld [smem:$0x7F5]  }
0x2c1: {  	[sflag:s14] =	ssyncset.done $0x0  }
0x2c2: {  	[sflag:s14] =	ssyncadd.s32 $0xFFFFC000  }
0x2c3: {  	[hbm4b:s0+s2] =	stream.linear.scatter [tilespmem:s9], [sflag:$0x4], $0x4000, $0x38;
	[tilespmem:$0x8100] =	vst v63  }
0x2c4: {  	_ =	swait.ge [sflag:s6], $0x4000  }
0x2c5: {  	s0 =	sld [smem:$0x7F6]  }
0x2c6: {  	[sflag:s6] =	ssyncset.done $0x0  }
0x2c7: {  	[sflag:s6] =	ssyncadd.s32 $0xFFFFC000  }
0x2c8: {  	[tilespmem:s12], [sflag:$0x5] =	stream.linear.gather [hbm4b:s0+s2], $0x80, $0x38;
	[tilespmem:$0x8100] =	vst v63  }
0x2c9: {  	_ =	swait.ge [sflag:s11], $0x80  }
0x2ca: {  	[sflag:s11] =	ssyncset.done $0x0  }
0x2cb: {  	[sflag:s11] =	ssyncadd.s32 $0xFFFFFF80  }
0x2cc: {  	[tilespmem:s9], [sflag:$0x2] =	stream.indirect.gather [hbm4b:s3+s12], $0x80, s12, s12, $0xb8;
	[tilespmem:$0x8100] =	vst v63  }
0x2cd: {  	_ =	swait.ge [sflag:s15], $0x4000  }
0x2ce: {  	s0 =	sld [smem:$0x7F7]  }
0x2cf: {  	[sflag:s15] =	ssyncset.done $0x0  }
0x2d0: {  	[sflag:s15] =	ssyncadd.s32 $0xFFFFC000  }
0x2d1: {  	[hbm4b:s0+s2] =	stream.linear.scatter [tilespmem:s13], [sflag:$0x3], $0x4000, $0x38;
	[tilespmem:$0x8100] =	vst v63  }
0x2d2: {  	_ =	swait.ge [sflag:s7], $0x4000  }
0x2d3: {  	s0 =	sld [smem:$0x7F8]  }
0x2d4: {  	[sflag:s7] =	ssyncset.done $0x0  }
0x2d5: {  	[sflag:s7] =	ssyncadd.s32 $0xFFFFC000  }
0x2d6: {  	[tilespmem:s2], [sflag:$0x5] =	stream.linear.gather [hbm4b:s0+s2], $0x80, $0x38;
	[tilespmem:$0x8100] =	vst v63  }
0x2d7: {  	_ =	swait.ge [sflag:s11], $0x80  }
0x2d8: {  	[sflag:s11] =	ssyncset.done $0x0  }
0x2d9: {  	[sflag:s11] =	ssyncadd.s32 $0xFFFFFF80  }
0x2da: {  	[tilespmem:s13], [sflag:$0x1] =	stream.indirect.gather [hbm4b:s3+s12], $0x80, s2, s12, $0xb8;
	[tilespmem:$0x8100] =	vst v63  }
0x2db: {  	_ =	swait.ge [sflag:s14], $0x4000  }
0x2dc: {  	s0 =	sld [smem:$0x7F9]  }
0x2dd: {  	[sflag:s14] =	ssyncset.done $0x0  }
0x2de: {  	[sflag:s14] =	ssyncadd.s32 $0xFFFFC000  }
0x2df: {  	[hbm4b:s0+s2] =	stream.linear.scatter [tilespmem:s9], [sflag:$0x4], $0x4000, $0x38;
	[tilespmem:$0x8100] =	vst v63  }
0x2e0: {  	_ =	swait.ge [sflag:s6], $0x4000  }
0x2e1: {  	s0 =	sld [smem:$0x7FA]  }
0x2e2: {  	[sflag:s6] =	ssyncset.done $0x0  }
0x2e3: {  	[sflag:s6] =	ssyncadd.s32 $0xFFFFC000  }
0x2e4: {  	[tilespmem:s12], [sflag:$0x5] =	stream.linear.gather [hbm4b:s0+s2], $0x80, $0x38;
	[tilespmem:$0x8100] =	vst v63  }
0x2e5: {  	_ =	swait.ge [sflag:s11], $0x80  }
0x2e6: {  	[sflag:s11] =	ssyncset.done $0x0  }
0x2e7: {  	[sflag:s11] =	ssyncadd.s32 $0xFFFFFF80  }
0x2e8: {  	[tilespmem:s9], [sflag:$0x2] =	stream.indirect.gather [hbm4b:s3+s12], $0x80, s12, s12, $0xb8;
	[tilespmem:$0x8100] =	vst v63  }
0x2e9: {  	_ =	swait.ge [sflag:s15], $0x4000  }
0x2ea: {  	s0 =	sld [smem:$0x7FB]  }
0x2eb: {  	[sflag:s15] =	ssyncset.done $0x0  }
0x2ec: {  	[sflag:s15] =	ssyncadd.s32 $0xFFFFC000  }
0x2ed: {  	[hbm4b:s0+s2] =	stream.linear.scatter [tilespmem:s13], [sflag:$0x3], $0x4000, $0x38;
	[tilespmem:$0x8100] =	vst v63  }
0x2ee: {  	_ =	swait.ge [sflag:s7], $0x4000  }
0x2ef: {  	s0 =	sld [smem:$0x7FC]  }
0x2f0: {  	[sflag:s7] =	ssyncset.done $0x0  }
0x2f1: {  	[sflag:s7] =	ssyncadd.s32 $0xFFFFC000  }
0x2f2: {  	[tilespmem:s2], [sflag:$0x5] =	stream.linear.gather [hbm4b:s0+s2], $0x80, $0x38;
	[tilespmem:$0x8100] =	vst v63  }
0x2f3: {  	_ =	swait.ge [sflag:s11], $0x80  }
0x2f4: {  	[sflag:s11] =	ssyncset.done $0x0  }
0x2f5: {  	[sflag:s11] =	ssyncadd.s32 $0xFFFFFF80  }
0x2f6: {  	[tilespmem:s13], [sflag:$0x1] =	stream.indirect.gather [hbm4b:s3+s12], $0x80, s2, s12, $0xb8;
	[tilespmem:$0x8100] =	vst v63  }
0x2f7: {  	_ =	swait.ge [sflag:s14], $0x4000  }
0x2f8: {  	s0 =	sld [smem:$0x7FD]  }
0x2f9: {  	[sflag:s14] =	ssyncset.done $0x0  }
0x2fa: {  	[sflag:s14] =	ssyncadd.s32 $0xFFFFC000  }
0x2fb: {  	[hbm4b:s0+s2] =	stream.linear.scatter [tilespmem:s9], [sflag:$0x4], $0x4000, $0x38;
	[tilespmem:$0x8100] =	vst v63  }
0x2fc: {  	_ =	swait.ge [sflag:s6], $0x4000  }
0x2fd: {  	[sflag:s6] =	ssyncset.done $0x0  }
0x2fe: {  	[sflag:s6] =	ssyncadd.s32 $0xFFFFC000  }
0x2ff: {  	[tilespmem:s12], [sflag:$0x5] =	stream.linear.gather [hbm4b:s31+s2], $0x80, $0x38;
	[tilespmem:$0x8100] =	vst v63  }
0x300: {  	_ =	swait.ge [sflag:s11], $0x80  }
0x301: {  	[sflag:s11] =	ssyncset.done $0x0  }
0x302: {  	[sflag:s11] =	ssyncadd.s32 $0xFFFFFF80  }
0x303: {  	[tilespmem:s9], [sflag:$0x2] =	stream.indirect.gather [hbm4b:s3+s12], $0x80, s12, s12, $0xb8;
	[tilespmem:$0x8100] =	vst v63  }
0x304: {  	_ =	swait.ge [sflag:s15], $0x4000  }
0x305: {  	[sflag:s15] =	ssyncset.done $0x0  }
0x306: {  	[sflag:s15] =	ssyncadd.s32 $0xFFFFC000  }
0x307: {  	[hbm4b:s29+s2] =	stream.linear.scatter [tilespmem:s13], [sflag:$0x3], $0x4000, $0x38;
	[tilespmem:$0x8100] =	vst v63  }
0x308: {  	_ =	swait.ge [sflag:s7], $0x4000  }
0x309: {  	[sflag:s7] =	ssyncset.done $0x0  }
0x30a: {  	[sflag:s7] =	ssyncadd.s32 $0xFFFFC000  }
0x30b: {  	[tilespmem:s2], [sflag:$0x5] =	stream.linear.gather [hbm4b:s30+s2], $0x80, $0x38;
	[tilespmem:$0x8100] =	vst v63  }
0x30c: {  	_ =	swait.ge [sflag:s11], $0x80  }
0x30d: {  	[sflag:s11] =	ssyncset.done $0x0  }
0x30e: {  	[sflag:s11] =	ssyncadd.s32 $0xFFFFFF80  }
0x30f: {  	[tilespmem:s13], [sflag:$0x1] =	stream.indirect.gather [hbm4b:s3+s12], $0x80, s2, s12, $0xb8;
	[tilespmem:$0x8100] =	vst v63  }
0x310: {  	_ =	swait.ge [sflag:s14], $0x4000  }
0x311: {  	[sflag:s14] =	ssyncset.done $0x0  }
0x312: {  	[sflag:s14] =	ssyncadd.s32 $0xFFFFC000  }
0x313: {  	[hbm4b:s28+s2] =	stream.linear.scatter [tilespmem:s9], [sflag:$0x4], $0x4000, $0x38;
	[tilespmem:$0x8100] =	vst v63  }
0x314: {  	_ =	swait.ge [sflag:s6], $0x4000  }
0x315: {  	[sflag:s6] =	ssyncset.done $0x0  }
0x316: {  	[sflag:s6] =	ssyncadd.s32 $0xFFFFC000  }
0x317: {  	[tilespmem:s12], [sflag:$0x5] =	stream.linear.gather [hbm4b:s26+s2], $0x80, $0x38;
	[tilespmem:$0x8100] =	vst v63  }
0x318: {  	_ =	swait.ge [sflag:s11], $0x80  }
0x319: {  	[sflag:s11] =	ssyncset.done $0x0  }
0x31a: {  	[sflag:s11] =	ssyncadd.s32 $0xFFFFFF80  }
0x31b: {  	[tilespmem:s9], [sflag:$0x2] =	stream.indirect.gather [hbm4b:s3+s12], $0x80, s12, s12, $0xb8;
	[tilespmem:$0x8100] =	vst v63  }
0x31c: {  	_ =	swait.ge [sflag:s15], $0x4000  }
0x31d: {  	[sflag:s15] =	ssyncset.done $0x0  }
0x31e: {  	[sflag:s15] =	ssyncadd.s32 $0xFFFFC000  }
0x31f: {  	[hbm4b:s25+s2] =	stream.linear.scatter [tilespmem:s13], [sflag:$0x3], $0x4000, $0x38;
	[tilespmem:$0x8100] =	vst v63  }
0x320: {  	_ =	swait.ge [sflag:s7], $0x4000  }
0x321: {  	[sflag:s7] =	ssyncset.done $0x0  }
0x322: {  	[sflag:s7] =	ssyncadd.s32 $0xFFFFC000  }
0x323: {  	[tilespmem:s2], [sflag:$0x5] =	stream.linear.gather [hbm4b:s24+s2], $0x80, $0x38;
	[tilespmem:$0x8100] =	vst v63  }
0x324: {  	_ =	swait.ge [sflag:s11], $0x80  }
0x325: {  	[sflag:s11] =	ssyncset.done $0x0  }
0x326: {  	[sflag:s11] =	ssyncadd.s32 $0xFFFFFF80  }
0x327: {  	[tilespmem:s13], [sflag:$0x1] =	stream.indirect.gather [hbm4b:s3+s12], $0x80, s2, s12, $0xb8;
	[tilespmem:$0x8100] =	vst v63  }
0x328: {  	_ =	swait.ge [sflag:s14], $0x4000  }
0x329: {  	[sflag:s14] =	ssyncset.done $0x0  }
0x32a: {  	[sflag:s14] =	ssyncadd.s32 $0xFFFFC000  }
0x32b: {  	[hbm4b:s22+s2] =	stream.linear.scatter [tilespmem:s9], [sflag:$0x4], $0x4000, $0x38;
	[tilespmem:$0x8100] =	vst v63  }
0x32c: {  	_ =	swait.ge [sflag:s6], $0x4000  }
0x32d: {  	[sflag:s6] =	ssyncset.done $0x0  }
0x32e: {  	[sflag:s6] =	ssyncadd.s32 $0xFFFFC000  }
0x32f: {  	[tilespmem:s12], [sflag:$0x5] =	stream.linear.gather [hbm4b:s23+s2], $0x80, $0x38;
	[tilespmem:$0x8100] =	vst v63  }
0x330: {  	_ =	swait.ge [sflag:s11], $0x80  }
0x331: {  	[sflag:s11] =	ssyncset.done $0x0  }
0x332: {  	[sflag:s11] =	ssyncadd.s32 $0xFFFFFF80  }
0x333: {  	[tilespmem:s9], [sflag:$0x2] =	stream.indirect.gather [hbm4b:s3+s12], $0x80, s12, s12, $0xb8;
	[tilespmem:$0x8100] =	vst v63  }
0x334: {  	_ =	swait.ge [sflag:s15], $0x4000  }
0x335: {  	[sflag:s15] =	ssyncset.done $0x0  }
0x336: {  	[sflag:s15] =	ssyncadd.s32 $0xFFFFC000  }
0x337: {  	[hbm4b:s21+s2] =	stream.linear.scatter [tilespmem:s13], [sflag:$0x3], $0x4000, $0x38;
	[tilespmem:$0x8100] =	vst v63  }
0x338: {  	_ =	swait.ge [sflag:s7], $0x4000  }
0x339: {  	[sflag:s7] =	ssyncset.done $0x0  }
0x33a: {  	[sflag:s7] =	ssyncadd.s32 $0xFFFFC000  }
0x33b: {  	[tilespmem:s2], [sflag:$0x5] =	stream.linear.gather [hbm4b:s20+s2], $0x80, $0x38;
	[tilespmem:$0x8100] =	vst v63  }
0x33c: {  	_ =	swait.ge [sflag:s11], $0x80  }
0x33d: {  	[sflag:s11] =	ssyncset.done $0x0  }
0x33e: {  	[sflag:s11] =	ssyncadd.s32 $0xFFFFFF80  }
0x33f: {  	[tilespmem:s13], [sflag:$0x1] =	stream.indirect.gather [hbm4b:s3+s12], $0x80, s2, s12, $0xb8;
	[tilespmem:$0x8100] =	vst v63  }
0x340: {  	_ =	swait.ge [sflag:s14], $0x4000  }
0x341: {  	[sflag:s14] =	ssyncset.done $0x0  }
0x342: {  	[sflag:s14] =	ssyncadd.s32 $0xFFFFC000  }
0x343: {  	[hbm4b:s19+s2] =	stream.linear.scatter [tilespmem:s9], [sflag:$0x4], $0x4000, $0x38;
	[tilespmem:$0x8100] =	vst v63  }
0x344: {  	_ =	swait.ge [sflag:s6], $0x4000  }
0x345: {  	[sflag:s6] =	ssyncset.done $0x0  }
0x346: {  	[sflag:s6] =	ssyncadd.s32 $0xFFFFC000  }
0x347: {  	[tilespmem:s12], [sflag:$0x5] =	stream.linear.gather [hbm4b:s18+s2], $0x80, $0x38;
	[tilespmem:$0x8100] =	vst v63  }
0x348: {  	_ =	swait.ge [sflag:s11], $0x80  }
0x349: {  	[sflag:s11] =	ssyncset.done $0x0  }
0x34a: {  	[sflag:s11] =	ssyncadd.s32 $0xFFFFFF80  }
0x34b: {  	[tilespmem:s9], [sflag:$0x2] =	stream.indirect.gather [hbm4b:s3+s12], $0x80, s12, s12, $0xb8;
	[tilespmem:$0x8100] =	vst v63  }
0x34c: {  	_ =	swait.ge [sflag:s15], $0x4000  }
0x34d: {  	[sflag:s15] =	ssyncset.done $0x0  }
0x34e: {  	[sflag:s15] =	ssyncadd.s32 $0xFFFFC000  }
0x34f: {  	[hbm4b:s16+s2] =	stream.linear.scatter [tilespmem:s13], [sflag:$0x3], $0x4000, $0x38;
	[tilespmem:$0x8100] =	vst v63  }
0x350: {  	_ =	swait.ge [sflag:s7], $0x4000  }
0x351: {  	[sflag:s7] =	ssyncset.done $0x0  }
0x352: {  	[sflag:s7] =	ssyncadd.s32 $0xFFFFC000  }
0x353: {  	[tilespmem:s2], [sflag:$0x5] =	stream.linear.gather [hbm4b:s17+s2], $0x80, $0x38;
	[tilespmem:$0x8100] =	vst v63  }
0x354: {  	_ =	swait.ge [sflag:s11], $0x80  }
0x355: {  	[sflag:s11] =	ssyncset.done $0x0  }
0x356: {  	[sflag:s11] =	ssyncadd.s32 $0xFFFFFF80  }
0x357: {  	[tilespmem:s13], [sflag:$0x1] =	stream.indirect.gather [hbm4b:s3+s12], $0x80, s2, s12, $0xb8;
	[tilespmem:$0x8100] =	vst v63  }
0x358: {  	_ =	swait.ge [sflag:s14], $0x4000  }
0x359: {  	[sflag:s14] =	ssyncset.done $0x0  }
0x35a: {  	[sflag:s14] =	ssyncadd.s32 $0xFFFFC000  }
0x35b: {  	[hbm4b:s10+s2] =	stream.linear.scatter [tilespmem:s9], [sflag:$0x4], $0x4000, $0x38;
	[tilespmem:$0x8100] =	vst v63  }
0x35c: {  	_ =	swait.ge [sflag:s6], $0x4000  }
0x35d: {  	[sflag:s6] =	ssyncset.done $0x0  }
0x35e: {  	[sflag:s6] =	ssyncadd.s32 $0xFFFFC000  }
0x35f: {  	[tilespmem:s12], [sflag:$0x5] =	stream.linear.gather [hbm4b:s8+s2], $0x80, $0x38;
	[tilespmem:$0x8100] =	vst v63  }
0x360: {  	_ =	swait.ge [sflag:s11], $0x80  }
0x361: {  	[sflag:s11] =	ssyncset.done $0x0  }
0x362: {  	[sflag:s11] =	ssyncadd.s32 $0xFFFFFF80  }
0x363: {  	[tilespmem:s9], [sflag:$0x2] =	stream.indirect.gather [hbm4b:s3+s12], $0x80, s12, s12, $0xb8;
	[tilespmem:$0x8100] =	vst v63  }
0x364: {  	_ =	swait.ge [sflag:s15], $0x4000  }
0x365: {  	[sflag:s15] =	ssyncset.done $0x0  }
0x366: {  	[sflag:s15] =	ssyncadd.s32 $0xFFFFC000  }
0x367: {  	[hbm4b:s5+s2] =	stream.linear.scatter [tilespmem:s13], [sflag:$0x3], $0x4000, $0x38;
	[tilespmem:$0x8100] =	vst v63  }
0x368: {  	_ =	swait.ge [sflag:s14], $0x4000  }
0x369: {  	[sflag:s14] =	ssyncset.done $0x0  }
0x36a: {  	p1 =	sne.s32 s1, $0x1;
	[sflag:s14] =	ssyncadd.s32 $0xFFFFC000  }
0x36b: {  	[hbm4b:s4+s2] =	stream.linear.scatter [tilespmem:s9], [sflag:$0x4], $0x4000, $0x38;
	[tilespmem:$0x8100] =	vst v63  }
.Ltmp2:
0x36c: {  	_ =	swait.ge [sflag:s7], $0x4000;
	(pc) =	sbr.rel @p1 .LBB2_2-.Ltmp2, $4  }
0x36d: {  	[sflag:s7] =	ssyncset.done $0x0  }
0x36e: {  	[sflag:s7] =	ssyncadd.s32 $0xFFFFC000  }
0x36f: {  	_ =	swait.ge [sflag:s6], $0x4000  }
0x370: {  	s1 =	sadd.s32 $0xFFFFFFFF, s1;
	s0 =	rddreg [dreg:$0x3];
	[sflag:s6] =	ssyncset.done $0x0  }
.LBB2_3:
0x371: {  	[sflag:s6] =	ssyncadd.s32 @p0 $0xFFFFC000  }
0x372: {  	[tilespmem:s2], [sflag:$0x5] =	stream.linear.gather [hbm4b:s0+s2], $0x80, $0x38;
	[tilespmem:$0x8100] =	vst v63  }
0x373: {  	_ =	swait.ge [sflag:s11], $0x80  }
0x374: {  	[sflag:s11] =	ssyncset.done $0x0  }
0x375: {  	[sflag:s11] =	ssyncadd.s32 $0xFFFFFF80  }
0x376: {  	[tilespmem:s13], [sflag:$0x1] =	stream.indirect.gather [hbm4b:s3+s12], $0x80, s2, s12, $0xb8;
	[tilespmem:$0x8100] =	vst v63  }
0x377: {  	s1 =	rddreg [dreg:$0x4]  }
0x378: {  	[tilespmem:s12], [sflag:$0x5] =	stream.linear.gather [hbm4b:s1+s2], $0x80, $0x38;
	[tilespmem:$0x8100] =	vst v63  }
0x379: {  	_ =	swait.ge [sflag:s11], $0x80  }
0x37a: {  	[sflag:s11] =	ssyncset.done $0x0  }
0x37b: {  	[sflag:s11] =	ssyncadd.s32 $0xFFFFFF80  }
0x37c: {  	[tilespmem:s9], [sflag:$0x2] =	stream.indirect.gather [hbm4b:s3+s12], $0x80, s12, s12, $0xb8;
	[tilespmem:$0x8100] =	vst v63  }
0x37d: {  	_ =	swait.ge [sflag:s15], $0x4000  }
0x37e: {  	[sflag:s15] =	ssyncset.done $0x0  }
0x37f: {  	s1 =	rddreg [dreg:$0x5];
	[sflag:s15] =	ssyncadd.s32 $0xFFFFC000  }
0x380: {  	[hbm4b:s1+s2] =	stream.linear.scatter [tilespmem:s13], [sflag:$0x3], $0x4000, $0x38;
	[tilespmem:$0x8100] =	vst v63  }
0x381: {  	_ =	swait.ge [sflag:s7], $0x4000  }
0x382: {  	[sflag:s7] =	ssyncset.done $0x0  }
0x383: {  	s1 =	rddreg [dreg:$0x6];
	[sflag:s7] =	ssyncadd.s32 $0xFFFFC000  }
0x384: {  	[tilespmem:s2], [sflag:$0x5] =	stream.linear.gather [hbm4b:s1+s2], $0x80, $0x38;
	[tilespmem:$0x8100] =	vst v63  }
0x385: {  	_ =	swait.ge [sflag:s11], $0x80  }
0x386: {  	[sflag:s11] =	ssyncset.done $0x0  }
0x387: {  	[sflag:s11] =	ssyncadd.s32 $0xFFFFFF80  }
0x388: {  	[tilespmem:s13], [sflag:$0x1] =	stream.indirect.gather [hbm4b:s3+s12], $0x80, s2, s12, $0xb8;
	[tilespmem:$0x8100] =	vst v63  }
0x389: {  	_ =	swait.ge [sflag:s14], $0x4000  }
0x38a: {  	[sflag:s14] =	ssyncset.done $0x0  }
0x38b: {  	s1 =	rddreg [dreg:$0x7];
	[sflag:s14] =	ssyncadd.s32 $0xFFFFC000  }
0x38c: {  	[hbm4b:s1+s2] =	stream.linear.scatter [tilespmem:s9], [sflag:$0x4], $0x4000, $0x38;
	[tilespmem:$0x8100] =	vst v63  }
0x38d: {  	_ =	swait.ge [sflag:s6], $0x4000  }
0x38e: {  	[sflag:s6] =	ssyncset.done $0x0  }
0x38f: {  	s1 =	rddreg [dreg:$0x8];
	[sflag:s6] =	ssyncadd.s32 $0xFFFFC000  }
0x390: {  	[tilespmem:s12], [sflag:$0x5] =	stream.linear.gather [hbm4b:s1+s2], $0x80, $0x38;
	[tilespmem:$0x8100] =	vst v63  }
0x391: {  	_ =	swait.ge [sflag:s11], $0x80  }
0x392: {  	[sflag:s11] =	ssyncset.done $0x0  }
0x393: {  	[sflag:s11] =	ssyncadd.s32 $0xFFFFFF80  }
0x394: {  	[tilespmem:s9], [sflag:$0x2] =	stream.indirect.gather [hbm4b:s3+s12], $0x80, s12, s12, $0xb8;
	[tilespmem:$0x8100] =	vst v63  }
0x395: {  	_ =	swait.ge [sflag:s15], $0x4000  }
0x396: {  	[sflag:s15] =	ssyncset.done $0x0  }
0x397: {  	s1 =	rddreg [dreg:$0x9];
	[sflag:s15] =	ssyncadd.s32 $0xFFFFC000  }
0x398: {  	[hbm4b:s1+s2] =	stream.linear.scatter [tilespmem:s13], [sflag:$0x3], $0x4000, $0x38;
	[tilespmem:$0x8100] =	vst v63  }
0x399: {  	_ =	swait.ge [sflag:s7], $0x4000  }
0x39a: {  	[sflag:s7] =	ssyncset.done $0x0  }
0x39b: {  	s1 =	rddreg [dreg:$0xa];
	[sflag:s7] =	ssyncadd.s32 $0xFFFFC000  }
0x39c: {  	[tilespmem:s2], [sflag:$0x5] =	stream.linear.gather [hbm4b:s1+s2], $0x80, $0x38;
	[tilespmem:$0x8100] =	vst v63  }
0x39d: {  	_ =	swait.ge [sflag:s11], $0x80  }
0x39e: {  	[sflag:s11] =	ssyncset.done $0x0  }
0x39f: {  	[sflag:s11] =	ssyncadd.s32 $0xFFFFFF80  }
0x3a0: {  	[tilespmem:s13], [sflag:$0x1] =	stream.indirect.gather [hbm4b:s3+s12], $0x80, s2, s12, $0xb8;
	[tilespmem:$0x8100] =	vst v63  }
0x3a1: {  	_ =	swait.ge [sflag:s14], $0x4000  }
0x3a2: {  	[sflag:s14] =	ssyncset.done $0x0  }
0x3a3: {  	s1 =	rddreg [dreg:$0xb];
	[sflag:s14] =	ssyncadd.s32 $0xFFFFC000  }
0x3a4: {  	[hbm4b:s1+s2] =	stream.linear.scatter [tilespmem:s9], [sflag:$0x4], $0x4000, $0x38;
	[tilespmem:$0x8100] =	vst v63  }
0x3a5: {  	_ =	swait.ge [sflag:s6], $0x4000  }
0x3a6: {  	[sflag:s6] =	ssyncset.done $0x0  }
0x3a7: {  	s1 =	rddreg [dreg:$0xc];
	[sflag:s6] =	ssyncadd.s32 $0xFFFFC000  }
0x3a8: {  	[tilespmem:s12], [sflag:$0x5] =	stream.linear.gather [hbm4b:s1+s2], $0x80, $0x38;
	[tilespmem:$0x8100] =	vst v63  }
0x3a9: {  	_ =	swait.ge [sflag:s11], $0x80  }
0x3aa: {  	[sflag:s11] =	ssyncset.done $0x0  }
0x3ab: {  	[sflag:s11] =	ssyncadd.s32 $0xFFFFFF80  }
0x3ac: {  	[tilespmem:s9], [sflag:$0x2] =	stream.indirect.gather [hbm4b:s3+s12], $0x80, s12, s12, $0xb8;
	[tilespmem:$0x8100] =	vst v63  }
0x3ad: {  	_ =	swait.ge [sflag:s15], $0x4000  }
0x3ae: {  	[sflag:s15] =	ssyncset.done $0x0  }
0x3af: {  	s1 =	rddreg [dreg:$0xd];
	[sflag:s15] =	ssyncadd.s32 $0xFFFFC000  }
0x3b0: {  	[hbm4b:s1+s2] =	stream.linear.scatter [tilespmem:s13], [sflag:$0x3], $0x4000, $0x38;
	[tilespmem:$0x8100] =	vst v63  }
0x3b1: {  	_ =	swait.ge [sflag:s7], $0x4000  }
0x3b2: {  	[sflag:s7] =	ssyncset.done $0x0  }
0x3b3: {  	s1 =	rddreg [dreg:$0xe];
	[sflag:s7] =	ssyncadd.s32 $0xFFFFC000  }
0x3b4: {  	[tilespmem:s2], [sflag:$0x5] =	stream.linear.gather [hbm4b:s1+s2], $0x80, $0x38;
	[tilespmem:$0x8100] =	vst v63  }
0x3b5: {  	_ =	swait.ge [sflag:s11], $0x80  }
0x3b6: {  	[sflag:s11] =	ssyncset.done $0x0  }
0x3b7: {  	[sflag:s11] =	ssyncadd.s32 $0xFFFFFF80  }
0x3b8: {  	[tilespmem:s13], [sflag:$0x1] =	stream.indirect.gather [hbm4b:s3+s12], $0x80, s2, s12, $0xb8;
	[tilespmem:$0x8100] =	vst v63  }
0x3b9: {  	_ =	swait.ge [sflag:s14], $0x4000  }
0x3ba: {  	[sflag:s14] =	ssyncset.done $0x0  }
0x3bb: {  	s1 =	rddreg [dreg:$0xf];
	[sflag:s14] =	ssyncadd.s32 $0xFFFFC000  }
0x3bc: {  	[hbm4b:s1+s2] =	stream.linear.scatter [tilespmem:s9], [sflag:$0x4], $0x4000, $0x38;
	[tilespmem:$0x8100] =	vst v63  }
0x3bd: {  	_ =	swait.ge [sflag:s6], $0x4000  }
0x3be: {  	[sflag:s6] =	ssyncset.done $0x0  }
0x3bf: {  	s1 =	rddreg [dreg:$0x10];
	[sflag:s6] =	ssyncadd.s32 $0xFFFFC000  }
0x3c0: {  	[tilespmem:s12], [sflag:$0x5] =	stream.linear.gather [hbm4b:s1+s2], $0x80, $0x38;
	[tilespmem:$0x8100] =	vst v63  }
0x3c1: {  	_ =	swait.ge [sflag:s11], $0x80  }
0x3c2: {  	[sflag:s11] =	ssyncset.done $0x0  }
0x3c3: {  	[sflag:s11] =	ssyncadd.s32 $0xFFFFFF80  }
0x3c4: {  	[tilespmem:s9], [sflag:$0x2] =	stream.indirect.gather [hbm4b:s3+s12], $0x80, s12, s12, $0xb8;
	[tilespmem:$0x8100] =	vst v63  }
0x3c5: {  	_ =	swait.ge [sflag:s15], $0x4000  }
0x3c6: {  	[sflag:s15] =	ssyncset.done $0x0  }
0x3c7: {  	s1 =	rddreg [dreg:$0x11];
	[sflag:s15] =	ssyncadd.s32 $0xFFFFC000  }
0x3c8: {  	[hbm4b:s1+s2] =	stream.linear.scatter [tilespmem:s13], [sflag:$0x3], $0x4000, $0x38;
	[tilespmem:$0x8100] =	vst v63  }
0x3c9: {  	_ =	swait.ge [sflag:s7], $0x4000  }
0x3ca: {  	[sflag:s7] =	ssyncset.done $0x0  }
0x3cb: {  	s1 =	rddreg [dreg:$0x12];
	[sflag:s7] =	ssyncadd.s32 $0xFFFFC000  }
0x3cc: {  	[tilespmem:s2], [sflag:$0x5] =	stream.linear.gather [hbm4b:s1+s2], $0x80, $0x38;
	[tilespmem:$0x8100] =	vst v63  }
0x3cd: {  	_ =	swait.ge [sflag:s11], $0x80  }
0x3ce: {  	[sflag:s11] =	ssyncset.done $0x0  }
0x3cf: {  	[sflag:s11] =	ssyncadd.s32 $0xFFFFFF80  }
0x3d0: {  	[tilespmem:s13], [sflag:$0x1] =	stream.indirect.gather [hbm4b:s3+s12], $0x80, s2, s12, $0xb8;
	[tilespmem:$0x8100] =	vst v63  }
0x3d1: {  	_ =	swait.ge [sflag:s14], $0x4000  }
0x3d2: {  	[sflag:s14] =	ssyncset.done $0x0  }
0x3d3: {  	s1 =	rddreg [dreg:$0x13];
	[sflag:s14] =	ssyncadd.s32 $0xFFFFC000  }
0x3d4: {  	[hbm4b:s1+s2] =	stream.linear.scatter [tilespmem:s9], [sflag:$0x4], $0x4000, $0x38;
	[tilespmem:$0x8100] =	vst v63  }
0x3d5: {  	_ =	swait.ge [sflag:s6], $0x4000  }
0x3d6: {  	[sflag:s6] =	ssyncset.done $0x0  }
0x3d7: {  	s1 =	rddreg [dreg:$0x14];
	[sflag:s6] =	ssyncadd.s32 $0xFFFFC000  }
0x3d8: {  	[tilespmem:s12], [sflag:$0x5] =	stream.linear.gather [hbm4b:s1+s2], $0x80, $0x38;
	[tilespmem:$0x8100] =	vst v63  }
0x3d9: {  	_ =	swait.ge [sflag:s11], $0x80  }
0x3da: {  	[sflag:s11] =	ssyncset.done $0x0  }
0x3db: {  	[sflag:s11] =	ssyncadd.s32 $0xFFFFFF80  }
0x3dc: {  	[tilespmem:s9], [sflag:$0x2] =	stream.indirect.gather [hbm4b:s3+s12], $0x80, s12, s12, $0xb8;
	[tilespmem:$0x8100] =	vst v63  }
0x3dd: {  	_ =	swait.ge [sflag:s15], $0x4000  }
0x3de: {  	[sflag:s15] =	ssyncset.done $0x0  }
0x3df: {  	s1 =	rddreg [dreg:$0x15];
	[sflag:s15] =	ssyncadd.s32 $0xFFFFC000  }
0x3e0: {  	[hbm4b:s1+s2] =	stream.linear.scatter [tilespmem:s13], [sflag:$0x3], $0x4000, $0x38;
	[tilespmem:$0x8100] =	vst v63  }
0x3e1: {  	_ =	swait.ge [sflag:s7], $0x4000  }
0x3e2: {  	[sflag:s7] =	ssyncset.done $0x0  }
0x3e3: {  	s1 =	rddreg [dreg:$0x16];
	[sflag:s7] =	ssyncadd.s32 $0xFFFFC000  }
0x3e4: {  	[tilespmem:s2], [sflag:$0x5] =	stream.linear.gather [hbm4b:s1+s2], $0x80, $0x38;
	[tilespmem:$0x8100] =	vst v63  }
0x3e5: {  	_ =	swait.ge [sflag:s11], $0x80  }
0x3e6: {  	[sflag:s11] =	ssyncset.done $0x0  }
0x3e7: {  	[sflag:s11] =	ssyncadd.s32 $0xFFFFFF80  }
0x3e8: {  	[tilespmem:s13], [sflag:$0x1] =	stream.indirect.gather [hbm4b:s3+s12], $0x80, s2, s12, $0xb8;
	[tilespmem:$0x8100] =	vst v63  }
0x3e9: {  	_ =	swait.ge [sflag:s14], $0x4000  }
0x3ea: {  	[sflag:s14] =	ssyncset.done $0x0  }
0x3eb: {  	s1 =	rddreg [dreg:$0x17];
	[sflag:s14] =	ssyncadd.s32 $0xFFFFC000  }
0x3ec: {  	[hbm4b:s1+s2] =	stream.linear.scatter [tilespmem:s9], [sflag:$0x4], $0x4000, $0x38;
	[tilespmem:$0x8100] =	vst v63  }
0x3ed: {  	_ =	swait.ge [sflag:s6], $0x4000  }
0x3ee: {  	[sflag:s6] =	ssyncset.done $0x0  }
0x3ef: {  	s1 =	rddreg [dreg:$0x18];
	[sflag:s6] =	ssyncadd.s32 $0xFFFFC000  }
0x3f0: {  	[tilespmem:s12], [sflag:$0x5] =	stream.linear.gather [hbm4b:s1+s2], $0x80, $0x38;
	[tilespmem:$0x8100] =	vst v63  }
0x3f1: {  	_ =	swait.ge [sflag:s11], $0x80  }
0x3f2: {  	[sflag:s11] =	ssyncset.done $0x0  }
0x3f3: {  	[sflag:s11] =	ssyncadd.s32 $0xFFFFFF80  }
0x3f4: {  	[tilespmem:s9], [sflag:$0x2] =	stream.indirect.gather [hbm4b:s3+s12], $0x80, s12, s12, $0xb8;
	[tilespmem:$0x8100] =	vst v63  }
0x3f5: {  	_ =	swait.ge [sflag:s15], $0x4000  }
0x3f6: {  	[sflag:s15] =	ssyncset.done $0x0  }
0x3f7: {  	s1 =	rddreg [dreg:$0x19];
	[sflag:s15] =	ssyncadd.s32 $0xFFFFC000  }
0x3f8: {  	[hbm4b:s1+s2] =	stream.linear.scatter [tilespmem:s13], [sflag:$0x3], $0x4000, $0x38;
	[tilespmem:$0x8100] =	vst v63  }
0x3f9: {  	_ =	swait.ge [sflag:s7], $0x4000  }
0x3fa: {  	[sflag:s7] =	ssyncset.done $0x0  }
0x3fb: {  	s1 =	rddreg [dreg:$0x1a];
	[sflag:s7] =	ssyncadd.s32 $0xFFFFC000  }
0x3fc: {  	[tilespmem:s2], [sflag:$0x5] =	stream.linear.gather [hbm4b:s1+s2], $0x80, $0x38;
	[tilespmem:$0x8100] =	vst v63  }
0x3fd: {  	_ =	swait.ge [sflag:s11], $0x80  }
0x3fe: {  	[sflag:s11] =	ssyncset.done $0x0  }
0x3ff: {  	[sflag:s11] =	ssyncadd.s32 $0xFFFFFF80  }
0x400: {  	[tilespmem:s13], [sflag:$0x1] =	stream.indirect.gather [hbm4b:s3+s12], $0x80, s2, s12, $0xb8;
	[tilespmem:$0x8100] =	vst v63  }
0x401: {  	_ =	swait.ge [sflag:s14], $0x4000  }
0x402: {  	[sflag:s14] =	ssyncset.done $0x0  }
0x403: {  	s1 =	rddreg [dreg:$0x1b];
	[sflag:s14] =	ssyncadd.s32 $0xFFFFC000  }
0x404: {  	[hbm4b:s1+s2] =	stream.linear.scatter [tilespmem:s9], [sflag:$0x4], $0x4000, $0x38;
	[tilespmem:$0x8100] =	vst v63  }
0x405: {  	_ =	swait.ge [sflag:s6], $0x4000  }
0x406: {  	[sflag:s6] =	ssyncset.done $0x0  }
0x407: {  	s1 =	rddreg [dreg:$0x1c];
	[sflag:s6] =	ssyncadd.s32 $0xFFFFC000  }
0x408: {  	[tilespmem:s12], [sflag:$0x5] =	stream.linear.gather [hbm4b:s1+s2], $0x80, $0x38;
	[tilespmem:$0x8100] =	vst v63  }
0x409: {  	_ =	swait.ge [sflag:s11], $0x80  }
0x40a: {  	[sflag:s11] =	ssyncset.done $0x0  }
0x40b: {  	[sflag:s11] =	ssyncadd.s32 $0xFFFFFF80  }
0x40c: {  	[tilespmem:s9], [sflag:$0x2] =	stream.indirect.gather [hbm4b:s3+s12], $0x80, s12, s12, $0xb8;
	[tilespmem:$0x8100] =	vst v63  }
0x40d: {  	_ =	swait.ge [sflag:s15], $0x4000  }
0x40e: {  	[sflag:s15] =	ssyncset.done $0x0  }
0x40f: {  	s1 =	rddreg [dreg:$0x1d];
	[sflag:s15] =	ssyncadd.s32 $0xFFFFC000  }
0x410: {  	[hbm4b:s1+s2] =	stream.linear.scatter [tilespmem:s13], [sflag:$0x3], $0x4000, $0x38;
	[tilespmem:$0x8100] =	vst v63  }
0x411: {  	_ =	swait.ge [sflag:s7], $0x4000  }
0x412: {  	[sflag:s7] =	ssyncset.done $0x0  }
0x413: {  	s1 =	rddreg [dreg:$0x1e];
	[sflag:s7] =	ssyncadd.s32 $0xFFFFC000  }
0x414: {  	[tilespmem:s2], [sflag:$0x5] =	stream.linear.gather [hbm4b:s1+s2], $0x80, $0x38;
	[tilespmem:$0x8100] =	vst v63  }
0x415: {  	_ =	swait.ge [sflag:s11], $0x80  }
0x416: {  	[sflag:s11] =	ssyncset.done $0x0  }
0x417: {  	[sflag:s11] =	ssyncadd.s32 $0xFFFFFF80  }
0x418: {  	[tilespmem:s13], [sflag:$0x1] =	stream.indirect.gather [hbm4b:s3+s12], $0x80, s2, s12, $0xb8;
	[tilespmem:$0x8100] =	vst v63  }
0x419: {  	_ =	swait.ge [sflag:s14], $0x4000  }
0x41a: {  	[sflag:s14] =	ssyncset.done $0x0  }
0x41b: {  	s1 =	rddreg [dreg:$0x1f];
	[sflag:s14] =	ssyncadd.s32 $0xFFFFC000  }
0x41c: {  	[hbm4b:s1+s2] =	stream.linear.scatter [tilespmem:s9], [sflag:$0x4], $0x4000, $0x38;
	[tilespmem:$0x8100] =	vst v63  }
0x41d: {  	_ =	swait.ge [sflag:s6], $0x4000  }
0x41e: {  	s1 =	sld [smem:$0x7EE]  }
0x41f: {  	[sflag:s6] =	ssyncset.done $0x0  }
0x420: {  	[sflag:s6] =	ssyncadd.s32 $0xFFFFC000  }
0x421: {  	[tilespmem:s12], [sflag:$0x5] =	stream.linear.gather [hbm4b:s1+s2], $0x80, $0x38;
	[tilespmem:$0x8100] =	vst v63  }
0x422: {  	_ =	swait.ge [sflag:s11], $0x80  }
0x423: {  	[sflag:s11] =	ssyncset.done $0x0  }
0x424: {  	[sflag:s11] =	ssyncadd.s32 $0xFFFFFF80  }
0x425: {  	[tilespmem:s9], [sflag:$0x2] =	stream.indirect.gather [hbm4b:s3+s12], $0x80, s12, s12, $0xb8;
	[tilespmem:$0x8100] =	vst v63  }
0x426: {  	_ =	swait.ge [sflag:s15], $0x4000  }
0x427: {  	s1 =	sld [smem:$0x7EF]  }
0x428: {  	[sflag:s15] =	ssyncset.done $0x0  }
0x429: {  	[sflag:s15] =	ssyncadd.s32 $0xFFFFC000  }
0x42a: {  	[hbm4b:s1+s2] =	stream.linear.scatter [tilespmem:s13], [sflag:$0x3], $0x4000, $0x38;
	[tilespmem:$0x8100] =	vst v63  }
0x42b: {  	_ =	swait.ge [sflag:s7], $0x4000  }
0x42c: {  	s1 =	sld [smem:$0x7F0]  }
0x42d: {  	[sflag:s7] =	ssyncset.done $0x0  }
0x42e: {  	[sflag:s7] =	ssyncadd.s32 $0xFFFFC000  }
0x42f: {  	[tilespmem:s2], [sflag:$0x5] =	stream.linear.gather [hbm4b:s1+s2], $0x80, $0x38;
	[tilespmem:$0x8100] =	vst v63  }
0x430: {  	_ =	swait.ge [sflag:s11], $0x80  }
0x431: {  	[sflag:s11] =	ssyncset.done $0x0  }
0x432: {  	[sflag:s11] =	ssyncadd.s32 $0xFFFFFF80  }
0x433: {  	[tilespmem:s13], [sflag:$0x1] =	stream.indirect.gather [hbm4b:s3+s12], $0x80, s2, s12, $0xb8;
	[tilespmem:$0x8100] =	vst v63  }
0x434: {  	_ =	swait.ge [sflag:s14], $0x4000  }
0x435: {  	s1 =	sld [smem:$0x7F1]  }
0x436: {  	[sflag:s14] =	ssyncset.done $0x0  }
0x437: {  	[sflag:s14] =	ssyncadd.s32 $0xFFFFC000  }
0x438: {  	[hbm4b:s1+s2] =	stream.linear.scatter [tilespmem:s9], [sflag:$0x4], $0x4000, $0x38;
	[tilespmem:$0x8100] =	vst v63  }
0x439: {  	_ =	swait.ge [sflag:s6], $0x4000  }
0x43a: {  	s1 =	sld [smem:$0x7F2]  }
0x43b: {  	[sflag:s6] =	ssyncset.done $0x0  }
0x43c: {  	[sflag:s6] =	ssyncadd.s32 $0xFFFFC000  }
0x43d: {  	[tilespmem:s12], [sflag:$0x5] =	stream.linear.gather [hbm4b:s1+s2], $0x80, $0x38;
	[tilespmem:$0x8100] =	vst v63  }
0x43e: {  	_ =	swait.ge [sflag:s11], $0x80  }
0x43f: {  	[sflag:s11] =	ssyncset.done $0x0  }
0x440: {  	[sflag:s11] =	ssyncadd.s32 $0xFFFFFF80  }
0x441: {  	[tilespmem:s9], [sflag:$0x2] =	stream.indirect.gather [hbm4b:s3+s12], $0x80, s12, s12, $0xb8;
	[tilespmem:$0x8100] =	vst v63  }
0x442: {  	_ =	swait.ge [sflag:s15], $0x4000  }
0x443: {  	s1 =	sld [smem:$0x7F3]  }
0x444: {  	[sflag:s15] =	ssyncset.done $0x0  }
0x445: {  	[sflag:s15] =	ssyncadd.s32 $0xFFFFC000  }
0x446: {  	[hbm4b:s1+s2] =	stream.linear.scatter [tilespmem:s13], [sflag:$0x3], $0x4000, $0x38;
	[tilespmem:$0x8100] =	vst v63  }
0x447: {  	_ =	swait.ge [sflag:s7], $0x4000  }
0x448: {  	s1 =	sld [smem:$0x7F4]  }
0x449: {  	[sflag:s7] =	ssyncset.done $0x0  }
0x44a: {  	[sflag:s7] =	ssyncadd.s32 $0xFFFFC000  }
0x44b: {  	[tilespmem:s2], [sflag:$0x5] =	stream.linear.gather [hbm4b:s1+s2], $0x80, $0x38;
	[tilespmem:$0x8100] =	vst v63  }
0x44c: {  	_ =	swait.ge [sflag:s11], $0x80  }
0x44d: {  	[sflag:s11] =	ssyncset.done $0x0  }
0x44e: {  	[sflag:s11] =	ssyncadd.s32 $0xFFFFFF80  }
0x44f: {  	[tilespmem:s13], [sflag:$0x1] =	stream.indirect.gather [hbm4b:s3+s12], $0x80, s2, s12, $0xb8;
	[tilespmem:$0x8100] =	vst v63  }
0x450: {  	_ =	swait.ge [sflag:s14], $0x4000  }
0x451: {  	s1 =	sld [smem:$0x7F5]  }
0x452: {  	[sflag:s14] =	ssyncset.done $0x0  }
0x453: {  	[sflag:s14] =	ssyncadd.s32 $0xFFFFC000  }
0x454: {  	[hbm4b:s1+s2] =	stream.linear.scatter [tilespmem:s9], [sflag:$0x4], $0x4000, $0x38;
	[tilespmem:$0x8100] =	vst v63  }
0x455: {  	_ =	swait.ge [sflag:s6], $0x4000  }
0x456: {  	s1 =	sld [smem:$0x7F6]  }
0x457: {  	[sflag:s6] =	ssyncset.done $0x0  }
0x458: {  	[sflag:s6] =	ssyncadd.s32 $0xFFFFC000  }
0x459: {  	[tilespmem:s12], [sflag:$0x5] =	stream.linear.gather [hbm4b:s1+s2], $0x80, $0x38;
	[tilespmem:$0x8100] =	vst v63  }
0x45a: {  	_ =	swait.ge [sflag:s11], $0x80  }
0x45b: {  	[sflag:s11] =	ssyncset.done $0x0  }
0x45c: {  	[sflag:s11] =	ssyncadd.s32 $0xFFFFFF80  }
0x45d: {  	[tilespmem:s9], [sflag:$0x2] =	stream.indirect.gather [hbm4b:s3+s12], $0x80, s12, s12, $0xb8;
	[tilespmem:$0x8100] =	vst v63  }
0x45e: {  	_ =	swait.ge [sflag:s15], $0x4000  }
0x45f: {  	s1 =	sld [smem:$0x7F7]  }
0x460: {  	[sflag:s15] =	ssyncset.done $0x0  }
0x461: {  	[sflag:s15] =	ssyncadd.s32 $0xFFFFC000  }
0x462: {  	[hbm4b:s1+s2] =	stream.linear.scatter [tilespmem:s13], [sflag:$0x3], $0x4000, $0x38;
	[tilespmem:$0x8100] =	vst v63  }
0x463: {  	_ =	swait.ge [sflag:s7], $0x4000  }
0x464: {  	s1 =	sld [smem:$0x7F8]  }
0x465: {  	[sflag:s7] =	ssyncset.done $0x0  }
0x466: {  	[sflag:s7] =	ssyncadd.s32 $0xFFFFC000  }
0x467: {  	[tilespmem:s2], [sflag:$0x5] =	stream.linear.gather [hbm4b:s1+s2], $0x80, $0x38;
	[tilespmem:$0x8100] =	vst v63  }
0x468: {  	_ =	swait.ge [sflag:s11], $0x80  }
0x469: {  	[sflag:s11] =	ssyncset.done $0x0  }
0x46a: {  	[sflag:s11] =	ssyncadd.s32 $0xFFFFFF80  }
0x46b: {  	[tilespmem:s13], [sflag:$0x1] =	stream.indirect.gather [hbm4b:s3+s12], $0x80, s2, s12, $0xb8;
	[tilespmem:$0x8100] =	vst v63  }
0x46c: {  	_ =	swait.ge [sflag:s14], $0x4000  }
0x46d: {  	s1 =	sld [smem:$0x7F9]  }
0x46e: {  	[sflag:s14] =	ssyncset.done $0x0  }
0x46f: {  	[sflag:s14] =	ssyncadd.s32 $0xFFFFC000  }
0x470: {  	[hbm4b:s1+s2] =	stream.linear.scatter [tilespmem:s9], [sflag:$0x4], $0x4000, $0x38;
	[tilespmem:$0x8100] =	vst v63  }
0x471: {  	_ =	swait.ge [sflag:s6], $0x4000  }
0x472: {  	s1 =	sld [smem:$0x7FA]  }
0x473: {  	[sflag:s6] =	ssyncset.done $0x0  }
0x474: {  	[sflag:s6] =	ssyncadd.s32 $0xFFFFC000  }
0x475: {  	[tilespmem:s12], [sflag:$0x5] =	stream.linear.gather [hbm4b:s1+s2], $0x80, $0x38;
	[tilespmem:$0x8100] =	vst v63  }
0x476: {  	_ =	swait.ge [sflag:s11], $0x80  }
0x477: {  	[sflag:s11] =	ssyncset.done $0x0  }
0x478: {  	[sflag:s11] =	ssyncadd.s32 $0xFFFFFF80  }
0x479: {  	[tilespmem:s9], [sflag:$0x2] =	stream.indirect.gather [hbm4b:s3+s12], $0x80, s12, s12, $0xb8;
	[tilespmem:$0x8100] =	vst v63  }
0x47a: {  	_ =	swait.ge [sflag:s15], $0x4000  }
0x47b: {  	s1 =	sld [smem:$0x7FB]  }
0x47c: {  	[sflag:s15] =	ssyncset.done $0x0  }
0x47d: {  	[sflag:s15] =	ssyncadd.s32 $0xFFFFC000  }
0x47e: {  	[hbm4b:s1+s2] =	stream.linear.scatter [tilespmem:s13], [sflag:$0x3], $0x4000, $0x38;
	[tilespmem:$0x8100] =	vst v63  }
0x47f: {  	_ =	swait.ge [sflag:s7], $0x4000  }
0x480: {  	s1 =	sld [smem:$0x7FC]  }
0x481: {  	[sflag:s7] =	ssyncset.done $0x0  }
0x482: {  	[sflag:s7] =	ssyncadd.s32 $0xFFFFC000  }
0x483: {  	[tilespmem:s2], [sflag:$0x5] =	stream.linear.gather [hbm4b:s1+s2], $0x80, $0x38;
	[tilespmem:$0x8100] =	vst v63  }
0x484: {  	_ =	swait.ge [sflag:s11], $0x80  }
0x485: {  	[sflag:s11] =	ssyncset.done $0x0  }
0x486: {  	[sflag:s11] =	ssyncadd.s32 $0xFFFFFF80  }
0x487: {  	[tilespmem:s13], [sflag:$0x1] =	stream.indirect.gather [hbm4b:s3+s12], $0x80, s2, s12, $0xb8;
	[tilespmem:$0x8100] =	vst v63  }
0x488: {  	_ =	swait.ge [sflag:s14], $0x4000  }
0x489: {  	s1 =	sld [smem:$0x7FD]  }
0x48a: {  	[sflag:s14] =	ssyncset.done $0x0  }
0x48b: {  	[sflag:s14] =	ssyncadd.s32 $0xFFFFC000  }
0x48c: {  	[hbm4b:s1+s2] =	stream.linear.scatter [tilespmem:s9], [sflag:$0x4], $0x4000, $0x38;
	[tilespmem:$0x8100] =	vst v63  }
0x48d: {  	_ =	swait.ge [sflag:s6], $0x4000  }
0x48e: {  	[sflag:s6] =	ssyncset.done $0x0  }
0x48f: {  	[sflag:s6] =	ssyncadd.s32 $0xFFFFC000  }
0x490: {  	[tilespmem:s12], [sflag:$0x5] =	stream.linear.gather [hbm4b:s31+s2], $0x80, $0x38;
	[tilespmem:$0x8100] =	vst v63  }
0x491: {  	_ =	swait.ge [sflag:s11], $0x80  }
0x492: {  	[sflag:s11] =	ssyncset.done $0x0  }
0x493: {  	[sflag:s11] =	ssyncadd.s32 $0xFFFFFF80  }
0x494: {  	[tilespmem:s9], [sflag:$0x2] =	stream.indirect.gather [hbm4b:s3+s12], $0x80, s12, s12, $0xb8;
	[tilespmem:$0x8100] =	vst v63  }
0x495: {  	_ =	swait.ge [sflag:s15], $0x4000  }
0x496: {  	[sflag:s15] =	ssyncset.done $0x0  }
0x497: {  	[sflag:s15] =	ssyncadd.s32 $0xFFFFC000  }
0x498: {  	[hbm4b:s29+s2] =	stream.linear.scatter [tilespmem:s13], [sflag:$0x3], $0x4000, $0x38;
	[tilespmem:$0x8100] =	vst v63  }
0x499: {  	_ =	swait.ge [sflag:s7], $0x4000  }
0x49a: {  	[sflag:s7] =	ssyncset.done $0x0  }
0x49b: {  	[sflag:s7] =	ssyncadd.s32 $0xFFFFC000  }
0x49c: {  	[tilespmem:s2], [sflag:$0x5] =	stream.linear.gather [hbm4b:s30+s2], $0x80, $0x38;
	[tilespmem:$0x8100] =	vst v63  }
0x49d: {  	_ =	swait.ge [sflag:s11], $0x80  }
0x49e: {  	[sflag:s11] =	ssyncset.done $0x0  }
0x49f: {  	[sflag:s11] =	ssyncadd.s32 $0xFFFFFF80  }
0x4a0: {  	[tilespmem:s13], [sflag:$0x1] =	stream.indirect.gather [hbm4b:s3+s12], $0x80, s2, s12, $0xb8;
	[tilespmem:$0x8100] =	vst v63  }
0x4a1: {  	_ =	swait.ge [sflag:s14], $0x4000  }
0x4a2: {  	[sflag:s14] =	ssyncset.done $0x0  }
0x4a3: {  	[sflag:s14] =	ssyncadd.s32 $0xFFFFC000  }
0x4a4: {  	[hbm4b:s28+s2] =	stream.linear.scatter [tilespmem:s9], [sflag:$0x4], $0x4000, $0x38;
	[tilespmem:$0x8100] =	vst v63  }
0x4a5: {  	_ =	swait.ge [sflag:s6], $0x4000  }
0x4a6: {  	[sflag:s6] =	ssyncset.done $0x0  }
0x4a7: {  	[sflag:s6] =	ssyncadd.s32 $0xFFFFC000  }
0x4a8: {  	[tilespmem:s12], [sflag:$0x5] =	stream.linear.gather [hbm4b:s26+s2], $0x80, $0x38;
	[tilespmem:$0x8100] =	vst v63  }
0x4a9: {  	_ =	swait.ge [sflag:s11], $0x80  }
0x4aa: {  	[sflag:s11] =	ssyncset.done $0x0  }
0x4ab: {  	[sflag:s11] =	ssyncadd.s32 $0xFFFFFF80  }
0x4ac: {  	[tilespmem:s9], [sflag:$0x2] =	stream.indirect.gather [hbm4b:s3+s12], $0x80, s12, s12, $0xb8;
	[tilespmem:$0x8100] =	vst v63  }
0x4ad: {  	_ =	swait.ge [sflag:s15], $0x4000  }
0x4ae: {  	[sflag:s15] =	ssyncset.done $0x0  }
0x4af: {  	[sflag:s15] =	ssyncadd.s32 $0xFFFFC000  }
0x4b0: {  	[hbm4b:s25+s2] =	stream.linear.scatter [tilespmem:s13], [sflag:$0x3], $0x4000, $0x38;
	[tilespmem:$0x8100] =	vst v63  }
0x4b1: {  	_ =	swait.ge [sflag:s7], $0x4000  }
0x4b2: {  	[sflag:s7] =	ssyncset.done $0x0  }
0x4b3: {  	[sflag:s7] =	ssyncadd.s32 $0xFFFFC000  }
0x4b4: {  	[tilespmem:s2], [sflag:$0x5] =	stream.linear.gather [hbm4b:s24+s2], $0x80, $0x38;
	[tilespmem:$0x8100] =	vst v63  }
0x4b5: {  	_ =	swait.ge [sflag:s11], $0x80  }
0x4b6: {  	[sflag:s11] =	ssyncset.done $0x0  }
0x4b7: {  	[sflag:s11] =	ssyncadd.s32 $0xFFFFFF80  }
0x4b8: {  	[tilespmem:s13], [sflag:$0x1] =	stream.indirect.gather [hbm4b:s3+s12], $0x80, s2, s12, $0xb8;
	[tilespmem:$0x8100] =	vst v63  }
0x4b9: {  	_ =	swait.ge [sflag:s14], $0x4000  }
0x4ba: {  	[sflag:s14] =	ssyncset.done $0x0  }
0x4bb: {  	[sflag:s14] =	ssyncadd.s32 $0xFFFFC000  }
0x4bc: {  	[hbm4b:s22+s2] =	stream.linear.scatter [tilespmem:s9], [sflag:$0x4], $0x4000, $0x38;
	[tilespmem:$0x8100] =	vst v63  }
0x4bd: {  	_ =	swait.ge [sflag:s6], $0x4000  }
0x4be: {  	[sflag:s6] =	ssyncset.done $0x0  }
0x4bf: {  	[sflag:s6] =	ssyncadd.s32 $0xFFFFC000  }
0x4c0: {  	[tilespmem:s12], [sflag:$0x5] =	stream.linear.gather [hbm4b:s23+s2], $0x80, $0x38;
	[tilespmem:$0x8100] =	vst v63  }
0x4c1: {  	_ =	swait.ge [sflag:s11], $0x80  }
0x4c2: {  	[sflag:s11] =	ssyncset.done $0x0  }
0x4c3: {  	[sflag:s11] =	ssyncadd.s32 $0xFFFFFF80  }
0x4c4: {  	[tilespmem:s9], [sflag:$0x2] =	stream.indirect.gather [hbm4b:s3+s12], $0x80, s12, s12, $0xb8;
	[tilespmem:$0x8100] =	vst v63  }
0x4c5: {  	_ =	swait.ge [sflag:s15], $0x4000  }
0x4c6: {  	[sflag:s15] =	ssyncset.done $0x0  }
0x4c7: {  	[sflag:s15] =	ssyncadd.s32 $0xFFFFC000  }
0x4c8: {  	[hbm4b:s21+s2] =	stream.linear.scatter [tilespmem:s13], [sflag:$0x3], $0x4000, $0x38;
	[tilespmem:$0x8100] =	vst v63  }
0x4c9: {  	_ =	swait.ge [sflag:s7], $0x4000  }
0x4ca: {  	[sflag:s7] =	ssyncset.done $0x0  }
0x4cb: {  	[sflag:s7] =	ssyncadd.s32 $0xFFFFC000  }
0x4cc: {  	[tilespmem:s2], [sflag:$0x5] =	stream.linear.gather [hbm4b:s20+s2], $0x80, $0x38;
	[tilespmem:$0x8100] =	vst v63  }
0x4cd: {  	_ =	swait.ge [sflag:s11], $0x80  }
0x4ce: {  	[sflag:s11] =	ssyncset.done $0x0  }
0x4cf: {  	[sflag:s11] =	ssyncadd.s32 $0xFFFFFF80  }
0x4d0: {  	[tilespmem:s13], [sflag:$0x1] =	stream.indirect.gather [hbm4b:s3+s12], $0x80, s2, s12, $0xb8;
	[tilespmem:$0x8100] =	vst v63  }
0x4d1: {  	_ =	swait.ge [sflag:s14], $0x4000  }
0x4d2: {  	[sflag:s14] =	ssyncset.done $0x0  }
0x4d3: {  	[sflag:s14] =	ssyncadd.s32 $0xFFFFC000  }
0x4d4: {  	[hbm4b:s19+s2] =	stream.linear.scatter [tilespmem:s9], [sflag:$0x4], $0x4000, $0x38;
	[tilespmem:$0x8100] =	vst v63  }
0x4d5: {  	_ =	swait.ge [sflag:s6], $0x4000  }
0x4d6: {  	[sflag:s6] =	ssyncset.done $0x0  }
0x4d7: {  	[sflag:s6] =	ssyncadd.s32 $0xFFFFC000  }
0x4d8: {  	[tilespmem:s12], [sflag:$0x5] =	stream.linear.gather [hbm4b:s18+s2], $0x80, $0x38;
	[tilespmem:$0x8100] =	vst v63  }
0x4d9: {  	_ =	swait.ge [sflag:s11], $0x80  }
0x4da: {  	[sflag:s11] =	ssyncset.done $0x0  }
0x4db: {  	[sflag:s11] =	ssyncadd.s32 $0xFFFFFF80  }
0x4dc: {  	[tilespmem:s9], [sflag:$0x2] =	stream.indirect.gather [hbm4b:s3+s12], $0x80, s12, s12, $0xb8;
	[tilespmem:$0x8100] =	vst v63  }
0x4dd: {  	_ =	swait.ge [sflag:s15], $0x4000  }
0x4de: {  	[sflag:s15] =	ssyncset.done $0x0  }
0x4df: {  	[sflag:s15] =	ssyncadd.s32 $0xFFFFC000  }
0x4e0: {  	[hbm4b:s16+s2] =	stream.linear.scatter [tilespmem:s13], [sflag:$0x3], $0x4000, $0x38;
	[tilespmem:$0x8100] =	vst v63  }
0x4e1: {  	_ =	swait.ge [sflag:s7], $0x4000  }
0x4e2: {  	[sflag:s7] =	ssyncset.done $0x0  }
0x4e3: {  	[sflag:s7] =	ssyncadd.s32 $0xFFFFC000  }
0x4e4: {  	[tilespmem:s2], [sflag:$0x5] =	stream.linear.gather [hbm4b:s17+s2], $0x80, $0x38;
	[tilespmem:$0x8100] =	vst v63  }
0x4e5: {  	_ =	swait.ge [sflag:s11], $0x80  }
0x4e6: {  	[sflag:s11] =	ssyncset.done $0x0  }
0x4e7: {  	[sflag:s11] =	ssyncadd.s32 $0xFFFFFF80  }
0x4e8: {  	[tilespmem:s13], [sflag:$0x1] =	stream.indirect.gather [hbm4b:s3+s12], $0x80, s2, s12, $0xb8;
	[tilespmem:$0x8100] =	vst v63  }
0x4e9: {  	_ =	swait.ge [sflag:s14], $0x4000  }
0x4ea: {  	[sflag:s14] =	ssyncset.done $0x0  }
0x4eb: {  	[sflag:s14] =	ssyncadd.s32 $0xFFFFC000  }
0x4ec: {  	[hbm4b:s10+s2] =	stream.linear.scatter [tilespmem:s9], [sflag:$0x4], $0x4000, $0x38;
	[tilespmem:$0x8100] =	vst v63  }
0x4ed: {  	_ =	swait.ge [sflag:s6], $0x4000  }
0x4ee: {  	[sflag:s6] =	ssyncset.done $0x0  }
0x4ef: {  	[sflag:s6] =	ssyncadd.s32 $0xFFFFC000  }
0x4f0: {  	[tilespmem:s12], [sflag:$0x5] =	stream.linear.gather [hbm4b:s8+s2], $0x80, $0x38;
	[tilespmem:$0x8100] =	vst v63  }
0x4f1: {  	_ =	swait.ge [sflag:s11], $0x80  }
0x4f2: {  	[sflag:s11] =	ssyncset.done $0x0  }
0x4f3: {  	[sflag:s11] =	ssyncadd.s32 $0xFFFFFF80  }
0x4f4: {  	[tilespmem:s9], [sflag:$0x2] =	stream.indirect.gather [hbm4b:s3+s12], $0x80, s12, s12, $0xb8;
	[tilespmem:$0x8100] =	vst v63  }
0x4f5: {  	_ =	swait.ge [sflag:s15], $0x4000  }
0x4f6: {  	[sflag:s15] =	ssyncset.done $0x0  }
0x4f7: {  	[sflag:s15] =	ssyncadd.s32 $0xFFFFC000  }
0x4f8: {  	[hbm4b:s5+s2] =	stream.linear.scatter [tilespmem:s13], [sflag:$0x3], $0x4000, $0x38;
	[tilespmem:$0x8100] =	vst v63  }
0x4f9: {  	_ =	swait.ge [sflag:s14], $0x4000  }
0x4fa: {  	[sflag:s14] =	ssyncset.done $0x0  }
0x4fb: {  	[sflag:s14] =	ssyncadd.s32 $0xFFFFC000  }
0x4fc: {  	[hbm4b:s4+s2] =	stream.linear.scatter [tilespmem:s9], [sflag:$0x4], $0x4000, $0x38;
	[tilespmem:$0x8100] =	vst v63  }
0x4fd: {  	_ =	swait.ge [sflag:s7], $0x4000  }
0x4fe: {  	[sflag:s7] =	ssyncset.done $0x0  }
0x4ff: {  	[sflag:s7] =	ssyncadd.s32 $0xFFFFC000  }
0x500: {  	_ =	swait.ge [sflag:s6], $0x4000  }
0x501: {  	[sflag:s6] =	ssyncset.done $0x0  }
0x502: {  	[sflag:s6] =	ssyncadd.s32 $0xFFFFC000  }
0x503: {  	_ =	sfence.sel $0x180000  }
0x504: {  	[bflag:$0x0] =	sbarrier.arrive $0xFFFF  }
0x505: {  	_ =	strace $0x90000047  }
0x506: {  	s31 =	stileid.u32;
	[bflag:$0x2] =	sbarrier.arrive $0xFFFF  }
0x507: {  	p0 =	sne.s32 s31, $0x0;
	s0 =	rddreg [dreg:$0x2]  }
0x508: {  	s0 =	sadd.s32 @!p0 $0x100000, s0  }
0x509: {  	[sflag:s0] =	ssyncadd.tile.s32 @!p0 $0x1;
	_ =	shalt  }
.Lfunc_end2:
_tile_overlayer_lowered:
.L_overlay_start_2:
0x50a: {  	(tag) =	ssettag $0x2  }
0x50b: {  	s0 =	rddreg [dreg:$0x0];
	s2 =	stileid.u32  }
0x50c: {  	s1 =	rddreg [dreg:$0x1];
	p0 =	sne.s32 s2, $0x0  }
0x50d: {  	s3 =	rddreg [dreg:$0x2];
	[bflag:$0x3] =	sbarrier.arrive $0xFFFF;
	s2 =	simm.s32 @!p0 $0x1C05  }
0x50e: {  	[timem:s3], [sflag:s2] =	dma.local @!p0 [hbm:s0], s1  }
0x50f: {  	s0 =	simm.s32 @!p0 $0x5  }
0x510: {  	_ =	swait.ge @!p0 [sflag:s0], s1  }
0x511: {  	s1 =	ssub.s32 @!p0 $0x0, s1;
	[sflag:s0] =	ssyncset.done @!p0 $0x0  }
0x512: {  	[sflag:s0] =	ssyncadd.s32 @!p0 s1  }
0x513: {  	[bflag:$0x3] =	sbarrier.arrive $0xFFFF  }
0x514: {  	_ =	shalt  }

</sc_bundles>
